<compile_context>
chip_gen: v7x
topology: tpu7x:2x2x1
jax: 0.10.2.dev20260603
libtpu: 0.0.44.dev20260713+nightly
codegen_flags: <defaults>
</compile_context>

<pallas_src>
import functools

import jax
import jax.numpy as jnp
from jax import lax
from jax.experimental import pallas as pl
from jax.experimental.pallas import tpu as pltpu
from jax.experimental.pallas import tpu_sc as plsc

N = 10000
IN_F = 128
OUT_F = 32
NRELA = 16
E1 = 256000
E2 = 64000
E_TOT = E1 + E2

NC = 2
NS = 16
NW = NC * NS
K = 256
NCHUNKS = E_TOT // K
C1 = E1 // K
SB = 128
NSB = K // SB
NG = K // 16
W = 40
NPAD = 10240
RPT = NPAD // NS


def _pack48(w_main, w2_ref):
    scal = lax.dot(w_main, w2_ref, precision=lax.Precision.HIGHEST)
    pad = jnp.zeros((w_main.shape[0], W - OUT_F - 1), jnp.float32)
    return jnp.concatenate([w_main, scal, pad], axis=1)


def _node_body(x_ref, wa_ref, wb_ref, w2_ref, a_ref, b_ref):
    xb = x_ref[...]
    wa48 = _pack48(wa_ref[...], w2_ref[...])
    wb48 = _pack48(wb_ref[...], w2_ref[...])
    a_ref[...] = lax.dot(xb, wa48, precision=lax.Precision.HIGHEST)
    b_ref[...] = lax.dot(xb, wb48, precision=lax.Precision.HIGHEST)


def _node_precompute(x, w1a_t, w1b_t, w2_t):
    blk = 2000
    return pl.pallas_call(
        _node_body,
        grid=(N // blk,),
        in_specs=[
            pl.BlockSpec((blk, IN_F), lambda i: (i, 0)),
            pl.BlockSpec((IN_F, OUT_F), lambda i: (0, 0)),
            pl.BlockSpec((IN_F, OUT_F), lambda i: (0, 0)),
            pl.BlockSpec((OUT_F, 1), lambda i: (0, 0)),
        ],
        out_specs=[
            pl.BlockSpec((blk, W), lambda i: (i, 0)),
            pl.BlockSpec((blk, W), lambda i: (i, 0)),
        ],
        out_shape=[
            jax.ShapeDtypeStruct((N, W), jnp.float32),
            jax.ShapeDtypeStruct((N, W), jnp.float32),
        ],
    )(x, w1a_t, w1b_t, w2_t)


def _edge_body(ee_ref, wc_ref, w2_ref, g_ref):
    w48 = _pack48(wc_ref[...], w2_ref[...])
    pieces = []
    for i in range(8):
        row = [w48]
        if i > 0:
            row.insert(0, jnp.zeros((NRELA, W * i), jnp.float32))
        if i < 7:
            row.append(jnp.zeros((NRELA, W * (7 - i)), jnp.float32))
        pieces.append(jnp.concatenate(row, axis=1))
    wbd = jnp.concatenate(pieces, axis=0)
    g_ref[...] = lax.dot(ee_ref[...], wbd, precision=lax.Precision.HIGHEST)


def _edge_precompute(ee8, w1c_t, w2_t):
    blk = 4000
    nr = ee8.shape[0]
    return pl.pallas_call(
        _edge_body,
        grid=(nr // blk,),
        in_specs=[
            pl.BlockSpec((blk, 8 * NRELA), lambda i: (i, 0)),
            pl.BlockSpec((NRELA, OUT_F), lambda i: (0, 0)),
            pl.BlockSpec((OUT_F, 1), lambda i: (0, 0)),
        ],
        out_specs=pl.BlockSpec((blk, 8 * W), lambda i: (i, 0)),
        out_shape=jax.ShapeDtypeStruct((nr, 8 * W), jnp.float32),
    )(ee8, w1c_t, w2_t)


_BCAST_DNUMS = lax.GatherDimensionNumbers(
    offset_dims=(), collapsed_slice_dims=(0,), start_index_map=(0,))

_MESH = plsc.VectorSubcoreMesh(
    core_axis_name="c", subcore_axis_name="s", num_cores=NC)


_SC_SCRATCH = []
for _b in range(2):
    _SC_SCRATCH += [
        pltpu.VMEM((NSB, SB), jnp.int32),
        pltpu.VMEM((NSB, SB), jnp.int32),
        pltpu.VMEM((NSB, SB), jnp.int32),
        pltpu.VMEM((K, W), jnp.float32),
        pltpu.VMEM((K, W), jnp.float32),
        pltpu.VMEM((K, W), jnp.float32),
        pltpu.VMEM((K, W), jnp.float32),
    ]
_SC_SCRATCH += [pltpu.VMEM_SHARED((NPAD, W), jnp.float32)]
_SC_SCRATCH += [pltpu.SemaphoreType.DMA] * 8


@functools.partial(
    pl.kernel,
    out_type=jax.ShapeDtypeStruct((NC * NPAD, W), jnp.float32),
    mesh=_MESH,
    compiler_params=pltpu.CompilerParams(
        needs_layout_passes=False, use_tc_tiling_on_sc=False),
    scratch_types=_SC_SCRATCH,
)
def _sc_aggregate(a_hbm, b_hbm, gp1_hbm, gp2_hbm,
                  src1_hbm, dst1_hbm, src2_hbm, dst2_hbm, out_hbm,
                  ig_s0, ig_d0, is_s0, ra0, rb0, gv0, wc0,
                  ig_s1, ig_d1, is_s1, ra1, rb1, gv1, wc1,
                  acc, sem_ig0, sem_ig1, sem_is0, sem_is1,
                  sem_g0, sem_g1, sem_sc0, sem_sc1):
    cid = lax.axis_index("c")
    sid = lax.axis_index("s")
    wid = cid * NS + sid
    over = jnp.maximum(wid - 17, 0)
    start = 40 * wid - 2 * over
    nch = jnp.where(wid >= 17, 38, 40)

    bufs = ((ig_s0, ig_d0, is_s0, ra0, rb0, gv0, wc0),
            (ig_s1, ig_d1, is_s1, ra1, rb1, gv1, wc1))
    sem_ig = (sem_ig0, sem_ig1)
    sem_is = (sem_is0, sem_is1)
    sem_g = (sem_g0, sem_g1)
    sem_sc = (sem_sc0, sem_sc1)

    def issue_idx(c, dst_s, dst_d, sem):
        @pl.when(c < C1)
        def _():
            pltpu.async_copy(src1_hbm.at[c], dst_s, sem)
            if dst_d is not None:
                pltpu.async_copy(dst1_hbm.at[c], dst_d, sem)

        @pl.when(c >= C1)
        def _():
            pltpu.async_copy(src2_hbm.at[c - C1], dst_s, sem)
            if dst_d is not None:
                pltpu.async_copy(dst2_hbm.at[c - C1], dst_d, sem)

    def issue_gathers(c, b, sem):
        ig_si, ig_di, _, ra, rb, gv, _ = bufs[b]

        @pl.when(c < C1)
        def _():
            pltpu.async_copy(gp1_hbm.at[pl.ds(c * K, K)], gv, sem)

        @pl.when(c >= C1)
        def _():
            pltpu.async_copy(gp2_hbm.at[pl.ds((c - C1) * K, K)], gv, sem)

        for s in range(NSB):
            pltpu.async_copy(a_hbm.at[ig_si.at[s]],
                             ra.at[pl.ds(s * SB, SB)], sem)
            pltpu.async_copy(b_hbm.at[ig_di.at[s]],
                             rb.at[pl.ds(s * SB, SB)], sem)

    def drain_gathers(b):
        _, _, _, ra, rb, gv, _ = bufs[b]
        sem = sem_g[b]
        pltpu.make_async_copy(gp1_hbm.at[pl.ds(0, K)], gv, sem).wait()
        for s in range(NSB):
            pltpu.make_async_copy(a_hbm.at[pl.ds(0, SB)],
                                  ra.at[pl.ds(s * SB, SB)], sem).wait()
            pltpu.make_async_copy(a_hbm.at[pl.ds(0, SB)],
                                  rb.at[pl.ds(s * SB, SB)], sem).wait()

    def drain_idx(b, scatter):
        if scatter:
            dst, sem = bufs[b][2], sem_is[b]
            pltpu.make_async_copy(src1_hbm.at[0], dst, sem).wait()
        else:
            sem = sem_ig[b]
            pltpu.make_async_copy(src1_hbm.at[0], bufs[b][0], sem).wait()
            pltpu.make_async_copy(src1_hbm.at[0], bufs[b][1], sem).wait()

    def issue_scatter(b):
        is_si, wc = bufs[b][2], bufs[b][6]
        for s in range(NSB):
            pltpu.async_copy(wc.at[pl.ds(s * SB, SB)],
                             acc.at[is_si.at[s]], sem_sc[b], add=True)

    def drain_scatter(b):
        wc = bufs[b][6]
        for s in range(NSB):
            pltpu.make_async_copy(gp1_hbm.at[pl.ds(0, SB)],
                                  wc.at[pl.ds(s * SB, SB)],
                                  sem_sc[b]).wait()

    def compute(b):
        _, _, _, ra, rb, gv, wc = bufs[b]

        @pl.loop(0, NG)
        def _group(g):
            gb = g * 16
            rows16 = jnp.full((16,), gb, jnp.int32) + lax.iota(jnp.int32, 16)
            col32 = jnp.full((16,), OUT_F, jnp.int32)
            a2g = plsc.load_gather(ra, [rows16, col32])
            b2g = plsc.load_gather(rb, [rows16, col32])
            g2g = plsc.load_gather(gv, [rows16, col32])
            braw = a2g + b2g + g2g
            w16 = jnp.exp(jnp.maximum(braw, 0.2 * braw))
            plsc.store_scatter(wc, [rows16, col32], w16)
            for k in range(16):
                wb = lax.gather(
                    w16, jnp.full((16, 1), k, jnp.int32),
                    _BCAST_DNUMS, (1,),
                    mode=lax.GatherScatterMode.PROMISE_IN_BOUNDS)
                r = gb + k
                c0 = (ra[r, pl.ds(0, 16)] + rb[r, pl.ds(0, 16)]
                      + gv[r, pl.ds(0, 16)])
                c1 = (ra[r, pl.ds(16, 16)] + rb[r, pl.ds(16, 16)]
                      + gv[r, pl.ds(16, 16)])
                wc[r, pl.ds(0, 16)] = wb * c0
                wc[r, pl.ds(16, 16)] = wb * c1

    zero = jnp.zeros((16,), jnp.float32)

    @pl.loop(0, K)
    def _zero_row(r):
        for c0 in (0, 16, W - 16):
            wc0[r, pl.ds(c0, 16)] = zero
            wc1[r, pl.ds(c0, 16)] = zero

    for t in range(RPT // 128):
        pltpu.sync_copy(wc0.at[pl.ds(0, 128)],
                        acc.at[pl.ds(sid * RPT + t * 128, 128)])
    plsc.subcore_barrier()

    @pl.when(start < C1)
    def _():
        pltpu.sync_copy(src1_hbm.at[start], ig_s0)
        pltpu.sync_copy(dst1_hbm.at[start], ig_d0)

    @pl.when(start >= C1)
    def _():
        pltpu.sync_copy(src2_hbm.at[start - C1], ig_s0)
        pltpu.sync_copy(dst2_hbm.at[start - C1], ig_d0)

    issue_gathers(start, 0, sem_g[0])
    issue_idx(start + 1, ig_s1, ig_d1, sem_ig[1])

    def part(l, b):
        o = 1 - b
        c = start + l

        @pl.when(l > 0)
        def _():
            drain_scatter(o)

        drain_gathers(b)
        issue_idx(c, bufs[b][2], None, sem_is[b])

        @pl.when(l + 2 < nch)
        def _():
            issue_idx(c + 2, bufs[b][0], bufs[b][1], sem_ig[b])

        compute(b)

        @pl.when(l + 1 < nch)
        def _():
            drain_idx(o, scatter=False)
            issue_gathers(c + 1, o, sem_g[o])

        drain_idx(b, scatter=True)
        issue_scatter(b)

    @pl.loop(0, 20)
    def _pair(p):
        @pl.when(2 * p < nch)
        def _():
            part(2 * p, 0)
            part(2 * p + 1, 1)

    drain_scatter(1)

    plsc.subcore_barrier()
    pltpu.sync_copy(acc.at[pl.ds(sid * RPT, RPT)],
                    out_hbm.at[pl.ds(cid * NPAD + sid * RPT, RPT)])


def _norm_body(p_ref, o_ref):
    s = p_ref[0] + p_ref[1]
    num = s[:, 0:OUT_F]
    den = s[:, OUT_F:OUT_F + 1]
    o_ref[...] = num / (den + 1e-12)


def _normalize(p):
    blk = 1000
    return pl.pallas_call(
        _norm_body,
        grid=(N // blk,),
        in_specs=[pl.BlockSpec((2, blk, W), lambda i: (0, i, 0))],
        out_specs=pl.BlockSpec((blk, OUT_F), lambda i: (i, 0)),
        out_shape=jax.ShapeDtypeStruct((N, OUT_F), jnp.float32),
    )(p)


def kernel(x, edges, edge_embed, nhop_edges, nhop_edge_embed, w1, w2):
    x = x.astype(jnp.float32)

    w1a_t = w1[:, :IN_F].T
    w1b_t = w1[:, IN_F:2 * IN_F].T
    w1c_t = w1[:, 2 * IN_F:].T
    w2_t = w2.T

    a_tab, b_tab = _node_precompute(x, w1a_t, w1b_t, w2_t)
    ee1 = edge_embed.astype(jnp.float32).reshape(E1 // 8, 8 * NRELA)
    ee2 = nhop_edge_embed.astype(jnp.float32).reshape(E2 // 8, 8 * NRELA)
    gp1 = _edge_precompute(ee1, w1c_t, w2_t).reshape(E1, W)
    gp2 = _edge_precompute(ee2, w1c_t, w2_t).reshape(E2, W)

    src1 = edges[0].astype(jnp.int32).reshape(C1, NSB, SB)
    dst1 = edges[1].astype(jnp.int32).reshape(C1, NSB, SB)
    src2 = nhop_edges[0].astype(jnp.int32).reshape(E2 // K, NSB, SB)
    dst2 = nhop_edges[1].astype(jnp.int32).reshape(E2 // K, NSB, SB)

    p = _sc_aggregate(a_tab, b_tab, gp1, gp2, src1, dst1, src2, dst2)
    return _normalize(p.reshape(NC, NPAD, W))

# --- scband reference (transcript-rebuilt; emitter-appended) ---
"""Pipeline reference for scband-sp-graph-attention-layer-11081015623684 (READ-ONLY COPY).

The authoritative reference and input builder live on the scoring server;
editing this copy changes nothing except your own understanding.
"""

import jax, jax.numpy as jnp
import numpy as np

N = 10000
IN_F = 128
OUT_F = 32
NRELA = 16
E1 = 256000
E2 = 64000


def setup_inputs(seed: int = 0) -> dict:
    key = jax.random.key(seed)
    ks = jax.random.split(key, 8)
    x = jax.random.normal(ks[0], (N, IN_F), dtype=jnp.float32)
    edges = jax.random.randint(ks[1], (2, E1), 0, N)
    edge_embed = jax.random.normal(ks[2], (E1, NRELA), dtype=jnp.float32)
    nhop_edges = jax.random.randint(ks[3], (2, E2), 0, N)
    nhop_edge_embed = jax.random.normal(ks[4], (E2, NRELA), dtype=jnp.float32)
    fan_in1 = 2 * IN_F + NRELA
    g1 = np.sqrt(2.0 / (OUT_F + fan_in1)).astype(np.float32)
    w1 = g1 * jax.random.normal(ks[5], (OUT_F, fan_in1), dtype=jnp.float32)
    g2 = np.sqrt(2.0 / (1 + OUT_F)).astype(np.float32)
    w2 = g2 * jax.random.normal(ks[6], (1, OUT_F), dtype=jnp.float32)
    return {
        'x': x,
        'edges': edges,
        'edge_embed': edge_embed,
        'nhop_edges': nhop_edges,
        'nhop_edge_embed': nhop_edge_embed,
        'w1': w1,
        'w2': w2,
    }


def reference(x, edges, edge_embed, nhop_edges, nhop_edge_embed, w1, w2):
    n = x.shape[0]
    all_edges = jnp.concatenate([edges, nhop_edges], axis=1)      # [2, E]
    all_edge_embeds = jnp.concatenate([edge_embed, nhop_edge_embed], axis=0)  # [E, nrela]
    h_i = jnp.take(x, all_edges[0, :], axis=0)                    # [E, in]
    h_j = jnp.take(x, all_edges[1, :], axis=0)                    # [E, in]
    g_k = all_edge_embeds
    triple_embed = jnp.concatenate([h_i, h_j, g_k], axis=1).T     # [2in+nrela, E]
    c_ijk = w1 @ triple_embed                                     # [out, E]
    b_ijk = jax.nn.leaky_relu(w2 @ c_ijk, negative_slope=0.2)     # [1, E]
    b_exp = jnp.exp(b_ijk)                                        # [1, E]
    row = all_edges[0, :]
    values = jnp.squeeze(b_exp)                                   # [E]
    # tf.sparse.reduce_sum(sparse_b, axis=1): sum over columns grouped by row index
    b_rowsum = jax.ops.segment_sum(values, row, num_segments=n)   # [N]
    # dropout with drop_rate=0.0 (inference) -> identity
    weighted_c_ijk = (b_exp * c_ijk).T                            # [E, out]
    weighted_rowsum = jax.ops.segment_sum(weighted_c_ijk, row, num_segments=n)  # [N, out]
    h_prime = weighted_rowsum / (b_rowsum[:, None] + 1e-12)
    return h_prime

if __name__ == "__main__":
    import jax
    _d = setup_inputs()
    print(jax.jit(kernel)(*tuple(_d.values())))

</pallas_src>

<mosaic_0001>
#map = affine_map<(d0, d1) -> (0, 0)>
#map1 = affine_map<(d0, d1) -> (0, 0, 0)>
module attributes {stable_mosaic.version = 14 : i64} {
  func.func @_sc_aggregate(%arg0: i32, %arg1: i32, %arg2: memref<10000x40xf32, #tpu.memory_space<hbm>>, %arg3: memref<10000x40xf32, #tpu.memory_space<hbm>>, %arg4: memref<256000x40xf32, #tpu.memory_space<hbm>>, %arg5: memref<64000x40xf32, #tpu.memory_space<hbm>>, %arg6: memref<1000x2x128xi32, #tpu.memory_space<hbm>>, %arg7: memref<1000x2x128xi32, #tpu.memory_space<hbm>>, %arg8: memref<250x2x128xi32, #tpu.memory_space<hbm>>, %arg9: memref<250x2x128xi32, #tpu.memory_space<hbm>>, %arg10: memref<20480x40xf32, #tpu.memory_space<hbm>>, %arg11: memref<2x128xi32, #tpu.memory_space<vmem>>, %arg12: memref<2x128xi32, #tpu.memory_space<vmem>>, %arg13: memref<2x128xi32, #tpu.memory_space<vmem>>, %arg14: memref<256x40xf32, #tpu.memory_space<vmem>>, %arg15: memref<256x40xf32, #tpu.memory_space<vmem>>, %arg16: memref<256x40xf32, #tpu.memory_space<vmem>>, %arg17: memref<256x40xf32, #tpu.memory_space<vmem>>, %arg18: memref<2x128xi32, #tpu.memory_space<vmem>>, %arg19: memref<2x128xi32, #tpu.memory_space<vmem>>, %arg20: memref<2x128xi32, #tpu.memory_space<vmem>>, %arg21: memref<256x40xf32, #tpu.memory_space<vmem>>, %arg22: memref<256x40xf32, #tpu.memory_space<vmem>>, %arg23: memref<256x40xf32, #tpu.memory_space<vmem>>, %arg24: memref<256x40xf32, #tpu.memory_space<vmem>>, %arg25: memref<10240x40xf32, #tpu.memory_space<vmem_shared>>, %arg26: memref<!tpu.dma_semaphore, #tpu.memory_space<semaphore_mem>>, %arg27: memref<!tpu.dma_semaphore, #tpu.memory_space<semaphore_mem>>, %arg28: memref<!tpu.dma_semaphore, #tpu.memory_space<semaphore_mem>>, %arg29: memref<!tpu.dma_semaphore, #tpu.memory_space<semaphore_mem>>, %arg30: memref<!tpu.dma_semaphore, #tpu.memory_space<semaphore_mem>>, %arg31: memref<!tpu.dma_semaphore, #tpu.memory_space<semaphore_mem>>, %arg32: memref<!tpu.dma_semaphore, #tpu.memory_space<semaphore_mem>>, %arg33: memref<!tpu.dma_semaphore, #tpu.memory_space<semaphore_mem>>) attributes {dimension_semantics = [#tpu.dimension_semantics<core_parallel>, #tpu.dimension_semantics<subcore_parallel>], iteration_bounds = array<i64: 2, 16>, scalar_prefetch = 0 : i64, scratch_operands = 23 : i64, tpu.core_type = #tpu.core_type<sc_vector_subcore>, window_params = [{transform_indices = #map}, {transform_indices = #map}, {transform_indices = #map}, {transform_indices = #map}, {transform_indices = #map1}, {transform_indices = #map1}, {transform_indices = #map1}, {transform_indices = #map1}, {transform_indices = #map}]} {
    %mul3A = arith.constant 16 : i32
    %mul3A_0 = arith.muli %arg0, %mul3A : i32
    %add3A = arith.addi %mul3A_0, %arg1 : i32
    %sub3A = arith.constant 17 : i32
    %sub3A_1 = arith.subi %add3A, %sub3A : i32
    %max3A = arith.constant 0 : i32
    %max3A_2 = arith.maxsi %sub3A_1, %max3A : i32
    %mul3A_3 = arith.constant 40 : i32
    %mul3A_4 = arith.muli %mul3A_3, %add3A : i32
    %mul3A_5 = arith.constant 2 : i32
    %mul3A_6 = arith.muli %mul3A_5, %max3A_2 : i32
    %sub3A_7 = arith.subi %mul3A_4, %mul3A_6 : i32
    %ge3A = arith.constant 17 : i32
    %ge3A_8 = arith.cmpi sge, %add3A, %ge3A : i32
    %jit3A = arith.constant 38 : i32
    %jit3A_9 = arith.constant 40 : i32
    %select_n3A = arith.select %ge3A_8, %jit3A, %jit3A_9 : i32
    %broadcast_in_dim3A = arith.constant 0.000000e+00 : f32
    %broadcast_in_dim3A_10 = vector.broadcast %broadcast_in_dim3A : f32 to vector<16xf32>
    %scan3A = arith.constant 0 : i32
    %scan3A_11 = arith.constant 256 : i32
    %scan3A_12 = arith.addi %scan3A, %scan3A_11 : i32
    %scan3A_13 = arith.constant 1 : i32
    scf.for %scan3A_139 = %scan3A to %scan3A_12 step %scan3A_13  : i32 {
      %mul3A_140 = arith.constant 1 : i32
      %mul3A_141 = arith.muli %scan3A_139, %mul3A_140 : i32
      %add3A_142 = arith.constant 0 : i32
      %add3A_143 = arith.addi %add3A_142, %mul3A_141 : i32
      %swap3A = arith.index_cast %add3A_143 : i32 to index
      %swap3A_144 = arith.constant 0 : index
      %swap3A_145 = tpu.vector_load %arg17[%swap3A, %swap3A_144] {strides = array<i32>} : memref<256x40xf32, #tpu.memory_space<vmem>>, vector<16xf32>,
      tpu.vector_store %arg17[%swap3A, %swap3A_144], %broadcast_in_dim3A_10 {strides = array<i32>} : memref<256x40xf32, #tpu.memory_space<vmem>>, vector<16xf32>,
      %swap3A_146 = arith.index_cast %add3A_143 : i32 to index
      %swap3A_147 = arith.constant 0 : index
      %swap3A_148 = tpu.vector_load %arg24[%swap3A_146, %swap3A_147] {strides = array<i32>} : memref<256x40xf32, #tpu.memory_space<vmem>>, vector<16xf32>,
      tpu.vector_store %arg24[%swap3A_146, %swap3A_147], %broadcast_in_dim3A_10 {strides = array<i32>} : memref<256x40xf32, #tpu.memory_space<vmem>>, vector<16xf32>,
      %swap3A_149 = arith.index_cast %add3A_143 : i32 to index
      %swap3A_150 = arith.constant 16 : index
      %swap3A_151 = tpu.vector_load %arg17[%swap3A_149, %swap3A_150] {strides = array<i32>} : memref<256x40xf32, #tpu.memory_space<vmem>>, vector<16xf32>,
      tpu.vector_store %arg17[%swap3A_149, %swap3A_150], %broadcast_in_dim3A_10 {strides = array<i32>} : memref<256x40xf32, #tpu.memory_space<vmem>>, vector<16xf32>,
      %swap3A_152 = arith.index_cast %add3A_143 : i32 to index
      %swap3A_153 = arith.constant 16 : index
      %swap3A_154 = tpu.vector_load %arg24[%swap3A_152, %swap3A_153] {strides = array<i32>} : memref<256x40xf32, #tpu.memory_space<vmem>>, vector<16xf32>,
      tpu.vector_store %arg24[%swap3A_152, %swap3A_153], %broadcast_in_dim3A_10 {strides = array<i32>} : memref<256x40xf32, #tpu.memory_space<vmem>>, vector<16xf32>,
      %swap3A_155 = arith.index_cast %add3A_143 : i32 to index
      %swap3A_156 = arith.constant 24 : index
      %swap3A_157 = tpu.vector_load %arg17[%swap3A_155, %swap3A_156] {strides = array<i32>} : memref<256x40xf32, #tpu.memory_space<vmem>>, vector<16xf32>,
      tpu.vector_store %arg17[%swap3A_155, %swap3A_156], %broadcast_in_dim3A_10 {strides = array<i32>} : memref<256x40xf32, #tpu.memory_space<vmem>>, vector<16xf32>,
      %swap3A_158 = arith.index_cast %add3A_143 : i32 to index
      %swap3A_159 = arith.constant 24 : index
      %swap3A_160 = tpu.vector_load %arg24[%swap3A_158, %swap3A_159] {strides = array<i32>} : memref<256x40xf32, #tpu.memory_space<vmem>>, vector<16xf32>,
      tpu.vector_store %arg24[%swap3A_158, %swap3A_159], %broadcast_in_dim3A_10 {strides = array<i32>} : memref<256x40xf32, #tpu.memory_space<vmem>>, vector<16xf32>,
    }
    %scan3A_14 = arith.constant 256 : i32
    %mul3A_15 = arith.constant 640 : i32
    %mul3A_16 = arith.muli %arg1, %mul3A_15 : i32
    %add3A_17 = arith.constant 0 : i32
    %add3A_18 = arith.addi %mul3A_16, %add3A_17 : i32
    "tpu.region"() ({
      %run_scoped3A = tpu.sem_alloc : memref<!tpu.dma_semaphore, #tpu.memory_space<semaphore_mem>>
      %dma_start3A_139 = arith.constant 0 : i32
      %dma_start3A_140 = arith.constant 0 : i32
      %dma_start3A_141 = tpu.memref_slice %arg17[%dma_start3A_139, %dma_start3A_140] : memref<256x40xf32, #tpu.memory_space<vmem>> -> memref<128x40xf32, #tpu.memory_space<vmem>>
      %dma_start3A_142 = arith.constant 0 : i32
      %dma_start3A_143 = tpu.memref_slice %arg25[%add3A_18, %dma_start3A_142] : memref<10240x40xf32, #tpu.memory_space<vmem_shared>> -> memref<128x40xf32, #tpu.memory_space<vmem_shared>>
      %dma_start3A_144 = arith.constant 0 : i32
      %dma_start3A_145 = tpu.memref_slice %arg25[%add3A_18, %dma_start3A_144] : memref<10240x40xf32, #tpu.memory_space<vmem_shared>> -> memref<128x40xf32, #tpu.memory_space<vmem_shared>>
      %dma_start3A_146 = arith.constant 0 : i32
      %dma_start3A_147 = arith.constant 0 : i32
      %dma_start3A_148 = tpu.memref_slice %arg17[%dma_start3A_146, %dma_start3A_147] : memref<256x40xf32, #tpu.memory_space<vmem>> -> memref<128x40xf32, #tpu.memory_space<vmem>>
      tpu.enqueue_dma source(%dma_start3A_148 : memref<128x40xf32, #tpu.memory_space<vmem>>) target(%dma_start3A_145 : memref<128x40xf32, #tpu.memory_space<vmem_shared>>) target_semaphore(%run_scoped3A : memref<!tpu.dma_semaphore, #tpu.memory_space<semaphore_mem>>)
      %dma_wait3A_149 = arith.constant 0 : i32
      %dma_wait3A_150 = arith.constant 0 : i32
      %dma_wait3A_151 = tpu.memref_slice %arg17[%dma_wait3A_149, %dma_wait3A_150] : memref<256x40xf32, #tpu.memory_space<vmem>> -> memref<128x40xf32, #tpu.memory_space<vmem>>
      %dma_wait3A_152 = arith.constant 0 : i32
      %dma_wait3A_153 = tpu.memref_slice %arg25[%add3A_18, %dma_wait3A_152] : memref<10240x40xf32, #tpu.memory_space<vmem_shared>> -> memref<128x40xf32, #tpu.memory_space<vmem_shared>>
      %dma_wait3A_154 = arith.constant 0 : i32
      %dma_wait3A_155 = tpu.memref_slice %arg25[%add3A_18, %dma_wait3A_154] : memref<10240x40xf32, #tpu.memory_space<vmem_shared>> -> memref<128x40xf32, #tpu.memory_space<vmem_shared>>
      %dma_wait3A_156 = arith.constant 0 : i32
      %dma_wait3A_157 = arith.constant 0 : i32
      %dma_wait3A_158 = tpu.memref_slice %arg17[%dma_wait3A_156, %dma_wait3A_157] : memref<256x40xf32, #tpu.memory_space<vmem>> -> memref<128x40xf32, #tpu.memory_space<vmem>>
      tpu.wait_dma2 semaphore(%run_scoped3A : memref<!tpu.dma_semaphore, #tpu.memory_space<semaphore_mem>>) src(%dma_wait3A_158 : memref<128x40xf32, #tpu.memory_space<vmem>>) dst(%dma_wait3A_155 : memref<128x40xf32, #tpu.memory_space<vmem_shared>>)
      tpu.yield
    }) : () -> ()
    %mul3A_19 = arith.constant 640 : i32
    %mul3A_20 = arith.muli %arg1, %mul3A_19 : i32
    %add3A_21 = arith.constant 128 : i32
    %add3A_22 = arith.addi %mul3A_20, %add3A_21 : i32
    "tpu.region"() ({
      %run_scoped3A = tpu.sem_alloc : memref<!tpu.dma_semaphore, #tpu.memory_space<semaphore_mem>>
      %dma_start3A_139 = arith.constant 0 : i32
      %dma_start3A_140 = arith.constant 0 : i32
      %dma_start3A_141 = tpu.memref_slice %arg17[%dma_start3A_139, %dma_start3A_140] : memref<256x40xf32, #tpu.memory_space<vmem>> -> memref<128x40xf32, #tpu.memory_space<vmem>>
      %dma_start3A_142 = arith.constant 0 : i32
      %dma_start3A_143 = tpu.memref_slice %arg25[%add3A_22, %dma_start3A_142] : memref<10240x40xf32, #tpu.memory_space<vmem_shared>> -> memref<128x40xf32, #tpu.memory_space<vmem_shared>>
      %dma_start3A_144 = arith.constant 0 : i32
      %dma_start3A_145 = tpu.memref_slice %arg25[%add3A_22, %dma_start3A_144] : memref<10240x40xf32, #tpu.memory_space<vmem_shared>> -> memref<128x40xf32, #tpu.memory_space<vmem_shared>>
      %dma_start3A_146 = arith.constant 0 : i32
      %dma_start3A_147 = arith.constant 0 : i32
      %dma_start3A_148 = tpu.memref_slice %arg17[%dma_start3A_146, %dma_start3A_147] : memref<256x40xf32, #tpu.memory_space<vmem>> -> memref<128x40xf32, #tpu.memory_space<vmem>>
      tpu.enqueue_dma source(%dma_start3A_148 : memref<128x40xf32, #tpu.memory_space<vmem>>) target(%dma_start3A_145 : memref<128x40xf32, #tpu.memory_space<vmem_shared>>) target_semaphore(%run_scoped3A : memref<!tpu.dma_semaphore, #tpu.memory_space<semaphore_mem>>)
      %dma_wait3A_149 = arith.constant 0 : i32
      %dma_wait3A_150 = arith.constant 0 : i32
      %dma_wait3A_151 = tpu.memref_slice %arg17[%dma_wait3A_149, %dma_wait3A_150] : memref<256x40xf32, #tpu.memory_space<vmem>> -> memref<128x40xf32, #tpu.memory_space<vmem>>
      %dma_wait3A_152 = arith.constant 0 : i32
      %dma_wait3A_153 = tpu.memref_slice %arg25[%add3A_22, %dma_wait3A_152] : memref<10240x40xf32, #tpu.memory_space<vmem_shared>> -> memref<128x40xf32, #tpu.memory_space<vmem_shared>>
      %dma_wait3A_154 = arith.constant 0 : i32
      %dma_wait3A_155 = tpu.memref_slice %arg25[%add3A_22, %dma_wait3A_154] : memref<10240x40xf32, #tpu.memory_space<vmem_shared>> -> memref<128x40xf32, #tpu.memory_space<vmem_shared>>
      %dma_wait3A_156 = arith.constant 0 : i32
      %dma_wait3A_157 = arith.constant 0 : i32
      %dma_wait3A_158 = tpu.memref_slice %arg17[%dma_wait3A_156, %dma_wait3A_157] : memref<256x40xf32, #tpu.memory_space<vmem>> -> memref<128x40xf32, #tpu.memory_space<vmem>>
      tpu.wait_dma2 semaphore(%run_scoped3A : memref<!tpu.dma_semaphore, #tpu.memory_space<semaphore_mem>>) src(%dma_wait3A_158 : memref<128x40xf32, #tpu.memory_space<vmem>>) dst(%dma_wait3A_155 : memref<128x40xf32, #tpu.memory_space<vmem_shared>>)
      tpu.yield
    }) : () -> ()
    %mul3A_23 = arith.constant 640 : i32
    %mul3A_24 = arith.muli %arg1, %mul3A_23 : i32
    %add3A_25 = arith.constant 256 : i32
    %add3A_26 = arith.addi %mul3A_24, %add3A_25 : i32
    "tpu.region"() ({
      %run_scoped3A = tpu.sem_alloc : memref<!tpu.dma_semaphore, #tpu.memory_space<semaphore_mem>>
      %dma_start3A_139 = arith.constant 0 : i32
      %dma_start3A_140 = arith.constant 0 : i32
      %dma_start3A_141 = tpu.memref_slice %arg17[%dma_start3A_139, %dma_start3A_140] : memref<256x40xf32, #tpu.memory_space<vmem>> -> memref<128x40xf32, #tpu.memory_space<vmem>>
      %dma_start3A_142 = arith.constant 0 : i32
      %dma_start3A_143 = tpu.memref_slice %arg25[%add3A_26, %dma_start3A_142] : memref<10240x40xf32, #tpu.memory_space<vmem_shared>> -> memref<128x40xf32, #tpu.memory_space<vmem_shared>>
      %dma_start3A_144 = arith.constant 0 : i32
      %dma_start3A_145 = tpu.memref_slice %arg25[%add3A_26, %dma_start3A_144] : memref<10240x40xf32, #tpu.memory_space<vmem_shared>> -> memref<128x40xf32, #tpu.memory_space<vmem_shared>>
      %dma_start3A_146 = arith.constant 0 : i32
      %dma_start3A_147 = arith.constant 0 : i32
      %dma_start3A_148 = tpu.memref_slice %arg17[%dma_start3A_146, %dma_start3A_147] : memref<256x40xf32, #tpu.memory_space<vmem>> -> memref<128x40xf32, #tpu.memory_space<vmem>>
      tpu.enqueue_dma source(%dma_start3A_148 : memref<128x40xf32, #tpu.memory_space<vmem>>) target(%dma_start3A_145 : memref<128x40xf32, #tpu.memory_space<vmem_shared>>) target_semaphore(%run_scoped3A : memref<!tpu.dma_semaphore, #tpu.memory_space<semaphore_mem>>)
      %dma_wait3A_149 = arith.constant 0 : i32
      %dma_wait3A_150 = arith.constant 0 : i32
      %dma_wait3A_151 = tpu.memref_slice %arg17[%dma_wait3A_149, %dma_wait3A_150] : memref<256x40xf32, #tpu.memory_space<vmem>> -> memref<128x40xf32, #tpu.memory_space<vmem>>
      %dma_wait3A_152 = arith.constant 0 : i32
      %dma_wait3A_153 = tpu.memref_slice %arg25[%add3A_26, %dma_wait3A_152] : memref<10240x40xf32, #tpu.memory_space<vmem_shared>> -> memref<128x40xf32, #tpu.memory_space<vmem_shared>>
      %dma_wait3A_154 = arith.constant 0 : i32
      %dma_wait3A_155 = tpu.memref_slice %arg25[%add3A_26, %dma_wait3A_154] : memref<10240x40xf32, #tpu.memory_space<vmem_shared>> -> memref<128x40xf32, #tpu.memory_space<vmem_shared>>
      %dma_wait3A_156 = arith.constant 0 : i32
      %dma_wait3A_157 = arith.constant 0 : i32
      %dma_wait3A_158 = tpu.memref_slice %arg17[%dma_wait3A_156, %dma_wait3A_157] : memref<256x40xf32, #tpu.memory_space<vmem>> -> memref<128x40xf32, #tpu.memory_space<vmem>>
      tpu.wait_dma2 semaphore(%run_scoped3A : memref<!tpu.dma_semaphore, #tpu.memory_space<semaphore_mem>>) src(%dma_wait3A_158 : memref<128x40xf32, #tpu.memory_space<vmem>>) dst(%dma_wait3A_155 : memref<128x40xf32, #tpu.memory_space<vmem_shared>>)
      tpu.yield
    }) : () -> ()
    %mul3A_27 = arith.constant 640 : i32
    %mul3A_28 = arith.muli %arg1, %mul3A_27 : i32
    %add3A_29 = arith.constant 384 : i32
    %add3A_30 = arith.addi %mul3A_28, %add3A_29 : i32
    "tpu.region"() ({
      %run_scoped3A = tpu.sem_alloc : memref<!tpu.dma_semaphore, #tpu.memory_space<semaphore_mem>>
      %dma_start3A_139 = arith.constant 0 : i32
      %dma_start3A_140 = arith.constant 0 : i32
      %dma_start3A_141 = tpu.memref_slice %arg17[%dma_start3A_139, %dma_start3A_140] : memref<256x40xf32, #tpu.memory_space<vmem>> -> memref<128x40xf32, #tpu.memory_space<vmem>>
      %dma_start3A_142 = arith.constant 0 : i32
      %dma_start3A_143 = tpu.memref_slice %arg25[%add3A_30, %dma_start3A_142] : memref<10240x40xf32, #tpu.memory_space<vmem_shared>> -> memref<128x40xf32, #tpu.memory_space<vmem_shared>>
      %dma_start3A_144 = arith.constant 0 : i32
      %dma_start3A_145 = tpu.memref_slice %arg25[%add3A_30, %dma_start3A_144] : memref<10240x40xf32, #tpu.memory_space<vmem_shared>> -> memref<128x40xf32, #tpu.memory_space<vmem_shared>>
      %dma_start3A_146 = arith.constant 0 : i32
      %dma_start3A_147 = arith.constant 0 : i32
      %dma_start3A_148 = tpu.memref_slice %arg17[%dma_start3A_146, %dma_start3A_147] : memref<256x40xf32, #tpu.memory_space<vmem>> -> memref<128x40xf32, #tpu.memory_space<vmem>>
      tpu.enqueue_dma source(%dma_start3A_148 : memref<128x40xf32, #tpu.memory_space<vmem>>) target(%dma_start3A_145 : memref<128x40xf32, #tpu.memory_space<vmem_shared>>) target_semaphore(%run_scoped3A : memref<!tpu.dma_semaphore, #tpu.memory_space<semaphore_mem>>)
      %dma_wait3A_149 = arith.constant 0 : i32
      %dma_wait3A_150 = arith.constant 0 : i32
      %dma_wait3A_151 = tpu.memref_slice %arg17[%dma_wait3A_149, %dma_wait3A_150] : memref<256x40xf32, #tpu.memory_space<vmem>> -> memref<128x40xf32, #tpu.memory_space<vmem>>
      %dma_wait3A_152 = arith.constant 0 : i32
      %dma_wait3A_153 = tpu.memref_slice %arg25[%add3A_30, %dma_wait3A_152] : memref<10240x40xf32, #tpu.memory_space<vmem_shared>> -> memref<128x40xf32, #tpu.memory_space<vmem_shared>>
      %dma_wait3A_154 = arith.constant 0 : i32
      %dma_wait3A_155 = tpu.memref_slice %arg25[%add3A_30, %dma_wait3A_154] : memref<10240x40xf32, #tpu.memory_space<vmem_shared>> -> memref<128x40xf32, #tpu.memory_space<vmem_shared>>
      %dma_wait3A_156 = arith.constant 0 : i32
      %dma_wait3A_157 = arith.constant 0 : i32
      %dma_wait3A_158 = tpu.memref_slice %arg17[%dma_wait3A_156, %dma_wait3A_157] : memref<256x40xf32, #tpu.memory_space<vmem>> -> memref<128x40xf32, #tpu.memory_space<vmem>>
      tpu.wait_dma2 semaphore(%run_scoped3A : memref<!tpu.dma_semaphore, #tpu.memory_space<semaphore_mem>>) src(%dma_wait3A_158 : memref<128x40xf32, #tpu.memory_space<vmem>>) dst(%dma_wait3A_155 : memref<128x40xf32, #tpu.memory_space<vmem_shared>>)
      tpu.yield
    }) : () -> ()
    %mul3A_31 = arith.constant 640 : i32
    %mul3A_32 = arith.muli %arg1, %mul3A_31 : i32
    %add3A_33 = arith.constant 512 : i32
    %add3A_34 = arith.addi %mul3A_32, %add3A_33 : i32
    "tpu.region"() ({
      %run_scoped3A = tpu.sem_alloc : memref<!tpu.dma_semaphore, #tpu.memory_space<semaphore_mem>>
      %dma_start3A_139 = arith.constant 0 : i32
      %dma_start3A_140 = arith.constant 0 : i32
      %dma_start3A_141 = tpu.memref_slice %arg17[%dma_start3A_139, %dma_start3A_140] : memref<256x40xf32, #tpu.memory_space<vmem>> -> memref<128x40xf32, #tpu.memory_space<vmem>>
      %dma_start3A_142 = arith.constant 0 : i32
      %dma_start3A_143 = tpu.memref_slice %arg25[%add3A_34, %dma_start3A_142] : memref<10240x40xf32, #tpu.memory_space<vmem_shared>> -> memref<128x40xf32, #tpu.memory_space<vmem_shared>>
      %dma_start3A_144 = arith.constant 0 : i32
      %dma_start3A_145 = tpu.memref_slice %arg25[%add3A_34, %dma_start3A_144] : memref<10240x40xf32, #tpu.memory_space<vmem_shared>> -> memref<128x40xf32, #tpu.memory_space<vmem_shared>>
      %dma_start3A_146 = arith.constant 0 : i32
      %dma_start3A_147 = arith.constant 0 : i32
      %dma_start3A_148 = tpu.memref_slice %arg17[%dma_start3A_146, %dma_start3A_147] : memref<256x40xf32, #tpu.memory_space<vmem>> -> memref<128x40xf32, #tpu.memory_space<vmem>>
      tpu.enqueue_dma source(%dma_start3A_148 : memref<128x40xf32, #tpu.memory_space<vmem>>) target(%dma_start3A_145 : memref<128x40xf32, #tpu.memory_space<vmem_shared>>) target_semaphore(%run_scoped3A : memref<!tpu.dma_semaphore, #tpu.memory_space<semaphore_mem>>)
      %dma_wait3A_149 = arith.constant 0 : i32
      %dma_wait3A_150 = arith.constant 0 : i32
      %dma_wait3A_151 = tpu.memref_slice %arg17[%dma_wait3A_149, %dma_wait3A_150] : memref<256x40xf32, #tpu.memory_space<vmem>> -> memref<128x40xf32, #tpu.memory_space<vmem>>
      %dma_wait3A_152 = arith.constant 0 : i32
      %dma_wait3A_153 = tpu.memref_slice %arg25[%add3A_34, %dma_wait3A_152] : memref<10240x40xf32, #tpu.memory_space<vmem_shared>> -> memref<128x40xf32, #tpu.memory_space<vmem_shared>>
      %dma_wait3A_154 = arith.constant 0 : i32
      %dma_wait3A_155 = tpu.memref_slice %arg25[%add3A_34, %dma_wait3A_154] : memref<10240x40xf32, #tpu.memory_space<vmem_shared>> -> memref<128x40xf32, #tpu.memory_space<vmem_shared>>
      %dma_wait3A_156 = arith.constant 0 : i32
      %dma_wait3A_157 = arith.constant 0 : i32
      %dma_wait3A_158 = tpu.memref_slice %arg17[%dma_wait3A_156, %dma_wait3A_157] : memref<256x40xf32, #tpu.memory_space<vmem>> -> memref<128x40xf32, #tpu.memory_space<vmem>>
      tpu.wait_dma2 semaphore(%run_scoped3A : memref<!tpu.dma_semaphore, #tpu.memory_space<semaphore_mem>>) src(%dma_wait3A_158 : memref<128x40xf32, #tpu.memory_space<vmem>>) dst(%dma_wait3A_155 : memref<128x40xf32, #tpu.memory_space<vmem_shared>>)
      tpu.yield
    }) : () -> ()
    %barrier3A = arith.constant 0 : index
    tpu.barrier barrier_id(%barrier3A)
    %lt3A = arith.constant 1000 : i32
    %lt3A_35 = arith.cmpi slt, %sub3A_7, %lt3A : i32
    %convert_element_type3A = arith.extui %lt3A_35 : i1 to i32
    %cond3A = arith.constant 0 : i32
    %cond3A_36 = arith.cmpi ne, %convert_element_type3A, %cond3A : i32
    scf.if %cond3A_36 {
      "tpu.region"() ({
        %run_scoped3A = tpu.sem_alloc : memref<!tpu.dma_semaphore, #tpu.memory_space<semaphore_mem>>
        %dma_start3A_139 = arith.constant 0 : i32
        %dma_start3A_140 = arith.constant 0 : i32
        %dma_start3A_141 = tpu.memref_slice %arg6[%sub3A_7, %dma_start3A_139, %dma_start3A_140] : memref<1000x2x128xi32, #tpu.memory_space<hbm>> -> memref<1x2x128xi32, #tpu.memory_space<hbm>>
        %dma_start3A_142 = tpu.memref_squeeze %dma_start3A_141 : memref<1x2x128xi32, #tpu.memory_space<hbm>> -> memref<2x128xi32, #tpu.memory_space<hbm>>
        %dma_start3A_143 = arith.constant 0 : i32
        %dma_start3A_144 = arith.constant 0 : i32
        %dma_start3A_145 = tpu.memref_slice %arg6[%sub3A_7, %dma_start3A_143, %dma_start3A_144] : memref<1000x2x128xi32, #tpu.memory_space<hbm>> -> memref<1x2x128xi32, #tpu.memory_space<hbm>>
        %dma_start3A_146 = tpu.memref_squeeze %dma_start3A_145 : memref<1x2x128xi32, #tpu.memory_space<hbm>> -> memref<2x128xi32, #tpu.memory_space<hbm>>
        tpu.enqueue_dma source(%dma_start3A_146 : memref<2x128xi32, #tpu.memory_space<hbm>>) target(%arg11 : memref<2x128xi32, #tpu.memory_space<vmem>>) target_semaphore(%run_scoped3A : memref<!tpu.dma_semaphore, #tpu.memory_space<semaphore_mem>>)
        %dma_wait3A_147 = arith.constant 0 : i32
        %dma_wait3A_148 = arith.constant 0 : i32
        %dma_wait3A_149 = tpu.memref_slice %arg6[%sub3A_7, %dma_wait3A_147, %dma_wait3A_148] : memref<1000x2x128xi32, #tpu.memory_space<hbm>> -> memref<1x2x128xi32, #tpu.memory_space<hbm>>
        %dma_wait3A_150 = tpu.memref_squeeze %dma_wait3A_149 : memref<1x2x128xi32, #tpu.memory_space<hbm>> -> memref<2x128xi32, #tpu.memory_space<hbm>>
        %dma_wait3A_151 = arith.constant 0 : i32
        %dma_wait3A_152 = arith.constant 0 : i32
        %dma_wait3A_153 = tpu.memref_slice %arg6[%sub3A_7, %dma_wait3A_151, %dma_wait3A_152] : memref<1000x2x128xi32, #tpu.memory_space<hbm>> -> memref<1x2x128xi32, #tpu.memory_space<hbm>>
        %dma_wait3A_154 = tpu.memref_squeeze %dma_wait3A_153 : memref<1x2x128xi32, #tpu.memory_space<hbm>> -> memref<2x128xi32, #tpu.memory_space<hbm>>
        tpu.wait_dma2 semaphore(%run_scoped3A : memref<!tpu.dma_semaphore, #tpu.memory_space<semaphore_mem>>) src(%dma_wait3A_154 : memref<2x128xi32, #tpu.memory_space<hbm>>) dst(%arg11 : memref<2x128xi32, #tpu.memory_space<vmem>>)
        tpu.yield
      }) : () -> ()
      "tpu.region"() ({
        %run_scoped3A = tpu.sem_alloc : memref<!tpu.dma_semaphore, #tpu.memory_space<semaphore_mem>>
        %dma_start3A_139 = arith.constant 0 : i32
        %dma_start3A_140 = arith.constant 0 : i32
        %dma_start3A_141 = tpu.memref_slice %arg7[%sub3A_7, %dma_start3A_139, %dma_start3A_140] : memref<1000x2x128xi32, #tpu.memory_space<hbm>> -> memref<1x2x128xi32, #tpu.memory_space<hbm>>
        %dma_start3A_142 = tpu.memref_squeeze %dma_start3A_141 : memref<1x2x128xi32, #tpu.memory_space<hbm>> -> memref<2x128xi32, #tpu.memory_space<hbm>>
        %dma_start3A_143 = arith.constant 0 : i32
        %dma_start3A_144 = arith.constant 0 : i32
        %dma_start3A_145 = tpu.memref_slice %arg7[%sub3A_7, %dma_start3A_143, %dma_start3A_144] : memref<1000x2x128xi32, #tpu.memory_space<hbm>> -> memref<1x2x128xi32, #tpu.memory_space<hbm>>
        %dma_start3A_146 = tpu.memref_squeeze %dma_start3A_145 : memref<1x2x128xi32, #tpu.memory_space<hbm>> -> memref<2x128xi32, #tpu.memory_space<hbm>>
        tpu.enqueue_dma source(%dma_start3A_146 : memref<2x128xi32, #tpu.memory_space<hbm>>) target(%arg12 : memref<2x128xi32, #tpu.memory_space<vmem>>) target_semaphore(%run_scoped3A : memref<!tpu.dma_semaphore, #tpu.memory_space<semaphore_mem>>)
        %dma_wait3A_147 = arith.constant 0 : i32
        %dma_wait3A_148 = arith.constant 0 : i32
        %dma_wait3A_149 = tpu.memref_slice %arg7[%sub3A_7, %dma_wait3A_147, %dma_wait3A_148] : memref<1000x2x128xi32, #tpu.memory_space<hbm>> -> memref<1x2x128xi32, #tpu.memory_space<hbm>>
        %dma_wait3A_150 = tpu.memref_squeeze %dma_wait3A_149 : memref<1x2x128xi32, #tpu.memory_space<hbm>> -> memref<2x128xi32, #tpu.memory_space<hbm>>
        %dma_wait3A_151 = arith.constant 0 : i32
        %dma_wait3A_152 = arith.constant 0 : i32
        %dma_wait3A_153 = tpu.memref_slice %arg7[%sub3A_7, %dma_wait3A_151, %dma_wait3A_152] : memref<1000x2x128xi32, #tpu.memory_space<hbm>> -> memref<1x2x128xi32, #tpu.memory_space<hbm>>
        %dma_wait3A_154 = tpu.memref_squeeze %dma_wait3A_153 : memref<1x2x128xi32, #tpu.memory_space<hbm>> -> memref<2x128xi32, #tpu.memory_space<hbm>>
        tpu.wait_dma2 semaphore(%run_scoped3A : memref<!tpu.dma_semaphore, #tpu.memory_space<semaphore_mem>>) src(%dma_wait3A_154 : memref<2x128xi32, #tpu.memory_space<hbm>>) dst(%arg12 : memref<2x128xi32, #tpu.memory_space<vmem>>)
        tpu.yield
      }) : () -> ()
    } else {
    }
    %ge3A_37 = arith.constant 1000 : i32
    %ge3A_38 = arith.cmpi sge, %sub3A_7, %ge3A_37 : i32
    %convert_element_type3A_39 = arith.extui %ge3A_38 : i1 to i32
    %cond3A_40 = arith.constant 0 : i32
    %cond3A_41 = arith.cmpi ne, %convert_element_type3A_39, %cond3A_40 : i32
    scf.if %cond3A_41 {
      %sub3A_139 = arith.constant 1000 : i32
      %sub3A_140 = arith.subi %sub3A_7, %sub3A_139 : i32
      "tpu.region"() ({
        %run_scoped3A = tpu.sem_alloc : memref<!tpu.dma_semaphore, #tpu.memory_space<semaphore_mem>>
        %dma_start3A_143 = arith.constant 0 : i32
        %dma_start3A_144 = arith.constant 0 : i32
        %dma_start3A_145 = tpu.memref_slice %arg8[%sub3A_140, %dma_start3A_143, %dma_start3A_144] : memref<250x2x128xi32, #tpu.memory_space<hbm>> -> memref<1x2x128xi32, #tpu.memory_space<hbm>>
        %dma_start3A_146 = tpu.memref_squeeze %dma_start3A_145 : memref<1x2x128xi32, #tpu.memory_space<hbm>> -> memref<2x128xi32, #tpu.memory_space<hbm>>
        %dma_start3A_147 = arith.constant 0 : i32
        %dma_start3A_148 = arith.constant 0 : i32
        %dma_start3A_149 = tpu.memref_slice %arg8[%sub3A_140, %dma_start3A_147, %dma_start3A_148] : memref<250x2x128xi32, #tpu.memory_space<hbm>> -> memref<1x2x128xi32, #tpu.memory_space<hbm>>
        %dma_start3A_150 = tpu.memref_squeeze %dma_start3A_149 : memref<1x2x128xi32, #tpu.memory_space<hbm>> -> memref<2x128xi32, #tpu.memory_space<hbm>>
        tpu.enqueue_dma source(%dma_start3A_150 : memref<2x128xi32, #tpu.memory_space<hbm>>) target(%arg11 : memref<2x128xi32, #tpu.memory_space<vmem>>) target_semaphore(%run_scoped3A : memref<!tpu.dma_semaphore, #tpu.memory_space<semaphore_mem>>)
        %dma_wait3A_151 = arith.constant 0 : i32
        %dma_wait3A_152 = arith.constant 0 : i32
        %dma_wait3A_153 = tpu.memref_slice %arg8[%sub3A_140, %dma_wait3A_151, %dma_wait3A_152] : memref<250x2x128xi32, #tpu.memory_space<hbm>> -> memref<1x2x128xi32, #tpu.memory_space<hbm>>
        %dma_wait3A_154 = tpu.memref_squeeze %dma_wait3A_153 : memref<1x2x128xi32, #tpu.memory_space<hbm>> -> memref<2x128xi32, #tpu.memory_space<hbm>>
        %dma_wait3A_155 = arith.constant 0 : i32
        %dma_wait3A_156 = arith.constant 0 : i32
        %dma_wait3A_157 = tpu.memref_slice %arg8[%sub3A_140, %dma_wait3A_155, %dma_wait3A_156] : memref<250x2x128xi32, #tpu.memory_space<hbm>> -> memref<1x2x128xi32, #tpu.memory_space<hbm>>
        %dma_wait3A_158 = tpu.memref_squeeze %dma_wait3A_157 : memref<1x2x128xi32, #tpu.memory_space<hbm>> -> memref<2x128xi32, #tpu.memory_space<hbm>>
        tpu.wait_dma2 semaphore(%run_scoped3A : memref<!tpu.dma_semaphore, #tpu.memory_space<semaphore_mem>>) src(%dma_wait3A_158 : memref<2x128xi32, #tpu.memory_space<hbm>>) dst(%arg11 : memref<2x128xi32, #tpu.memory_space<vmem>>)
        tpu.yield
      }) : () -> ()
      %sub3A_141 = arith.constant 1000 : i32
      %sub3A_142 = arith.subi %sub3A_7, %sub3A_141 : i32
      "tpu.region"() ({
        %run_scoped3A = tpu.sem_alloc : memref<!tpu.dma_semaphore, #tpu.memory_space<semaphore_mem>>
        %dma_start3A_143 = arith.constant 0 : i32
        %dma_start3A_144 = arith.constant 0 : i32
        %dma_start3A_145 = tpu.memref_slice %arg9[%sub3A_142, %dma_start3A_143, %dma_start3A_144] : memref<250x2x128xi32, #tpu.memory_space<hbm>> -> memref<1x2x128xi32, #tpu.memory_space<hbm>>
        %dma_start3A_146 = tpu.memref_squeeze %dma_start3A_145 : memref<1x2x128xi32, #tpu.memory_space<hbm>> -> memref<2x128xi32, #tpu.memory_space<hbm>>
        %dma_start3A_147 = arith.constant 0 : i32
        %dma_start3A_148 = arith.constant 0 : i32
        %dma_start3A_149 = tpu.memref_slice %arg9[%sub3A_142, %dma_start3A_147, %dma_start3A_148] : memref<250x2x128xi32, #tpu.memory_space<hbm>> -> memref<1x2x128xi32, #tpu.memory_space<hbm>>
        %dma_start3A_150 = tpu.memref_squeeze %dma_start3A_149 : memref<1x2x128xi32, #tpu.memory_space<hbm>> -> memref<2x128xi32, #tpu.memory_space<hbm>>
        tpu.enqueue_dma source(%dma_start3A_150 : memref<2x128xi32, #tpu.memory_space<hbm>>) target(%arg12 : memref<2x128xi32, #tpu.memory_space<vmem>>) target_semaphore(%run_scoped3A : memref<!tpu.dma_semaphore, #tpu.memory_space<semaphore_mem>>)
        %dma_wait3A_151 = arith.constant 0 : i32
        %dma_wait3A_152 = arith.constant 0 : i32
        %dma_wait3A_153 = tpu.memref_slice %arg9[%sub3A_142, %dma_wait3A_151, %dma_wait3A_152] : memref<250x2x128xi32, #tpu.memory_space<hbm>> -> memref<1x2x128xi32, #tpu.memory_space<hbm>>
        %dma_wait3A_154 = tpu.memref_squeeze %dma_wait3A_153 : memref<1x2x128xi32, #tpu.memory_space<hbm>> -> memref<2x128xi32, #tpu.memory_space<hbm>>
        %dma_wait3A_155 = arith.constant 0 : i32
        %dma_wait3A_156 = arith.constant 0 : i32
        %dma_wait3A_157 = tpu.memref_slice %arg9[%sub3A_142, %dma_wait3A_155, %dma_wait3A_156] : memref<250x2x128xi32, #tpu.memory_space<hbm>> -> memref<1x2x128xi32, #tpu.memory_space<hbm>>
        %dma_wait3A_158 = tpu.memref_squeeze %dma_wait3A_157 : memref<1x2x128xi32, #tpu.memory_space<hbm>> -> memref<2x128xi32, #tpu.memory_space<hbm>>
        tpu.wait_dma2 semaphore(%run_scoped3A : memref<!tpu.dma_semaphore, #tpu.memory_space<semaphore_mem>>) src(%dma_wait3A_158 : memref<2x128xi32, #tpu.memory_space<hbm>>) dst(%arg12 : memref<2x128xi32, #tpu.memory_space<vmem>>)
        tpu.yield
      }) : () -> ()
    } else {
    }
    %lt3A_42 = arith.constant 1000 : i32
    %lt3A_43 = arith.cmpi slt, %sub3A_7, %lt3A_42 : i32
    %convert_element_type3A_44 = arith.extui %lt3A_43 : i1 to i32
    %cond3A_45 = arith.constant 0 : i32
    %cond3A_46 = arith.cmpi ne, %convert_element_type3A_44, %cond3A_45 : i32
    scf.if %cond3A_46 {
      %mul3A_139 = arith.constant 256 : i32
      %mul3A_140 = arith.muli %sub3A_7, %mul3A_139 : i32
      %dma_start3A_141 = arith.constant 0 : i32
      %dma_start3A_142 = tpu.memref_slice %arg4[%mul3A_140, %dma_start3A_141] : memref<256000x40xf32, #tpu.memory_space<hbm>> -> memref<256x40xf32, #tpu.memory_space<hbm>>
      %dma_start3A_143 = arith.constant 0 : i32
      %dma_start3A_144 = tpu.memref_slice %arg4[%mul3A_140, %dma_start3A_143] : memref<256000x40xf32, #tpu.memory_space<hbm>> -> memref<256x40xf32, #tpu.memory_space<hbm>>
      tpu.enqueue_dma source(%dma_start3A_144 : memref<256x40xf32, #tpu.memory_space<hbm>>) target(%arg16 : memref<256x40xf32, #tpu.memory_space<vmem>>) target_semaphore(%arg30 : memref<!tpu.dma_semaphore, #tpu.memory_space<semaphore_mem>>)
    } else {
    }
    %ge3A_47 = arith.constant 1000 : i32
    %ge3A_48 = arith.cmpi sge, %sub3A_7, %ge3A_47 : i32
    %convert_element_type3A_49 = arith.extui %ge3A_48 : i1 to i32
    %cond3A_50 = arith.constant 0 : i32
    %cond3A_51 = arith.cmpi ne, %convert_element_type3A_49, %cond3A_50 : i32
    scf.if %cond3A_51 {
      %sub3A_139 = arith.constant 1000 : i32
      %sub3A_140 = arith.subi %sub3A_7, %sub3A_139 : i32
      %mul3A_141 = arith.constant 256 : i32
      %mul3A_142 = arith.muli %sub3A_140, %mul3A_141 : i32
      %dma_start3A_143 = arith.constant 0 : i32
      %dma_start3A_144 = tpu.memref_slice %arg5[%mul3A_142, %dma_start3A_143] : memref<64000x40xf32, #tpu.memory_space<hbm>> -> memref<256x40xf32, #tpu.memory_space<hbm>>
      %dma_start3A_145 = arith.constant 0 : i32
      %dma_start3A_146 = tpu.memref_slice %arg5[%mul3A_142, %dma_start3A_145] : memref<64000x40xf32, #tpu.memory_space<hbm>> -> memref<256x40xf32, #tpu.memory_space<hbm>>
      tpu.enqueue_dma source(%dma_start3A_146 : memref<256x40xf32, #tpu.memory_space<hbm>>) target(%arg16 : memref<256x40xf32, #tpu.memory_space<vmem>>) target_semaphore(%arg30 : memref<!tpu.dma_semaphore, #tpu.memory_space<semaphore_mem>>)
    } else {
    }
    %dma_start3A = arith.constant 0 : i32
    %dma_start3A_52 = arith.constant 0 : i32
    %dma_start3A_53 = arith.constant 0 : i32
    %dma_start3A_54 = tpu.memref_slice %arg14[%dma_start3A_52, %dma_start3A_53] : memref<256x40xf32, #tpu.memory_space<vmem>> -> memref<128x40xf32, #tpu.memory_space<vmem>>
    %dma_start3A_55 = arith.constant 0 : i32
    %dma_start3A_56 = tpu.memref_slice %arg11[%dma_start3A, %dma_start3A_55] : memref<2x128xi32, #tpu.memory_space<vmem>> -> memref<1x128xi32, #tpu.memory_space<vmem>>
    %dma_start3A_57 = tpu.memref_squeeze %dma_start3A_56 : memref<1x128xi32, #tpu.memory_space<vmem>> -> memref<128xi32, #tpu.memory_space<vmem>>
    %dma_start3A_58 = arith.constant 0 : i32
    %dma_start3A_59 = arith.constant 0 : i32
    %dma_start3A_60 = tpu.memref_slice %arg2[%dma_start3A_58, %dma_start3A_59] : memref<10000x40xf32, #tpu.memory_space<hbm>> -> memref<10000x40xf32, #tpu.memory_space<hbm>>
    tpu.enqueue_indirect_dma source(%dma_start3A_60 : memref<10000x40xf32, #tpu.memory_space<hbm>>) target(%dma_start3A_54 : memref<128x40xf32, #tpu.memory_space<vmem>>) offsets(%dma_start3A_57 : memref<128xi32, #tpu.memory_space<vmem>>) semaphore(%arg30 : memref<!tpu.dma_semaphore, #tpu.memory_space<semaphore_mem>>)
    %dma_start3A_61 = arith.constant 0 : i32
    %dma_start3A_62 = arith.constant 0 : i32
    %dma_start3A_63 = arith.constant 0 : i32
    %dma_start3A_64 = tpu.memref_slice %arg15[%dma_start3A_62, %dma_start3A_63] : memref<256x40xf32, #tpu.memory_space<vmem>> -> memref<128x40xf32, #tpu.memory_space<vmem>>
    %dma_start3A_65 = arith.constant 0 : i32
    %dma_start3A_66 = tpu.memref_slice %arg12[%dma_start3A_61, %dma_start3A_65] : memref<2x128xi32, #tpu.memory_space<vmem>> -> memref<1x128xi32, #tpu.memory_space<vmem>>
    %dma_start3A_67 = tpu.memref_squeeze %dma_start3A_66 : memref<1x128xi32, #tpu.memory_space<vmem>> -> memref<128xi32, #tpu.memory_space<vmem>>
    %dma_start3A_68 = arith.constant 0 : i32
    %dma_start3A_69 = arith.constant 0 : i32
    %dma_start3A_70 = tpu.memref_slice %arg3[%dma_start3A_68, %dma_start3A_69] : memref<10000x40xf32, #tpu.memory_space<hbm>> -> memref<10000x40xf32, #tpu.memory_space<hbm>>
    tpu.enqueue_indirect_dma source(%dma_start3A_70 : memref<10000x40xf32, #tpu.memory_space<hbm>>) target(%dma_start3A_64 : memref<128x40xf32, #tpu.memory_space<vmem>>) offsets(%dma_start3A_67 : memref<128xi32, #tpu.memory_space<vmem>>) semaphore(%arg30 : memref<!tpu.dma_semaphore, #tpu.memory_space<semaphore_mem>>)
    %dma_start3A_71 = arith.constant 1 : i32
    %dma_start3A_72 = arith.constant 128 : i32
    %dma_start3A_73 = arith.constant 0 : i32
    %dma_start3A_74 = tpu.memref_slice %arg14[%dma_start3A_72, %dma_start3A_73] : memref<256x40xf32, #tpu.memory_space<vmem>> -> memref<128x40xf32, #tpu.memory_space<vmem>>
    %dma_start3A_75 = arith.constant 0 : i32
    %dma_start3A_76 = tpu.memref_slice %arg11[%dma_start3A_71, %dma_start3A_75] : memref<2x128xi32, #tpu.memory_space<vmem>> -> memref<1x128xi32, #tpu.memory_space<vmem>>
    %dma_start3A_77 = tpu.memref_squeeze %dma_start3A_76 : memref<1x128xi32, #tpu.memory_space<vmem>> -> memref<128xi32, #tpu.memory_space<vmem>>
    %dma_start3A_78 = arith.constant 0 : i32
    %dma_start3A_79 = arith.constant 0 : i32
    %dma_start3A_80 = tpu.memref_slice %arg2[%dma_start3A_78, %dma_start3A_79] : memref<10000x40xf32, #tpu.memory_space<hbm>> -> memref<10000x40xf32, #tpu.memory_space<hbm>>
    tpu.enqueue_indirect_dma source(%dma_start3A_80 : memref<10000x40xf32, #tpu.memory_space<hbm>>) target(%dma_start3A_74 : memref<128x40xf32, #tpu.memory_space<vmem>>) offsets(%dma_start3A_77 : memref<128xi32, #tpu.memory_space<vmem>>) semaphore(%arg30 : memref<!tpu.dma_semaphore, #tpu.memory_space<semaphore_mem>>)
    %dma_start3A_81 = arith.constant 1 : i32
    %dma_start3A_82 = arith.constant 128 : i32
    %dma_start3A_83 = arith.constant 0 : i32
    %dma_start3A_84 = tpu.memref_slice %arg15[%dma_start3A_82, %dma_start3A_83] : memref<256x40xf32, #tpu.memory_space<vmem>> -> memref<128x40xf32, #tpu.memory_space<vmem>>
    %dma_start3A_85 = arith.constant 0 : i32
    %dma_start3A_86 = tpu.memref_slice %arg12[%dma_start3A_81, %dma_start3A_85] : memref<2x128xi32, #tpu.memory_space<vmem>> -> memref<1x128xi32, #tpu.memory_space<vmem>>
    %dma_start3A_87 = tpu.memref_squeeze %dma_start3A_86 : memref<1x128xi32, #tpu.memory_space<vmem>> -> memref<128xi32, #tpu.memory_space<vmem>>
    %dma_start3A_88 = arith.constant 0 : i32
    %dma_start3A_89 = arith.constant 0 : i32
    %dma_start3A_90 = tpu.memref_slice %arg3[%dma_start3A_88, %dma_start3A_89] : memref<10000x40xf32, #tpu.memory_space<hbm>> -> memref<10000x40xf32, #tpu.memory_space<hbm>>
    tpu.enqueue_indirect_dma source(%dma_start3A_90 : memref<10000x40xf32, #tpu.memory_space<hbm>>) target(%dma_start3A_84 : memref<128x40xf32, #tpu.memory_space<vmem>>) offsets(%dma_start3A_87 : memref<128xi32, #tpu.memory_space<vmem>>) semaphore(%arg30 : memref<!tpu.dma_semaphore, #tpu.memory_space<semaphore_mem>>)
    %add3A_91 = arith.constant 1 : i32
    %add3A_92 = arith.addi %sub3A_7, %add3A_91 : i32
    %lt3A_93 = arith.constant 1000 : i32
    %lt3A_94 = arith.cmpi slt, %add3A_92, %lt3A_93 : i32
    %convert_element_type3A_95 = arith.extui %lt3A_94 : i1 to i32
    %cond3A_96 = arith.constant 0 : i32
    %cond3A_97 = arith.cmpi ne, %convert_element_type3A_95, %cond3A_96 : i32
    scf.if %cond3A_97 {
      %dma_start3A_139 = arith.constant 0 : i32
      %dma_start3A_140 = arith.constant 0 : i32
      %dma_start3A_141 = tpu.memref_slice %arg6[%add3A_92, %dma_start3A_139, %dma_start3A_140] : memref<1000x2x128xi32, #tpu.memory_space<hbm>> -> memref<1x2x128xi32, #tpu.memory_space<hbm>>
      %dma_start3A_142 = tpu.memref_squeeze %dma_start3A_141 : memref<1x2x128xi32, #tpu.memory_space<hbm>> -> memref<2x128xi32, #tpu.memory_space<hbm>>
      %dma_start3A_143 = arith.constant 0 : i32
      %dma_start3A_144 = arith.constant 0 : i32
      %dma_start3A_145 = tpu.memref_slice %arg6[%add3A_92, %dma_start3A_143, %dma_start3A_144] : memref<1000x2x128xi32, #tpu.memory_space<hbm>> -> memref<1x2x128xi32, #tpu.memory_space<hbm>>
      %dma_start3A_146 = tpu.memref_squeeze %dma_start3A_145 : memref<1x2x128xi32, #tpu.memory_space<hbm>> -> memref<2x128xi32, #tpu.memory_space<hbm>>
      tpu.enqueue_dma source(%dma_start3A_146 : memref<2x128xi32, #tpu.memory_space<hbm>>) target(%arg18 : memref<2x128xi32, #tpu.memory_space<vmem>>) target_semaphore(%arg27 : memref<!tpu.dma_semaphore, #tpu.memory_space<semaphore_mem>>)
      %dma_start3A_147 = arith.constant 0 : i32
      %dma_start3A_148 = arith.constant 0 : i32
      %dma_start3A_149 = tpu.memref_slice %arg7[%add3A_92, %dma_start3A_147, %dma_start3A_148] : memref<1000x2x128xi32, #tpu.memory_space<hbm>> -> memref<1x2x128xi32, #tpu.memory_space<hbm>>
      %dma_start3A_150 = tpu.memref_squeeze %dma_start3A_149 : memref<1x2x128xi32, #tpu.memory_space<hbm>> -> memref<2x128xi32, #tpu.memory_space<hbm>>
      %dma_start3A_151 = arith.constant 0 : i32
      %dma_start3A_152 = arith.constant 0 : i32
      %dma_start3A_153 = tpu.memref_slice %arg7[%add3A_92, %dma_start3A_151, %dma_start3A_152] : memref<1000x2x128xi32, #tpu.memory_space<hbm>> -> memref<1x2x128xi32, #tpu.memory_space<hbm>>
      %dma_start3A_154 = tpu.memref_squeeze %dma_start3A_153 : memref<1x2x128xi32, #tpu.memory_space<hbm>> -> memref<2x128xi32, #tpu.memory_space<hbm>>
      tpu.enqueue_dma source(%dma_start3A_154 : memref<2x128xi32, #tpu.memory_space<hbm>>) target(%arg19 : memref<2x128xi32, #tpu.memory_space<vmem>>) target_semaphore(%arg27 : memref<!tpu.dma_semaphore, #tpu.memory_space<semaphore_mem>>)
    } else {
    }
    %ge3A_98 = arith.constant 1000 : i32
    %ge3A_99 = arith.cmpi sge, %add3A_92, %ge3A_98 : i32
    %convert_element_type3A_100 = arith.extui %ge3A_99 : i1 to i32
    %cond3A_101 = arith.constant 0 : i32
    %cond3A_102 = arith.cmpi ne, %convert_element_type3A_100, %cond3A_101 : i32
    scf.if %cond3A_102 {
      %sub3A_139 = arith.constant 1000 : i32
      %sub3A_140 = arith.subi %add3A_92, %sub3A_139 : i32
      %dma_start3A_141 = arith.constant 0 : i32
      %dma_start3A_142 = arith.constant 0 : i32
      %dma_start3A_143 = tpu.memref_slice %arg8[%sub3A_140, %dma_start3A_141, %dma_start3A_142] : memref<250x2x128xi32, #tpu.memory_space<hbm>> -> memref<1x2x128xi32, #tpu.memory_space<hbm>>
      %dma_start3A_144 = tpu.memref_squeeze %dma_start3A_143 : memref<1x2x128xi32, #tpu.memory_space<hbm>> -> memref<2x128xi32, #tpu.memory_space<hbm>>
      %dma_start3A_145 = arith.constant 0 : i32
      %dma_start3A_146 = arith.constant 0 : i32
      %dma_start3A_147 = tpu.memref_slice %arg8[%sub3A_140, %dma_start3A_145, %dma_start3A_146] : memref<250x2x128xi32, #tpu.memory_space<hbm>> -> memref<1x2x128xi32, #tpu.memory_space<hbm>>
      %dma_start3A_148 = tpu.memref_squeeze %dma_start3A_147 : memref<1x2x128xi32, #tpu.memory_space<hbm>> -> memref<2x128xi32, #tpu.memory_space<hbm>>
      tpu.enqueue_dma source(%dma_start3A_148 : memref<2x128xi32, #tpu.memory_space<hbm>>) target(%arg18 : memref<2x128xi32, #tpu.memory_space<vmem>>) target_semaphore(%arg27 : memref<!tpu.dma_semaphore, #tpu.memory_space<semaphore_mem>>)
      %sub3A_149 = arith.constant 1000 : i32
      %sub3A_150 = arith.subi %add3A_92, %sub3A_149 : i32
      %dma_start3A_151 = arith.constant 0 : i32
      %dma_start3A_152 = arith.constant 0 : i32
      %dma_start3A_153 = tpu.memref_slice %arg9[%sub3A_150, %dma_start3A_151, %dma_start3A_152] : memref<250x2x128xi32, #tpu.memory_space<hbm>> -> memref<1x2x128xi32, #tpu.memory_space<hbm>>
      %dma_start3A_154 = tpu.memref_squeeze %dma_start3A_153 : memref<1x2x128xi32, #tpu.memory_space<hbm>> -> memref<2x128xi32, #tpu.memory_space<hbm>>
      %dma_start3A_155 = arith.constant 0 : i32
      %dma_start3A_156 = arith.constant 0 : i32
      %dma_start3A_157 = tpu.memref_slice %arg9[%sub3A_150, %dma_start3A_155, %dma_start3A_156] : memref<250x2x128xi32, #tpu.memory_space<hbm>> -> memref<1x2x128xi32, #tpu.memory_space<hbm>>
      %dma_start3A_158 = tpu.memref_squeeze %dma_start3A_157 : memref<1x2x128xi32, #tpu.memory_space<hbm>> -> memref<2x128xi32, #tpu.memory_space<hbm>>
      tpu.enqueue_dma source(%dma_start3A_158 : memref<2x128xi32, #tpu.memory_space<hbm>>) target(%arg19 : memref<2x128xi32, #tpu.memory_space<vmem>>) target_semaphore(%arg27 : memref<!tpu.dma_semaphore, #tpu.memory_space<semaphore_mem>>)
    } else {
    }
    %scan3A_103 = arith.constant 0 : i32
    %scan3A_104 = arith.constant 20 : i32
    %scan3A_105 = arith.addi %scan3A_103, %scan3A_104 : i32
    %scan3A_106 = arith.constant 1 : i32
    scf.for %scan3A_139 = %scan3A_103 to %scan3A_105 step %scan3A_106  : i32 {
      %mul3A_140 = arith.constant 1 : i32
      %mul3A_141 = arith.muli %scan3A_139, %mul3A_140 : i32
      %add3A_142 = arith.constant 0 : i32
      %add3A_143 = arith.addi %add3A_142, %mul3A_141 : i32
      %mul3A_144 = arith.constant 2 : i32
      %mul3A_145 = arith.muli %mul3A_144, %add3A_143 : i32
      %lt3A_146 = arith.cmpi slt, %mul3A_145, %select_n3A : i32
      %convert_element_type3A_147 = arith.extui %lt3A_146 : i1 to i32
      %cond3A_148 = arith.constant 0 : i32
      %cond3A_149 = arith.cmpi ne, %convert_element_type3A_147, %cond3A_148 : i32
      scf.if %cond3A_149 {
        %mul3A_150 = arith.constant 2 : i32
        %mul3A_151 = arith.muli %mul3A_150, %add3A_143 : i32
        %add3A_152 = arith.addi %sub3A_7, %mul3A_151 : i32
        %gt3A = arith.constant 0 : i32
        %gt3A_153 = arith.cmpi sgt, %mul3A_151, %gt3A : i32
        %convert_element_type3A_154 = arith.extui %gt3A_153 : i1 to i32
        %cond3A_155 = arith.constant 0 : i32
        %cond3A_156 = arith.cmpi ne, %convert_element_type3A_154, %cond3A_155 : i32
        scf.if %cond3A_156 {
          %dma_wait3A_387 = arith.constant 0 : i32
          %dma_wait3A_388 = arith.constant 0 : i32
          %dma_wait3A_389 = tpu.memref_slice %arg24[%dma_wait3A_387, %dma_wait3A_388] : memref<256x40xf32, #tpu.memory_space<vmem>> -> memref<128x40xf32, #tpu.memory_space<vmem>>
          %dma_wait3A_390 = arith.constant 0 : i32
          %dma_wait3A_391 = arith.constant 0 : i32
          %dma_wait3A_392 = tpu.memref_slice %arg4[%dma_wait3A_390, %dma_wait3A_391] : memref<256000x40xf32, #tpu.memory_space<hbm>> -> memref<128x40xf32, #tpu.memory_space<hbm>>
          %dma_wait3A_393 = arith.constant 0 : i32
          %dma_wait3A_394 = arith.constant 0 : i32
          %dma_wait3A_395 = tpu.memref_slice %arg24[%dma_wait3A_393, %dma_wait3A_394] : memref<256x40xf32, #tpu.memory_space<vmem>> -> memref<128x40xf32, #tpu.memory_space<vmem>>
          %dma_wait3A_396 = arith.constant 0 : i32
          %dma_wait3A_397 = arith.constant 0 : i32
          %dma_wait3A_398 = tpu.memref_slice %arg4[%dma_wait3A_396, %dma_wait3A_397] : memref<256000x40xf32, #tpu.memory_space<hbm>> -> memref<128x40xf32, #tpu.memory_space<hbm>>
          tpu.wait_dma2 semaphore(%arg33 : memref<!tpu.dma_semaphore, #tpu.memory_space<semaphore_mem>>) src(%dma_wait3A_398 : memref<128x40xf32, #tpu.memory_space<hbm>>) dst(%dma_wait3A_395 : memref<128x40xf32, #tpu.memory_space<vmem>>)
          %dma_wait3A_399 = arith.constant 128 : i32
          %dma_wait3A_400 = arith.constant 0 : i32
          %dma_wait3A_401 = tpu.memref_slice %arg24[%dma_wait3A_399, %dma_wait3A_400] : memref<256x40xf32, #tpu.memory_space<vmem>> -> memref<128x40xf32, #tpu.memory_space<vmem>>
          %dma_wait3A_402 = arith.constant 0 : i32
          %dma_wait3A_403 = arith.constant 0 : i32
          %dma_wait3A_404 = tpu.memref_slice %arg4[%dma_wait3A_402, %dma_wait3A_403] : memref<256000x40xf32, #tpu.memory_space<hbm>> -> memref<128x40xf32, #tpu.memory_space<hbm>>
          %dma_wait3A_405 = arith.constant 128 : i32
          %dma_wait3A_406 = arith.constant 0 : i32
          %dma_wait3A_407 = tpu.memref_slice %arg24[%dma_wait3A_405, %dma_wait3A_406] : memref<256x40xf32, #tpu.memory_space<vmem>> -> memref<128x40xf32, #tpu.memory_space<vmem>>
          %dma_wait3A_408 = arith.constant 0 : i32
          %dma_wait3A_409 = arith.constant 0 : i32
          %dma_wait3A_410 = tpu.memref_slice %arg4[%dma_wait3A_408, %dma_wait3A_409] : memref<256000x40xf32, #tpu.memory_space<hbm>> -> memref<128x40xf32, #tpu.memory_space<hbm>>
          tpu.wait_dma2 semaphore(%arg33 : memref<!tpu.dma_semaphore, #tpu.memory_space<semaphore_mem>>) src(%dma_wait3A_410 : memref<128x40xf32, #tpu.memory_space<hbm>>) dst(%dma_wait3A_407 : memref<128x40xf32, #tpu.memory_space<vmem>>)
        } else {
        }
        %dma_wait3A_157 = arith.constant 0 : i32
        %dma_wait3A_158 = arith.constant 0 : i32
        %dma_wait3A_159 = tpu.memref_slice %arg4[%dma_wait3A_157, %dma_wait3A_158] : memref<256000x40xf32, #tpu.memory_space<hbm>> -> memref<256x40xf32, #tpu.memory_space<hbm>>
        %dma_wait3A_160 = arith.constant 0 : i32
        %dma_wait3A_161 = arith.constant 0 : i32
        %dma_wait3A_162 = tpu.memref_slice %arg4[%dma_wait3A_160, %dma_wait3A_161] : memref<256000x40xf32, #tpu.memory_space<hbm>> -> memref<256x40xf32, #tpu.memory_space<hbm>>
        tpu.wait_dma2 semaphore(%arg30 : memref<!tpu.dma_semaphore, #tpu.memory_space<semaphore_mem>>) src(%dma_wait3A_162 : memref<256x40xf32, #tpu.memory_space<hbm>>) dst(%arg16 : memref<256x40xf32, #tpu.memory_space<vmem>>)
        %dma_wait3A_163 = arith.constant 0 : i32
        %dma_wait3A_164 = arith.constant 0 : i32
        %dma_wait3A_165 = tpu.memref_slice %arg14[%dma_wait3A_163, %dma_wait3A_164] : memref<256x40xf32, #tpu.memory_space<vmem>> -> memref<128x40xf32, #tpu.memory_space<vmem>>
        %dma_wait3A_166 = arith.constant 0 : i32
        %dma_wait3A_167 = arith.constant 0 : i32
        %dma_wait3A_168 = tpu.memref_slice %arg2[%dma_wait3A_166, %dma_wait3A_167] : memref<10000x40xf32, #tpu.memory_space<hbm>> -> memref<128x40xf32, #tpu.memory_space<hbm>>
        %dma_wait3A_169 = arith.constant 0 : i32
        %dma_wait3A_170 = arith.constant 0 : i32
        %dma_wait3A_171 = tpu.memref_slice %arg14[%dma_wait3A_169, %dma_wait3A_170] : memref<256x40xf32, #tpu.memory_space<vmem>> -> memref<128x40xf32, #tpu.memory_space<vmem>>
        %dma_wait3A_172 = arith.constant 0 : i32
        %dma_wait3A_173 = arith.constant 0 : i32
        %dma_wait3A_174 = tpu.memref_slice %arg2[%dma_wait3A_172, %dma_wait3A_173] : memref<10000x40xf32, #tpu.memory_space<hbm>> -> memref<128x40xf32, #tpu.memory_space<hbm>>
        tpu.wait_dma2 semaphore(%arg30 : memref<!tpu.dma_semaphore, #tpu.memory_space<semaphore_mem>>) src(%dma_wait3A_174 : memref<128x40xf32, #tpu.memory_space<hbm>>) dst(%dma_wait3A_171 : memref<128x40xf32, #tpu.memory_space<vmem>>)
        %dma_wait3A_175 = arith.constant 0 : i32
        %dma_wait3A_176 = arith.constant 0 : i32
        %dma_wait3A_177 = tpu.memref_slice %arg15[%dma_wait3A_175, %dma_wait3A_176] : memref<256x40xf32, #tpu.memory_space<vmem>> -> memref<128x40xf32, #tpu.memory_space<vmem>>
        %dma_wait3A_178 = arith.constant 0 : i32
        %dma_wait3A_179 = arith.constant 0 : i32
        %dma_wait3A_180 = tpu.memref_slice %arg2[%dma_wait3A_178, %dma_wait3A_179] : memref<10000x40xf32, #tpu.memory_space<hbm>> -> memref<128x40xf32, #tpu.memory_space<hbm>>
        %dma_wait3A_181 = arith.constant 0 : i32
        %dma_wait3A_182 = arith.constant 0 : i32
        %dma_wait3A_183 = tpu.memref_slice %arg15[%dma_wait3A_181, %dma_wait3A_182] : memref<256x40xf32, #tpu.memory_space<vmem>> -> memref<128x40xf32, #tpu.memory_space<vmem>>
        %dma_wait3A_184 = arith.constant 0 : i32
        %dma_wait3A_185 = arith.constant 0 : i32
        %dma_wait3A_186 = tpu.memref_slice %arg2[%dma_wait3A_184, %dma_wait3A_185] : memref<10000x40xf32, #tpu.memory_space<hbm>> -> memref<128x40xf32, #tpu.memory_space<hbm>>
        tpu.wait_dma2 semaphore(%arg30 : memref<!tpu.dma_semaphore, #tpu.memory_space<semaphore_mem>>) src(%dma_wait3A_186 : memref<128x40xf32, #tpu.memory_space<hbm>>) dst(%dma_wait3A_183 : memref<128x40xf32, #tpu.memory_space<vmem>>)
        %dma_wait3A_187 = arith.constant 128 : i32
        %dma_wait3A_188 = arith.constant 0 : i32
        %dma_wait3A_189 = tpu.memref_slice %arg14[%dma_wait3A_187, %dma_wait3A_188] : memref<256x40xf32, #tpu.memory_space<vmem>> -> memref<128x40xf32, #tpu.memory_space<vmem>>
        %dma_wait3A_190 = arith.constant 0 : i32
        %dma_wait3A_191 = arith.constant 0 : i32
        %dma_wait3A_192 = tpu.memref_slice %arg2[%dma_wait3A_190, %dma_wait3A_191] : memref<10000x40xf32, #tpu.memory_space<hbm>> -> memref<128x40xf32, #tpu.memory_space<hbm>>
        %dma_wait3A_193 = arith.constant 128 : i32
        %dma_wait3A_194 = arith.constant 0 : i32
        %dma_wait3A_195 = tpu.memref_slice %arg14[%dma_wait3A_193, %dma_wait3A_194] : memref<256x40xf32, #tpu.memory_space<vmem>> -> memref<128x40xf32, #tpu.memory_space<vmem>>
        %dma_wait3A_196 = arith.constant 0 : i32
        %dma_wait3A_197 = arith.constant 0 : i32
        %dma_wait3A_198 = tpu.memref_slice %arg2[%dma_wait3A_196, %dma_wait3A_197] : memref<10000x40xf32, #tpu.memory_space<hbm>> -> memref<128x40xf32, #tpu.memory_space<hbm>>
        tpu.wait_dma2 semaphore(%arg30 : memref<!tpu.dma_semaphore, #tpu.memory_space<semaphore_mem>>) src(%dma_wait3A_198 : memref<128x40xf32, #tpu.memory_space<hbm>>) dst(%dma_wait3A_195 : memref<128x40xf32, #tpu.memory_space<vmem>>)
        %dma_wait3A_199 = arith.constant 128 : i32
        %dma_wait3A_200 = arith.constant 0 : i32
        %dma_wait3A_201 = tpu.memref_slice %arg15[%dma_wait3A_199, %dma_wait3A_200] : memref<256x40xf32, #tpu.memory_space<vmem>> -> memref<128x40xf32, #tpu.memory_space<vmem>>
        %dma_wait3A_202 = arith.constant 0 : i32
        %dma_wait3A_203 = arith.constant 0 : i32
        %dma_wait3A_204 = tpu.memref_slice %arg2[%dma_wait3A_202, %dma_wait3A_203] : memref<10000x40xf32, #tpu.memory_space<hbm>> -> memref<128x40xf32, #tpu.memory_space<hbm>>
        %dma_wait3A_205 = arith.constant 128 : i32
        %dma_wait3A_206 = arith.constant 0 : i32
        %dma_wait3A_207 = tpu.memref_slice %arg15[%dma_wait3A_205, %dma_wait3A_206] : memref<256x40xf32, #tpu.memory_space<vmem>> -> memref<128x40xf32, #tpu.memory_space<vmem>>
        %dma_wait3A_208 = arith.constant 0 : i32
        %dma_wait3A_209 = arith.constant 0 : i32
        %dma_wait3A_210 = tpu.memref_slice %arg2[%dma_wait3A_208, %dma_wait3A_209] : memref<10000x40xf32, #tpu.memory_space<hbm>> -> memref<128x40xf32, #tpu.memory_space<hbm>>
        tpu.wait_dma2 semaphore(%arg30 : memref<!tpu.dma_semaphore, #tpu.memory_space<semaphore_mem>>) src(%dma_wait3A_210 : memref<128x40xf32, #tpu.memory_space<hbm>>) dst(%dma_wait3A_207 : memref<128x40xf32, #tpu.memory_space<vmem>>)
        %lt3A_211 = arith.constant 1000 : i32
        %lt3A_212 = arith.cmpi slt, %add3A_152, %lt3A_211 : i32
        %convert_element_type3A_213 = arith.extui %lt3A_212 : i1 to i32
        %cond3A_214 = arith.constant 0 : i32
        %cond3A_215 = arith.cmpi ne, %convert_element_type3A_213, %cond3A_214 : i32
        scf.if %cond3A_215 {
          %dma_start3A_387 = arith.constant 0 : i32
          %dma_start3A_388 = arith.constant 0 : i32
          %dma_start3A_389 = tpu.memref_slice %arg6[%add3A_152, %dma_start3A_387, %dma_start3A_388] : memref<1000x2x128xi32, #tpu.memory_space<hbm>> -> memref<1x2x128xi32, #tpu.memory_space<hbm>>
          %dma_start3A_390 = tpu.memref_squeeze %dma_start3A_389 : memref<1x2x128xi32, #tpu.memory_space<hbm>> -> memref<2x128xi32, #tpu.memory_space<hbm>>
          %dma_start3A_391 = arith.constant 0 : i32
          %dma_start3A_392 = arith.constant 0 : i32
          %dma_start3A_393 = tpu.memref_slice %arg6[%add3A_152, %dma_start3A_391, %dma_start3A_392] : memref<1000x2x128xi32, #tpu.memory_space<hbm>> -> memref<1x2x128xi32, #tpu.memory_space<hbm>>
          %dma_start3A_394 = tpu.memref_squeeze %dma_start3A_393 : memref<1x2x128xi32, #tpu.memory_space<hbm>> -> memref<2x128xi32, #tpu.memory_space<hbm>>
          tpu.enqueue_dma source(%dma_start3A_394 : memref<2x128xi32, #tpu.memory_space<hbm>>) target(%arg13 : memref<2x128xi32, #tpu.memory_space<vmem>>) target_semaphore(%arg28 : memref<!tpu.dma_semaphore, #tpu.memory_space<semaphore_mem>>)
        } else {
        }
        %ge3A_216 = arith.constant 1000 : i32
        %ge3A_217 = arith.cmpi sge, %add3A_152, %ge3A_216 : i32
        %convert_element_type3A_218 = arith.extui %ge3A_217 : i1 to i32
        %cond3A_219 = arith.constant 0 : i32
        %cond3A_220 = arith.cmpi ne, %convert_element_type3A_218, %cond3A_219 : i32
        scf.if %cond3A_220 {
          %sub3A_387 = arith.constant 1000 : i32
          %sub3A_388 = arith.subi %add3A_152, %sub3A_387 : i32
          %dma_start3A_389 = arith.constant 0 : i32
          %dma_start3A_390 = arith.constant 0 : i32
          %dma_start3A_391 = tpu.memref_slice %arg8[%sub3A_388, %dma_start3A_389, %dma_start3A_390] : memref<250x2x128xi32, #tpu.memory_space<hbm>> -> memref<1x2x128xi32, #tpu.memory_space<hbm>>
          %dma_start3A_392 = tpu.memref_squeeze %dma_start3A_391 : memref<1x2x128xi32, #tpu.memory_space<hbm>> -> memref<2x128xi32, #tpu.memory_space<hbm>>
          %dma_start3A_393 = arith.constant 0 : i32
          %dma_start3A_394 = arith.constant 0 : i32
          %dma_start3A_395 = tpu.memref_slice %arg8[%sub3A_388, %dma_start3A_393, %dma_start3A_394] : memref<250x2x128xi32, #tpu.memory_space<hbm>> -> memref<1x2x128xi32, #tpu.memory_space<hbm>>
          %dma_start3A_396 = tpu.memref_squeeze %dma_start3A_395 : memref<1x2x128xi32, #tpu.memory_space<hbm>> -> memref<2x128xi32, #tpu.memory_space<hbm>>
          tpu.enqueue_dma source(%dma_start3A_396 : memref<2x128xi32, #tpu.memory_space<hbm>>) target(%arg13 : memref<2x128xi32, #tpu.memory_space<vmem>>) target_semaphore(%arg28 : memref<!tpu.dma_semaphore, #tpu.memory_space<semaphore_mem>>)
        } else {
        }
        %add3A_221 = arith.constant 2 : i32
        %add3A_222 = arith.addi %mul3A_151, %add3A_221 : i32
        %lt3A_223 = arith.cmpi slt, %add3A_222, %select_n3A : i32
        %convert_element_type3A_224 = arith.extui %lt3A_223 : i1 to i32
        %cond3A_225 = arith.constant 0 : i32
        %cond3A_226 = arith.cmpi ne, %convert_element_type3A_224, %cond3A_225 : i32
        scf.if %cond3A_226 {
          %add3A_387 = arith.constant 2 : i32
          %add3A_388 = arith.addi %add3A_152, %add3A_387 : i32
          %lt3A_389 = arith.constant 1000 : i32
          %lt3A_390 = arith.cmpi slt, %add3A_388, %lt3A_389 : i32
          %convert_element_type3A_391 = arith.extui %lt3A_390 : i1 to i32
          %cond3A_392 = arith.constant 0 : i32
          %cond3A_393 = arith.cmpi ne, %convert_element_type3A_391, %cond3A_392 : i32
          scf.if %cond3A_393 {
            %dma_start3A_399 = arith.constant 0 : i32
            %dma_start3A_400 = arith.constant 0 : i32
            %dma_start3A_401 = tpu.memref_slice %arg6[%add3A_388, %dma_start3A_399, %dma_start3A_400] : memref<1000x2x128xi32, #tpu.memory_space<hbm>> -> memref<1x2x128xi32, #tpu.memory_space<hbm>>
            %dma_start3A_402 = tpu.memref_squeeze %dma_start3A_401 : memref<1x2x128xi32, #tpu.memory_space<hbm>> -> memref<2x128xi32, #tpu.memory_space<hbm>>
            %dma_start3A_403 = arith.constant 0 : i32
            %dma_start3A_404 = arith.constant 0 : i32
            %dma_start3A_405 = tpu.memref_slice %arg6[%add3A_388, %dma_start3A_403, %dma_start3A_404] : memref<1000x2x128xi32, #tpu.memory_space<hbm>> -> memref<1x2x128xi32, #tpu.memory_space<hbm>>
            %dma_start3A_406 = tpu.memref_squeeze %dma_start3A_405 : memref<1x2x128xi32, #tpu.memory_space<hbm>> -> memref<2x128xi32, #tpu.memory_space<hbm>>
            tpu.enqueue_dma source(%dma_start3A_406 : memref<2x128xi32, #tpu.memory_space<hbm>>) target(%arg11 : memref<2x128xi32, #tpu.memory_space<vmem>>) target_semaphore(%arg26 : memref<!tpu.dma_semaphore, #tpu.memory_space<semaphore_mem>>)
            %dma_start3A_407 = arith.constant 0 : i32
            %dma_start3A_408 = arith.constant 0 : i32
            %dma_start3A_409 = tpu.memref_slice %arg7[%add3A_388, %dma_start3A_407, %dma_start3A_408] : memref<1000x2x128xi32, #tpu.memory_space<hbm>> -> memref<1x2x128xi32, #tpu.memory_space<hbm>>
            %dma_start3A_410 = tpu.memref_squeeze %dma_start3A_409 : memref<1x2x128xi32, #tpu.memory_space<hbm>> -> memref<2x128xi32, #tpu.memory_space<hbm>>
            %dma_start3A_411 = arith.constant 0 : i32
            %dma_start3A_412 = arith.constant 0 : i32
            %dma_start3A_413 = tpu.memref_slice %arg7[%add3A_388, %dma_start3A_411, %dma_start3A_412] : memref<1000x2x128xi32, #tpu.memory_space<hbm>> -> memref<1x2x128xi32, #tpu.memory_space<hbm>>
            %dma_start3A_414 = tpu.memref_squeeze %dma_start3A_413 : memref<1x2x128xi32, #tpu.memory_space<hbm>> -> memref<2x128xi32, #tpu.memory_space<hbm>>
            tpu.enqueue_dma source(%dma_start3A_414 : memref<2x128xi32, #tpu.memory_space<hbm>>) target(%arg12 : memref<2x128xi32, #tpu.memory_space<vmem>>) target_semaphore(%arg26 : memref<!tpu.dma_semaphore, #tpu.memory_space<semaphore_mem>>)
          } else {
          }
          %ge3A_394 = arith.constant 1000 : i32
          %ge3A_395 = arith.cmpi sge, %add3A_388, %ge3A_394 : i32
          %convert_element_type3A_396 = arith.extui %ge3A_395 : i1 to i32
          %cond3A_397 = arith.constant 0 : i32
          %cond3A_398 = arith.cmpi ne, %convert_element_type3A_396, %cond3A_397 : i32
          scf.if %cond3A_398 {
            %sub3A_399 = arith.constant 1000 : i32
            %sub3A_400 = arith.subi %add3A_388, %sub3A_399 : i32
            %dma_start3A_401 = arith.constant 0 : i32
            %dma_start3A_402 = arith.constant 0 : i32
            %dma_start3A_403 = tpu.memref_slice %arg8[%sub3A_400, %dma_start3A_401, %dma_start3A_402] : memref<250x2x128xi32, #tpu.memory_space<hbm>> -> memref<1x2x128xi32, #tpu.memory_space<hbm>>
            %dma_start3A_404 = tpu.memref_squeeze %dma_start3A_403 : memref<1x2x128xi32, #tpu.memory_space<hbm>> -> memref<2x128xi32, #tpu.memory_space<hbm>>
            %dma_start3A_405 = arith.constant 0 : i32
            %dma_start3A_406 = arith.constant 0 : i32
            %dma_start3A_407 = tpu.memref_slice %arg8[%sub3A_400, %dma_start3A_405, %dma_start3A_406] : memref<250x2x128xi32, #tpu.memory_space<hbm>> -> memref<1x2x128xi32, #tpu.memory_space<hbm>>
            %dma_start3A_408 = tpu.memref_squeeze %dma_start3A_407 : memref<1x2x128xi32, #tpu.memory_space<hbm>> -> memref<2x128xi32, #tpu.memory_space<hbm>>
            tpu.enqueue_dma source(%dma_start3A_408 : memref<2x128xi32, #tpu.memory_space<hbm>>) target(%arg11 : memref<2x128xi32, #tpu.memory_space<vmem>>) target_semaphore(%arg26 : memref<!tpu.dma_semaphore, #tpu.memory_space<semaphore_mem>>)
            %sub3A_409 = arith.constant 1000 : i32
            %sub3A_410 = arith.subi %add3A_388, %sub3A_409 : i32
            %dma_start3A_411 = arith.constant 0 : i32
            %dma_start3A_412 = arith.constant 0 : i32
            %dma_start3A_413 = tpu.memref_slice %arg9[%sub3A_410, %dma_start3A_411, %dma_start3A_412] : memref<250x2x128xi32, #tpu.memory_space<hbm>> -> memref<1x2x128xi32, #tpu.memory_space<hbm>>
            %dma_start3A_414 = tpu.memref_squeeze %dma_start3A_413 : memref<1x2x128xi32, #tpu.memory_space<hbm>> -> memref<2x128xi32, #tpu.memory_space<hbm>>
            %dma_start3A_415 = arith.constant 0 : i32
            %dma_start3A_416 = arith.constant 0 : i32
            %dma_start3A_417 = tpu.memref_slice %arg9[%sub3A_410, %dma_start3A_415, %dma_start3A_416] : memref<250x2x128xi32, #tpu.memory_space<hbm>> -> memref<1x2x128xi32, #tpu.memory_space<hbm>>
            %dma_start3A_418 = tpu.memref_squeeze %dma_start3A_417 : memref<1x2x128xi32, #tpu.memory_space<hbm>> -> memref<2x128xi32, #tpu.memory_space<hbm>>
            tpu.enqueue_dma source(%dma_start3A_418 : memref<2x128xi32, #tpu.memory_space<hbm>>) target(%arg12 : memref<2x128xi32, #tpu.memory_space<vmem>>) target_semaphore(%arg26 : memref<!tpu.dma_semaphore, #tpu.memory_space<semaphore_mem>>)
          } else {
          }
        } else {
        }
        %scan3A_227 = arith.constant 0 : i32
        %scan3A_228 = arith.constant 16 : i32
        %scan3A_229 = arith.addi %scan3A_227, %scan3A_228 : i32
        %scan3A_230 = arith.constant 1 : i32
        scf.for %scan3A_387 = %scan3A_227 to %scan3A_229 step %scan3A_230  : i32 {
          %mul3A_388 = arith.constant 1 : i32
          %mul3A_389 = arith.muli %scan3A_387, %mul3A_388 : i32
          %add3A_390 = arith.constant 0 : i32
          %add3A_391 = arith.addi %add3A_390, %mul3A_389 : i32
          %mul3A_392 = arith.constant 16 : i32
          %mul3A_393 = arith.muli %add3A_391, %mul3A_392 : i32
          %broadcast_in_dim3A_394 = vector.broadcast %mul3A_393 : i32 to vector<16xi32>
          %iota3A = tpu.iota {dimensions = array<i32: 0>} : vector<16xi32>
          %add3A_395 = arith.addi %broadcast_in_dim3A_394, %iota3A : vector<16xi32>
          %broadcast_in_dim3A_396 = arith.constant 32 : i32
          %broadcast_in_dim3A_397 = vector.broadcast %broadcast_in_dim3A_396 : i32 to vector<16xi32>
          %gather3A = tpu.vector_load_idx %arg14[%add3A_395, %broadcast_in_dim3A_397] : memref<256x40xf32, #tpu.memory_space<vmem>>[vector<16xi32>, vector<16xi32>], vector<16xf32>,
          %gather3A_398 = tpu.vector_load_idx %arg15[%add3A_395, %broadcast_in_dim3A_397] : memref<256x40xf32, #tpu.memory_space<vmem>>[vector<16xi32>, vector<16xi32>], vector<16xf32>,
          %gather3A_399 = tpu.vector_load_idx %arg16[%add3A_395, %broadcast_in_dim3A_397] : memref<256x40xf32, #tpu.memory_space<vmem>>[vector<16xi32>, vector<16xi32>], vector<16xf32>,
          %add3A_400 = arith.addf %gather3A, %gather3A_398 : vector<16xf32>
          %add3A_401 = arith.addf %add3A_400, %gather3A_399 : vector<16xf32>
          %mul3A_402 = arith.constant 2.000000e-01 : f32
          %mul3A_403 = vector.broadcast %mul3A_402 : f32 to vector<16xf32>
          %mul3A_404 = arith.mulf %mul3A_403, %add3A_401 : vector<16xf32>
          %max3A_405 = arith.maximumf %add3A_401, %mul3A_404 : vector<16xf32>
          %exp3A = math.exp %max3A_405 : vector<16xf32>
          tpu.vector_store_idx %arg17[%add3A_395, %broadcast_in_dim3A_397], %exp3A : memref<256x40xf32, #tpu.memory_space<vmem>>[vector<16xi32>, vector<16xi32>], vector<16xf32>,
          %broadcast_in_dim3A_406 = arith.constant 0 : i32
          %broadcast_in_dim3A_407 = vector.broadcast %broadcast_in_dim3A_406 : i32 to vector<16x1xi32>
          %gather3A_408 = vector.shape_cast %broadcast_in_dim3A_407 : vector<16x1xi32> to vector<16xi32>
          %gather3A_409 = tpu.dynamic_gather %exp3A[%gather3A_408] in [0] : vector<16xf32>, vector<16xi32> -> vector<16xf32>
          %add3A_410 = arith.constant 0 : i32
          %add3A_411 = arith.addi %mul3A_393, %add3A_410 : i32
          %get3A = arith.index_cast %add3A_411 : i32 to index
          %get3A_412 = arith.constant 0 : index
          %get3A_413 = tpu.vector_load %arg14[%get3A, %get3A_412] {strides = array<i32>} : memref<256x40xf32, #tpu.memory_space<vmem>>, vector<16xf32>,
          %get3A_414 = arith.index_cast %add3A_411 : i32 to index
          %get3A_415 = arith.constant 0 : index
          %get3A_416 = tpu.vector_load %arg15[%get3A_414, %get3A_415] {strides = array<i32>} : memref<256x40xf32, #tpu.memory_space<vmem>>, vector<16xf32>,
          %add3A_417 = arith.addf %get3A_413, %get3A_416 : vector<16xf32>
          %get3A_418 = arith.index_cast %add3A_411 : i32 to index
          %get3A_419 = arith.constant 0 : index
          %get3A_420 = tpu.vector_load %arg16[%get3A_418, %get3A_419] {strides = array<i32>} : memref<256x40xf32, #tpu.memory_space<vmem>>, vector<16xf32>,
          %add3A_421 = arith.addf %add3A_417, %get3A_420 : vector<16xf32>
          %get3A_422 = arith.index_cast %add3A_411 : i32 to index
          %get3A_423 = arith.constant 16 : index
          %get3A_424 = tpu.vector_load %arg14[%get3A_422, %get3A_423] {strides = array<i32>} : memref<256x40xf32, #tpu.memory_space<vmem>>, vector<16xf32>,
          %get3A_425 = arith.index_cast %add3A_411 : i32 to index
          %get3A_426 = arith.constant 16 : index
          %get3A_427 = tpu.vector_load %arg15[%get3A_425, %get3A_426] {strides = array<i32>} : memref<256x40xf32, #tpu.memory_space<vmem>>, vector<16xf32>,
          %add3A_428 = arith.addf %get3A_424, %get3A_427 : vector<16xf32>
          %get3A_429 = arith.index_cast %add3A_411 : i32 to index
          %get3A_430 = arith.constant 16 : index
          %get3A_431 = tpu.vector_load %arg16[%get3A_429, %get3A_430] {strides = array<i32>} : memref<256x40xf32, #tpu.memory_space<vmem>>, vector<16xf32>,
          %add3A_432 = arith.addf %add3A_428, %get3A_431 : vector<16xf32>
          %mul3A_433 = arith.mulf %gather3A_409, %add3A_421 : vector<16xf32>
          %swap3A = arith.index_cast %add3A_411 : i32 to index
          %swap3A_434 = arith.constant 0 : index
          %swap3A_435 = tpu.vector_load %arg17[%swap3A, %swap3A_434] {strides = array<i32>} : memref<256x40xf32, #tpu.memory_space<vmem>>, vector<16xf32>,
          tpu.vector_store %arg17[%swap3A, %swap3A_434], %mul3A_433 {strides = array<i32>} : memref<256x40xf32, #tpu.memory_space<vmem>>, vector<16xf32>,
          %mul3A_436 = arith.mulf %gather3A_409, %add3A_432 : vector<16xf32>
          %swap3A_437 = arith.index_cast %add3A_411 : i32 to index
          %swap3A_438 = arith.constant 16 : index
          %swap3A_439 = tpu.vector_load %arg17[%swap3A_437, %swap3A_438] {strides = array<i32>} : memref<256x40xf32, #tpu.memory_space<vmem>>, vector<16xf32>,
          tpu.vector_store %arg17[%swap3A_437, %swap3A_438], %mul3A_436 {strides = array<i32>} : memref<256x40xf32, #tpu.memory_space<vmem>>, vector<16xf32>,
          %broadcast_in_dim3A_440 = arith.constant 1 : i32
          %broadcast_in_dim3A_441 = vector.broadcast %broadcast_in_dim3A_440 : i32 to vector<16x1xi32>
          %gather3A_442 = vector.shape_cast %broadcast_in_dim3A_441 : vector<16x1xi32> to vector<16xi32>
          %gather3A_443 = tpu.dynamic_gather %exp3A[%gather3A_442] in [0] : vector<16xf32>, vector<16xi32> -> vector<16xf32>
          %add3A_444 = arith.constant 1 : i32
          %add3A_445 = arith.addi %mul3A_393, %add3A_444 : i32
          %get3A_446 = arith.index_cast %add3A_445 : i32 to index
          %get3A_447 = arith.constant 0 : index
          %get3A_448 = tpu.vector_load %arg14[%get3A_446, %get3A_447] {strides = array<i32>} : memref<256x40xf32, #tpu.memory_space<vmem>>, vector<16xf32>,
          %get3A_449 = arith.index_cast %add3A_445 : i32 to index
          %get3A_450 = arith.constant 0 : index
          %get3A_451 = tpu.vector_load %arg15[%get3A_449, %get3A_450] {strides = array<i32>} : memref<256x40xf32, #tpu.memory_space<vmem>>, vector<16xf32>,
          %add3A_452 = arith.addf %get3A_448, %get3A_451 : vector<16xf32>
          %get3A_453 = arith.index_cast %add3A_445 : i32 to index
          %get3A_454 = arith.constant 0 : index
          %get3A_455 = tpu.vector_load %arg16[%get3A_453, %get3A_454] {strides = array<i32>} : memref<256x40xf32, #tpu.memory_space<vmem>>, vector<16xf32>,
          %add3A_456 = arith.addf %add3A_452, %get3A_455 : vector<16xf32>
          %get3A_457 = arith.index_cast %add3A_445 : i32 to index
          %get3A_458 = arith.constant 16 : index
          %get3A_459 = tpu.vector_load %arg14[%get3A_457, %get3A_458] {strides = array<i32>} : memref<256x40xf32, #tpu.memory_space<vmem>>, vector<16xf32>,
          %get3A_460 = arith.index_cast %add3A_445 : i32 to index
          %get3A_461 = arith.constant 16 : index
          %get3A_462 = tpu.vector_load %arg15[%get3A_460, %get3A_461] {strides = array<i32>} : memref<256x40xf32, #tpu.memory_space<vmem>>, vector<16xf32>,
          %add3A_463 = arith.addf %get3A_459, %get3A_462 : vector<16xf32>
          %get3A_464 = arith.index_cast %add3A_445 : i32 to index
          %get3A_465 = arith.constant 16 : index
          %get3A_466 = tpu.vector_load %arg16[%get3A_464, %get3A_465] {strides = array<i32>} : memref<256x40xf32, #tpu.memory_space<vmem>>, vector<16xf32>,
          %add3A_467 = arith.addf %add3A_463, %get3A_466 : vector<16xf32>
          %mul3A_468 = arith.mulf %gather3A_443, %add3A_456 : vector<16xf32>
          %swap3A_469 = arith.index_cast %add3A_445 : i32 to index
          %swap3A_470 = arith.constant 0 : index
          %swap3A_471 = tpu.vector_load %arg17[%swap3A_469, %swap3A_470] {strides = array<i32>} : memref<256x40xf32, #tpu.memory_space<vmem>>, vector<16xf32>,
          tpu.vector_store %arg17[%swap3A_469, %swap3A_470], %mul3A_468 {strides = array<i32>} : memref<256x40xf32, #tpu.memory_space<vmem>>, vector<16xf32>,
          %mul3A_472 = arith.mulf %gather3A_443, %add3A_467 : vector<16xf32>
          %swap3A_473 = arith.index_cast %add3A_445 : i32 to index
          %swap3A_474 = arith.constant 16 : index
          %swap3A_475 = tpu.vector_load %arg17[%swap3A_473, %swap3A_474] {strides = array<i32>} : memref<256x40xf32, #tpu.memory_space<vmem>>, vector<16xf32>,
          tpu.vector_store %arg17[%swap3A_473, %swap3A_474], %mul3A_472 {strides = array<i32>} : memref<256x40xf32, #tpu.memory_space<vmem>>, vector<16xf32>,
          %broadcast_in_dim3A_476 = arith.constant 2 : i32
          %broadcast_in_dim3A_477 = vector.broadcast %broadcast_in_dim3A_476 : i32 to vector<16x1xi32>
          %gather3A_478 = vector.shape_cast %broadcast_in_dim3A_477 : vector<16x1xi32> to vector<16xi32>
          %gather3A_479 = tpu.dynamic_gather %exp3A[%gather3A_478] in [0] : vector<16xf32>, vector<16xi32> -> vector<16xf32>
          %add3A_480 = arith.constant 2 : i32
          %add3A_481 = arith.addi %mul3A_393, %add3A_480 : i32
          %get3A_482 = arith.index_cast %add3A_481 : i32 to index
          %get3A_483 = arith.constant 0 : index
          %get3A_484 = tpu.vector_load %arg14[%get3A_482, %get3A_483] {strides = array<i32>} : memref<256x40xf32, #tpu.memory_space<vmem>>, vector<16xf32>,
          %get3A_485 = arith.index_cast %add3A_481 : i32 to index
          %get3A_486 = arith.constant 0 : index
          %get3A_487 = tpu.vector_load %arg15[%get3A_485, %get3A_486] {strides = array<i32>} : memref<256x40xf32, #tpu.memory_space<vmem>>, vector<16xf32>,
          %add3A_488 = arith.addf %get3A_484, %get3A_487 : vector<16xf32>
          %get3A_489 = arith.index_cast %add3A_481 : i32 to index
          %get3A_490 = arith.constant 0 : index
          %get3A_491 = tpu.vector_load %arg16[%get3A_489, %get3A_490] {strides = array<i32>} : memref<256x40xf32, #tpu.memory_space<vmem>>, vector<16xf32>,
          %add3A_492 = arith.addf %add3A_488, %get3A_491 : vector<16xf32>
          %get3A_493 = arith.index_cast %add3A_481 : i32 to index
          %get3A_494 = arith.constant 16 : index
          %get3A_495 = tpu.vector_load %arg14[%get3A_493, %get3A_494] {strides = array<i32>} : memref<256x40xf32, #tpu.memory_space<vmem>>, vector<16xf32>,
          %get3A_496 = arith.index_cast %add3A_481 : i32 to index
          %get3A_497 = arith.constant 16 : index
          %get3A_498 = tpu.vector_load %arg15[%get3A_496, %get3A_497] {strides = array<i32>} : memref<256x40xf32, #tpu.memory_space<vmem>>, vector<16xf32>,
          %add3A_499 = arith.addf %get3A_495, %get3A_498 : vector<16xf32>
          %get3A_500 = arith.index_cast %add3A_481 : i32 to index
          %get3A_501 = arith.constant 16 : index
          %get3A_502 = tpu.vector_load %arg16[%get3A_500, %get3A_501] {strides = array<i32>} : memref<256x40xf32, #tpu.memory_space<vmem>>, vector<16xf32>,
          %add3A_503 = arith.addf %add3A_499, %get3A_502 : vector<16xf32>
          %mul3A_504 = arith.mulf %gather3A_479, %add3A_492 : vector<16xf32>
          %swap3A_505 = arith.index_cast %add3A_481 : i32 to index
          %swap3A_506 = arith.constant 0 : index
          %swap3A_507 = tpu.vector_load %arg17[%swap3A_505, %swap3A_506] {strides = array<i32>} : memref<256x40xf32, #tpu.memory_space<vmem>>, vector<16xf32>,
          tpu.vector_store %arg17[%swap3A_505, %swap3A_506], %mul3A_504 {strides = array<i32>} : memref<256x40xf32, #tpu.memory_space<vmem>>, vector<16xf32>,
          %mul3A_508 = arith.mulf %gather3A_479, %add3A_503 : vector<16xf32>
          %swap3A_509 = arith.index_cast %add3A_481 : i32 to index
          %swap3A_510 = arith.constant 16 : index
          %swap3A_511 = tpu.vector_load %arg17[%swap3A_509, %swap3A_510] {strides = array<i32>} : memref<256x40xf32, #tpu.memory_space<vmem>>, vector<16xf32>,
          tpu.vector_store %arg17[%swap3A_509, %swap3A_510], %mul3A_508 {strides = array<i32>} : memref<256x40xf32, #tpu.memory_space<vmem>>, vector<16xf32>,
          %broadcast_in_dim3A_512 = arith.constant 3 : i32
          %broadcast_in_dim3A_513 = vector.broadcast %broadcast_in_dim3A_512 : i32 to vector<16x1xi32>
          %gather3A_514 = vector.shape_cast %broadcast_in_dim3A_513 : vector<16x1xi32> to vector<16xi32>
          %gather3A_515 = tpu.dynamic_gather %exp3A[%gather3A_514] in [0] : vector<16xf32>, vector<16xi32> -> vector<16xf32>
          %add3A_516 = arith.constant 3 : i32
          %add3A_517 = arith.addi %mul3A_393, %add3A_516 : i32
          %get3A_518 = arith.index_cast %add3A_517 : i32 to index
          %get3A_519 = arith.constant 0 : index
          %get3A_520 = tpu.vector_load %arg14[%get3A_518, %get3A_519] {strides = array<i32>} : memref<256x40xf32, #tpu.memory_space<vmem>>, vector<16xf32>,
          %get3A_521 = arith.index_cast %add3A_517 : i32 to index
          %get3A_522 = arith.constant 0 : index
          %get3A_523 = tpu.vector_load %arg15[%get3A_521, %get3A_522] {strides = array<i32>} : memref<256x40xf32, #tpu.memory_space<vmem>>, vector<16xf32>,
          %add3A_524 = arith.addf %get3A_520, %get3A_523 : vector<16xf32>
          %get3A_525 = arith.index_cast %add3A_517 : i32 to index
          %get3A_526 = arith.constant 0 : index
          %get3A_527 = tpu.vector_load %arg16[%get3A_525, %get3A_526] {strides = array<i32>} : memref<256x40xf32, #tpu.memory_space<vmem>>, vector<16xf32>,
          %add3A_528 = arith.addf %add3A_524, %get3A_527 : vector<16xf32>
          %get3A_529 = arith.index_cast %add3A_517 : i32 to index
          %get3A_530 = arith.constant 16 : index
          %get3A_531 = tpu.vector_load %arg14[%get3A_529, %get3A_530] {strides = array<i32>} : memref<256x40xf32, #tpu.memory_space<vmem>>, vector<16xf32>,
          %get3A_532 = arith.index_cast %add3A_517 : i32 to index
          %get3A_533 = arith.constant 16 : index
          %get3A_534 = tpu.vector_load %arg15[%get3A_532, %get3A_533] {strides = array<i32>} : memref<256x40xf32, #tpu.memory_space<vmem>>, vector<16xf32>,
          %add3A_535 = arith.addf %get3A_531, %get3A_534 : vector<16xf32>
          %get3A_536 = arith.index_cast %add3A_517 : i32 to index
          %get3A_537 = arith.constant 16 : index
          %get3A_538 = tpu.vector_load %arg16[%get3A_536, %get3A_537] {strides = array<i32>} : memref<256x40xf32, #tpu.memory_space<vmem>>, vector<16xf32>,
          %add3A_539 = arith.addf %add3A_535, %get3A_538 : vector<16xf32>
          %mul3A_540 = arith.mulf %gather3A_515, %add3A_528 : vector<16xf32>
          %swap3A_541 = arith.index_cast %add3A_517 : i32 to index
          %swap3A_542 = arith.constant 0 : index
          %swap3A_543 = tpu.vector_load %arg17[%swap3A_541, %swap3A_542] {strides = array<i32>} : memref<256x40xf32, #tpu.memory_space<vmem>>, vector<16xf32>,
          tpu.vector_store %arg17[%swap3A_541, %swap3A_542], %mul3A_540 {strides = array<i32>} : memref<256x40xf32, #tpu.memory_space<vmem>>, vector<16xf32>,
          %mul3A_544 = arith.mulf %gather3A_515, %add3A_539 : vector<16xf32>
          %swap3A_545 = arith.index_cast %add3A_517 : i32 to index
          %swap3A_546 = arith.constant 16 : index
          %swap3A_547 = tpu.vector_load %arg17[%swap3A_545, %swap3A_546] {strides = array<i32>} : memref<256x40xf32, #tpu.memory_space<vmem>>, vector<16xf32>,
          tpu.vector_store %arg17[%swap3A_545, %swap3A_546], %mul3A_544 {strides = array<i32>} : memref<256x40xf32, #tpu.memory_space<vmem>>, vector<16xf32>,
          %broadcast_in_dim3A_548 = arith.constant 4 : i32
          %broadcast_in_dim3A_549 = vector.broadcast %broadcast_in_dim3A_548 : i32 to vector<16x1xi32>
          %gather3A_550 = vector.shape_cast %broadcast_in_dim3A_549 : vector<16x1xi32> to vector<16xi32>
          %gather3A_551 = tpu.dynamic_gather %exp3A[%gather3A_550] in [0] : vector<16xf32>, vector<16xi32> -> vector<16xf32>
          %add3A_552 = arith.constant 4 : i32
          %add3A_553 = arith.addi %mul3A_393, %add3A_552 : i32
          %get3A_554 = arith.index_cast %add3A_553 : i32 to index
          %get3A_555 = arith.constant 0 : index
          %get3A_556 = tpu.vector_load %arg14[%get3A_554, %get3A_555] {strides = array<i32>} : memref<256x40xf32, #tpu.memory_space<vmem>>, vector<16xf32>,
          %get3A_557 = arith.index_cast %add3A_553 : i32 to index
          %get3A_558 = arith.constant 0 : index
          %get3A_559 = tpu.vector_load %arg15[%get3A_557, %get3A_558] {strides = array<i32>} : memref<256x40xf32, #tpu.memory_space<vmem>>, vector<16xf32>,
          %add3A_560 = arith.addf %get3A_556, %get3A_559 : vector<16xf32>
          %get3A_561 = arith.index_cast %add3A_553 : i32 to index
          %get3A_562 = arith.constant 0 : index
          %get3A_563 = tpu.vector_load %arg16[%get3A_561, %get3A_562] {strides = array<i32>} : memref<256x40xf32, #tpu.memory_space<vmem>>, vector<16xf32>,
          %add3A_564 = arith.addf %add3A_560, %get3A_563 : vector<16xf32>
          %get3A_565 = arith.index_cast %add3A_553 : i32 to index
          %get3A_566 = arith.constant 16 : index
          %get3A_567 = tpu.vector_load %arg14[%get3A_565, %get3A_566] {strides = array<i32>} : memref<256x40xf32, #tpu.memory_space<vmem>>, vector<16xf32>,
          %get3A_568 = arith.index_cast %add3A_553 : i32 to index
          %get3A_569 = arith.constant 16 : index
          %get3A_570 = tpu.vector_load %arg15[%get3A_568, %get3A_569] {strides = array<i32>} : memref<256x40xf32, #tpu.memory_space<vmem>>, vector<16xf32>,
          %add3A_571 = arith.addf %get3A_567, %get3A_570 : vector<16xf32>
          %get3A_572 = arith.index_cast %add3A_553 : i32 to index
          %get3A_573 = arith.constant 16 : index
          %get3A_574 = tpu.vector_load %arg16[%get3A_572, %get3A_573] {strides = array<i32>} : memref<256x40xf32, #tpu.memory_space<vmem>>, vector<16xf32>,
          %add3A_575 = arith.addf %add3A_571, %get3A_574 : vector<16xf32>
          %mul3A_576 = arith.mulf %gather3A_551, %add3A_564 : vector<16xf32>
          %swap3A_577 = arith.index_cast %add3A_553 : i32 to index
          %swap3A_578 = arith.constant 0 : index
          %swap3A_579 = tpu.vector_load %arg17[%swap3A_577, %swap3A_578] {strides = array<i32>} : memref<256x40xf32, #tpu.memory_space<vmem>>, vector<16xf32>,
          tpu.vector_store %arg17[%swap3A_577, %swap3A_578], %mul3A_576 {strides = array<i32>} : memref<256x40xf32, #tpu.memory_space<vmem>>, vector<16xf32>,
          %mul3A_580 = arith.mulf %gather3A_551, %add3A_575 : vector<16xf32>
          %swap3A_581 = arith.index_cast %add3A_553 : i32 to index
          %swap3A_582 = arith.constant 16 : index
          %swap3A_583 = tpu.vector_load %arg17[%swap3A_581, %swap3A_582] {strides = array<i32>} : memref<256x40xf32, #tpu.memory_space<vmem>>, vector<16xf32>,
          tpu.vector_store %arg17[%swap3A_581, %swap3A_582], %mul3A_580 {strides = array<i32>} : memref<256x40xf32, #tpu.memory_space<vmem>>, vector<16xf32>,
          %broadcast_in_dim3A_584 = arith.constant 5 : i32
          %broadcast_in_dim3A_585 = vector.broadcast %broadcast_in_dim3A_584 : i32 to vector<16x1xi32>
          %gather3A_586 = vector.shape_cast %broadcast_in_dim3A_585 : vector<16x1xi32> to vector<16xi32>
          %gather3A_587 = tpu.dynamic_gather %exp3A[%gather3A_586] in [0] : vector<16xf32>, vector<16xi32> -> vector<16xf32>
          %add3A_588 = arith.constant 5 : i32
          %add3A_589 = arith.addi %mul3A_393, %add3A_588 : i32
          %get3A_590 = arith.index_cast %add3A_589 : i32 to index
          %get3A_591 = arith.constant 0 : index
          %get3A_592 = tpu.vector_load %arg14[%get3A_590, %get3A_591] {strides = array<i32>} : memref<256x40xf32, #tpu.memory_space<vmem>>, vector<16xf32>,
          %get3A_593 = arith.index_cast %add3A_589 : i32 to index
          %get3A_594 = arith.constant 0 : index
          %get3A_595 = tpu.vector_load %arg15[%get3A_593, %get3A_594] {strides = array<i32>} : memref<256x40xf32, #tpu.memory_space<vmem>>, vector<16xf32>,
          %add3A_596 = arith.addf %get3A_592, %get3A_595 : vector<16xf32>
          %get3A_597 = arith.index_cast %add3A_589 : i32 to index
          %get3A_598 = arith.constant 0 : index
          %get3A_599 = tpu.vector_load %arg16[%get3A_597, %get3A_598] {strides = array<i32>} : memref<256x40xf32, #tpu.memory_space<vmem>>, vector<16xf32>,
          %add3A_600 = arith.addf %add3A_596, %get3A_599 : vector<16xf32>
          %get3A_601 = arith.index_cast %add3A_589 : i32 to index
          %get3A_602 = arith.constant 16 : index
          %get3A_603 = tpu.vector_load %arg14[%get3A_601, %get3A_602] {strides = array<i32>} : memref<256x40xf32, #tpu.memory_space<vmem>>, vector<16xf32>,
          %get3A_604 = arith.index_cast %add3A_589 : i32 to index
          %get3A_605 = arith.constant 16 : index
          %get3A_606 = tpu.vector_load %arg15[%get3A_604, %get3A_605] {strides = array<i32>} : memref<256x40xf32, #tpu.memory_space<vmem>>, vector<16xf32>,
          %add3A_607 = arith.addf %get3A_603, %get3A_606 : vector<16xf32>
          %get3A_608 = arith.index_cast %add3A_589 : i32 to index
          %get3A_609 = arith.constant 16 : index
          %get3A_610 = tpu.vector_load %arg16[%get3A_608, %get3A_609] {strides = array<i32>} : memref<256x40xf32, #tpu.memory_space<vmem>>, vector<16xf32>,
          %add3A_611 = arith.addf %add3A_607, %get3A_610 : vector<16xf32>
          %mul3A_612 = arith.mulf %gather3A_587, %add3A_600 : vector<16xf32>
          %swap3A_613 = arith.index_cast %add3A_589 : i32 to index
          %swap3A_614 = arith.constant 0 : index
          %swap3A_615 = tpu.vector_load %arg17[%swap3A_613, %swap3A_614] {strides = array<i32>} : memref<256x40xf32, #tpu.memory_space<vmem>>, vector<16xf32>,
          tpu.vector_store %arg17[%swap3A_613, %swap3A_614], %mul3A_612 {strides = array<i32>} : memref<256x40xf32, #tpu.memory_space<vmem>>, vector<16xf32>,
          %mul3A_616 = arith.mulf %gather3A_587, %add3A_611 : vector<16xf32>
          %swap3A_617 = arith.index_cast %add3A_589 : i32 to index
          %swap3A_618 = arith.constant 16 : index
          %swap3A_619 = tpu.vector_load %arg17[%swap3A_617, %swap3A_618] {strides = array<i32>} : memref<256x40xf32, #tpu.memory_space<vmem>>, vector<16xf32>,
          tpu.vector_store %arg17[%swap3A_617, %swap3A_618], %mul3A_616 {strides = array<i32>} : memref<256x40xf32, #tpu.memory_space<vmem>>, vector<16xf32>,
          %broadcast_in_dim3A_620 = arith.constant 6 : i32
          %broadcast_in_dim3A_621 = vector.broadcast %broadcast_in_dim3A_620 : i32 to vector<16x1xi32>
          %gather3A_622 = vector.shape_cast %broadcast_in_dim3A_621 : vector<16x1xi32> to vector<16xi32>
          %gather3A_623 = tpu.dynamic_gather %exp3A[%gather3A_622] in [0] : vector<16xf32>, vector<16xi32> -> vector<16xf32>
          %add3A_624 = arith.constant 6 : i32
          %add3A_625 = arith.addi %mul3A_393, %add3A_624 : i32
          %get3A_626 = arith.index_cast %add3A_625 : i32 to index
          %get3A_627 = arith.constant 0 : index
          %get3A_628 = tpu.vector_load %arg14[%get3A_626, %get3A_627] {strides = array<i32>} : memref<256x40xf32, #tpu.memory_space<vmem>>, vector<16xf32>,
          %get3A_629 = arith.index_cast %add3A_625 : i32 to index
          %get3A_630 = arith.constant 0 : index
          %get3A_631 = tpu.vector_load %arg15[%get3A_629, %get3A_630] {strides = array<i32>} : memref<256x40xf32, #tpu.memory_space<vmem>>, vector<16xf32>,
          %add3A_632 = arith.addf %get3A_628, %get3A_631 : vector<16xf32>
          %get3A_633 = arith.index_cast %add3A_625 : i32 to index
          %get3A_634 = arith.constant 0 : index
          %get3A_635 = tpu.vector_load %arg16[%get3A_633, %get3A_634] {strides = array<i32>} : memref<256x40xf32, #tpu.memory_space<vmem>>, vector<16xf32>,
          %add3A_636 = arith.addf %add3A_632, %get3A_635 : vector<16xf32>
          %get3A_637 = arith.index_cast %add3A_625 : i32 to index
          %get3A_638 = arith.constant 16 : index
          %get3A_639 = tpu.vector_load %arg14[%get3A_637, %get3A_638] {strides = array<i32>} : memref<256x40xf32, #tpu.memory_space<vmem>>, vector<16xf32>,
          %get3A_640 = arith.index_cast %add3A_625 : i32 to index
          %get3A_641 = arith.constant 16 : index
          %get3A_642 = tpu.vector_load %arg15[%get3A_640, %get3A_641] {strides = array<i32>} : memref<256x40xf32, #tpu.memory_space<vmem>>, vector<16xf32>,
          %add3A_643 = arith.addf %get3A_639, %get3A_642 : vector<16xf32>
          %get3A_644 = arith.index_cast %add3A_625 : i32 to index
          %get3A_645 = arith.constant 16 : index
          %get3A_646 = tpu.vector_load %arg16[%get3A_644, %get3A_645] {strides = array<i32>} : memref<256x40xf32, #tpu.memory_space<vmem>>, vector<16xf32>,
          %add3A_647 = arith.addf %add3A_643, %get3A_646 : vector<16xf32>
          %mul3A_648 = arith.mulf %gather3A_623, %add3A_636 : vector<16xf32>
          %swap3A_649 = arith.index_cast %add3A_625 : i32 to index
          %swap3A_650 = arith.constant 0 : index
          %swap3A_651 = tpu.vector_load %arg17[%swap3A_649, %swap3A_650] {strides = array<i32>} : memref<256x40xf32, #tpu.memory_space<vmem>>, vector<16xf32>,
          tpu.vector_store %arg17[%swap3A_649, %swap3A_650], %mul3A_648 {strides = array<i32>} : memref<256x40xf32, #tpu.memory_space<vmem>>, vector<16xf32>,
          %mul3A_652 = arith.mulf %gather3A_623, %add3A_647 : vector<16xf32>
          %swap3A_653 = arith.index_cast %add3A_625 : i32 to index
          %swap3A_654 = arith.constant 16 : index
          %swap3A_655 = tpu.vector_load %arg17[%swap3A_653, %swap3A_654] {strides = array<i32>} : memref<256x40xf32, #tpu.memory_space<vmem>>, vector<16xf32>,
          tpu.vector_store %arg17[%swap3A_653, %swap3A_654], %mul3A_652 {strides = array<i32>} : memref<256x40xf32, #tpu.memory_space<vmem>>, vector<16xf32>,
          %broadcast_in_dim3A_656 = arith.constant 7 : i32
          %broadcast_in_dim3A_657 = vector.broadcast %broadcast_in_dim3A_656 : i32 to vector<16x1xi32>
          %gather3A_658 = vector.shape_cast %broadcast_in_dim3A_657 : vector<16x1xi32> to vector<16xi32>
          %gather3A_659 = tpu.dynamic_gather %exp3A[%gather3A_658] in [0] : vector<16xf32>, vector<16xi32> -> vector<16xf32>
          %add3A_660 = arith.constant 7 : i32
          %add3A_661 = arith.addi %mul3A_393, %add3A_660 : i32
          %get3A_662 = arith.index_cast %add3A_661 : i32 to index
          %get3A_663 = arith.constant 0 : index
          %get3A_664 = tpu.vector_load %arg14[%get3A_662, %get3A_663] {strides = array<i32>} : memref<256x40xf32, #tpu.memory_space<vmem>>, vector<16xf32>,
          %get3A_665 = arith.index_cast %add3A_661 : i32 to index
          %get3A_666 = arith.constant 0 : index
          %get3A_667 = tpu.vector_load %arg15[%get3A_665, %get3A_666] {strides = array<i32>} : memref<256x40xf32, #tpu.memory_space<vmem>>, vector<16xf32>,
          %add3A_668 = arith.addf %get3A_664, %get3A_667 : vector<16xf32>
          %get3A_669 = arith.index_cast %add3A_661 : i32 to index
          %get3A_670 = arith.constant 0 : index
          %get3A_671 = tpu.vector_load %arg16[%get3A_669, %get3A_670] {strides = array<i32>} : memref<256x40xf32, #tpu.memory_space<vmem>>, vector<16xf32>,
          %add3A_672 = arith.addf %add3A_668, %get3A_671 : vector<16xf32>
          %get3A_673 = arith.index_cast %add3A_661 : i32 to index
          %get3A_674 = arith.constant 16 : index
          %get3A_675 = tpu.vector_load %arg14[%get3A_673, %get3A_674] {strides = array<i32>} : memref<256x40xf32, #tpu.memory_space<vmem>>, vector<16xf32>,
          %get3A_676 = arith.index_cast %add3A_661 : i32 to index
          %get3A_677 = arith.constant 16 : index
          %get3A_678 = tpu.vector_load %arg15[%get3A_676, %get3A_677] {strides = array<i32>} : memref<256x40xf32, #tpu.memory_space<vmem>>, vector<16xf32>,
          %add3A_679 = arith.addf %get3A_675, %get3A_678 : vector<16xf32>
          %get3A_680 = arith.index_cast %add3A_661 : i32 to index
          %get3A_681 = arith.constant 16 : index
          %get3A_682 = tpu.vector_load %arg16[%get3A_680, %get3A_681] {strides = array<i32>} : memref<256x40xf32, #tpu.memory_space<vmem>>, vector<16xf32>,
          %add3A_683 = arith.addf %add3A_679, %get3A_682 : vector<16xf32>
          %mul3A_684 = arith.mulf %gather3A_659, %add3A_672 : vector<16xf32>
          %swap3A_685 = arith.index_cast %add3A_661 : i32 to index
          %swap3A_686 = arith.constant 0 : index
          %swap3A_687 = tpu.vector_load %arg17[%swap3A_685, %swap3A_686] {strides = array<i32>} : memref<256x40xf32, #tpu.memory_space<vmem>>, vector<16xf32>,
          tpu.vector_store %arg17[%swap3A_685, %swap3A_686], %mul3A_684 {strides = array<i32>} : memref<256x40xf32, #tpu.memory_space<vmem>>, vector<16xf32>,
          %mul3A_688 = arith.mulf %gather3A_659, %add3A_683 : vector<16xf32>
          %swap3A_689 = arith.index_cast %add3A_661 : i32 to index
          %swap3A_690 = arith.constant 16 : index
          %swap3A_691 = tpu.vector_load %arg17[%swap3A_689, %swap3A_690] {strides = array<i32>} : memref<256x40xf32, #tpu.memory_space<vmem>>, vector<16xf32>,
          tpu.vector_store %arg17[%swap3A_689, %swap3A_690], %mul3A_688 {strides = array<i32>} : memref<256x40xf32, #tpu.memory_space<vmem>>, vector<16xf32>,
          %broadcast_in_dim3A_692 = arith.constant 8 : i32
          %broadcast_in_dim3A_693 = vector.broadcast %broadcast_in_dim3A_692 : i32 to vector<16x1xi32>
          %gather3A_694 = vector.shape_cast %broadcast_in_dim3A_693 : vector<16x1xi32> to vector<16xi32>
          %gather3A_695 = tpu.dynamic_gather %exp3A[%gather3A_694] in [0] : vector<16xf32>, vector<16xi32> -> vector<16xf32>
          %add3A_696 = arith.constant 8 : i32
          %add3A_697 = arith.addi %mul3A_393, %add3A_696 : i32
          %get3A_698 = arith.index_cast %add3A_697 : i32 to index
          %get3A_699 = arith.constant 0 : index
          %get3A_700 = tpu.vector_load %arg14[%get3A_698, %get3A_699] {strides = array<i32>} : memref<256x40xf32, #tpu.memory_space<vmem>>, vector<16xf32>,
          %get3A_701 = arith.index_cast %add3A_697 : i32 to index
          %get3A_702 = arith.constant 0 : index
          %get3A_703 = tpu.vector_load %arg15[%get3A_701, %get3A_702] {strides = array<i32>} : memref<256x40xf32, #tpu.memory_space<vmem>>, vector<16xf32>,
          %add3A_704 = arith.addf %get3A_700, %get3A_703 : vector<16xf32>
          %get3A_705 = arith.index_cast %add3A_697 : i32 to index
          %get3A_706 = arith.constant 0 : index
          %get3A_707 = tpu.vector_load %arg16[%get3A_705, %get3A_706] {strides = array<i32>} : memref<256x40xf32, #tpu.memory_space<vmem>>, vector<16xf32>,
          %add3A_708 = arith.addf %add3A_704, %get3A_707 : vector<16xf32>
          %get3A_709 = arith.index_cast %add3A_697 : i32 to index
          %get3A_710 = arith.constant 16 : index
          %get3A_711 = tpu.vector_load %arg14[%get3A_709, %get3A_710] {strides = array<i32>} : memref<256x40xf32, #tpu.memory_space<vmem>>, vector<16xf32>,
          %get3A_712 = arith.index_cast %add3A_697 : i32 to index
          %get3A_713 = arith.constant 16 : index
          %get3A_714 = tpu.vector_load %arg15[%get3A_712, %get3A_713] {strides = array<i32>} : memref<256x40xf32, #tpu.memory_space<vmem>>, vector<16xf32>,
          %add3A_715 = arith.addf %get3A_711, %get3A_714 : vector<16xf32>
          %get3A_716 = arith.index_cast %add3A_697 : i32 to index
          %get3A_717 = arith.constant 16 : index
          %get3A_718 = tpu.vector_load %arg16[%get3A_716, %get3A_717] {strides = array<i32>} : memref<256x40xf32, #tpu.memory_space<vmem>>, vector<16xf32>,
          %add3A_719 = arith.addf %add3A_715, %get3A_718 : vector<16xf32>
          %mul3A_720 = arith.mulf %gather3A_695, %add3A_708 : vector<16xf32>
          %swap3A_721 = arith.index_cast %add3A_697 : i32 to index
          %swap3A_722 = arith.constant 0 : index
          %swap3A_723 = tpu.vector_load %arg17[%swap3A_721, %swap3A_722] {strides = array<i32>} : memref<256x40xf32, #tpu.memory_space<vmem>>, vector<16xf32>,
          tpu.vector_store %arg17[%swap3A_721, %swap3A_722], %mul3A_720 {strides = array<i32>} : memref<256x40xf32, #tpu.memory_space<vmem>>, vector<16xf32>,
          %mul3A_724 = arith.mulf %gather3A_695, %add3A_719 : vector<16xf32>
          %swap3A_725 = arith.index_cast %add3A_697 : i32 to index
          %swap3A_726 = arith.constant 16 : index
          %swap3A_727 = tpu.vector_load %arg17[%swap3A_725, %swap3A_726] {strides = array<i32>} : memref<256x40xf32, #tpu.memory_space<vmem>>, vector<16xf32>,
          tpu.vector_store %arg17[%swap3A_725, %swap3A_726], %mul3A_724 {strides = array<i32>} : memref<256x40xf32, #tpu.memory_space<vmem>>, vector<16xf32>,
          %broadcast_in_dim3A_728 = arith.constant 9 : i32
          %broadcast_in_dim3A_729 = vector.broadcast %broadcast_in_dim3A_728 : i32 to vector<16x1xi32>
          %gather3A_730 = vector.shape_cast %broadcast_in_dim3A_729 : vector<16x1xi32> to vector<16xi32>
          %gather3A_731 = tpu.dynamic_gather %exp3A[%gather3A_730] in [0] : vector<16xf32>, vector<16xi32> -> vector<16xf32>
          %add3A_732 = arith.constant 9 : i32
          %add3A_733 = arith.addi %mul3A_393, %add3A_732 : i32
          %get3A_734 = arith.index_cast %add3A_733 : i32 to index
          %get3A_735 = arith.constant 0 : index
          %get3A_736 = tpu.vector_load %arg14[%get3A_734, %get3A_735] {strides = array<i32>} : memref<256x40xf32, #tpu.memory_space<vmem>>, vector<16xf32>,
          %get3A_737 = arith.index_cast %add3A_733 : i32 to index
          %get3A_738 = arith.constant 0 : index
          %get3A_739 = tpu.vector_load %arg15[%get3A_737, %get3A_738] {strides = array<i32>} : memref<256x40xf32, #tpu.memory_space<vmem>>, vector<16xf32>,
          %add3A_740 = arith.addf %get3A_736, %get3A_739 : vector<16xf32>
          %get3A_741 = arith.index_cast %add3A_733 : i32 to index
          %get3A_742 = arith.constant 0 : index
          %get3A_743 = tpu.vector_load %arg16[%get3A_741, %get3A_742] {strides = array<i32>} : memref<256x40xf32, #tpu.memory_space<vmem>>, vector<16xf32>,
          %add3A_744 = arith.addf %add3A_740, %get3A_743 : vector<16xf32>
          %get3A_745 = arith.index_cast %add3A_733 : i32 to index
          %get3A_746 = arith.constant 16 : index
          %get3A_747 = tpu.vector_load %arg14[%get3A_745, %get3A_746] {strides = array<i32>} : memref<256x40xf32, #tpu.memory_space<vmem>>, vector<16xf32>,
          %get3A_748 = arith.index_cast %add3A_733 : i32 to index
          %get3A_749 = arith.constant 16 : index
          %get3A_750 = tpu.vector_load %arg15[%get3A_748, %get3A_749] {strides = array<i32>} : memref<256x40xf32, #tpu.memory_space<vmem>>, vector<16xf32>,
          %add3A_751 = arith.addf %get3A_747, %get3A_750 : vector<16xf32>
          %get3A_752 = arith.index_cast %add3A_733 : i32 to index
          %get3A_753 = arith.constant 16 : index
          %get3A_754 = tpu.vector_load %arg16[%get3A_752, %get3A_753] {strides = array<i32>} : memref<256x40xf32, #tpu.memory_space<vmem>>, vector<16xf32>,
          %add3A_755 = arith.addf %add3A_751, %get3A_754 : vector<16xf32>
          %mul3A_756 = arith.mulf %gather3A_731, %add3A_744 : vector<16xf32>
          %swap3A_757 = arith.index_cast %add3A_733 : i32 to index
          %swap3A_758 = arith.constant 0 : index
          %swap3A_759 = tpu.vector_load %arg17[%swap3A_757, %swap3A_758] {strides = array<i32>} : memref<256x40xf32, #tpu.memory_space<vmem>>, vector<16xf32>,
          tpu.vector_store %arg17[%swap3A_757, %swap3A_758], %mul3A_756 {strides = array<i32>} : memref<256x40xf32, #tpu.memory_space<vmem>>, vector<16xf32>,
          %mul3A_760 = arith.mulf %gather3A_731, %add3A_755 : vector<16xf32>
          %swap3A_761 = arith.index_cast %add3A_733 : i32 to index
          %swap3A_762 = arith.constant 16 : index
          %swap3A_763 = tpu.vector_load %arg17[%swap3A_761, %swap3A_762] {strides = array<i32>} : memref<256x40xf32, #tpu.memory_space<vmem>>, vector<16xf32>,
          tpu.vector_store %arg17[%swap3A_761, %swap3A_762], %mul3A_760 {strides = array<i32>} : memref<256x40xf32, #tpu.memory_space<vmem>>, vector<16xf32>,
          %broadcast_in_dim3A_764 = arith.constant 10 : i32
          %broadcast_in_dim3A_765 = vector.broadcast %broadcast_in_dim3A_764 : i32 to vector<16x1xi32>
          %gather3A_766 = vector.shape_cast %broadcast_in_dim3A_765 : vector<16x1xi32> to vector<16xi32>
          %gather3A_767 = tpu.dynamic_gather %exp3A[%gather3A_766] in [0] : vector<16xf32>, vector<16xi32> -> vector<16xf32>
          %add3A_768 = arith.constant 10 : i32
          %add3A_769 = arith.addi %mul3A_393, %add3A_768 : i32
          %get3A_770 = arith.index_cast %add3A_769 : i32 to index
          %get3A_771 = arith.constant 0 : index
          %get3A_772 = tpu.vector_load %arg14[%get3A_770, %get3A_771] {strides = array<i32>} : memref<256x40xf32, #tpu.memory_space<vmem>>, vector<16xf32>,
          %get3A_773 = arith.index_cast %add3A_769 : i32 to index
          %get3A_774 = arith.constant 0 : index
          %get3A_775 = tpu.vector_load %arg15[%get3A_773, %get3A_774] {strides = array<i32>} : memref<256x40xf32, #tpu.memory_space<vmem>>, vector<16xf32>,
          %add3A_776 = arith.addf %get3A_772, %get3A_775 : vector<16xf32>
          %get3A_777 = arith.index_cast %add3A_769 : i32 to index
          %get3A_778 = arith.constant 0 : index
          %get3A_779 = tpu.vector_load %arg16[%get3A_777, %get3A_778] {strides = array<i32>} : memref<256x40xf32, #tpu.memory_space<vmem>>, vector<16xf32>,
          %add3A_780 = arith.addf %add3A_776, %get3A_779 : vector<16xf32>
          %get3A_781 = arith.index_cast %add3A_769 : i32 to index
          %get3A_782 = arith.constant 16 : index
          %get3A_783 = tpu.vector_load %arg14[%get3A_781, %get3A_782] {strides = array<i32>} : memref<256x40xf32, #tpu.memory_space<vmem>>, vector<16xf32>,
          %get3A_784 = arith.index_cast %add3A_769 : i32 to index
          %get3A_785 = arith.constant 16 : index
          %get3A_786 = tpu.vector_load %arg15[%get3A_784, %get3A_785] {strides = array<i32>} : memref<256x40xf32, #tpu.memory_space<vmem>>, vector<16xf32>,
          %add3A_787 = arith.addf %get3A_783, %get3A_786 : vector<16xf32>
          %get3A_788 = arith.index_cast %add3A_769 : i32 to index
          %get3A_789 = arith.constant 16 : index
          %get3A_790 = tpu.vector_load %arg16[%get3A_788, %get3A_789] {strides = array<i32>} : memref<256x40xf32, #tpu.memory_space<vmem>>, vector<16xf32>,
          %add3A_791 = arith.addf %add3A_787, %get3A_790 : vector<16xf32>
          %mul3A_792 = arith.mulf %gather3A_767, %add3A_780 : vector<16xf32>
          %swap3A_793 = arith.index_cast %add3A_769 : i32 to index
          %swap3A_794 = arith.constant 0 : index
          %swap3A_795 = tpu.vector_load %arg17[%swap3A_793, %swap3A_794] {strides = array<i32>} : memref<256x40xf32, #tpu.memory_space<vmem>>, vector<16xf32>,
          tpu.vector_store %arg17[%swap3A_793, %swap3A_794], %mul3A_792 {strides = array<i32>} : memref<256x40xf32, #tpu.memory_space<vmem>>, vector<16xf32>,
          %mul3A_796 = arith.mulf %gather3A_767, %add3A_791 : vector<16xf32>
          %swap3A_797 = arith.index_cast %add3A_769 : i32 to index
          %swap3A_798 = arith.constant 16 : index
          %swap3A_799 = tpu.vector_load %arg17[%swap3A_797, %swap3A_798] {strides = array<i32>} : memref<256x40xf32, #tpu.memory_space<vmem>>, vector<16xf32>,
          tpu.vector_store %arg17[%swap3A_797, %swap3A_798], %mul3A_796 {strides = array<i32>} : memref<256x40xf32, #tpu.memory_space<vmem>>, vector<16xf32>,
          %broadcast_in_dim3A_800 = arith.constant 11 : i32
          %broadcast_in_dim3A_801 = vector.broadcast %broadcast_in_dim3A_800 : i32 to vector<16x1xi32>
          %gather3A_802 = vector.shape_cast %broadcast_in_dim3A_801 : vector<16x1xi32> to vector<16xi32>
          %gather3A_803 = tpu.dynamic_gather %exp3A[%gather3A_802] in [0] : vector<16xf32>, vector<16xi32> -> vector<16xf32>
          %add3A_804 = arith.constant 11 : i32
          %add3A_805 = arith.addi %mul3A_393, %add3A_804 : i32
          %get3A_806 = arith.index_cast %add3A_805 : i32 to index
          %get3A_807 = arith.constant 0 : index
          %get3A_808 = tpu.vector_load %arg14[%get3A_806, %get3A_807] {strides = array<i32>} : memref<256x40xf32, #tpu.memory_space<vmem>>, vector<16xf32>,
          %get3A_809 = arith.index_cast %add3A_805 : i32 to index
          %get3A_810 = arith.constant 0 : index
          %get3A_811 = tpu.vector_load %arg15[%get3A_809, %get3A_810] {strides = array<i32>} : memref<256x40xf32, #tpu.memory_space<vmem>>, vector<16xf32>,
          %add3A_812 = arith.addf %get3A_808, %get3A_811 : vector<16xf32>
          %get3A_813 = arith.index_cast %add3A_805 : i32 to index
          %get3A_814 = arith.constant 0 : index
          %get3A_815 = tpu.vector_load %arg16[%get3A_813, %get3A_814] {strides = array<i32>} : memref<256x40xf32, #tpu.memory_space<vmem>>, vector<16xf32>,
          %add3A_816 = arith.addf %add3A_812, %get3A_815 : vector<16xf32>
          %get3A_817 = arith.index_cast %add3A_805 : i32 to index
          %get3A_818 = arith.constant 16 : index
          %get3A_819 = tpu.vector_load %arg14[%get3A_817, %get3A_818] {strides = array<i32>} : memref<256x40xf32, #tpu.memory_space<vmem>>, vector<16xf32>,
          %get3A_820 = arith.index_cast %add3A_805 : i32 to index
          %get3A_821 = arith.constant 16 : index
          %get3A_822 = tpu.vector_load %arg15[%get3A_820, %get3A_821] {strides = array<i32>} : memref<256x40xf32, #tpu.memory_space<vmem>>, vector<16xf32>,
          %add3A_823 = arith.addf %get3A_819, %get3A_822 : vector<16xf32>
          %get3A_824 = arith.index_cast %add3A_805 : i32 to index
          %get3A_825 = arith.constant 16 : index
          %get3A_826 = tpu.vector_load %arg16[%get3A_824, %get3A_825] {strides = array<i32>} : memref<256x40xf32, #tpu.memory_space<vmem>>, vector<16xf32>,
          %add3A_827 = arith.addf %add3A_823, %get3A_826 : vector<16xf32>
          %mul3A_828 = arith.mulf %gather3A_803, %add3A_816 : vector<16xf32>
          %swap3A_829 = arith.index_cast %add3A_805 : i32 to index
          %swap3A_830 = arith.constant 0 : index
          %swap3A_831 = tpu.vector_load %arg17[%swap3A_829, %swap3A_830] {strides = array<i32>} : memref<256x40xf32, #tpu.memory_space<vmem>>, vector<16xf32>,
          tpu.vector_store %arg17[%swap3A_829, %swap3A_830], %mul3A_828 {strides = array<i32>} : memref<256x40xf32, #tpu.memory_space<vmem>>, vector<16xf32>,
          %mul3A_832 = arith.mulf %gather3A_803, %add3A_827 : vector<16xf32>
          %swap3A_833 = arith.index_cast %add3A_805 : i32 to index
          %swap3A_834 = arith.constant 16 : index
          %swap3A_835 = tpu.vector_load %arg17[%swap3A_833, %swap3A_834] {strides = array<i32>} : memref<256x40xf32, #tpu.memory_space<vmem>>, vector<16xf32>,
          tpu.vector_store %arg17[%swap3A_833, %swap3A_834], %mul3A_832 {strides = array<i32>} : memref<256x40xf32, #tpu.memory_space<vmem>>, vector<16xf32>,
          %broadcast_in_dim3A_836 = arith.constant 12 : i32
          %broadcast_in_dim3A_837 = vector.broadcast %broadcast_in_dim3A_836 : i32 to vector<16x1xi32>
          %gather3A_838 = vector.shape_cast %broadcast_in_dim3A_837 : vector<16x1xi32> to vector<16xi32>
          %gather3A_839 = tpu.dynamic_gather %exp3A[%gather3A_838] in [0] : vector<16xf32>, vector<16xi32> -> vector<16xf32>
          %add3A_840 = arith.constant 12 : i32
          %add3A_841 = arith.addi %mul3A_393, %add3A_840 : i32
          %get3A_842 = arith.index_cast %add3A_841 : i32 to index
          %get3A_843 = arith.constant 0 : index
          %get3A_844 = tpu.vector_load %arg14[%get3A_842, %get3A_843] {strides = array<i32>} : memref<256x40xf32, #tpu.memory_space<vmem>>, vector<16xf32>,
          %get3A_845 = arith.index_cast %add3A_841 : i32 to index
          %get3A_846 = arith.constant 0 : index
          %get3A_847 = tpu.vector_load %arg15[%get3A_845, %get3A_846] {strides = array<i32>} : memref<256x40xf32, #tpu.memory_space<vmem>>, vector<16xf32>,
          %add3A_848 = arith.addf %get3A_844, %get3A_847 : vector<16xf32>
          %get3A_849 = arith.index_cast %add3A_841 : i32 to index
          %get3A_850 = arith.constant 0 : index
          %get3A_851 = tpu.vector_load %arg16[%get3A_849, %get3A_850] {strides = array<i32>} : memref<256x40xf32, #tpu.memory_space<vmem>>, vector<16xf32>,
          %add3A_852 = arith.addf %add3A_848, %get3A_851 : vector<16xf32>
          %get3A_853 = arith.index_cast %add3A_841 : i32 to index
          %get3A_854 = arith.constant 16 : index
          %get3A_855 = tpu.vector_load %arg14[%get3A_853, %get3A_854] {strides = array<i32>} : memref<256x40xf32, #tpu.memory_space<vmem>>, vector<16xf32>,
          %get3A_856 = arith.index_cast %add3A_841 : i32 to index
          %get3A_857 = arith.constant 16 : index
          %get3A_858 = tpu.vector_load %arg15[%get3A_856, %get3A_857] {strides = array<i32>} : memref<256x40xf32, #tpu.memory_space<vmem>>, vector<16xf32>,
          %add3A_859 = arith.addf %get3A_855, %get3A_858 : vector<16xf32>
          %get3A_860 = arith.index_cast %add3A_841 : i32 to index
          %get3A_861 = arith.constant 16 : index
          %get3A_862 = tpu.vector_load %arg16[%get3A_860, %get3A_861] {strides = array<i32>} : memref<256x40xf32, #tpu.memory_space<vmem>>, vector<16xf32>,
          %add3A_863 = arith.addf %add3A_859, %get3A_862 : vector<16xf32>
          %mul3A_864 = arith.mulf %gather3A_839, %add3A_852 : vector<16xf32>
          %swap3A_865 = arith.index_cast %add3A_841 : i32 to index
          %swap3A_866 = arith.constant 0 : index
          %swap3A_867 = tpu.vector_load %arg17[%swap3A_865, %swap3A_866] {strides = array<i32>} : memref<256x40xf32, #tpu.memory_space<vmem>>, vector<16xf32>,
          tpu.vector_store %arg17[%swap3A_865, %swap3A_866], %mul3A_864 {strides = array<i32>} : memref<256x40xf32, #tpu.memory_space<vmem>>, vector<16xf32>,
          %mul3A_868 = arith.mulf %gather3A_839, %add3A_863 : vector<16xf32>
          %swap3A_869 = arith.index_cast %add3A_841 : i32 to index
          %swap3A_870 = arith.constant 16 : index
          %swap3A_871 = tpu.vector_load %arg17[%swap3A_869, %swap3A_870] {strides = array<i32>} : memref<256x40xf32, #tpu.memory_space<vmem>>, vector<16xf32>,
          tpu.vector_store %arg17[%swap3A_869, %swap3A_870], %mul3A_868 {strides = array<i32>} : memref<256x40xf32, #tpu.memory_space<vmem>>, vector<16xf32>,
          %broadcast_in_dim3A_872 = arith.constant 13 : i32
          %broadcast_in_dim3A_873 = vector.broadcast %broadcast_in_dim3A_872 : i32 to vector<16x1xi32>
          %gather3A_874 = vector.shape_cast %broadcast_in_dim3A_873 : vector<16x1xi32> to vector<16xi32>
          %gather3A_875 = tpu.dynamic_gather %exp3A[%gather3A_874] in [0] : vector<16xf32>, vector<16xi32> -> vector<16xf32>
          %add3A_876 = arith.constant 13 : i32
          %add3A_877 = arith.addi %mul3A_393, %add3A_876 : i32
          %get3A_878 = arith.index_cast %add3A_877 : i32 to index
          %get3A_879 = arith.constant 0 : index
          %get3A_880 = tpu.vector_load %arg14[%get3A_878, %get3A_879] {strides = array<i32>} : memref<256x40xf32, #tpu.memory_space<vmem>>, vector<16xf32>,
          %get3A_881 = arith.index_cast %add3A_877 : i32 to index
          %get3A_882 = arith.constant 0 : index
          %get3A_883 = tpu.vector_load %arg15[%get3A_881, %get3A_882] {strides = array<i32>} : memref<256x40xf32, #tpu.memory_space<vmem>>, vector<16xf32>,
          %add3A_884 = arith.addf %get3A_880, %get3A_883 : vector<16xf32>
          %get3A_885 = arith.index_cast %add3A_877 : i32 to index
          %get3A_886 = arith.constant 0 : index
          %get3A_887 = tpu.vector_load %arg16[%get3A_885, %get3A_886] {strides = array<i32>} : memref<256x40xf32, #tpu.memory_space<vmem>>, vector<16xf32>,
          %add3A_888 = arith.addf %add3A_884, %get3A_887 : vector<16xf32>
          %get3A_889 = arith.index_cast %add3A_877 : i32 to index
          %get3A_890 = arith.constant 16 : index
          %get3A_891 = tpu.vector_load %arg14[%get3A_889, %get3A_890] {strides = array<i32>} : memref<256x40xf32, #tpu.memory_space<vmem>>, vector<16xf32>,
          %get3A_892 = arith.index_cast %add3A_877 : i32 to index
          %get3A_893 = arith.constant 16 : index
          %get3A_894 = tpu.vector_load %arg15[%get3A_892, %get3A_893] {strides = array<i32>} : memref<256x40xf32, #tpu.memory_space<vmem>>, vector<16xf32>,
          %add3A_895 = arith.addf %get3A_891, %get3A_894 : vector<16xf32>
          %get3A_896 = arith.index_cast %add3A_877 : i32 to index
          %get3A_897 = arith.constant 16 : index
          %get3A_898 = tpu.vector_load %arg16[%get3A_896, %get3A_897] {strides = array<i32>} : memref<256x40xf32, #tpu.memory_space<vmem>>, vector<16xf32>,
          %add3A_899 = arith.addf %add3A_895, %get3A_898 : vector<16xf32>
          %mul3A_900 = arith.mulf %gather3A_875, %add3A_888 : vector<16xf32>
          %swap3A_901 = arith.index_cast %add3A_877 : i32 to index
          %swap3A_902 = arith.constant 0 : index
          %swap3A_903 = tpu.vector_load %arg17[%swap3A_901, %swap3A_902] {strides = array<i32>} : memref<256x40xf32, #tpu.memory_space<vmem>>, vector<16xf32>,
          tpu.vector_store %arg17[%swap3A_901, %swap3A_902], %mul3A_900 {strides = array<i32>} : memref<256x40xf32, #tpu.memory_space<vmem>>, vector<16xf32>,
          %mul3A_904 = arith.mulf %gather3A_875, %add3A_899 : vector<16xf32>
          %swap3A_905 = arith.index_cast %add3A_877 : i32 to index
          %swap3A_906 = arith.constant 16 : index
          %swap3A_907 = tpu.vector_load %arg17[%swap3A_905, %swap3A_906] {strides = array<i32>} : memref<256x40xf32, #tpu.memory_space<vmem>>, vector<16xf32>,
          tpu.vector_store %arg17[%swap3A_905, %swap3A_906], %mul3A_904 {strides = array<i32>} : memref<256x40xf32, #tpu.memory_space<vmem>>, vector<16xf32>,
          %broadcast_in_dim3A_908 = arith.constant 14 : i32
          %broadcast_in_dim3A_909 = vector.broadcast %broadcast_in_dim3A_908 : i32 to vector<16x1xi32>
          %gather3A_910 = vector.shape_cast %broadcast_in_dim3A_909 : vector<16x1xi32> to vector<16xi32>
          %gather3A_911 = tpu.dynamic_gather %exp3A[%gather3A_910] in [0] : vector<16xf32>, vector<16xi32> -> vector<16xf32>
          %add3A_912 = arith.constant 14 : i32
          %add3A_913 = arith.addi %mul3A_393, %add3A_912 : i32
          %get3A_914 = arith.index_cast %add3A_913 : i32 to index
          %get3A_915 = arith.constant 0 : index
          %get3A_916 = tpu.vector_load %arg14[%get3A_914, %get3A_915] {strides = array<i32>} : memref<256x40xf32, #tpu.memory_space<vmem>>, vector<16xf32>,
          %get3A_917 = arith.index_cast %add3A_913 : i32 to index
          %get3A_918 = arith.constant 0 : index
          %get3A_919 = tpu.vector_load %arg15[%get3A_917, %get3A_918] {strides = array<i32>} : memref<256x40xf32, #tpu.memory_space<vmem>>, vector<16xf32>,
          %add3A_920 = arith.addf %get3A_916, %get3A_919 : vector<16xf32>
          %get3A_921 = arith.index_cast %add3A_913 : i32 to index
          %get3A_922 = arith.constant 0 : index
          %get3A_923 = tpu.vector_load %arg16[%get3A_921, %get3A_922] {strides = array<i32>} : memref<256x40xf32, #tpu.memory_space<vmem>>, vector<16xf32>,
          %add3A_924 = arith.addf %add3A_920, %get3A_923 : vector<16xf32>
          %get3A_925 = arith.index_cast %add3A_913 : i32 to index
          %get3A_926 = arith.constant 16 : index
          %get3A_927 = tpu.vector_load %arg14[%get3A_925, %get3A_926] {strides = array<i32>} : memref<256x40xf32, #tpu.memory_space<vmem>>, vector<16xf32>,
          %get3A_928 = arith.index_cast %add3A_913 : i32 to index
          %get3A_929 = arith.constant 16 : index
          %get3A_930 = tpu.vector_load %arg15[%get3A_928, %get3A_929] {strides = array<i32>} : memref<256x40xf32, #tpu.memory_space<vmem>>, vector<16xf32>,
          %add3A_931 = arith.addf %get3A_927, %get3A_930 : vector<16xf32>
          %get3A_932 = arith.index_cast %add3A_913 : i32 to index
          %get3A_933 = arith.constant 16 : index
          %get3A_934 = tpu.vector_load %arg16[%get3A_932, %get3A_933] {strides = array<i32>} : memref<256x40xf32, #tpu.memory_space<vmem>>, vector<16xf32>,
          %add3A_935 = arith.addf %add3A_931, %get3A_934 : vector<16xf32>
          %mul3A_936 = arith.mulf %gather3A_911, %add3A_924 : vector<16xf32>
          %swap3A_937 = arith.index_cast %add3A_913 : i32 to index
          %swap3A_938 = arith.constant 0 : index
          %swap3A_939 = tpu.vector_load %arg17[%swap3A_937, %swap3A_938] {strides = array<i32>} : memref<256x40xf32, #tpu.memory_space<vmem>>, vector<16xf32>,
          tpu.vector_store %arg17[%swap3A_937, %swap3A_938], %mul3A_936 {strides = array<i32>} : memref<256x40xf32, #tpu.memory_space<vmem>>, vector<16xf32>,
          %mul3A_940 = arith.mulf %gather3A_911, %add3A_935 : vector<16xf32>
          %swap3A_941 = arith.index_cast %add3A_913 : i32 to index
          %swap3A_942 = arith.constant 16 : index
          %swap3A_943 = tpu.vector_load %arg17[%swap3A_941, %swap3A_942] {strides = array<i32>} : memref<256x40xf32, #tpu.memory_space<vmem>>, vector<16xf32>,
          tpu.vector_store %arg17[%swap3A_941, %swap3A_942], %mul3A_940 {strides = array<i32>} : memref<256x40xf32, #tpu.memory_space<vmem>>, vector<16xf32>,
          %broadcast_in_dim3A_944 = arith.constant 15 : i32
          %broadcast_in_dim3A_945 = vector.broadcast %broadcast_in_dim3A_944 : i32 to vector<16x1xi32>
          %gather3A_946 = vector.shape_cast %broadcast_in_dim3A_945 : vector<16x1xi32> to vector<16xi32>
          %gather3A_947 = tpu.dynamic_gather %exp3A[%gather3A_946] in [0] : vector<16xf32>, vector<16xi32> -> vector<16xf32>
          %add3A_948 = arith.constant 15 : i32
          %add3A_949 = arith.addi %mul3A_393, %add3A_948 : i32
          %get3A_950 = arith.index_cast %add3A_949 : i32 to index
          %get3A_951 = arith.constant 0 : index
          %get3A_952 = tpu.vector_load %arg14[%get3A_950, %get3A_951] {strides = array<i32>} : memref<256x40xf32, #tpu.memory_space<vmem>>, vector<16xf32>,
          %get3A_953 = arith.index_cast %add3A_949 : i32 to index
          %get3A_954 = arith.constant 0 : index
          %get3A_955 = tpu.vector_load %arg15[%get3A_953, %get3A_954] {strides = array<i32>} : memref<256x40xf32, #tpu.memory_space<vmem>>, vector<16xf32>,
          %add3A_956 = arith.addf %get3A_952, %get3A_955 : vector<16xf32>
          %get3A_957 = arith.index_cast %add3A_949 : i32 to index
          %get3A_958 = arith.constant 0 : index
          %get3A_959 = tpu.vector_load %arg16[%get3A_957, %get3A_958] {strides = array<i32>} : memref<256x40xf32, #tpu.memory_space<vmem>>, vector<16xf32>,
          %add3A_960 = arith.addf %add3A_956, %get3A_959 : vector<16xf32>
          %get3A_961 = arith.index_cast %add3A_949 : i32 to index
          %get3A_962 = arith.constant 16 : index
          %get3A_963 = tpu.vector_load %arg14[%get3A_961, %get3A_962] {strides = array<i32>} : memref<256x40xf32, #tpu.memory_space<vmem>>, vector<16xf32>,
          %get3A_964 = arith.index_cast %add3A_949 : i32 to index
          %get3A_965 = arith.constant 16 : index
          %get3A_966 = tpu.vector_load %arg15[%get3A_964, %get3A_965] {strides = array<i32>} : memref<256x40xf32, #tpu.memory_space<vmem>>, vector<16xf32>,
          %add3A_967 = arith.addf %get3A_963, %get3A_966 : vector<16xf32>
          %get3A_968 = arith.index_cast %add3A_949 : i32 to index
          %get3A_969 = arith.constant 16 : index
          %get3A_970 = tpu.vector_load %arg16[%get3A_968, %get3A_969] {strides = array<i32>} : memref<256x40xf32, #tpu.memory_space<vmem>>, vector<16xf32>,
          %add3A_971 = arith.addf %add3A_967, %get3A_970 : vector<16xf32>
          %mul3A_972 = arith.mulf %gather3A_947, %add3A_960 : vector<16xf32>
          %swap3A_973 = arith.index_cast %add3A_949 : i32 to index
          %swap3A_974 = arith.constant 0 : index
          %swap3A_975 = tpu.vector_load %arg17[%swap3A_973, %swap3A_974] {strides = array<i32>} : memref<256x40xf32, #tpu.memory_space<vmem>>, vector<16xf32>,
          tpu.vector_store %arg17[%swap3A_973, %swap3A_974], %mul3A_972 {strides = array<i32>} : memref<256x40xf32, #tpu.memory_space<vmem>>, vector<16xf32>,
          %mul3A_976 = arith.mulf %gather3A_947, %add3A_971 : vector<16xf32>
          %swap3A_977 = arith.index_cast %add3A_949 : i32 to index
          %swap3A_978 = arith.constant 16 : index
          %swap3A_979 = tpu.vector_load %arg17[%swap3A_977, %swap3A_978] {strides = array<i32>} : memref<256x40xf32, #tpu.memory_space<vmem>>, vector<16xf32>,
          tpu.vector_store %arg17[%swap3A_977, %swap3A_978], %mul3A_976 {strides = array<i32>} : memref<256x40xf32, #tpu.memory_space<vmem>>, vector<16xf32>,
        }
        %scan3A_231 = arith.constant 16 : i32
        %add3A_232 = arith.constant 1 : i32
        %add3A_233 = arith.addi %mul3A_151, %add3A_232 : i32
        %lt3A_234 = arith.cmpi slt, %add3A_233, %select_n3A : i32
        %convert_element_type3A_235 = arith.extui %lt3A_234 : i1 to i32
        %cond3A_236 = arith.constant 0 : i32
        %cond3A_237 = arith.cmpi ne, %convert_element_type3A_235, %cond3A_236 : i32
        scf.if %cond3A_237 {
          %dma_wait3A_387 = arith.constant 0 : i32
          %dma_wait3A_388 = arith.constant 0 : i32
          %dma_wait3A_389 = arith.constant 0 : i32
          %dma_wait3A_390 = tpu.memref_slice %arg6[%dma_wait3A_387, %dma_wait3A_388, %dma_wait3A_389] : memref<1000x2x128xi32, #tpu.memory_space<hbm>> -> memref<1x2x128xi32, #tpu.memory_space<hbm>>
          %dma_wait3A_391 = tpu.memref_squeeze %dma_wait3A_390 : memref<1x2x128xi32, #tpu.memory_space<hbm>> -> memref<2x128xi32, #tpu.memory_space<hbm>>
          %dma_wait3A_392 = arith.constant 0 : i32
          %dma_wait3A_393 = arith.constant 0 : i32
          %dma_wait3A_394 = tpu.memref_slice %arg6[%dma_wait3A_387, %dma_wait3A_392, %dma_wait3A_393] : memref<1000x2x128xi32, #tpu.memory_space<hbm>> -> memref<1x2x128xi32, #tpu.memory_space<hbm>>
          %dma_wait3A_395 = tpu.memref_squeeze %dma_wait3A_394 : memref<1x2x128xi32, #tpu.memory_space<hbm>> -> memref<2x128xi32, #tpu.memory_space<hbm>>
          tpu.wait_dma2 semaphore(%arg27 : memref<!tpu.dma_semaphore, #tpu.memory_space<semaphore_mem>>) src(%dma_wait3A_395 : memref<2x128xi32, #tpu.memory_space<hbm>>) dst(%arg18 : memref<2x128xi32, #tpu.memory_space<vmem>>)
          %dma_wait3A_396 = arith.constant 0 : i32
          %dma_wait3A_397 = arith.constant 0 : i32
          %dma_wait3A_398 = arith.constant 0 : i32
          %dma_wait3A_399 = tpu.memref_slice %arg6[%dma_wait3A_396, %dma_wait3A_397, %dma_wait3A_398] : memref<1000x2x128xi32, #tpu.memory_space<hbm>> -> memref<1x2x128xi32, #tpu.memory_space<hbm>>
          %dma_wait3A_400 = tpu.memref_squeeze %dma_wait3A_399 : memref<1x2x128xi32, #tpu.memory_space<hbm>> -> memref<2x128xi32, #tpu.memory_space<hbm>>
          %dma_wait3A_401 = arith.constant 0 : i32
          %dma_wait3A_402 = arith.constant 0 : i32
          %dma_wait3A_403 = tpu.memref_slice %arg6[%dma_wait3A_396, %dma_wait3A_401, %dma_wait3A_402] : memref<1000x2x128xi32, #tpu.memory_space<hbm>> -> memref<1x2x128xi32, #tpu.memory_space<hbm>>
          %dma_wait3A_404 = tpu.memref_squeeze %dma_wait3A_403 : memref<1x2x128xi32, #tpu.memory_space<hbm>> -> memref<2x128xi32, #tpu.memory_space<hbm>>
          tpu.wait_dma2 semaphore(%arg27 : memref<!tpu.dma_semaphore, #tpu.memory_space<semaphore_mem>>) src(%dma_wait3A_404 : memref<2x128xi32, #tpu.memory_space<hbm>>) dst(%arg19 : memref<2x128xi32, #tpu.memory_space<vmem>>)
          %add3A_405 = arith.constant 1 : i32
          %add3A_406 = arith.addi %add3A_152, %add3A_405 : i32
          %lt3A_407 = arith.constant 1000 : i32
          %lt3A_408 = arith.cmpi slt, %add3A_406, %lt3A_407 : i32
          %convert_element_type3A_409 = arith.extui %lt3A_408 : i1 to i32
          %cond3A_410 = arith.constant 0 : i32
          %cond3A_411 = arith.cmpi ne, %convert_element_type3A_409, %cond3A_410 : i32
          scf.if %cond3A_411 {
            %mul3A_457 = arith.constant 256 : i32
            %mul3A_458 = arith.muli %add3A_406, %mul3A_457 : i32
            %dma_start3A_459 = arith.constant 0 : i32
            %dma_start3A_460 = tpu.memref_slice %arg4[%mul3A_458, %dma_start3A_459] : memref<256000x40xf32, #tpu.memory_space<hbm>> -> memref<256x40xf32, #tpu.memory_space<hbm>>
            %dma_start3A_461 = arith.constant 0 : i32
            %dma_start3A_462 = tpu.memref_slice %arg4[%mul3A_458, %dma_start3A_461] : memref<256000x40xf32, #tpu.memory_space<hbm>> -> memref<256x40xf32, #tpu.memory_space<hbm>>
            tpu.enqueue_dma source(%dma_start3A_462 : memref<256x40xf32, #tpu.memory_space<hbm>>) target(%arg23 : memref<256x40xf32, #tpu.memory_space<vmem>>) target_semaphore(%arg31 : memref<!tpu.dma_semaphore, #tpu.memory_space<semaphore_mem>>)
          } else {
          }
          %ge3A_412 = arith.constant 1000 : i32
          %ge3A_413 = arith.cmpi sge, %add3A_406, %ge3A_412 : i32
          %convert_element_type3A_414 = arith.extui %ge3A_413 : i1 to i32
          %cond3A_415 = arith.constant 0 : i32
          %cond3A_416 = arith.cmpi ne, %convert_element_type3A_414, %cond3A_415 : i32
          scf.if %cond3A_416 {
            %sub3A_457 = arith.constant 1000 : i32
            %sub3A_458 = arith.subi %add3A_406, %sub3A_457 : i32
            %mul3A_459 = arith.constant 256 : i32
            %mul3A_460 = arith.muli %sub3A_458, %mul3A_459 : i32
            %dma_start3A_461 = arith.constant 0 : i32
            %dma_start3A_462 = tpu.memref_slice %arg5[%mul3A_460, %dma_start3A_461] : memref<64000x40xf32, #tpu.memory_space<hbm>> -> memref<256x40xf32, #tpu.memory_space<hbm>>
            %dma_start3A_463 = arith.constant 0 : i32
            %dma_start3A_464 = tpu.memref_slice %arg5[%mul3A_460, %dma_start3A_463] : memref<64000x40xf32, #tpu.memory_space<hbm>> -> memref<256x40xf32, #tpu.memory_space<hbm>>
            tpu.enqueue_dma source(%dma_start3A_464 : memref<256x40xf32, #tpu.memory_space<hbm>>) target(%arg23 : memref<256x40xf32, #tpu.memory_space<vmem>>) target_semaphore(%arg31 : memref<!tpu.dma_semaphore, #tpu.memory_space<semaphore_mem>>)
          } else {
          }
          %dma_start3A_417 = arith.constant 0 : i32
          %dma_start3A_418 = arith.constant 0 : i32
          %dma_start3A_419 = arith.constant 0 : i32
          %dma_start3A_420 = tpu.memref_slice %arg21[%dma_start3A_418, %dma_start3A_419] : memref<256x40xf32, #tpu.memory_space<vmem>> -> memref<128x40xf32, #tpu.memory_space<vmem>>
          %dma_start3A_421 = arith.constant 0 : i32
          %dma_start3A_422 = tpu.memref_slice %arg18[%dma_start3A_417, %dma_start3A_421] : memref<2x128xi32, #tpu.memory_space<vmem>> -> memref<1x128xi32, #tpu.memory_space<vmem>>
          %dma_start3A_423 = tpu.memref_squeeze %dma_start3A_422 : memref<1x128xi32, #tpu.memory_space<vmem>> -> memref<128xi32, #tpu.memory_space<vmem>>
          %dma_start3A_424 = arith.constant 0 : i32
          %dma_start3A_425 = arith.constant 0 : i32
          %dma_start3A_426 = tpu.memref_slice %arg2[%dma_start3A_424, %dma_start3A_425] : memref<10000x40xf32, #tpu.memory_space<hbm>> -> memref<10000x40xf32, #tpu.memory_space<hbm>>
          tpu.enqueue_indirect_dma source(%dma_start3A_426 : memref<10000x40xf32, #tpu.memory_space<hbm>>) target(%dma_start3A_420 : memref<128x40xf32, #tpu.memory_space<vmem>>) offsets(%dma_start3A_423 : memref<128xi32, #tpu.memory_space<vmem>>) semaphore(%arg31 : memref<!tpu.dma_semaphore, #tpu.memory_space<semaphore_mem>>)
          %dma_start3A_427 = arith.constant 0 : i32
          %dma_start3A_428 = arith.constant 0 : i32
          %dma_start3A_429 = arith.constant 0 : i32
          %dma_start3A_430 = tpu.memref_slice %arg22[%dma_start3A_428, %dma_start3A_429] : memref<256x40xf32, #tpu.memory_space<vmem>> -> memref<128x40xf32, #tpu.memory_space<vmem>>
          %dma_start3A_431 = arith.constant 0 : i32
          %dma_start3A_432 = tpu.memref_slice %arg19[%dma_start3A_427, %dma_start3A_431] : memref<2x128xi32, #tpu.memory_space<vmem>> -> memref<1x128xi32, #tpu.memory_space<vmem>>
          %dma_start3A_433 = tpu.memref_squeeze %dma_start3A_432 : memref<1x128xi32, #tpu.memory_space<vmem>> -> memref<128xi32, #tpu.memory_space<vmem>>
          %dma_start3A_434 = arith.constant 0 : i32
          %dma_start3A_435 = arith.constant 0 : i32
          %dma_start3A_436 = tpu.memref_slice %arg3[%dma_start3A_434, %dma_start3A_435] : memref<10000x40xf32, #tpu.memory_space<hbm>> -> memref<10000x40xf32, #tpu.memory_space<hbm>>
          tpu.enqueue_indirect_dma source(%dma_start3A_436 : memref<10000x40xf32, #tpu.memory_space<hbm>>) target(%dma_start3A_430 : memref<128x40xf32, #tpu.memory_space<vmem>>) offsets(%dma_start3A_433 : memref<128xi32, #tpu.memory_space<vmem>>) semaphore(%arg31 : memref<!tpu.dma_semaphore, #tpu.memory_space<semaphore_mem>>)
          %dma_start3A_437 = arith.constant 1 : i32
          %dma_start3A_438 = arith.constant 128 : i32
          %dma_start3A_439 = arith.constant 0 : i32
          %dma_start3A_440 = tpu.memref_slice %arg21[%dma_start3A_438, %dma_start3A_439] : memref<256x40xf32, #tpu.memory_space<vmem>> -> memref<128x40xf32, #tpu.memory_space<vmem>>
          %dma_start3A_441 = arith.constant 0 : i32
          %dma_start3A_442 = tpu.memref_slice %arg18[%dma_start3A_437, %dma_start3A_441] : memref<2x128xi32, #tpu.memory_space<vmem>> -> memref<1x128xi32, #tpu.memory_space<vmem>>
          %dma_start3A_443 = tpu.memref_squeeze %dma_start3A_442 : memref<1x128xi32, #tpu.memory_space<vmem>> -> memref<128xi32, #tpu.memory_space<vmem>>
          %dma_start3A_444 = arith.constant 0 : i32
          %dma_start3A_445 = arith.constant 0 : i32
          %dma_start3A_446 = tpu.memref_slice %arg2[%dma_start3A_444, %dma_start3A_445] : memref<10000x40xf32, #tpu.memory_space<hbm>> -> memref<10000x40xf32, #tpu.memory_space<hbm>>
          tpu.enqueue_indirect_dma source(%dma_start3A_446 : memref<10000x40xf32, #tpu.memory_space<hbm>>) target(%dma_start3A_440 : memref<128x40xf32, #tpu.memory_space<vmem>>) offsets(%dma_start3A_443 : memref<128xi32, #tpu.memory_space<vmem>>) semaphore(%arg31 : memref<!tpu.dma_semaphore, #tpu.memory_space<semaphore_mem>>)
          %dma_start3A_447 = arith.constant 1 : i32
          %dma_start3A_448 = arith.constant 128 : i32
          %dma_start3A_449 = arith.constant 0 : i32
          %dma_start3A_450 = tpu.memref_slice %arg22[%dma_start3A_448, %dma_start3A_449] : memref<256x40xf32, #tpu.memory_space<vmem>> -> memref<128x40xf32, #tpu.memory_space<vmem>>
          %dma_start3A_451 = arith.constant 0 : i32
          %dma_start3A_452 = tpu.memref_slice %arg19[%dma_start3A_447, %dma_start3A_451] : memref<2x128xi32, #tpu.memory_space<vmem>> -> memref<1x128xi32, #tpu.memory_space<vmem>>
          %dma_start3A_453 = tpu.memref_squeeze %dma_start3A_452 : memref<1x128xi32, #tpu.memory_space<vmem>> -> memref<128xi32, #tpu.memory_space<vmem>>
          %dma_start3A_454 = arith.constant 0 : i32
          %dma_start3A_455 = arith.constant 0 : i32
          %dma_start3A_456 = tpu.memref_slice %arg3[%dma_start3A_454, %dma_start3A_455] : memref<10000x40xf32, #tpu.memory_space<hbm>> -> memref<10000x40xf32, #tpu.memory_space<hbm>>
          tpu.enqueue_indirect_dma source(%dma_start3A_456 : memref<10000x40xf32, #tpu.memory_space<hbm>>) target(%dma_start3A_450 : memref<128x40xf32, #tpu.memory_space<vmem>>) offsets(%dma_start3A_453 : memref<128xi32, #tpu.memory_space<vmem>>) semaphore(%arg31 : memref<!tpu.dma_semaphore, #tpu.memory_space<semaphore_mem>>)
        } else {
        }
        %dma_wait3A_238 = arith.constant 0 : i32
        %dma_wait3A_239 = arith.constant 0 : i32
        %dma_wait3A_240 = arith.constant 0 : i32
        %dma_wait3A_241 = tpu.memref_slice %arg6[%dma_wait3A_238, %dma_wait3A_239, %dma_wait3A_240] : memref<1000x2x128xi32, #tpu.memory_space<hbm>> -> memref<1x2x128xi32, #tpu.memory_space<hbm>>
        %dma_wait3A_242 = tpu.memref_squeeze %dma_wait3A_241 : memref<1x2x128xi32, #tpu.memory_space<hbm>> -> memref<2x128xi32, #tpu.memory_space<hbm>>
        %dma_wait3A_243 = arith.constant 0 : i32
        %dma_wait3A_244 = arith.constant 0 : i32
        %dma_wait3A_245 = tpu.memref_slice %arg6[%dma_wait3A_238, %dma_wait3A_243, %dma_wait3A_244] : memref<1000x2x128xi32, #tpu.memory_space<hbm>> -> memref<1x2x128xi32, #tpu.memory_space<hbm>>
        %dma_wait3A_246 = tpu.memref_squeeze %dma_wait3A_245 : memref<1x2x128xi32, #tpu.memory_space<hbm>> -> memref<2x128xi32, #tpu.memory_space<hbm>>
        tpu.wait_dma2 semaphore(%arg28 : memref<!tpu.dma_semaphore, #tpu.memory_space<semaphore_mem>>) src(%dma_wait3A_246 : memref<2x128xi32, #tpu.memory_space<hbm>>) dst(%arg13 : memref<2x128xi32, #tpu.memory_space<vmem>>)
        %dma_start3A_247 = arith.constant 0 : i32
        %dma_start3A_248 = arith.constant 0 : i32
        %dma_start3A_249 = arith.constant 0 : i32
        %dma_start3A_250 = tpu.memref_slice %arg17[%dma_start3A_248, %dma_start3A_249] : memref<256x40xf32, #tpu.memory_space<vmem>> -> memref<128x40xf32, #tpu.memory_space<vmem>>
        %dma_start3A_251 = arith.constant 0 : i32
        %dma_start3A_252 = tpu.memref_slice %arg13[%dma_start3A_247, %dma_start3A_251] : memref<2x128xi32, #tpu.memory_space<vmem>> -> memref<1x128xi32, #tpu.memory_space<vmem>>
        %dma_start3A_253 = tpu.memref_squeeze %dma_start3A_252 : memref<1x128xi32, #tpu.memory_space<vmem>> -> memref<128xi32, #tpu.memory_space<vmem>>
        %dma_start3A_254 = arith.constant 0 : i32
        %dma_start3A_255 = arith.constant 0 : i32
        %dma_start3A_256 = tpu.memref_slice %arg25[%dma_start3A_254, %dma_start3A_255] : memref<10240x40xf32, #tpu.memory_space<vmem_shared>> -> memref<10240x40xf32, #tpu.memory_space<vmem_shared>>
        tpu.enqueue_indirect_dma source(%dma_start3A_250 : memref<128x40xf32, #tpu.memory_space<vmem>>) target(%dma_start3A_256 : memref<10240x40xf32, #tpu.memory_space<vmem_shared>>) offsets(%dma_start3A_253 : memref<128xi32, #tpu.memory_space<vmem>>) semaphore(%arg32 : memref<!tpu.dma_semaphore, #tpu.memory_space<semaphore_mem>>) {add = true}
        %dma_start3A_257 = arith.constant 1 : i32
        %dma_start3A_258 = arith.constant 128 : i32
        %dma_start3A_259 = arith.constant 0 : i32
        %dma_start3A_260 = tpu.memref_slice %arg17[%dma_start3A_258, %dma_start3A_259] : memref<256x40xf32, #tpu.memory_space<vmem>> -> memref<128x40xf32, #tpu.memory_space<vmem>>
        %dma_start3A_261 = arith.constant 0 : i32
        %dma_start3A_262 = tpu.memref_slice %arg13[%dma_start3A_257, %dma_start3A_261] : memref<2x128xi32, #tpu.memory_space<vmem>> -> memref<1x128xi32, #tpu.memory_space<vmem>>
        %dma_start3A_263 = tpu.memref_squeeze %dma_start3A_262 : memref<1x128xi32, #tpu.memory_space<vmem>> -> memref<128xi32, #tpu.memory_space<vmem>>
        %dma_start3A_264 = arith.constant 0 : i32
        %dma_start3A_265 = arith.constant 0 : i32
        %dma_start3A_266 = tpu.memref_slice %arg25[%dma_start3A_264, %dma_start3A_265] : memref<10240x40xf32, #tpu.memory_space<vmem_shared>> -> memref<10240x40xf32, #tpu.memory_space<vmem_shared>>
        tpu.enqueue_indirect_dma source(%dma_start3A_260 : memref<128x40xf32, #tpu.memory_space<vmem>>) target(%dma_start3A_266 : memref<10240x40xf32, #tpu.memory_space<vmem_shared>>) offsets(%dma_start3A_263 : memref<128xi32, #tpu.memory_space<vmem>>) semaphore(%arg32 : memref<!tpu.dma_semaphore, #tpu.memory_space<semaphore_mem>>) {add = true}
        %mul3A_267 = arith.constant 2 : i32
        %mul3A_268 = arith.muli %mul3A_267, %add3A_143 : i32
        %add3A_269 = arith.constant 1 : i32
        %add3A_270 = arith.addi %mul3A_268, %add3A_269 : i32
        %add3A_271 = arith.addi %sub3A_7, %add3A_270 : i32
        %gt3A_272 = arith.constant 0 : i32
        %gt3A_273 = arith.cmpi sgt, %add3A_270, %gt3A_272 : i32
        %convert_element_type3A_274 = arith.extui %gt3A_273 : i1 to i32
        %cond3A_275 = arith.constant 0 : i32
        %cond3A_276 = arith.cmpi ne, %convert_element_type3A_274, %cond3A_275 : i32
        scf.if %cond3A_276 {
          %dma_wait3A_387 = arith.constant 0 : i32
          %dma_wait3A_388 = arith.constant 0 : i32
          %dma_wait3A_389 = tpu.memref_slice %arg17[%dma_wait3A_387, %dma_wait3A_388] : memref<256x40xf32, #tpu.memory_space<vmem>> -> memref<128x40xf32, #tpu.memory_space<vmem>>
          %dma_wait3A_390 = arith.constant 0 : i32
          %dma_wait3A_391 = arith.constant 0 : i32
          %dma_wait3A_392 = tpu.memref_slice %arg4[%dma_wait3A_390, %dma_wait3A_391] : memref<256000x40xf32, #tpu.memory_space<hbm>> -> memref<128x40xf32, #tpu.memory_space<hbm>>
          %dma_wait3A_393 = arith.constant 0 : i32
          %dma_wait3A_394 = arith.constant 0 : i32
          %dma_wait3A_395 = tpu.memref_slice %arg17[%dma_wait3A_393, %dma_wait3A_394] : memref<256x40xf32, #tpu.memory_space<vmem>> -> memref<128x40xf32, #tpu.memory_space<vmem>>
          %dma_wait3A_396 = arith.constant 0 : i32
          %dma_wait3A_397 = arith.constant 0 : i32
          %dma_wait3A_398 = tpu.memref_slice %arg4[%dma_wait3A_396, %dma_wait3A_397] : memref<256000x40xf32, #tpu.memory_space<hbm>> -> memref<128x40xf32, #tpu.memory_space<hbm>>
          tpu.wait_dma2 semaphore(%arg32 : memref<!tpu.dma_semaphore, #tpu.memory_space<semaphore_mem>>) src(%dma_wait3A_398 : memref<128x40xf32, #tpu.memory_space<hbm>>) dst(%dma_wait3A_395 : memref<128x40xf32, #tpu.memory_space<vmem>>)
          %dma_wait3A_399 = arith.constant 128 : i32
          %dma_wait3A_400 = arith.constant 0 : i32
          %dma_wait3A_401 = tpu.memref_slice %arg17[%dma_wait3A_399, %dma_wait3A_400] : memref<256x40xf32, #tpu.memory_space<vmem>> -> memref<128x40xf32, #tpu.memory_space<vmem>>
          %dma_wait3A_402 = arith.constant 0 : i32
          %dma_wait3A_403 = arith.constant 0 : i32
          %dma_wait3A_404 = tpu.memref_slice %arg4[%dma_wait3A_402, %dma_wait3A_403] : memref<256000x40xf32, #tpu.memory_space<hbm>> -> memref<128x40xf32, #tpu.memory_space<hbm>>
          %dma_wait3A_405 = arith.constant 128 : i32
          %dma_wait3A_406 = arith.constant 0 : i32
          %dma_wait3A_407 = tpu.memref_slice %arg17[%dma_wait3A_405, %dma_wait3A_406] : memref<256x40xf32, #tpu.memory_space<vmem>> -> memref<128x40xf32, #tpu.memory_space<vmem>>
          %dma_wait3A_408 = arith.constant 0 : i32
          %dma_wait3A_409 = arith.constant 0 : i32
          %dma_wait3A_410 = tpu.memref_slice %arg4[%dma_wait3A_408, %dma_wait3A_409] : memref<256000x40xf32, #tpu.memory_space<hbm>> -> memref<128x40xf32, #tpu.memory_space<hbm>>
          tpu.wait_dma2 semaphore(%arg32 : memref<!tpu.dma_semaphore, #tpu.memory_space<semaphore_mem>>) src(%dma_wait3A_410 : memref<128x40xf32, #tpu.memory_space<hbm>>) dst(%dma_wait3A_407 : memref<128x40xf32, #tpu.memory_space<vmem>>)
        } else {
        }
        %dma_wait3A_277 = arith.constant 0 : i32
        %dma_wait3A_278 = arith.constant 0 : i32
        %dma_wait3A_279 = tpu.memref_slice %arg4[%dma_wait3A_277, %dma_wait3A_278] : memref<256000x40xf32, #tpu.memory_space<hbm>> -> memref<256x40xf32, #tpu.memory_space<hbm>>
        %dma_wait3A_280 = arith.constant 0 : i32
        %dma_wait3A_281 = arith.constant 0 : i32
        %dma_wait3A_282 = tpu.memref_slice %arg4[%dma_wait3A_280, %dma_wait3A_281] : memref<256000x40xf32, #tpu.memory_space<hbm>> -> memref<256x40xf32, #tpu.memory_space<hbm>>
        tpu.wait_dma2 semaphore(%arg31 : memref<!tpu.dma_semaphore, #tpu.memory_space<semaphore_mem>>) src(%dma_wait3A_282 : memref<256x40xf32, #tpu.memory_space<hbm>>) dst(%arg23 : memref<256x40xf32, #tpu.memory_space<vmem>>)
        %dma_wait3A_283 = arith.constant 0 : i32
        %dma_wait3A_284 = arith.constant 0 : i32
        %dma_wait3A_285 = tpu.memref_slice %arg21[%dma_wait3A_283, %dma_wait3A_284] : memref<256x40xf32, #tpu.memory_space<vmem>> -> memref<128x40xf32, #tpu.memory_space<vmem>>
        %dma_wait3A_286 = arith.constant 0 : i32
        %dma_wait3A_287 = arith.constant 0 : i32
        %dma_wait3A_288 = tpu.memref_slice %arg2[%dma_wait3A_286, %dma_wait3A_287] : memref<10000x40xf32, #tpu.memory_space<hbm>> -> memref<128x40xf32, #tpu.memory_space<hbm>>
        %dma_wait3A_289 = arith.constant 0 : i32
        %dma_wait3A_290 = arith.constant 0 : i32
        %dma_wait3A_291 = tpu.memref_slice %arg21[%dma_wait3A_289, %dma_wait3A_290] : memref<256x40xf32, #tpu.memory_space<vmem>> -> memref<128x40xf32, #tpu.memory_space<vmem>>
        %dma_wait3A_292 = arith.constant 0 : i32
        %dma_wait3A_293 = arith.constant 0 : i32
        %dma_wait3A_294 = tpu.memref_slice %arg2[%dma_wait3A_292, %dma_wait3A_293] : memref<10000x40xf32, #tpu.memory_space<hbm>> -> memref<128x40xf32, #tpu.memory_space<hbm>>
        tpu.wait_dma2 semaphore(%arg31 : memref<!tpu.dma_semaphore, #tpu.memory_space<semaphore_mem>>) src(%dma_wait3A_294 : memref<128x40xf32, #tpu.memory_space<hbm>>) dst(%dma_wait3A_291 : memref<128x40xf32, #tpu.memory_space<vmem>>)
        %dma_wait3A_295 = arith.constant 0 : i32
        %dma_wait3A_296 = arith.constant 0 : i32
        %dma_wait3A_297 = tpu.memref_slice %arg22[%dma_wait3A_295, %dma_wait3A_296] : memref<256x40xf32, #tpu.memory_space<vmem>> -> memref<128x40xf32, #tpu.memory_space<vmem>>
        %dma_wait3A_298 = arith.constant 0 : i32
        %dma_wait3A_299 = arith.constant 0 : i32
        %dma_wait3A_300 = tpu.memref_slice %arg2[%dma_wait3A_298, %dma_wait3A_299] : memref<10000x40xf32, #tpu.memory_space<hbm>> -> memref<128x40xf32, #tpu.memory_space<hbm>>
        %dma_wait3A_301 = arith.constant 0 : i32
        %dma_wait3A_302 = arith.constant 0 : i32
        %dma_wait3A_303 = tpu.memref_slice %arg22[%dma_wait3A_301, %dma_wait3A_302] : memref<256x40xf32, #tpu.memory_space<vmem>> -> memref<128x40xf32, #tpu.memory_space<vmem>>
        %dma_wait3A_304 = arith.constant 0 : i32
        %dma_wait3A_305 = arith.constant 0 : i32
        %dma_wait3A_306 = tpu.memref_slice %arg2[%dma_wait3A_304, %dma_wait3A_305] : memref<10000x40xf32, #tpu.memory_space<hbm>> -> memref<128x40xf32, #tpu.memory_space<hbm>>
        tpu.wait_dma2 semaphore(%arg31 : memref<!tpu.dma_semaphore, #tpu.memory_space<semaphore_mem>>) src(%dma_wait3A_306 : memref<128x40xf32, #tpu.memory_space<hbm>>) dst(%dma_wait3A_303 : memref<128x40xf32, #tpu.memory_space<vmem>>)
        %dma_wait3A_307 = arith.constant 128 : i32
        %dma_wait3A_308 = arith.constant 0 : i32
        %dma_wait3A_309 = tpu.memref_slice %arg21[%dma_wait3A_307, %dma_wait3A_308] : memref<256x40xf32, #tpu.memory_space<vmem>> -> memref<128x40xf32, #tpu.memory_space<vmem>>
        %dma_wait3A_310 = arith.constant 0 : i32
        %dma_wait3A_311 = arith.constant 0 : i32
        %dma_wait3A_312 = tpu.memref_slice %arg2[%dma_wait3A_310, %dma_wait3A_311] : memref<10000x40xf32, #tpu.memory_space<hbm>> -> memref<128x40xf32, #tpu.memory_space<hbm>>
        %dma_wait3A_313 = arith.constant 128 : i32
        %dma_wait3A_314 = arith.constant 0 : i32
        %dma_wait3A_315 = tpu.memref_slice %arg21[%dma_wait3A_313, %dma_wait3A_314] : memref<256x40xf32, #tpu.memory_space<vmem>> -> memref<128x40xf32, #tpu.memory_space<vmem>>
        %dma_wait3A_316 = arith.constant 0 : i32
        %dma_wait3A_317 = arith.constant 0 : i32
        %dma_wait3A_318 = tpu.memref_slice %arg2[%dma_wait3A_316, %dma_wait3A_317] : memref<10000x40xf32, #tpu.memory_space<hbm>> -> memref<128x40xf32, #tpu.memory_space<hbm>>
        tpu.wait_dma2 semaphore(%arg31 : memref<!tpu.dma_semaphore, #tpu.memory_space<semaphore_mem>>) src(%dma_wait3A_318 : memref<128x40xf32, #tpu.memory_space<hbm>>) dst(%dma_wait3A_315 : memref<128x40xf32, #tpu.memory_space<vmem>>)
        %dma_wait3A_319 = arith.constant 128 : i32
        %dma_wait3A_320 = arith.constant 0 : i32
        %dma_wait3A_321 = tpu.memref_slice %arg22[%dma_wait3A_319, %dma_wait3A_320] : memref<256x40xf32, #tpu.memory_space<vmem>> -> memref<128x40xf32, #tpu.memory_space<vmem>>
        %dma_wait3A_322 = arith.constant 0 : i32
        %dma_wait3A_323 = arith.constant 0 : i32
        %dma_wait3A_324 = tpu.memref_slice %arg2[%dma_wait3A_322, %dma_wait3A_323] : memref<10000x40xf32, #tpu.memory_space<hbm>> -> memref<128x40xf32, #tpu.memory_space<hbm>>
        %dma_wait3A_325 = arith.constant 128 : i32
        %dma_wait3A_326 = arith.constant 0 : i32
        %dma_wait3A_327 = tpu.memref_slice %arg22[%dma_wait3A_325, %dma_wait3A_326] : memref<256x40xf32, #tpu.memory_space<vmem>> -> memref<128x40xf32, #tpu.memory_space<vmem>>
        %dma_wait3A_328 = arith.constant 0 : i32
        %dma_wait3A_329 = arith.constant 0 : i32
        %dma_wait3A_330 = tpu.memref_slice %arg2[%dma_wait3A_328, %dma_wait3A_329] : memref<10000x40xf32, #tpu.memory_space<hbm>> -> memref<128x40xf32, #tpu.memory_space<hbm>>
        tpu.wait_dma2 semaphore(%arg31 : memref<!tpu.dma_semaphore, #tpu.memory_space<semaphore_mem>>) src(%dma_wait3A_330 : memref<128x40xf32, #tpu.memory_space<hbm>>) dst(%dma_wait3A_327 : memref<128x40xf32, #tpu.memory_space<vmem>>)
        %lt3A_331 = arith.constant 1000 : i32
        %lt3A_332 = arith.cmpi slt, %add3A_271, %lt3A_331 : i32
        %convert_element_type3A_333 = arith.extui %lt3A_332 : i1 to i32
        %cond3A_334 = arith.constant 0 : i32
        %cond3A_335 = arith.cmpi ne, %convert_element_type3A_333, %cond3A_334 : i32
        scf.if %cond3A_335 {
          %dma_start3A_387 = arith.constant 0 : i32
          %dma_start3A_388 = arith.constant 0 : i32
          %dma_start3A_389 = tpu.memref_slice %arg6[%add3A_271, %dma_start3A_387, %dma_start3A_388] : memref<1000x2x128xi32, #tpu.memory_space<hbm>> -> memref<1x2x128xi32, #tpu.memory_space<hbm>>
          %dma_start3A_390 = tpu.memref_squeeze %dma_start3A_389 : memref<1x2x128xi32, #tpu.memory_space<hbm>> -> memref<2x128xi32, #tpu.memory_space<hbm>>
          %dma_start3A_391 = arith.constant 0 : i32
          %dma_start3A_392 = arith.constant 0 : i32
          %dma_start3A_393 = tpu.memref_slice %arg6[%add3A_271, %dma_start3A_391, %dma_start3A_392] : memref<1000x2x128xi32, #tpu.memory_space<hbm>> -> memref<1x2x128xi32, #tpu.memory_space<hbm>>
          %dma_start3A_394 = tpu.memref_squeeze %dma_start3A_393 : memref<1x2x128xi32, #tpu.memory_space<hbm>> -> memref<2x128xi32, #tpu.memory_space<hbm>>
          tpu.enqueue_dma source(%dma_start3A_394 : memref<2x128xi32, #tpu.memory_space<hbm>>) target(%arg20 : memref<2x128xi32, #tpu.memory_space<vmem>>) target_semaphore(%arg29 : memref<!tpu.dma_semaphore, #tpu.memory_space<semaphore_mem>>)
        } else {
        }
        %ge3A_336 = arith.constant 1000 : i32
        %ge3A_337 = arith.cmpi sge, %add3A_271, %ge3A_336 : i32
        %convert_element_type3A_338 = arith.extui %ge3A_337 : i1 to i32
        %cond3A_339 = arith.constant 0 : i32
        %cond3A_340 = arith.cmpi ne, %convert_element_type3A_338, %cond3A_339 : i32
        scf.if %cond3A_340 {
          %sub3A_387 = arith.constant 1000 : i32
          %sub3A_388 = arith.subi %add3A_271, %sub3A_387 : i32
          %dma_start3A_389 = arith.constant 0 : i32
          %dma_start3A_390 = arith.constant 0 : i32
          %dma_start3A_391 = tpu.memref_slice %arg8[%sub3A_388, %dma_start3A_389, %dma_start3A_390] : memref<250x2x128xi32, #tpu.memory_space<hbm>> -> memref<1x2x128xi32, #tpu.memory_space<hbm>>
          %dma_start3A_392 = tpu.memref_squeeze %dma_start3A_391 : memref<1x2x128xi32, #tpu.memory_space<hbm>> -> memref<2x128xi32, #tpu.memory_space<hbm>>
          %dma_start3A_393 = arith.constant 0 : i32
          %dma_start3A_394 = arith.constant 0 : i32
          %dma_start3A_395 = tpu.memref_slice %arg8[%sub3A_388, %dma_start3A_393, %dma_start3A_394] : memref<250x2x128xi32, #tpu.memory_space<hbm>> -> memref<1x2x128xi32, #tpu.memory_space<hbm>>
          %dma_start3A_396 = tpu.memref_squeeze %dma_start3A_395 : memref<1x2x128xi32, #tpu.memory_space<hbm>> -> memref<2x128xi32, #tpu.memory_space<hbm>>
          tpu.enqueue_dma source(%dma_start3A_396 : memref<2x128xi32, #tpu.memory_space<hbm>>) target(%arg20 : memref<2x128xi32, #tpu.memory_space<vmem>>) target_semaphore(%arg29 : memref<!tpu.dma_semaphore, #tpu.memory_space<semaphore_mem>>)
        } else {
        }
        %add3A_341 = arith.constant 2 : i32
        %add3A_342 = arith.addi %add3A_270, %add3A_341 : i32
        %lt3A_343 = arith.cmpi slt, %add3A_342, %select_n3A : i32
        %convert_element_type3A_344 = arith.extui %lt3A_343 : i1 to i32
        %cond3A_345 = arith.constant 0 : i32
        %cond3A_346 = arith.cmpi ne, %convert_element_type3A_344, %cond3A_345 : i32
        scf.if %cond3A_346 {
          %add3A_387 = arith.constant 2 : i32
          %add3A_388 = arith.addi %add3A_271, %add3A_387 : i32
          %lt3A_389 = arith.constant 1000 : i32
          %lt3A_390 = arith.cmpi slt, %add3A_388, %lt3A_389 : i32
          %convert_element_type3A_391 = arith.extui %lt3A_390 : i1 to i32
          %cond3A_392 = arith.constant 0 : i32
          %cond3A_393 = arith.cmpi ne, %convert_element_type3A_391, %cond3A_392 : i32
          scf.if %cond3A_393 {
            %dma_start3A_399 = arith.constant 0 : i32
            %dma_start3A_400 = arith.constant 0 : i32
            %dma_start3A_401 = tpu.memref_slice %arg6[%add3A_388, %dma_start3A_399, %dma_start3A_400] : memref<1000x2x128xi32, #tpu.memory_space<hbm>> -> memref<1x2x128xi32, #tpu.memory_space<hbm>>
            %dma_start3A_402 = tpu.memref_squeeze %dma_start3A_401 : memref<1x2x128xi32, #tpu.memory_space<hbm>> -> memref<2x128xi32, #tpu.memory_space<hbm>>
            %dma_start3A_403 = arith.constant 0 : i32
            %dma_start3A_404 = arith.constant 0 : i32
            %dma_start3A_405 = tpu.memref_slice %arg6[%add3A_388, %dma_start3A_403, %dma_start3A_404] : memref<1000x2x128xi32, #tpu.memory_space<hbm>> -> memref<1x2x128xi32, #tpu.memory_space<hbm>>
            %dma_start3A_406 = tpu.memref_squeeze %dma_start3A_405 : memref<1x2x128xi32, #tpu.memory_space<hbm>> -> memref<2x128xi32, #tpu.memory_space<hbm>>
            tpu.enqueue_dma source(%dma_start3A_406 : memref<2x128xi32, #tpu.memory_space<hbm>>) target(%arg18 : memref<2x128xi32, #tpu.memory_space<vmem>>) target_semaphore(%arg27 : memref<!tpu.dma_semaphore, #tpu.memory_space<semaphore_mem>>)
            %dma_start3A_407 = arith.constant 0 : i32
            %dma_start3A_408 = arith.constant 0 : i32
            %dma_start3A_409 = tpu.memref_slice %arg7[%add3A_388, %dma_start3A_407, %dma_start3A_408] : memref<1000x2x128xi32, #tpu.memory_space<hbm>> -> memref<1x2x128xi32, #tpu.memory_space<hbm>>
            %dma_start3A_410 = tpu.memref_squeeze %dma_start3A_409 : memref<1x2x128xi32, #tpu.memory_space<hbm>> -> memref<2x128xi32, #tpu.memory_space<hbm>>
            %dma_start3A_411 = arith.constant 0 : i32
            %dma_start3A_412 = arith.constant 0 : i32
            %dma_start3A_413 = tpu.memref_slice %arg7[%add3A_388, %dma_start3A_411, %dma_start3A_412] : memref<1000x2x128xi32, #tpu.memory_space<hbm>> -> memref<1x2x128xi32, #tpu.memory_space<hbm>>
            %dma_start3A_414 = tpu.memref_squeeze %dma_start3A_413 : memref<1x2x128xi32, #tpu.memory_space<hbm>> -> memref<2x128xi32, #tpu.memory_space<hbm>>
            tpu.enqueue_dma source(%dma_start3A_414 : memref<2x128xi32, #tpu.memory_space<hbm>>) target(%arg19 : memref<2x128xi32, #tpu.memory_space<vmem>>) target_semaphore(%arg27 : memref<!tpu.dma_semaphore, #tpu.memory_space<semaphore_mem>>)
          } else {
          }
          %ge3A_394 = arith.constant 1000 : i32
          %ge3A_395 = arith.cmpi sge, %add3A_388, %ge3A_394 : i32
          %convert_element_type3A_396 = arith.extui %ge3A_395 : i1 to i32
          %cond3A_397 = arith.constant 0 : i32
          %cond3A_398 = arith.cmpi ne, %convert_element_type3A_396, %cond3A_397 : i32
          scf.if %cond3A_398 {
            %sub3A_399 = arith.constant 1000 : i32
            %sub3A_400 = arith.subi %add3A_388, %sub3A_399 : i32
            %dma_start3A_401 = arith.constant 0 : i32
            %dma_start3A_402 = arith.constant 0 : i32
            %dma_start3A_403 = tpu.memref_slice %arg8[%sub3A_400, %dma_start3A_401, %dma_start3A_402] : memref<250x2x128xi32, #tpu.memory_space<hbm>> -> memref<1x2x128xi32, #tpu.memory_space<hbm>>
            %dma_start3A_404 = tpu.memref_squeeze %dma_start3A_403 : memref<1x2x128xi32, #tpu.memory_space<hbm>> -> memref<2x128xi32, #tpu.memory_space<hbm>>
            %dma_start3A_405 = arith.constant 0 : i32
            %dma_start3A_406 = arith.constant 0 : i32
            %dma_start3A_407 = tpu.memref_slice %arg8[%sub3A_400, %dma_start3A_405, %dma_start3A_406] : memref<250x2x128xi32, #tpu.memory_space<hbm>> -> memref<1x2x128xi32, #tpu.memory_space<hbm>>
            %dma_start3A_408 = tpu.memref_squeeze %dma_start3A_407 : memref<1x2x128xi32, #tpu.memory_space<hbm>> -> memref<2x128xi32, #tpu.memory_space<hbm>>
            tpu.enqueue_dma source(%dma_start3A_408 : memref<2x128xi32, #tpu.memory_space<hbm>>) target(%arg18 : memref<2x128xi32, #tpu.memory_space<vmem>>) target_semaphore(%arg27 : memref<!tpu.dma_semaphore, #tpu.memory_space<semaphore_mem>>)
            %sub3A_409 = arith.constant 1000 : i32
            %sub3A_410 = arith.subi %add3A_388, %sub3A_409 : i32
            %dma_start3A_411 = arith.constant 0 : i32
            %dma_start3A_412 = arith.constant 0 : i32
            %dma_start3A_413 = tpu.memref_slice %arg9[%sub3A_410, %dma_start3A_411, %dma_start3A_412] : memref<250x2x128xi32, #tpu.memory_space<hbm>> -> memref<1x2x128xi32, #tpu.memory_space<hbm>>
            %dma_start3A_414 = tpu.memref_squeeze %dma_start3A_413 : memref<1x2x128xi32, #tpu.memory_space<hbm>> -> memref<2x128xi32, #tpu.memory_space<hbm>>
            %dma_start3A_415 = arith.constant 0 : i32
            %dma_start3A_416 = arith.constant 0 : i32
            %dma_start3A_417 = tpu.memref_slice %arg9[%sub3A_410, %dma_start3A_415, %dma_start3A_416] : memref<250x2x128xi32, #tpu.memory_space<hbm>> -> memref<1x2x128xi32, #tpu.memory_space<hbm>>
            %dma_start3A_418 = tpu.memref_squeeze %dma_start3A_417 : memref<1x2x128xi32, #tpu.memory_space<hbm>> -> memref<2x128xi32, #tpu.memory_space<hbm>>
            tpu.enqueue_dma source(%dma_start3A_418 : memref<2x128xi32, #tpu.memory_space<hbm>>) target(%arg19 : memref<2x128xi32, #tpu.memory_space<vmem>>) target_semaphore(%arg27 : memref<!tpu.dma_semaphore, #tpu.memory_space<semaphore_mem>>)
          } else {
          }
        } else {
        }
        %scan3A_347 = arith.constant 0 : i32
        %scan3A_348 = arith.constant 16 : i32
        %scan3A_349 = arith.addi %scan3A_347, %scan3A_348 : i32
        %scan3A_350 = arith.constant 1 : i32
        scf.for %scan3A_387 = %scan3A_347 to %scan3A_349 step %scan3A_350  : i32 {
          %mul3A_388 = arith.constant 1 : i32
          %mul3A_389 = arith.muli %scan3A_387, %mul3A_388 : i32
          %add3A_390 = arith.constant 0 : i32
          %add3A_391 = arith.addi %add3A_390, %mul3A_389 : i32
          %mul3A_392 = arith.constant 16 : i32
          %mul3A_393 = arith.muli %add3A_391, %mul3A_392 : i32
          %broadcast_in_dim3A_394 = vector.broadcast %mul3A_393 : i32 to vector<16xi32>
          %iota3A = tpu.iota {dimensions = array<i32: 0>} : vector<16xi32>
          %add3A_395 = arith.addi %broadcast_in_dim3A_394, %iota3A : vector<16xi32>
          %broadcast_in_dim3A_396 = arith.constant 32 : i32
          %broadcast_in_dim3A_397 = vector.broadcast %broadcast_in_dim3A_396 : i32 to vector<16xi32>
          %gather3A = tpu.vector_load_idx %arg21[%add3A_395, %broadcast_in_dim3A_397] : memref<256x40xf32, #tpu.memory_space<vmem>>[vector<16xi32>, vector<16xi32>], vector<16xf32>,
          %gather3A_398 = tpu.vector_load_idx %arg22[%add3A_395, %broadcast_in_dim3A_397] : memref<256x40xf32, #tpu.memory_space<vmem>>[vector<16xi32>, vector<16xi32>], vector<16xf32>,
          %gather3A_399 = tpu.vector_load_idx %arg23[%add3A_395, %broadcast_in_dim3A_397] : memref<256x40xf32, #tpu.memory_space<vmem>>[vector<16xi32>, vector<16xi32>], vector<16xf32>,
          %add3A_400 = arith.addf %gather3A, %gather3A_398 : vector<16xf32>
          %add3A_401 = arith.addf %add3A_400, %gather3A_399 : vector<16xf32>
          %mul3A_402 = arith.constant 2.000000e-01 : f32
          %mul3A_403 = vector.broadcast %mul3A_402 : f32 to vector<16xf32>
          %mul3A_404 = arith.mulf %mul3A_403, %add3A_401 : vector<16xf32>
          %max3A_405 = arith.maximumf %add3A_401, %mul3A_404 : vector<16xf32>
          %exp3A = math.exp %max3A_405 : vector<16xf32>
          tpu.vector_store_idx %arg24[%add3A_395, %broadcast_in_dim3A_397], %exp3A : memref<256x40xf32, #tpu.memory_space<vmem>>[vector<16xi32>, vector<16xi32>], vector<16xf32>,
          %broadcast_in_dim3A_406 = arith.constant 0 : i32
          %broadcast_in_dim3A_407 = vector.broadcast %broadcast_in_dim3A_406 : i32 to vector<16x1xi32>
          %gather3A_408 = vector.shape_cast %broadcast_in_dim3A_407 : vector<16x1xi32> to vector<16xi32>
          %gather3A_409 = tpu.dynamic_gather %exp3A[%gather3A_408] in [0] : vector<16xf32>, vector<16xi32> -> vector<16xf32>
          %add3A_410 = arith.constant 0 : i32
          %add3A_411 = arith.addi %mul3A_393, %add3A_410 : i32
          %get3A = arith.index_cast %add3A_411 : i32 to index
          %get3A_412 = arith.constant 0 : index
          %get3A_413 = tpu.vector_load %arg21[%get3A, %get3A_412] {strides = array<i32>} : memref<256x40xf32, #tpu.memory_space<vmem>>, vector<16xf32>,
          %get3A_414 = arith.index_cast %add3A_411 : i32 to index
          %get3A_415 = arith.constant 0 : index
          %get3A_416 = tpu.vector_load %arg22[%get3A_414, %get3A_415] {strides = array<i32>} : memref<256x40xf32, #tpu.memory_space<vmem>>, vector<16xf32>,
          %add3A_417 = arith.addf %get3A_413, %get3A_416 : vector<16xf32>
          %get3A_418 = arith.index_cast %add3A_411 : i32 to index
          %get3A_419 = arith.constant 0 : index
          %get3A_420 = tpu.vector_load %arg23[%get3A_418, %get3A_419] {strides = array<i32>} : memref<256x40xf32, #tpu.memory_space<vmem>>, vector<16xf32>,
          %add3A_421 = arith.addf %add3A_417, %get3A_420 : vector<16xf32>
          %get3A_422 = arith.index_cast %add3A_411 : i32 to index
          %get3A_423 = arith.constant 16 : index
          %get3A_424 = tpu.vector_load %arg21[%get3A_422, %get3A_423] {strides = array<i32>} : memref<256x40xf32, #tpu.memory_space<vmem>>, vector<16xf32>,
          %get3A_425 = arith.index_cast %add3A_411 : i32 to index
          %get3A_426 = arith.constant 16 : index
          %get3A_427 = tpu.vector_load %arg22[%get3A_425, %get3A_426] {strides = array<i32>} : memref<256x40xf32, #tpu.memory_space<vmem>>, vector<16xf32>,
          %add3A_428 = arith.addf %get3A_424, %get3A_427 : vector<16xf32>
          %get3A_429 = arith.index_cast %add3A_411 : i32 to index
          %get3A_430 = arith.constant 16 : index
          %get3A_431 = tpu.vector_load %arg23[%get3A_429, %get3A_430] {strides = array<i32>} : memref<256x40xf32, #tpu.memory_space<vmem>>, vector<16xf32>,
          %add3A_432 = arith.addf %add3A_428, %get3A_431 : vector<16xf32>
          %mul3A_433 = arith.mulf %gather3A_409, %add3A_421 : vector<16xf32>
          %swap3A = arith.index_cast %add3A_411 : i32 to index
          %swap3A_434 = arith.constant 0 : index
          %swap3A_435 = tpu.vector_load %arg24[%swap3A, %swap3A_434] {strides = array<i32>} : memref<256x40xf32, #tpu.memory_space<vmem>>, vector<16xf32>,
          tpu.vector_store %arg24[%swap3A, %swap3A_434], %mul3A_433 {strides = array<i32>} : memref<256x40xf32, #tpu.memory_space<vmem>>, vector<16xf32>,
          %mul3A_436 = arith.mulf %gather3A_409, %add3A_432 : vector<16xf32>
          %swap3A_437 = arith.index_cast %add3A_411 : i32 to index
          %swap3A_438 = arith.constant 16 : index
          %swap3A_439 = tpu.vector_load %arg24[%swap3A_437, %swap3A_438] {strides = array<i32>} : memref<256x40xf32, #tpu.memory_space<vmem>>, vector<16xf32>,
          tpu.vector_store %arg24[%swap3A_437, %swap3A_438], %mul3A_436 {strides = array<i32>} : memref<256x40xf32, #tpu.memory_space<vmem>>, vector<16xf32>,
          %broadcast_in_dim3A_440 = arith.constant 1 : i32
          %broadcast_in_dim3A_441 = vector.broadcast %broadcast_in_dim3A_440 : i32 to vector<16x1xi32>
          %gather3A_442 = vector.shape_cast %broadcast_in_dim3A_441 : vector<16x1xi32> to vector<16xi32>
          %gather3A_443 = tpu.dynamic_gather %exp3A[%gather3A_442] in [0] : vector<16xf32>, vector<16xi32> -> vector<16xf32>
          %add3A_444 = arith.constant 1 : i32
          %add3A_445 = arith.addi %mul3A_393, %add3A_444 : i32
          %get3A_446 = arith.index_cast %add3A_445 : i32 to index
          %get3A_447 = arith.constant 0 : index
          %get3A_448 = tpu.vector_load %arg21[%get3A_446, %get3A_447] {strides = array<i32>} : memref<256x40xf32, #tpu.memory_space<vmem>>, vector<16xf32>,
          %get3A_449 = arith.index_cast %add3A_445 : i32 to index
          %get3A_450 = arith.constant 0 : index
          %get3A_451 = tpu.vector_load %arg22[%get3A_449, %get3A_450] {strides = array<i32>} : memref<256x40xf32, #tpu.memory_space<vmem>>, vector<16xf32>,
          %add3A_452 = arith.addf %get3A_448, %get3A_451 : vector<16xf32>
          %get3A_453 = arith.index_cast %add3A_445 : i32 to index
          %get3A_454 = arith.constant 0 : index
          %get3A_455 = tpu.vector_load %arg23[%get3A_453, %get3A_454] {strides = array<i32>} : memref<256x40xf32, #tpu.memory_space<vmem>>, vector<16xf32>,
          %add3A_456 = arith.addf %add3A_452, %get3A_455 : vector<16xf32>
          %get3A_457 = arith.index_cast %add3A_445 : i32 to index
          %get3A_458 = arith.constant 16 : index
          %get3A_459 = tpu.vector_load %arg21[%get3A_457, %get3A_458] {strides = array<i32>} : memref<256x40xf32, #tpu.memory_space<vmem>>, vector<16xf32>,
          %get3A_460 = arith.index_cast %add3A_445 : i32 to index
          %get3A_461 = arith.constant 16 : index
          %get3A_462 = tpu.vector_load %arg22[%get3A_460, %get3A_461] {strides = array<i32>} : memref<256x40xf32, #tpu.memory_space<vmem>>, vector<16xf32>,
          %add3A_463 = arith.addf %get3A_459, %get3A_462 : vector<16xf32>
          %get3A_464 = arith.index_cast %add3A_445 : i32 to index
          %get3A_465 = arith.constant 16 : index
          %get3A_466 = tpu.vector_load %arg23[%get3A_464, %get3A_465] {strides = array<i32>} : memref<256x40xf32, #tpu.memory_space<vmem>>, vector<16xf32>,
          %add3A_467 = arith.addf %add3A_463, %get3A_466 : vector<16xf32>
          %mul3A_468 = arith.mulf %gather3A_443, %add3A_456 : vector<16xf32>
          %swap3A_469 = arith.index_cast %add3A_445 : i32 to index
          %swap3A_470 = arith.constant 0 : index
          %swap3A_471 = tpu.vector_load %arg24[%swap3A_469, %swap3A_470] {strides = array<i32>} : memref<256x40xf32, #tpu.memory_space<vmem>>, vector<16xf32>,
          tpu.vector_store %arg24[%swap3A_469, %swap3A_470], %mul3A_468 {strides = array<i32>} : memref<256x40xf32, #tpu.memory_space<vmem>>, vector<16xf32>,
          %mul3A_472 = arith.mulf %gather3A_443, %add3A_467 : vector<16xf32>
          %swap3A_473 = arith.index_cast %add3A_445 : i32 to index
          %swap3A_474 = arith.constant 16 : index
          %swap3A_475 = tpu.vector_load %arg24[%swap3A_473, %swap3A_474] {strides = array<i32>} : memref<256x40xf32, #tpu.memory_space<vmem>>, vector<16xf32>,
          tpu.vector_store %arg24[%swap3A_473, %swap3A_474], %mul3A_472 {strides = array<i32>} : memref<256x40xf32, #tpu.memory_space<vmem>>, vector<16xf32>,
          %broadcast_in_dim3A_476 = arith.constant 2 : i32
          %broadcast_in_dim3A_477 = vector.broadcast %broadcast_in_dim3A_476 : i32 to vector<16x1xi32>
          %gather3A_478 = vector.shape_cast %broadcast_in_dim3A_477 : vector<16x1xi32> to vector<16xi32>
          %gather3A_479 = tpu.dynamic_gather %exp3A[%gather3A_478] in [0] : vector<16xf32>, vector<16xi32> -> vector<16xf32>
          %add3A_480 = arith.constant 2 : i32
          %add3A_481 = arith.addi %mul3A_393, %add3A_480 : i32
          %get3A_482 = arith.index_cast %add3A_481 : i32 to index
          %get3A_483 = arith.constant 0 : index
          %get3A_484 = tpu.vector_load %arg21[%get3A_482, %get3A_483] {strides = array<i32>} : memref<256x40xf32, #tpu.memory_space<vmem>>, vector<16xf32>,
          %get3A_485 = arith.index_cast %add3A_481 : i32 to index
          %get3A_486 = arith.constant 0 : index
          %get3A_487 = tpu.vector_load %arg22[%get3A_485, %get3A_486] {strides = array<i32>} : memref<256x40xf32, #tpu.memory_space<vmem>>, vector<16xf32>,
          %add3A_488 = arith.addf %get3A_484, %get3A_487 : vector<16xf32>
          %get3A_489 = arith.index_cast %add3A_481 : i32 to index
          %get3A_490 = arith.constant 0 : index
          %get3A_491 = tpu.vector_load %arg23[%get3A_489, %get3A_490] {strides = array<i32>} : memref<256x40xf32, #tpu.memory_space<vmem>>, vector<16xf32>,
          %add3A_492 = arith.addf %add3A_488, %get3A_491 : vector<16xf32>
          %get3A_493 = arith.index_cast %add3A_481 : i32 to index
          %get3A_494 = arith.constant 16 : index
          %get3A_495 = tpu.vector_load %arg21[%get3A_493, %get3A_494] {strides = array<i32>} : memref<256x40xf32, #tpu.memory_space<vmem>>, vector<16xf32>,
          %get3A_496 = arith.index_cast %add3A_481 : i32 to index
          %get3A_497 = arith.constant 16 : index
          %get3A_498 = tpu.vector_load %arg22[%get3A_496, %get3A_497] {strides = array<i32>} : memref<256x40xf32, #tpu.memory_space<vmem>>, vector<16xf32>,
          %add3A_499 = arith.addf %get3A_495, %get3A_498 : vector<16xf32>
          %get3A_500 = arith.index_cast %add3A_481 : i32 to index
          %get3A_501 = arith.constant 16 : index
          %get3A_502 = tpu.vector_load %arg23[%get3A_500, %get3A_501] {strides = array<i32>} : memref<256x40xf32, #tpu.memory_space<vmem>>, vector<16xf32>,
          %add3A_503 = arith.addf %add3A_499, %get3A_502 : vector<16xf32>
          %mul3A_504 = arith.mulf %gather3A_479, %add3A_492 : vector<16xf32>
          %swap3A_505 = arith.index_cast %add3A_481 : i32 to index
          %swap3A_506 = arith.constant 0 : index
          %swap3A_507 = tpu.vector_load %arg24[%swap3A_505, %swap3A_506] {strides = array<i32>} : memref<256x40xf32, #tpu.memory_space<vmem>>, vector<16xf32>,
          tpu.vector_store %arg24[%swap3A_505, %swap3A_506], %mul3A_504 {strides = array<i32>} : memref<256x40xf32, #tpu.memory_space<vmem>>, vector<16xf32>,
          %mul3A_508 = arith.mulf %gather3A_479, %add3A_503 : vector<16xf32>
          %swap3A_509 = arith.index_cast %add3A_481 : i32 to index
          %swap3A_510 = arith.constant 16 : index
          %swap3A_511 = tpu.vector_load %arg24[%swap3A_509, %swap3A_510] {strides = array<i32>} : memref<256x40xf32, #tpu.memory_space<vmem>>, vector<16xf32>,
          tpu.vector_store %arg24[%swap3A_509, %swap3A_510], %mul3A_508 {strides = array<i32>} : memref<256x40xf32, #tpu.memory_space<vmem>>, vector<16xf32>,
          %broadcast_in_dim3A_512 = arith.constant 3 : i32
          %broadcast_in_dim3A_513 = vector.broadcast %broadcast_in_dim3A_512 : i32 to vector<16x1xi32>
          %gather3A_514 = vector.shape_cast %broadcast_in_dim3A_513 : vector<16x1xi32> to vector<16xi32>
          %gather3A_515 = tpu.dynamic_gather %exp3A[%gather3A_514] in [0] : vector<16xf32>, vector<16xi32> -> vector<16xf32>
          %add3A_516 = arith.constant 3 : i32
          %add3A_517 = arith.addi %mul3A_393, %add3A_516 : i32
          %get3A_518 = arith.index_cast %add3A_517 : i32 to index
          %get3A_519 = arith.constant 0 : index
          %get3A_520 = tpu.vector_load %arg21[%get3A_518, %get3A_519] {strides = array<i32>} : memref<256x40xf32, #tpu.memory_space<vmem>>, vector<16xf32>,
          %get3A_521 = arith.index_cast %add3A_517 : i32 to index
          %get3A_522 = arith.constant 0 : index
          %get3A_523 = tpu.vector_load %arg22[%get3A_521, %get3A_522] {strides = array<i32>} : memref<256x40xf32, #tpu.memory_space<vmem>>, vector<16xf32>,
          %add3A_524 = arith.addf %get3A_520, %get3A_523 : vector<16xf32>
          %get3A_525 = arith.index_cast %add3A_517 : i32 to index
          %get3A_526 = arith.constant 0 : index
          %get3A_527 = tpu.vector_load %arg23[%get3A_525, %get3A_526] {strides = array<i32>} : memref<256x40xf32, #tpu.memory_space<vmem>>, vector<16xf32>,
          %add3A_528 = arith.addf %add3A_524, %get3A_527 : vector<16xf32>
          %get3A_529 = arith.index_cast %add3A_517 : i32 to index
          %get3A_530 = arith.constant 16 : index
          %get3A_531 = tpu.vector_load %arg21[%get3A_529, %get3A_530] {strides = array<i32>} : memref<256x40xf32, #tpu.memory_space<vmem>>, vector<16xf32>,
          %get3A_532 = arith.index_cast %add3A_517 : i32 to index
          %get3A_533 = arith.constant 16 : index
          %get3A_534 = tpu.vector_load %arg22[%get3A_532, %get3A_533] {strides = array<i32>} : memref<256x40xf32, #tpu.memory_space<vmem>>, vector<16xf32>,
          %add3A_535 = arith.addf %get3A_531, %get3A_534 : vector<16xf32>
          %get3A_536 = arith.index_cast %add3A_517 : i32 to index
          %get3A_537 = arith.constant 16 : index
          %get3A_538 = tpu.vector_load %arg23[%get3A_536, %get3A_537] {strides = array<i32>} : memref<256x40xf32, #tpu.memory_space<vmem>>, vector<16xf32>,
          %add3A_539 = arith.addf %add3A_535, %get3A_538 : vector<16xf32>
          %mul3A_540 = arith.mulf %gather3A_515, %add3A_528 : vector<16xf32>
          %swap3A_541 = arith.index_cast %add3A_517 : i32 to index
          %swap3A_542 = arith.constant 0 : index
          %swap3A_543 = tpu.vector_load %arg24[%swap3A_541, %swap3A_542] {strides = array<i32>} : memref<256x40xf32, #tpu.memory_space<vmem>>, vector<16xf32>,
          tpu.vector_store %arg24[%swap3A_541, %swap3A_542], %mul3A_540 {strides = array<i32>} : memref<256x40xf32, #tpu.memory_space<vmem>>, vector<16xf32>,
          %mul3A_544 = arith.mulf %gather3A_515, %add3A_539 : vector<16xf32>
          %swap3A_545 = arith.index_cast %add3A_517 : i32 to index
          %swap3A_546 = arith.constant 16 : index
          %swap3A_547 = tpu.vector_load %arg24[%swap3A_545, %swap3A_546] {strides = array<i32>} : memref<256x40xf32, #tpu.memory_space<vmem>>, vector<16xf32>,
          tpu.vector_store %arg24[%swap3A_545, %swap3A_546], %mul3A_544 {strides = array<i32>} : memref<256x40xf32, #tpu.memory_space<vmem>>, vector<16xf32>,
          %broadcast_in_dim3A_548 = arith.constant 4 : i32
          %broadcast_in_dim3A_549 = vector.broadcast %broadcast_in_dim3A_548 : i32 to vector<16x1xi32>
          %gather3A_550 = vector.shape_cast %broadcast_in_dim3A_549 : vector<16x1xi32> to vector<16xi32>
          %gather3A_551 = tpu.dynamic_gather %exp3A[%gather3A_550] in [0] : vector<16xf32>, vector<16xi32> -> vector<16xf32>
          %add3A_552 = arith.constant 4 : i32
          %add3A_553 = arith.addi %mul3A_393, %add3A_552 : i32
          %get3A_554 = arith.index_cast %add3A_553 : i32 to index
          %get3A_555 = arith.constant 0 : index
          %get3A_556 = tpu.vector_load %arg21[%get3A_554, %get3A_555] {strides = array<i32>} : memref<256x40xf32, #tpu.memory_space<vmem>>, vector<16xf32>,
          %get3A_557 = arith.index_cast %add3A_553 : i32 to index
          %get3A_558 = arith.constant 0 : index
          %get3A_559 = tpu.vector_load %arg22[%get3A_557, %get3A_558] {strides = array<i32>} : memref<256x40xf32, #tpu.memory_space<vmem>>, vector<16xf32>,
          %add3A_560 = arith.addf %get3A_556, %get3A_559 : vector<16xf32>
          %get3A_561 = arith.index_cast %add3A_553 : i32 to index
          %get3A_562 = arith.constant 0 : index
          %get3A_563 = tpu.vector_load %arg23[%get3A_561, %get3A_562] {strides = array<i32>} : memref<256x40xf32, #tpu.memory_space<vmem>>, vector<16xf32>,
          %add3A_564 = arith.addf %add3A_560, %get3A_563 : vector<16xf32>
          %get3A_565 = arith.index_cast %add3A_553 : i32 to index
          %get3A_566 = arith.constant 16 : index
          %get3A_567 = tpu.vector_load %arg21[%get3A_565, %get3A_566] {strides = array<i32>} : memref<256x40xf32, #tpu.memory_space<vmem>>, vector<16xf32>,
          %get3A_568 = arith.index_cast %add3A_553 : i32 to index
          %get3A_569 = arith.constant 16 : index
          %get3A_570 = tpu.vector_load %arg22[%get3A_568, %get3A_569] {strides = array<i32>} : memref<256x40xf32, #tpu.memory_space<vmem>>, vector<16xf32>,
          %add3A_571 = arith.addf %get3A_567, %get3A_570 : vector<16xf32>
          %get3A_572 = arith.index_cast %add3A_553 : i32 to index
          %get3A_573 = arith.constant 16 : index
          %get3A_574 = tpu.vector_load %arg23[%get3A_572, %get3A_573] {strides = array<i32>} : memref<256x40xf32, #tpu.memory_space<vmem>>, vector<16xf32>,
          %add3A_575 = arith.addf %add3A_571, %get3A_574 : vector<16xf32>
          %mul3A_576 = arith.mulf %gather3A_551, %add3A_564 : vector<16xf32>
          %swap3A_577 = arith.index_cast %add3A_553 : i32 to index
          %swap3A_578 = arith.constant 0 : index
          %swap3A_579 = tpu.vector_load %arg24[%swap3A_577, %swap3A_578] {strides = array<i32>} : memref<256x40xf32, #tpu.memory_space<vmem>>, vector<16xf32>,
          tpu.vector_store %arg24[%swap3A_577, %swap3A_578], %mul3A_576 {strides = array<i32>} : memref<256x40xf32, #tpu.memory_space<vmem>>, vector<16xf32>,
          %mul3A_580 = arith.mulf %gather3A_551, %add3A_575 : vector<16xf32>
          %swap3A_581 = arith.index_cast %add3A_553 : i32 to index
          %swap3A_582 = arith.constant 16 : index
          %swap3A_583 = tpu.vector_load %arg24[%swap3A_581, %swap3A_582] {strides = array<i32>} : memref<256x40xf32, #tpu.memory_space<vmem>>, vector<16xf32>,
          tpu.vector_store %arg24[%swap3A_581, %swap3A_582], %mul3A_580 {strides = array<i32>} : memref<256x40xf32, #tpu.memory_space<vmem>>, vector<16xf32>,
          %broadcast_in_dim3A_584 = arith.constant 5 : i32
          %broadcast_in_dim3A_585 = vector.broadcast %broadcast_in_dim3A_584 : i32 to vector<16x1xi32>
          %gather3A_586 = vector.shape_cast %broadcast_in_dim3A_585 : vector<16x1xi32> to vector<16xi32>
          %gather3A_587 = tpu.dynamic_gather %exp3A[%gather3A_586] in [0] : vector<16xf32>, vector<16xi32> -> vector<16xf32>
          %add3A_588 = arith.constant 5 : i32
          %add3A_589 = arith.addi %mul3A_393, %add3A_588 : i32
          %get3A_590 = arith.index_cast %add3A_589 : i32 to index
          %get3A_591 = arith.constant 0 : index
          %get3A_592 = tpu.vector_load %arg21[%get3A_590, %get3A_591] {strides = array<i32>} : memref<256x40xf32, #tpu.memory_space<vmem>>, vector<16xf32>,
          %get3A_593 = arith.index_cast %add3A_589 : i32 to index
          %get3A_594 = arith.constant 0 : index
          %get3A_595 = tpu.vector_load %arg22[%get3A_593, %get3A_594] {strides = array<i32>} : memref<256x40xf32, #tpu.memory_space<vmem>>, vector<16xf32>,
          %add3A_596 = arith.addf %get3A_592, %get3A_595 : vector<16xf32>
          %get3A_597 = arith.index_cast %add3A_589 : i32 to index
          %get3A_598 = arith.constant 0 : index
          %get3A_599 = tpu.vector_load %arg23[%get3A_597, %get3A_598] {strides = array<i32>} : memref<256x40xf32, #tpu.memory_space<vmem>>, vector<16xf32>,
          %add3A_600 = arith.addf %add3A_596, %get3A_599 : vector<16xf32>
          %get3A_601 = arith.index_cast %add3A_589 : i32 to index
          %get3A_602 = arith.constant 16 : index
          %get3A_603 = tpu.vector_load %arg21[%get3A_601, %get3A_602] {strides = array<i32>} : memref<256x40xf32, #tpu.memory_space<vmem>>, vector<16xf32>,
          %get3A_604 = arith.index_cast %add3A_589 : i32 to index
          %get3A_605 = arith.constant 16 : index
          %get3A_606 = tpu.vector_load %arg22[%get3A_604, %get3A_605] {strides = array<i32>} : memref<256x40xf32, #tpu.memory_space<vmem>>, vector<16xf32>,
          %add3A_607 = arith.addf %get3A_603, %get3A_606 : vector<16xf32>
          %get3A_608 = arith.index_cast %add3A_589 : i32 to index
          %get3A_609 = arith.constant 16 : index
          %get3A_610 = tpu.vector_load %arg23[%get3A_608, %get3A_609] {strides = array<i32>} : memref<256x40xf32, #tpu.memory_space<vmem>>, vector<16xf32>,
          %add3A_611 = arith.addf %add3A_607, %get3A_610 : vector<16xf32>
          %mul3A_612 = arith.mulf %gather3A_587, %add3A_600 : vector<16xf32>
          %swap3A_613 = arith.index_cast %add3A_589 : i32 to index
          %swap3A_614 = arith.constant 0 : index
          %swap3A_615 = tpu.vector_load %arg24[%swap3A_613, %swap3A_614] {strides = array<i32>} : memref<256x40xf32, #tpu.memory_space<vmem>>, vector<16xf32>,
          tpu.vector_store %arg24[%swap3A_613, %swap3A_614], %mul3A_612 {strides = array<i32>} : memref<256x40xf32, #tpu.memory_space<vmem>>, vector<16xf32>,
          %mul3A_616 = arith.mulf %gather3A_587, %add3A_611 : vector<16xf32>
          %swap3A_617 = arith.index_cast %add3A_589 : i32 to index
          %swap3A_618 = arith.constant 16 : index
          %swap3A_619 = tpu.vector_load %arg24[%swap3A_617, %swap3A_618] {strides = array<i32>} : memref<256x40xf32, #tpu.memory_space<vmem>>, vector<16xf32>,
          tpu.vector_store %arg24[%swap3A_617, %swap3A_618], %mul3A_616 {strides = array<i32>} : memref<256x40xf32, #tpu.memory_space<vmem>>, vector<16xf32>,
          %broadcast_in_dim3A_620 = arith.constant 6 : i32
          %broadcast_in_dim3A_621 = vector.broadcast %broadcast_in_dim3A_620 : i32 to vector<16x1xi32>
          %gather3A_622 = vector.shape_cast %broadcast_in_dim3A_621 : vector<16x1xi32> to vector<16xi32>
          %gather3A_623 = tpu.dynamic_gather %exp3A[%gather3A_622] in [0] : vector<16xf32>, vector<16xi32> -> vector<16xf32>
          %add3A_624 = arith.constant 6 : i32
          %add3A_625 = arith.addi %mul3A_393, %add3A_624 : i32
          %get3A_626 = arith.index_cast %add3A_625 : i32 to index
          %get3A_627 = arith.constant 0 : index
          %get3A_628 = tpu.vector_load %arg21[%get3A_626, %get3A_627] {strides = array<i32>} : memref<256x40xf32, #tpu.memory_space<vmem>>, vector<16xf32>,
          %get3A_629 = arith.index_cast %add3A_625 : i32 to index
          %get3A_630 = arith.constant 0 : index
          %get3A_631 = tpu.vector_load %arg22[%get3A_629, %get3A_630] {strides = array<i32>} : memref<256x40xf32, #tpu.memory_space<vmem>>, vector<16xf32>,
          %add3A_632 = arith.addf %get3A_628, %get3A_631 : vector<16xf32>
          %get3A_633 = arith.index_cast %add3A_625 : i32 to index
          %get3A_634 = arith.constant 0 : index
          %get3A_635 = tpu.vector_load %arg23[%get3A_633, %get3A_634] {strides = array<i32>} : memref<256x40xf32, #tpu.memory_space<vmem>>, vector<16xf32>,
          %add3A_636 = arith.addf %add3A_632, %get3A_635 : vector<16xf32>
          %get3A_637 = arith.index_cast %add3A_625 : i32 to index
          %get3A_638 = arith.constant 16 : index
          %get3A_639 = tpu.vector_load %arg21[%get3A_637, %get3A_638] {strides = array<i32>} : memref<256x40xf32, #tpu.memory_space<vmem>>, vector<16xf32>,
          %get3A_640 = arith.index_cast %add3A_625 : i32 to index
          %get3A_641 = arith.constant 16 : index
          %get3A_642 = tpu.vector_load %arg22[%get3A_640, %get3A_641] {strides = array<i32>} : memref<256x40xf32, #tpu.memory_space<vmem>>, vector<16xf32>,
          %add3A_643 = arith.addf %get3A_639, %get3A_642 : vector<16xf32>
          %get3A_644 = arith.index_cast %add3A_625 : i32 to index
          %get3A_645 = arith.constant 16 : index
          %get3A_646 = tpu.vector_load %arg23[%get3A_644, %get3A_645] {strides = array<i32>} : memref<256x40xf32, #tpu.memory_space<vmem>>, vector<16xf32>,
          %add3A_647 = arith.addf %add3A_643, %get3A_646 : vector<16xf32>
          %mul3A_648 = arith.mulf %gather3A_623, %add3A_636 : vector<16xf32>
          %swap3A_649 = arith.index_cast %add3A_625 : i32 to index
          %swap3A_650 = arith.constant 0 : index
          %swap3A_651 = tpu.vector_load %arg24[%swap3A_649, %swap3A_650] {strides = array<i32>} : memref<256x40xf32, #tpu.memory_space<vmem>>, vector<16xf32>,
          tpu.vector_store %arg24[%swap3A_649, %swap3A_650], %mul3A_648 {strides = array<i32>} : memref<256x40xf32, #tpu.memory_space<vmem>>, vector<16xf32>,
          %mul3A_652 = arith.mulf %gather3A_623, %add3A_647 : vector<16xf32>
          %swap3A_653 = arith.index_cast %add3A_625 : i32 to index
          %swap3A_654 = arith.constant 16 : index
          %swap3A_655 = tpu.vector_load %arg24[%swap3A_653, %swap3A_654] {strides = array<i32>} : memref<256x40xf32, #tpu.memory_space<vmem>>, vector<16xf32>,
          tpu.vector_store %arg24[%swap3A_653, %swap3A_654], %mul3A_652 {strides = array<i32>} : memref<256x40xf32, #tpu.memory_space<vmem>>, vector<16xf32>,
          %broadcast_in_dim3A_656 = arith.constant 7 : i32
          %broadcast_in_dim3A_657 = vector.broadcast %broadcast_in_dim3A_656 : i32 to vector<16x1xi32>
          %gather3A_658 = vector.shape_cast %broadcast_in_dim3A_657 : vector<16x1xi32> to vector<16xi32>
          %gather3A_659 = tpu.dynamic_gather %exp3A[%gather3A_658] in [0] : vector<16xf32>, vector<16xi32> -> vector<16xf32>
          %add3A_660 = arith.constant 7 : i32
          %add3A_661 = arith.addi %mul3A_393, %add3A_660 : i32
          %get3A_662 = arith.index_cast %add3A_661 : i32 to index
          %get3A_663 = arith.constant 0 : index
          %get3A_664 = tpu.vector_load %arg21[%get3A_662, %get3A_663] {strides = array<i32>} : memref<256x40xf32, #tpu.memory_space<vmem>>, vector<16xf32>,
          %get3A_665 = arith.index_cast %add3A_661 : i32 to index
          %get3A_666 = arith.constant 0 : index
          %get3A_667 = tpu.vector_load %arg22[%get3A_665, %get3A_666] {strides = array<i32>} : memref<256x40xf32, #tpu.memory_space<vmem>>, vector<16xf32>,
          %add3A_668 = arith.addf %get3A_664, %get3A_667 : vector<16xf32>
          %get3A_669 = arith.index_cast %add3A_661 : i32 to index
          %get3A_670 = arith.constant 0 : index
          %get3A_671 = tpu.vector_load %arg23[%get3A_669, %get3A_670] {strides = array<i32>} : memref<256x40xf32, #tpu.memory_space<vmem>>, vector<16xf32>,
          %add3A_672 = arith.addf %add3A_668, %get3A_671 : vector<16xf32>
          %get3A_673 = arith.index_cast %add3A_661 : i32 to index
          %get3A_674 = arith.constant 16 : index
          %get3A_675 = tpu.vector_load %arg21[%get3A_673, %get3A_674] {strides = array<i32>} : memref<256x40xf32, #tpu.memory_space<vmem>>, vector<16xf32>,
          %get3A_676 = arith.index_cast %add3A_661 : i32 to index
          %get3A_677 = arith.constant 16 : index
          %get3A_678 = tpu.vector_load %arg22[%get3A_676, %get3A_677] {strides = array<i32>} : memref<256x40xf32, #tpu.memory_space<vmem>>, vector<16xf32>,
          %add3A_679 = arith.addf %get3A_675, %get3A_678 : vector<16xf32>
          %get3A_680 = arith.index_cast %add3A_661 : i32 to index
          %get3A_681 = arith.constant 16 : index
          %get3A_682 = tpu.vector_load %arg23[%get3A_680, %get3A_681] {strides = array<i32>} : memref<256x40xf32, #tpu.memory_space<vmem>>, vector<16xf32>,
          %add3A_683 = arith.addf %add3A_679, %get3A_682 : vector<16xf32>
          %mul3A_684 = arith.mulf %gather3A_659, %add3A_672 : vector<16xf32>
          %swap3A_685 = arith.index_cast %add3A_661 : i32 to index
          %swap3A_686 = arith.constant 0 : index
          %swap3A_687 = tpu.vector_load %arg24[%swap3A_685, %swap3A_686] {strides = array<i32>} : memref<256x40xf32, #tpu.memory_space<vmem>>, vector<16xf32>,
          tpu.vector_store %arg24[%swap3A_685, %swap3A_686], %mul3A_684 {strides = array<i32>} : memref<256x40xf32, #tpu.memory_space<vmem>>, vector<16xf32>,
          %mul3A_688 = arith.mulf %gather3A_659, %add3A_683 : vector<16xf32>
          %swap3A_689 = arith.index_cast %add3A_661 : i32 to index
          %swap3A_690 = arith.constant 16 : index
          %swap3A_691 = tpu.vector_load %arg24[%swap3A_689, %swap3A_690] {strides = array<i32>} : memref<256x40xf32, #tpu.memory_space<vmem>>, vector<16xf32>,
          tpu.vector_store %arg24[%swap3A_689, %swap3A_690], %mul3A_688 {strides = array<i32>} : memref<256x40xf32, #tpu.memory_space<vmem>>, vector<16xf32>,
          %broadcast_in_dim3A_692 = arith.constant 8 : i32
          %broadcast_in_dim3A_693 = vector.broadcast %broadcast_in_dim3A_692 : i32 to vector<16x1xi32>
          %gather3A_694 = vector.shape_cast %broadcast_in_dim3A_693 : vector<16x1xi32> to vector<16xi32>
          %gather3A_695 = tpu.dynamic_gather %exp3A[%gather3A_694] in [0] : vector<16xf32>, vector<16xi32> -> vector<16xf32>
          %add3A_696 = arith.constant 8 : i32
          %add3A_697 = arith.addi %mul3A_393, %add3A_696 : i32
          %get3A_698 = arith.index_cast %add3A_697 : i32 to index
          %get3A_699 = arith.constant 0 : index
          %get3A_700 = tpu.vector_load %arg21[%get3A_698, %get3A_699] {strides = array<i32>} : memref<256x40xf32, #tpu.memory_space<vmem>>, vector<16xf32>,
          %get3A_701 = arith.index_cast %add3A_697 : i32 to index
          %get3A_702 = arith.constant 0 : index
          %get3A_703 = tpu.vector_load %arg22[%get3A_701, %get3A_702] {strides = array<i32>} : memref<256x40xf32, #tpu.memory_space<vmem>>, vector<16xf32>,
          %add3A_704 = arith.addf %get3A_700, %get3A_703 : vector<16xf32>
          %get3A_705 = arith.index_cast %add3A_697 : i32 to index
          %get3A_706 = arith.constant 0 : index
          %get3A_707 = tpu.vector_load %arg23[%get3A_705, %get3A_706] {strides = array<i32>} : memref<256x40xf32, #tpu.memory_space<vmem>>, vector<16xf32>,
          %add3A_708 = arith.addf %add3A_704, %get3A_707 : vector<16xf32>
          %get3A_709 = arith.index_cast %add3A_697 : i32 to index
          %get3A_710 = arith.constant 16 : index
          %get3A_711 = tpu.vector_load %arg21[%get3A_709, %get3A_710] {strides = array<i32>} : memref<256x40xf32, #tpu.memory_space<vmem>>, vector<16xf32>,
          %get3A_712 = arith.index_cast %add3A_697 : i32 to index
          %get3A_713 = arith.constant 16 : index
          %get3A_714 = tpu.vector_load %arg22[%get3A_712, %get3A_713] {strides = array<i32>} : memref<256x40xf32, #tpu.memory_space<vmem>>, vector<16xf32>,
          %add3A_715 = arith.addf %get3A_711, %get3A_714 : vector<16xf32>
          %get3A_716 = arith.index_cast %add3A_697 : i32 to index
          %get3A_717 = arith.constant 16 : index
          %get3A_718 = tpu.vector_load %arg23[%get3A_716, %get3A_717] {strides = array<i32>} : memref<256x40xf32, #tpu.memory_space<vmem>>, vector<16xf32>,
          %add3A_719 = arith.addf %add3A_715, %get3A_718 : vector<16xf32>
          %mul3A_720 = arith.mulf %gather3A_695, %add3A_708 : vector<16xf32>
          %swap3A_721 = arith.index_cast %add3A_697 : i32 to index
          %swap3A_722 = arith.constant 0 : index
          %swap3A_723 = tpu.vector_load %arg24[%swap3A_721, %swap3A_722] {strides = array<i32>} : memref<256x40xf32, #tpu.memory_space<vmem>>, vector<16xf32>,
          tpu.vector_store %arg24[%swap3A_721, %swap3A_722], %mul3A_720 {strides = array<i32>} : memref<256x40xf32, #tpu.memory_space<vmem>>, vector<16xf32>,
          %mul3A_724 = arith.mulf %gather3A_695, %add3A_719 : vector<16xf32>
          %swap3A_725 = arith.index_cast %add3A_697 : i32 to index
          %swap3A_726 = arith.constant 16 : index
          %swap3A_727 = tpu.vector_load %arg24[%swap3A_725, %swap3A_726] {strides = array<i32>} : memref<256x40xf32, #tpu.memory_space<vmem>>, vector<16xf32>,
          tpu.vector_store %arg24[%swap3A_725, %swap3A_726], %mul3A_724 {strides = array<i32>} : memref<256x40xf32, #tpu.memory_space<vmem>>, vector<16xf32>,
          %broadcast_in_dim3A_728 = arith.constant 9 : i32
          %broadcast_in_dim3A_729 = vector.broadcast %broadcast_in_dim3A_728 : i32 to vector<16x1xi32>
          %gather3A_730 = vector.shape_cast %broadcast_in_dim3A_729 : vector<16x1xi32> to vector<16xi32>
          %gather3A_731 = tpu.dynamic_gather %exp3A[%gather3A_730] in [0] : vector<16xf32>, vector<16xi32> -> vector<16xf32>
          %add3A_732 = arith.constant 9 : i32
          %add3A_733 = arith.addi %mul3A_393, %add3A_732 : i32
          %get3A_734 = arith.index_cast %add3A_733 : i32 to index
          %get3A_735 = arith.constant 0 : index
          %get3A_736 = tpu.vector_load %arg21[%get3A_734, %get3A_735] {strides = array<i32>} : memref<256x40xf32, #tpu.memory_space<vmem>>, vector<16xf32>,
          %get3A_737 = arith.index_cast %add3A_733 : i32 to index
          %get3A_738 = arith.constant 0 : index
          %get3A_739 = tpu.vector_load %arg22[%get3A_737, %get3A_738] {strides = array<i32>} : memref<256x40xf32, #tpu.memory_space<vmem>>, vector<16xf32>,
          %add3A_740 = arith.addf %get3A_736, %get3A_739 : vector<16xf32>
          %get3A_741 = arith.index_cast %add3A_733 : i32 to index
          %get3A_742 = arith.constant 0 : index
          %get3A_743 = tpu.vector_load %arg23[%get3A_741, %get3A_742] {strides = array<i32>} : memref<256x40xf32, #tpu.memory_space<vmem>>, vector<16xf32>,
          %add3A_744 = arith.addf %add3A_740, %get3A_743 : vector<16xf32>
          %get3A_745 = arith.index_cast %add3A_733 : i32 to index
          %get3A_746 = arith.constant 16 : index
          %get3A_747 = tpu.vector_load %arg21[%get3A_745, %get3A_746] {strides = array<i32>} : memref<256x40xf32, #tpu.memory_space<vmem>>, vector<16xf32>,
          %get3A_748 = arith.index_cast %add3A_733 : i32 to index
          %get3A_749 = arith.constant 16 : index
          %get3A_750 = tpu.vector_load %arg22[%get3A_748, %get3A_749] {strides = array<i32>} : memref<256x40xf32, #tpu.memory_space<vmem>>, vector<16xf32>,
          %add3A_751 = arith.addf %get3A_747, %get3A_750 : vector<16xf32>
          %get3A_752 = arith.index_cast %add3A_733 : i32 to index
          %get3A_753 = arith.constant 16 : index
          %get3A_754 = tpu.vector_load %arg23[%get3A_752, %get3A_753] {strides = array<i32>} : memref<256x40xf32, #tpu.memory_space<vmem>>, vector<16xf32>,
          %add3A_755 = arith.addf %add3A_751, %get3A_754 : vector<16xf32>
          %mul3A_756 = arith.mulf %gather3A_731, %add3A_744 : vector<16xf32>
          %swap3A_757 = arith.index_cast %add3A_733 : i32 to index
          %swap3A_758 = arith.constant 0 : index
          %swap3A_759 = tpu.vector_load %arg24[%swap3A_757, %swap3A_758] {strides = array<i32>} : memref<256x40xf32, #tpu.memory_space<vmem>>, vector<16xf32>,
          tpu.vector_store %arg24[%swap3A_757, %swap3A_758], %mul3A_756 {strides = array<i32>} : memref<256x40xf32, #tpu.memory_space<vmem>>, vector<16xf32>,
          %mul3A_760 = arith.mulf %gather3A_731, %add3A_755 : vector<16xf32>
          %swap3A_761 = arith.index_cast %add3A_733 : i32 to index
          %swap3A_762 = arith.constant 16 : index
          %swap3A_763 = tpu.vector_load %arg24[%swap3A_761, %swap3A_762] {strides = array<i32>} : memref<256x40xf32, #tpu.memory_space<vmem>>, vector<16xf32>,
          tpu.vector_store %arg24[%swap3A_761, %swap3A_762], %mul3A_760 {strides = array<i32>} : memref<256x40xf32, #tpu.memory_space<vmem>>, vector<16xf32>,
          %broadcast_in_dim3A_764 = arith.constant 10 : i32
          %broadcast_in_dim3A_765 = vector.broadcast %broadcast_in_dim3A_764 : i32 to vector<16x1xi32>
          %gather3A_766 = vector.shape_cast %broadcast_in_dim3A_765 : vector<16x1xi32> to vector<16xi32>
          %gather3A_767 = tpu.dynamic_gather %exp3A[%gather3A_766] in [0] : vector<16xf32>, vector<16xi32> -> vector<16xf32>
          %add3A_768 = arith.constant 10 : i32
          %add3A_769 = arith.addi %mul3A_393, %add3A_768 : i32
          %get3A_770 = arith.index_cast %add3A_769 : i32 to index
          %get3A_771 = arith.constant 0 : index
          %get3A_772 = tpu.vector_load %arg21[%get3A_770, %get3A_771] {strides = array<i32>} : memref<256x40xf32, #tpu.memory_space<vmem>>, vector<16xf32>,
          %get3A_773 = arith.index_cast %add3A_769 : i32 to index
          %get3A_774 = arith.constant 0 : index
          %get3A_775 = tpu.vector_load %arg22[%get3A_773, %get3A_774] {strides = array<i32>} : memref<256x40xf32, #tpu.memory_space<vmem>>, vector<16xf32>,
          %add3A_776 = arith.addf %get3A_772, %get3A_775 : vector<16xf32>
          %get3A_777 = arith.index_cast %add3A_769 : i32 to index
          %get3A_778 = arith.constant 0 : index
          %get3A_779 = tpu.vector_load %arg23[%get3A_777, %get3A_778] {strides = array<i32>} : memref<256x40xf32, #tpu.memory_space<vmem>>, vector<16xf32>,
          %add3A_780 = arith.addf %add3A_776, %get3A_779 : vector<16xf32>
          %get3A_781 = arith.index_cast %add3A_769 : i32 to index
          %get3A_782 = arith.constant 16 : index
          %get3A_783 = tpu.vector_load %arg21[%get3A_781, %get3A_782] {strides = array<i32>} : memref<256x40xf32, #tpu.memory_space<vmem>>, vector<16xf32>,
          %get3A_784 = arith.index_cast %add3A_769 : i32 to index
          %get3A_785 = arith.constant 16 : index
          %get3A_786 = tpu.vector_load %arg22[%get3A_784, %get3A_785] {strides = array<i32>} : memref<256x40xf32, #tpu.memory_space<vmem>>, vector<16xf32>,
          %add3A_787 = arith.addf %get3A_783, %get3A_786 : vector<16xf32>
          %get3A_788 = arith.index_cast %add3A_769 : i32 to index
          %get3A_789 = arith.constant 16 : index
          %get3A_790 = tpu.vector_load %arg23[%get3A_788, %get3A_789] {strides = array<i32>} : memref<256x40xf32, #tpu.memory_space<vmem>>, vector<16xf32>,
          %add3A_791 = arith.addf %add3A_787, %get3A_790 : vector<16xf32>
          %mul3A_792 = arith.mulf %gather3A_767, %add3A_780 : vector<16xf32>
          %swap3A_793 = arith.index_cast %add3A_769 : i32 to index
          %swap3A_794 = arith.constant 0 : index
          %swap3A_795 = tpu.vector_load %arg24[%swap3A_793, %swap3A_794] {strides = array<i32>} : memref<256x40xf32, #tpu.memory_space<vmem>>, vector<16xf32>,
          tpu.vector_store %arg24[%swap3A_793, %swap3A_794], %mul3A_792 {strides = array<i32>} : memref<256x40xf32, #tpu.memory_space<vmem>>, vector<16xf32>,
          %mul3A_796 = arith.mulf %gather3A_767, %add3A_791 : vector<16xf32>
          %swap3A_797 = arith.index_cast %add3A_769 : i32 to index
          %swap3A_798 = arith.constant 16 : index
          %swap3A_799 = tpu.vector_load %arg24[%swap3A_797, %swap3A_798] {strides = array<i32>} : memref<256x40xf32, #tpu.memory_space<vmem>>, vector<16xf32>,
          tpu.vector_store %arg24[%swap3A_797, %swap3A_798], %mul3A_796 {strides = array<i32>} : memref<256x40xf32, #tpu.memory_space<vmem>>, vector<16xf32>,
          %broadcast_in_dim3A_800 = arith.constant 11 : i32
          %broadcast_in_dim3A_801 = vector.broadcast %broadcast_in_dim3A_800 : i32 to vector<16x1xi32>
          %gather3A_802 = vector.shape_cast %broadcast_in_dim3A_801 : vector<16x1xi32> to vector<16xi32>
          %gather3A_803 = tpu.dynamic_gather %exp3A[%gather3A_802] in [0] : vector<16xf32>, vector<16xi32> -> vector<16xf32>
          %add3A_804 = arith.constant 11 : i32
          %add3A_805 = arith.addi %mul3A_393, %add3A_804 : i32
          %get3A_806 = arith.index_cast %add3A_805 : i32 to index
          %get3A_807 = arith.constant 0 : index
          %get3A_808 = tpu.vector_load %arg21[%get3A_806, %get3A_807] {strides = array<i32>} : memref<256x40xf32, #tpu.memory_space<vmem>>, vector<16xf32>,
          %get3A_809 = arith.index_cast %add3A_805 : i32 to index
          %get3A_810 = arith.constant 0 : index
          %get3A_811 = tpu.vector_load %arg22[%get3A_809, %get3A_810] {strides = array<i32>} : memref<256x40xf32, #tpu.memory_space<vmem>>, vector<16xf32>,
          %add3A_812 = arith.addf %get3A_808, %get3A_811 : vector<16xf32>
          %get3A_813 = arith.index_cast %add3A_805 : i32 to index
          %get3A_814 = arith.constant 0 : index
          %get3A_815 = tpu.vector_load %arg23[%get3A_813, %get3A_814] {strides = array<i32>} : memref<256x40xf32, #tpu.memory_space<vmem>>, vector<16xf32>,
          %add3A_816 = arith.addf %add3A_812, %get3A_815 : vector<16xf32>
          %get3A_817 = arith.index_cast %add3A_805 : i32 to index
          %get3A_818 = arith.constant 16 : index
          %get3A_819 = tpu.vector_load %arg21[%get3A_817, %get3A_818] {strides = array<i32>} : memref<256x40xf32, #tpu.memory_space<vmem>>, vector<16xf32>,
          %get3A_820 = arith.index_cast %add3A_805 : i32 to index
          %get3A_821 = arith.constant 16 : index
          %get3A_822 = tpu.vector_load %arg22[%get3A_820, %get3A_821] {strides = array<i32>} : memref<256x40xf32, #tpu.memory_space<vmem>>, vector<16xf32>,
          %add3A_823 = arith.addf %get3A_819, %get3A_822 : vector<16xf32>
          %get3A_824 = arith.index_cast %add3A_805 : i32 to index
          %get3A_825 = arith.constant 16 : index
          %get3A_826 = tpu.vector_load %arg23[%get3A_824, %get3A_825] {strides = array<i32>} : memref<256x40xf32, #tpu.memory_space<vmem>>, vector<16xf32>,
          %add3A_827 = arith.addf %add3A_823, %get3A_826 : vector<16xf32>
          %mul3A_828 = arith.mulf %gather3A_803, %add3A_816 : vector<16xf32>
          %swap3A_829 = arith.index_cast %add3A_805 : i32 to index
          %swap3A_830 = arith.constant 0 : index
          %swap3A_831 = tpu.vector_load %arg24[%swap3A_829, %swap3A_830] {strides = array<i32>} : memref<256x40xf32, #tpu.memory_space<vmem>>, vector<16xf32>,
          tpu.vector_store %arg24[%swap3A_829, %swap3A_830], %mul3A_828 {strides = array<i32>} : memref<256x40xf32, #tpu.memory_space<vmem>>, vector<16xf32>,
          %mul3A_832 = arith.mulf %gather3A_803, %add3A_827 : vector<16xf32>
          %swap3A_833 = arith.index_cast %add3A_805 : i32 to index
          %swap3A_834 = arith.constant 16 : index
          %swap3A_835 = tpu.vector_load %arg24[%swap3A_833, %swap3A_834] {strides = array<i32>} : memref<256x40xf32, #tpu.memory_space<vmem>>, vector<16xf32>,
          tpu.vector_store %arg24[%swap3A_833, %swap3A_834], %mul3A_832 {strides = array<i32>} : memref<256x40xf32, #tpu.memory_space<vmem>>, vector<16xf32>,
          %broadcast_in_dim3A_836 = arith.constant 12 : i32
          %broadcast_in_dim3A_837 = vector.broadcast %broadcast_in_dim3A_836 : i32 to vector<16x1xi32>
          %gather3A_838 = vector.shape_cast %broadcast_in_dim3A_837 : vector<16x1xi32> to vector<16xi32>
          %gather3A_839 = tpu.dynamic_gather %exp3A[%gather3A_838] in [0] : vector<16xf32>, vector<16xi32> -> vector<16xf32>
          %add3A_840 = arith.constant 12 : i32
          %add3A_841 = arith.addi %mul3A_393, %add3A_840 : i32
          %get3A_842 = arith.index_cast %add3A_841 : i32 to index
          %get3A_843 = arith.constant 0 : index
          %get3A_844 = tpu.vector_load %arg21[%get3A_842, %get3A_843] {strides = array<i32>} : memref<256x40xf32, #tpu.memory_space<vmem>>, vector<16xf32>,
          %get3A_845 = arith.index_cast %add3A_841 : i32 to index
          %get3A_846 = arith.constant 0 : index
          %get3A_847 = tpu.vector_load %arg22[%get3A_845, %get3A_846] {strides = array<i32>} : memref<256x40xf32, #tpu.memory_space<vmem>>, vector<16xf32>,
          %add3A_848 = arith.addf %get3A_844, %get3A_847 : vector<16xf32>
          %get3A_849 = arith.index_cast %add3A_841 : i32 to index
          %get3A_850 = arith.constant 0 : index
          %get3A_851 = tpu.vector_load %arg23[%get3A_849, %get3A_850] {strides = array<i32>} : memref<256x40xf32, #tpu.memory_space<vmem>>, vector<16xf32>,
          %add3A_852 = arith.addf %add3A_848, %get3A_851 : vector<16xf32>
          %get3A_853 = arith.index_cast %add3A_841 : i32 to index
          %get3A_854 = arith.constant 16 : index
          %get3A_855 = tpu.vector_load %arg21[%get3A_853, %get3A_854] {strides = array<i32>} : memref<256x40xf32, #tpu.memory_space<vmem>>, vector<16xf32>,
          %get3A_856 = arith.index_cast %add3A_841 : i32 to index
          %get3A_857 = arith.constant 16 : index
          %get3A_858 = tpu.vector_load %arg22[%get3A_856, %get3A_857] {strides = array<i32>} : memref<256x40xf32, #tpu.memory_space<vmem>>, vector<16xf32>,
          %add3A_859 = arith.addf %get3A_855, %get3A_858 : vector<16xf32>
          %get3A_860 = arith.index_cast %add3A_841 : i32 to index
          %get3A_861 = arith.constant 16 : index
          %get3A_862 = tpu.vector_load %arg23[%get3A_860, %get3A_861] {strides = array<i32>} : memref<256x40xf32, #tpu.memory_space<vmem>>, vector<16xf32>,
          %add3A_863 = arith.addf %add3A_859, %get3A_862 : vector<16xf32>
          %mul3A_864 = arith.mulf %gather3A_839, %add3A_852 : vector<16xf32>
          %swap3A_865 = arith.index_cast %add3A_841 : i32 to index
          %swap3A_866 = arith.constant 0 : index
          %swap3A_867 = tpu.vector_load %arg24[%swap3A_865, %swap3A_866] {strides = array<i32>} : memref<256x40xf32, #tpu.memory_space<vmem>>, vector<16xf32>,
          tpu.vector_store %arg24[%swap3A_865, %swap3A_866], %mul3A_864 {strides = array<i32>} : memref<256x40xf32, #tpu.memory_space<vmem>>, vector<16xf32>,
          %mul3A_868 = arith.mulf %gather3A_839, %add3A_863 : vector<16xf32>
          %swap3A_869 = arith.index_cast %add3A_841 : i32 to index
          %swap3A_870 = arith.constant 16 : index
          %swap3A_871 = tpu.vector_load %arg24[%swap3A_869, %swap3A_870] {strides = array<i32>} : memref<256x40xf32, #tpu.memory_space<vmem>>, vector<16xf32>,
          tpu.vector_store %arg24[%swap3A_869, %swap3A_870], %mul3A_868 {strides = array<i32>} : memref<256x40xf32, #tpu.memory_space<vmem>>, vector<16xf32>,
          %broadcast_in_dim3A_872 = arith.constant 13 : i32
          %broadcast_in_dim3A_873 = vector.broadcast %broadcast_in_dim3A_872 : i32 to vector<16x1xi32>
          %gather3A_874 = vector.shape_cast %broadcast_in_dim3A_873 : vector<16x1xi32> to vector<16xi32>
          %gather3A_875 = tpu.dynamic_gather %exp3A[%gather3A_874] in [0] : vector<16xf32>, vector<16xi32> -> vector<16xf32>
          %add3A_876 = arith.constant 13 : i32
          %add3A_877 = arith.addi %mul3A_393, %add3A_876 : i32
          %get3A_878 = arith.index_cast %add3A_877 : i32 to index
          %get3A_879 = arith.constant 0 : index
          %get3A_880 = tpu.vector_load %arg21[%get3A_878, %get3A_879] {strides = array<i32>} : memref<256x40xf32, #tpu.memory_space<vmem>>, vector<16xf32>,
          %get3A_881 = arith.index_cast %add3A_877 : i32 to index
          %get3A_882 = arith.constant 0 : index
          %get3A_883 = tpu.vector_load %arg22[%get3A_881, %get3A_882] {strides = array<i32>} : memref<256x40xf32, #tpu.memory_space<vmem>>, vector<16xf32>,
          %add3A_884 = arith.addf %get3A_880, %get3A_883 : vector<16xf32>
          %get3A_885 = arith.index_cast %add3A_877 : i32 to index
          %get3A_886 = arith.constant 0 : index
          %get3A_887 = tpu.vector_load %arg23[%get3A_885, %get3A_886] {strides = array<i32>} : memref<256x40xf32, #tpu.memory_space<vmem>>, vector<16xf32>,
          %add3A_888 = arith.addf %add3A_884, %get3A_887 : vector<16xf32>
          %get3A_889 = arith.index_cast %add3A_877 : i32 to index
          %get3A_890 = arith.constant 16 : index
          %get3A_891 = tpu.vector_load %arg21[%get3A_889, %get3A_890] {strides = array<i32>} : memref<256x40xf32, #tpu.memory_space<vmem>>, vector<16xf32>,
          %get3A_892 = arith.index_cast %add3A_877 : i32 to index
          %get3A_893 = arith.constant 16 : index
          %get3A_894 = tpu.vector_load %arg22[%get3A_892, %get3A_893] {strides = array<i32>} : memref<256x40xf32, #tpu.memory_space<vmem>>, vector<16xf32>,
          %add3A_895 = arith.addf %get3A_891, %get3A_894 : vector<16xf32>
          %get3A_896 = arith.index_cast %add3A_877 : i32 to index
          %get3A_897 = arith.constant 16 : index
          %get3A_898 = tpu.vector_load %arg23[%get3A_896, %get3A_897] {strides = array<i32>} : memref<256x40xf32, #tpu.memory_space<vmem>>, vector<16xf32>,
          %add3A_899 = arith.addf %add3A_895, %get3A_898 : vector<16xf32>
          %mul3A_900 = arith.mulf %gather3A_875, %add3A_888 : vector<16xf32>
          %swap3A_901 = arith.index_cast %add3A_877 : i32 to index
          %swap3A_902 = arith.constant 0 : index
          %swap3A_903 = tpu.vector_load %arg24[%swap3A_901, %swap3A_902] {strides = array<i32>} : memref<256x40xf32, #tpu.memory_space<vmem>>, vector<16xf32>,
          tpu.vector_store %arg24[%swap3A_901, %swap3A_902], %mul3A_900 {strides = array<i32>} : memref<256x40xf32, #tpu.memory_space<vmem>>, vector<16xf32>,
          %mul3A_904 = arith.mulf %gather3A_875, %add3A_899 : vector<16xf32>
          %swap3A_905 = arith.index_cast %add3A_877 : i32 to index
          %swap3A_906 = arith.constant 16 : index
          %swap3A_907 = tpu.vector_load %arg24[%swap3A_905, %swap3A_906] {strides = array<i32>} : memref<256x40xf32, #tpu.memory_space<vmem>>, vector<16xf32>,
          tpu.vector_store %arg24[%swap3A_905, %swap3A_906], %mul3A_904 {strides = array<i32>} : memref<256x40xf32, #tpu.memory_space<vmem>>, vector<16xf32>,
          %broadcast_in_dim3A_908 = arith.constant 14 : i32
          %broadcast_in_dim3A_909 = vector.broadcast %broadcast_in_dim3A_908 : i32 to vector<16x1xi32>
          %gather3A_910 = vector.shape_cast %broadcast_in_dim3A_909 : vector<16x1xi32> to vector<16xi32>
          %gather3A_911 = tpu.dynamic_gather %exp3A[%gather3A_910] in [0] : vector<16xf32>, vector<16xi32> -> vector<16xf32>
          %add3A_912 = arith.constant 14 : i32
          %add3A_913 = arith.addi %mul3A_393, %add3A_912 : i32
          %get3A_914 = arith.index_cast %add3A_913 : i32 to index
          %get3A_915 = arith.constant 0 : index
          %get3A_916 = tpu.vector_load %arg21[%get3A_914, %get3A_915] {strides = array<i32>} : memref<256x40xf32, #tpu.memory_space<vmem>>, vector<16xf32>,
          %get3A_917 = arith.index_cast %add3A_913 : i32 to index
          %get3A_918 = arith.constant 0 : index
          %get3A_919 = tpu.vector_load %arg22[%get3A_917, %get3A_918] {strides = array<i32>} : memref<256x40xf32, #tpu.memory_space<vmem>>, vector<16xf32>,
          %add3A_920 = arith.addf %get3A_916, %get3A_919 : vector<16xf32>
          %get3A_921 = arith.index_cast %add3A_913 : i32 to index
          %get3A_922 = arith.constant 0 : index
          %get3A_923 = tpu.vector_load %arg23[%get3A_921, %get3A_922] {strides = array<i32>} : memref<256x40xf32, #tpu.memory_space<vmem>>, vector<16xf32>,
          %add3A_924 = arith.addf %add3A_920, %get3A_923 : vector<16xf32>
          %get3A_925 = arith.index_cast %add3A_913 : i32 to index
          %get3A_926 = arith.constant 16 : index
          %get3A_927 = tpu.vector_load %arg21[%get3A_925, %get3A_926] {strides = array<i32>} : memref<256x40xf32, #tpu.memory_space<vmem>>, vector<16xf32>,
          %get3A_928 = arith.index_cast %add3A_913 : i32 to index
          %get3A_929 = arith.constant 16 : index
          %get3A_930 = tpu.vector_load %arg22[%get3A_928, %get3A_929] {strides = array<i32>} : memref<256x40xf32, #tpu.memory_space<vmem>>, vector<16xf32>,
          %add3A_931 = arith.addf %get3A_927, %get3A_930 : vector<16xf32>
          %get3A_932 = arith.index_cast %add3A_913 : i32 to index
          %get3A_933 = arith.constant 16 : index
          %get3A_934 = tpu.vector_load %arg23[%get3A_932, %get3A_933] {strides = array<i32>} : memref<256x40xf32, #tpu.memory_space<vmem>>, vector<16xf32>,
          %add3A_935 = arith.addf %add3A_931, %get3A_934 : vector<16xf32>
          %mul3A_936 = arith.mulf %gather3A_911, %add3A_924 : vector<16xf32>
          %swap3A_937 = arith.index_cast %add3A_913 : i32 to index
          %swap3A_938 = arith.constant 0 : index
          %swap3A_939 = tpu.vector_load %arg24[%swap3A_937, %swap3A_938] {strides = array<i32>} : memref<256x40xf32, #tpu.memory_space<vmem>>, vector<16xf32>,
          tpu.vector_store %arg24[%swap3A_937, %swap3A_938], %mul3A_936 {strides = array<i32>} : memref<256x40xf32, #tpu.memory_space<vmem>>, vector<16xf32>,
          %mul3A_940 = arith.mulf %gather3A_911, %add3A_935 : vector<16xf32>
          %swap3A_941 = arith.index_cast %add3A_913 : i32 to index
          %swap3A_942 = arith.constant 16 : index
          %swap3A_943 = tpu.vector_load %arg24[%swap3A_941, %swap3A_942] {strides = array<i32>} : memref<256x40xf32, #tpu.memory_space<vmem>>, vector<16xf32>,
          tpu.vector_store %arg24[%swap3A_941, %swap3A_942], %mul3A_940 {strides = array<i32>} : memref<256x40xf32, #tpu.memory_space<vmem>>, vector<16xf32>,
          %broadcast_in_dim3A_944 = arith.constant 15 : i32
          %broadcast_in_dim3A_945 = vector.broadcast %broadcast_in_dim3A_944 : i32 to vector<16x1xi32>
          %gather3A_946 = vector.shape_cast %broadcast_in_dim3A_945 : vector<16x1xi32> to vector<16xi32>
          %gather3A_947 = tpu.dynamic_gather %exp3A[%gather3A_946] in [0] : vector<16xf32>, vector<16xi32> -> vector<16xf32>
          %add3A_948 = arith.constant 15 : i32
          %add3A_949 = arith.addi %mul3A_393, %add3A_948 : i32
          %get3A_950 = arith.index_cast %add3A_949 : i32 to index
          %get3A_951 = arith.constant 0 : index
          %get3A_952 = tpu.vector_load %arg21[%get3A_950, %get3A_951] {strides = array<i32>} : memref<256x40xf32, #tpu.memory_space<vmem>>, vector<16xf32>,
          %get3A_953 = arith.index_cast %add3A_949 : i32 to index
          %get3A_954 = arith.constant 0 : index
          %get3A_955 = tpu.vector_load %arg22[%get3A_953, %get3A_954] {strides = array<i32>} : memref<256x40xf32, #tpu.memory_space<vmem>>, vector<16xf32>,
          %add3A_956 = arith.addf %get3A_952, %get3A_955 : vector<16xf32>
          %get3A_957 = arith.index_cast %add3A_949 : i32 to index
          %get3A_958 = arith.constant 0 : index
          %get3A_959 = tpu.vector_load %arg23[%get3A_957, %get3A_958] {strides = array<i32>} : memref<256x40xf32, #tpu.memory_space<vmem>>, vector<16xf32>,
          %add3A_960 = arith.addf %add3A_956, %get3A_959 : vector<16xf32>
          %get3A_961 = arith.index_cast %add3A_949 : i32 to index
          %get3A_962 = arith.constant 16 : index
          %get3A_963 = tpu.vector_load %arg21[%get3A_961, %get3A_962] {strides = array<i32>} : memref<256x40xf32, #tpu.memory_space<vmem>>, vector<16xf32>,
          %get3A_964 = arith.index_cast %add3A_949 : i32 to index
          %get3A_965 = arith.constant 16 : index
          %get3A_966 = tpu.vector_load %arg22[%get3A_964, %get3A_965] {strides = array<i32>} : memref<256x40xf32, #tpu.memory_space<vmem>>, vector<16xf32>,
          %add3A_967 = arith.addf %get3A_963, %get3A_966 : vector<16xf32>
          %get3A_968 = arith.index_cast %add3A_949 : i32 to index
          %get3A_969 = arith.constant 16 : index
          %get3A_970 = tpu.vector_load %arg23[%get3A_968, %get3A_969] {strides = array<i32>} : memref<256x40xf32, #tpu.memory_space<vmem>>, vector<16xf32>,
          %add3A_971 = arith.addf %add3A_967, %get3A_970 : vector<16xf32>
          %mul3A_972 = arith.mulf %gather3A_947, %add3A_960 : vector<16xf32>
          %swap3A_973 = arith.index_cast %add3A_949 : i32 to index
          %swap3A_974 = arith.constant 0 : index
          %swap3A_975 = tpu.vector_load %arg24[%swap3A_973, %swap3A_974] {strides = array<i32>} : memref<256x40xf32, #tpu.memory_space<vmem>>, vector<16xf32>,
          tpu.vector_store %arg24[%swap3A_973, %swap3A_974], %mul3A_972 {strides = array<i32>} : memref<256x40xf32, #tpu.memory_space<vmem>>, vector<16xf32>,
          %mul3A_976 = arith.mulf %gather3A_947, %add3A_971 : vector<16xf32>
          %swap3A_977 = arith.index_cast %add3A_949 : i32 to index
          %swap3A_978 = arith.constant 16 : index
          %swap3A_979 = tpu.vector_load %arg24[%swap3A_977, %swap3A_978] {strides = array<i32>} : memref<256x40xf32, #tpu.memory_space<vmem>>, vector<16xf32>,
          tpu.vector_store %arg24[%swap3A_977, %swap3A_978], %mul3A_976 {strides = array<i32>} : memref<256x40xf32, #tpu.memory_space<vmem>>, vector<16xf32>,
        }
        %scan3A_351 = arith.constant 16 : i32
        %add3A_352 = arith.constant 1 : i32
        %add3A_353 = arith.addi %add3A_270, %add3A_352 : i32
        %lt3A_354 = arith.cmpi slt, %add3A_353, %select_n3A : i32
        %convert_element_type3A_355 = arith.extui %lt3A_354 : i1 to i32
        %cond3A_356 = arith.constant 0 : i32
        %cond3A_357 = arith.cmpi ne, %convert_element_type3A_355, %cond3A_356 : i32
        scf.if %cond3A_357 {
          %dma_wait3A_387 = arith.constant 0 : i32
          %dma_wait3A_388 = arith.constant 0 : i32
          %dma_wait3A_389 = arith.constant 0 : i32
          %dma_wait3A_390 = tpu.memref_slice %arg6[%dma_wait3A_387, %dma_wait3A_388, %dma_wait3A_389] : memref<1000x2x128xi32, #tpu.memory_space<hbm>> -> memref<1x2x128xi32, #tpu.memory_space<hbm>>
          %dma_wait3A_391 = tpu.memref_squeeze %dma_wait3A_390 : memref<1x2x128xi32, #tpu.memory_space<hbm>> -> memref<2x128xi32, #tpu.memory_space<hbm>>
          %dma_wait3A_392 = arith.constant 0 : i32
          %dma_wait3A_393 = arith.constant 0 : i32
          %dma_wait3A_394 = tpu.memref_slice %arg6[%dma_wait3A_387, %dma_wait3A_392, %dma_wait3A_393] : memref<1000x2x128xi32, #tpu.memory_space<hbm>> -> memref<1x2x128xi32, #tpu.memory_space<hbm>>
          %dma_wait3A_395 = tpu.memref_squeeze %dma_wait3A_394 : memref<1x2x128xi32, #tpu.memory_space<hbm>> -> memref<2x128xi32, #tpu.memory_space<hbm>>
          tpu.wait_dma2 semaphore(%arg26 : memref<!tpu.dma_semaphore, #tpu.memory_space<semaphore_mem>>) src(%dma_wait3A_395 : memref<2x128xi32, #tpu.memory_space<hbm>>) dst(%arg11 : memref<2x128xi32, #tpu.memory_space<vmem>>)
          %dma_wait3A_396 = arith.constant 0 : i32
          %dma_wait3A_397 = arith.constant 0 : i32
          %dma_wait3A_398 = arith.constant 0 : i32
          %dma_wait3A_399 = tpu.memref_slice %arg6[%dma_wait3A_396, %dma_wait3A_397, %dma_wait3A_398] : memref<1000x2x128xi32, #tpu.memory_space<hbm>> -> memref<1x2x128xi32, #tpu.memory_space<hbm>>
          %dma_wait3A_400 = tpu.memref_squeeze %dma_wait3A_399 : memref<1x2x128xi32, #tpu.memory_space<hbm>> -> memref<2x128xi32, #tpu.memory_space<hbm>>
          %dma_wait3A_401 = arith.constant 0 : i32
          %dma_wait3A_402 = arith.constant 0 : i32
          %dma_wait3A_403 = tpu.memref_slice %arg6[%dma_wait3A_396, %dma_wait3A_401, %dma_wait3A_402] : memref<1000x2x128xi32, #tpu.memory_space<hbm>> -> memref<1x2x128xi32, #tpu.memory_space<hbm>>
          %dma_wait3A_404 = tpu.memref_squeeze %dma_wait3A_403 : memref<1x2x128xi32, #tpu.memory_space<hbm>> -> memref<2x128xi32, #tpu.memory_space<hbm>>
          tpu.wait_dma2 semaphore(%arg26 : memref<!tpu.dma_semaphore, #tpu.memory_space<semaphore_mem>>) src(%dma_wait3A_404 : memref<2x128xi32, #tpu.memory_space<hbm>>) dst(%arg12 : memref<2x128xi32, #tpu.memory_space<vmem>>)
          %add3A_405 = arith.constant 1 : i32
          %add3A_406 = arith.addi %add3A_271, %add3A_405 : i32
          %lt3A_407 = arith.constant 1000 : i32
          %lt3A_408 = arith.cmpi slt, %add3A_406, %lt3A_407 : i32
          %convert_element_type3A_409 = arith.extui %lt3A_408 : i1 to i32
          %cond3A_410 = arith.constant 0 : i32
          %cond3A_411 = arith.cmpi ne, %convert_element_type3A_409, %cond3A_410 : i32
          scf.if %cond3A_411 {
            %mul3A_457 = arith.constant 256 : i32
            %mul3A_458 = arith.muli %add3A_406, %mul3A_457 : i32
            %dma_start3A_459 = arith.constant 0 : i32
            %dma_start3A_460 = tpu.memref_slice %arg4[%mul3A_458, %dma_start3A_459] : memref<256000x40xf32, #tpu.memory_space<hbm>> -> memref<256x40xf32, #tpu.memory_space<hbm>>
            %dma_start3A_461 = arith.constant 0 : i32
            %dma_start3A_462 = tpu.memref_slice %arg4[%mul3A_458, %dma_start3A_461] : memref<256000x40xf32, #tpu.memory_space<hbm>> -> memref<256x40xf32, #tpu.memory_space<hbm>>
            tpu.enqueue_dma source(%dma_start3A_462 : memref<256x40xf32, #tpu.memory_space<hbm>>) target(%arg16 : memref<256x40xf32, #tpu.memory_space<vmem>>) target_semaphore(%arg30 : memref<!tpu.dma_semaphore, #tpu.memory_space<semaphore_mem>>)
          } else {
          }
          %ge3A_412 = arith.constant 1000 : i32
          %ge3A_413 = arith.cmpi sge, %add3A_406, %ge3A_412 : i32
          %convert_element_type3A_414 = arith.extui %ge3A_413 : i1 to i32
          %cond3A_415 = arith.constant 0 : i32
          %cond3A_416 = arith.cmpi ne, %convert_element_type3A_414, %cond3A_415 : i32
          scf.if %cond3A_416 {
            %sub3A_457 = arith.constant 1000 : i32
            %sub3A_458 = arith.subi %add3A_406, %sub3A_457 : i32
            %mul3A_459 = arith.constant 256 : i32
            %mul3A_460 = arith.muli %sub3A_458, %mul3A_459 : i32
            %dma_start3A_461 = arith.constant 0 : i32
            %dma_start3A_462 = tpu.memref_slice %arg5[%mul3A_460, %dma_start3A_461] : memref<64000x40xf32, #tpu.memory_space<hbm>> -> memref<256x40xf32, #tpu.memory_space<hbm>>
            %dma_start3A_463 = arith.constant 0 : i32
            %dma_start3A_464 = tpu.memref_slice %arg5[%mul3A_460, %dma_start3A_463] : memref<64000x40xf32, #tpu.memory_space<hbm>> -> memref<256x40xf32, #tpu.memory_space<hbm>>
            tpu.enqueue_dma source(%dma_start3A_464 : memref<256x40xf32, #tpu.memory_space<hbm>>) target(%arg16 : memref<256x40xf32, #tpu.memory_space<vmem>>) target_semaphore(%arg30 : memref<!tpu.dma_semaphore, #tpu.memory_space<semaphore_mem>>)
          } else {
          }
          %dma_start3A_417 = arith.constant 0 : i32
          %dma_start3A_418 = arith.constant 0 : i32
          %dma_start3A_419 = arith.constant 0 : i32
          %dma_start3A_420 = tpu.memref_slice %arg14[%dma_start3A_418, %dma_start3A_419] : memref<256x40xf32, #tpu.memory_space<vmem>> -> memref<128x40xf32, #tpu.memory_space<vmem>>
          %dma_start3A_421 = arith.constant 0 : i32
          %dma_start3A_422 = tpu.memref_slice %arg11[%dma_start3A_417, %dma_start3A_421] : memref<2x128xi32, #tpu.memory_space<vmem>> -> memref<1x128xi32, #tpu.memory_space<vmem>>
          %dma_start3A_423 = tpu.memref_squeeze %dma_start3A_422 : memref<1x128xi32, #tpu.memory_space<vmem>> -> memref<128xi32, #tpu.memory_space<vmem>>
          %dma_start3A_424 = arith.constant 0 : i32
          %dma_start3A_425 = arith.constant 0 : i32
          %dma_start3A_426 = tpu.memref_slice %arg2[%dma_start3A_424, %dma_start3A_425] : memref<10000x40xf32, #tpu.memory_space<hbm>> -> memref<10000x40xf32, #tpu.memory_space<hbm>>
          tpu.enqueue_indirect_dma source(%dma_start3A_426 : memref<10000x40xf32, #tpu.memory_space<hbm>>) target(%dma_start3A_420 : memref<128x40xf32, #tpu.memory_space<vmem>>) offsets(%dma_start3A_423 : memref<128xi32, #tpu.memory_space<vmem>>) semaphore(%arg30 : memref<!tpu.dma_semaphore, #tpu.memory_space<semaphore_mem>>)
          %dma_start3A_427 = arith.constant 0 : i32
          %dma_start3A_428 = arith.constant 0 : i32
          %dma_start3A_429 = arith.constant 0 : i32
          %dma_start3A_430 = tpu.memref_slice %arg15[%dma_start3A_428, %dma_start3A_429] : memref<256x40xf32, #tpu.memory_space<vmem>> -> memref<128x40xf32, #tpu.memory_space<vmem>>
          %dma_start3A_431 = arith.constant 0 : i32
          %dma_start3A_432 = tpu.memref_slice %arg12[%dma_start3A_427, %dma_start3A_431] : memref<2x128xi32, #tpu.memory_space<vmem>> -> memref<1x128xi32, #tpu.memory_space<vmem>>
          %dma_start3A_433 = tpu.memref_squeeze %dma_start3A_432 : memref<1x128xi32, #tpu.memory_space<vmem>> -> memref<128xi32, #tpu.memory_space<vmem>>
          %dma_start3A_434 = arith.constant 0 : i32
          %dma_start3A_435 = arith.constant 0 : i32
          %dma_start3A_436 = tpu.memref_slice %arg3[%dma_start3A_434, %dma_start3A_435] : memref<10000x40xf32, #tpu.memory_space<hbm>> -> memref<10000x40xf32, #tpu.memory_space<hbm>>
          tpu.enqueue_indirect_dma source(%dma_start3A_436 : memref<10000x40xf32, #tpu.memory_space<hbm>>) target(%dma_start3A_430 : memref<128x40xf32, #tpu.memory_space<vmem>>) offsets(%dma_start3A_433 : memref<128xi32, #tpu.memory_space<vmem>>) semaphore(%arg30 : memref<!tpu.dma_semaphore, #tpu.memory_space<semaphore_mem>>)
          %dma_start3A_437 = arith.constant 1 : i32
          %dma_start3A_438 = arith.constant 128 : i32
          %dma_start3A_439 = arith.constant 0 : i32
          %dma_start3A_440 = tpu.memref_slice %arg14[%dma_start3A_438, %dma_start3A_439] : memref<256x40xf32, #tpu.memory_space<vmem>> -> memref<128x40xf32, #tpu.memory_space<vmem>>
          %dma_start3A_441 = arith.constant 0 : i32
          %dma_start3A_442 = tpu.memref_slice %arg11[%dma_start3A_437, %dma_start3A_441] : memref<2x128xi32, #tpu.memory_space<vmem>> -> memref<1x128xi32, #tpu.memory_space<vmem>>
          %dma_start3A_443 = tpu.memref_squeeze %dma_start3A_442 : memref<1x128xi32, #tpu.memory_space<vmem>> -> memref<128xi32, #tpu.memory_space<vmem>>
          %dma_start3A_444 = arith.constant 0 : i32
          %dma_start3A_445 = arith.constant 0 : i32
          %dma_start3A_446 = tpu.memref_slice %arg2[%dma_start3A_444, %dma_start3A_445] : memref<10000x40xf32, #tpu.memory_space<hbm>> -> memref<10000x40xf32, #tpu.memory_space<hbm>>
          tpu.enqueue_indirect_dma source(%dma_start3A_446 : memref<10000x40xf32, #tpu.memory_space<hbm>>) target(%dma_start3A_440 : memref<128x40xf32, #tpu.memory_space<vmem>>) offsets(%dma_start3A_443 : memref<128xi32, #tpu.memory_space<vmem>>) semaphore(%arg30 : memref<!tpu.dma_semaphore, #tpu.memory_space<semaphore_mem>>)
          %dma_start3A_447 = arith.constant 1 : i32
          %dma_start3A_448 = arith.constant 128 : i32
          %dma_start3A_449 = arith.constant 0 : i32
          %dma_start3A_450 = tpu.memref_slice %arg15[%dma_start3A_448, %dma_start3A_449] : memref<256x40xf32, #tpu.memory_space<vmem>> -> memref<128x40xf32, #tpu.memory_space<vmem>>
          %dma_start3A_451 = arith.constant 0 : i32
          %dma_start3A_452 = tpu.memref_slice %arg12[%dma_start3A_447, %dma_start3A_451] : memref<2x128xi32, #tpu.memory_space<vmem>> -> memref<1x128xi32, #tpu.memory_space<vmem>>
          %dma_start3A_453 = tpu.memref_squeeze %dma_start3A_452 : memref<1x128xi32, #tpu.memory_space<vmem>> -> memref<128xi32, #tpu.memory_space<vmem>>
          %dma_start3A_454 = arith.constant 0 : i32
          %dma_start3A_455 = arith.constant 0 : i32
          %dma_start3A_456 = tpu.memref_slice %arg3[%dma_start3A_454, %dma_start3A_455] : memref<10000x40xf32, #tpu.memory_space<hbm>> -> memref<10000x40xf32, #tpu.memory_space<hbm>>
          tpu.enqueue_indirect_dma source(%dma_start3A_456 : memref<10000x40xf32, #tpu.memory_space<hbm>>) target(%dma_start3A_450 : memref<128x40xf32, #tpu.memory_space<vmem>>) offsets(%dma_start3A_453 : memref<128xi32, #tpu.memory_space<vmem>>) semaphore(%arg30 : memref<!tpu.dma_semaphore, #tpu.memory_space<semaphore_mem>>)
        } else {
        }
        %dma_wait3A_358 = arith.constant 0 : i32
        %dma_wait3A_359 = arith.constant 0 : i32
        %dma_wait3A_360 = arith.constant 0 : i32
        %dma_wait3A_361 = tpu.memref_slice %arg6[%dma_wait3A_358, %dma_wait3A_359, %dma_wait3A_360] : memref<1000x2x128xi32, #tpu.memory_space<hbm>> -> memref<1x2x128xi32, #tpu.memory_space<hbm>>
        %dma_wait3A_362 = tpu.memref_squeeze %dma_wait3A_361 : memref<1x2x128xi32, #tpu.memory_space<hbm>> -> memref<2x128xi32, #tpu.memory_space<hbm>>
        %dma_wait3A_363 = arith.constant 0 : i32
        %dma_wait3A_364 = arith.constant 0 : i32
        %dma_wait3A_365 = tpu.memref_slice %arg6[%dma_wait3A_358, %dma_wait3A_363, %dma_wait3A_364] : memref<1000x2x128xi32, #tpu.memory_space<hbm>> -> memref<1x2x128xi32, #tpu.memory_space<hbm>>
        %dma_wait3A_366 = tpu.memref_squeeze %dma_wait3A_365 : memref<1x2x128xi32, #tpu.memory_space<hbm>> -> memref<2x128xi32, #tpu.memory_space<hbm>>
        tpu.wait_dma2 semaphore(%arg29 : memref<!tpu.dma_semaphore, #tpu.memory_space<semaphore_mem>>) src(%dma_wait3A_366 : memref<2x128xi32, #tpu.memory_space<hbm>>) dst(%arg20 : memref<2x128xi32, #tpu.memory_space<vmem>>)
        %dma_start3A_367 = arith.constant 0 : i32
        %dma_start3A_368 = arith.constant 0 : i32
        %dma_start3A_369 = arith.constant 0 : i32
        %dma_start3A_370 = tpu.memref_slice %arg24[%dma_start3A_368, %dma_start3A_369] : memref<256x40xf32, #tpu.memory_space<vmem>> -> memref<128x40xf32, #tpu.memory_space<vmem>>
        %dma_start3A_371 = arith.constant 0 : i32
        %dma_start3A_372 = tpu.memref_slice %arg20[%dma_start3A_367, %dma_start3A_371] : memref<2x128xi32, #tpu.memory_space<vmem>> -> memref<1x128xi32, #tpu.memory_space<vmem>>
        %dma_start3A_373 = tpu.memref_squeeze %dma_start3A_372 : memref<1x128xi32, #tpu.memory_space<vmem>> -> memref<128xi32, #tpu.memory_space<vmem>>
        %dma_start3A_374 = arith.constant 0 : i32
        %dma_start3A_375 = arith.constant 0 : i32
        %dma_start3A_376 = tpu.memref_slice %arg25[%dma_start3A_374, %dma_start3A_375] : memref<10240x40xf32, #tpu.memory_space<vmem_shared>> -> memref<10240x40xf32, #tpu.memory_space<vmem_shared>>
        tpu.enqueue_indirect_dma source(%dma_start3A_370 : memref<128x40xf32, #tpu.memory_space<vmem>>) target(%dma_start3A_376 : memref<10240x40xf32, #tpu.memory_space<vmem_shared>>) offsets(%dma_start3A_373 : memref<128xi32, #tpu.memory_space<vmem>>) semaphore(%arg33 : memref<!tpu.dma_semaphore, #tpu.memory_space<semaphore_mem>>) {add = true}
        %dma_start3A_377 = arith.constant 1 : i32
        %dma_start3A_378 = arith.constant 128 : i32
        %dma_start3A_379 = arith.constant 0 : i32
        %dma_start3A_380 = tpu.memref_slice %arg24[%dma_start3A_378, %dma_start3A_379] : memref<256x40xf32, #tpu.memory_space<vmem>> -> memref<128x40xf32, #tpu.memory_space<vmem>>
        %dma_start3A_381 = arith.constant 0 : i32
        %dma_start3A_382 = tpu.memref_slice %arg20[%dma_start3A_377, %dma_start3A_381] : memref<2x128xi32, #tpu.memory_space<vmem>> -> memref<1x128xi32, #tpu.memory_space<vmem>>
        %dma_start3A_383 = tpu.memref_squeeze %dma_start3A_382 : memref<1x128xi32, #tpu.memory_space<vmem>> -> memref<128xi32, #tpu.memory_space<vmem>>
        %dma_start3A_384 = arith.constant 0 : i32
        %dma_start3A_385 = arith.constant 0 : i32
        %dma_start3A_386 = tpu.memref_slice %arg25[%dma_start3A_384, %dma_start3A_385] : memref<10240x40xf32, #tpu.memory_space<vmem_shared>> -> memref<10240x40xf32, #tpu.memory_space<vmem_shared>>
        tpu.enqueue_indirect_dma source(%dma_start3A_380 : memref<128x40xf32, #tpu.memory_space<vmem>>) target(%dma_start3A_386 : memref<10240x40xf32, #tpu.memory_space<vmem_shared>>) offsets(%dma_start3A_383 : memref<128xi32, #tpu.memory_space<vmem>>) semaphore(%arg33 : memref<!tpu.dma_semaphore, #tpu.memory_space<semaphore_mem>>) {add = true}
      } else {
      }
    }
    %scan3A_107 = arith.constant 20 : i32
    %dma_wait3A = arith.constant 0 : i32
    %dma_wait3A_108 = arith.constant 0 : i32
    %dma_wait3A_109 = tpu.memref_slice %arg24[%dma_wait3A, %dma_wait3A_108] : memref<256x40xf32, #tpu.memory_space<vmem>> -> memref<128x40xf32, #tpu.memory_space<vmem>>
    %dma_wait3A_110 = arith.constant 0 : i32
    %dma_wait3A_111 = arith.constant 0 : i32
    %dma_wait3A_112 = tpu.memref_slice %arg4[%dma_wait3A_110, %dma_wait3A_111] : memref<256000x40xf32, #tpu.memory_space<hbm>> -> memref<128x40xf32, #tpu.memory_space<hbm>>
    %dma_wait3A_113 = arith.constant 0 : i32
    %dma_wait3A_114 = arith.constant 0 : i32
    %dma_wait3A_115 = tpu.memref_slice %arg24[%dma_wait3A_113, %dma_wait3A_114] : memref<256x40xf32, #tpu.memory_space<vmem>> -> memref<128x40xf32, #tpu.memory_space<vmem>>
    %dma_wait3A_116 = arith.constant 0 : i32
    %dma_wait3A_117 = arith.constant 0 : i32
    %dma_wait3A_118 = tpu.memref_slice %arg4[%dma_wait3A_116, %dma_wait3A_117] : memref<256000x40xf32, #tpu.memory_space<hbm>> -> memref<128x40xf32, #tpu.memory_space<hbm>>
    tpu.wait_dma2 semaphore(%arg33 : memref<!tpu.dma_semaphore, #tpu.memory_space<semaphore_mem>>) src(%dma_wait3A_118 : memref<128x40xf32, #tpu.memory_space<hbm>>) dst(%dma_wait3A_115 : memref<128x40xf32, #tpu.memory_space<vmem>>)
    %dma_wait3A_119 = arith.constant 128 : i32
    %dma_wait3A_120 = arith.constant 0 : i32
    %dma_wait3A_121 = tpu.memref_slice %arg24[%dma_wait3A_119, %dma_wait3A_120] : memref<256x40xf32, #tpu.memory_space<vmem>> -> memref<128x40xf32, #tpu.memory_space<vmem>>
    %dma_wait3A_122 = arith.constant 0 : i32
    %dma_wait3A_123 = arith.constant 0 : i32
    %dma_wait3A_124 = tpu.memref_slice %arg4[%dma_wait3A_122, %dma_wait3A_123] : memref<256000x40xf32, #tpu.memory_space<hbm>> -> memref<128x40xf32, #tpu.memory_space<hbm>>
    %dma_wait3A_125 = arith.constant 128 : i32
    %dma_wait3A_126 = arith.constant 0 : i32
    %dma_wait3A_127 = tpu.memref_slice %arg24[%dma_wait3A_125, %dma_wait3A_126] : memref<256x40xf32, #tpu.memory_space<vmem>> -> memref<128x40xf32, #tpu.memory_space<vmem>>
    %dma_wait3A_128 = arith.constant 0 : i32
    %dma_wait3A_129 = arith.constant 0 : i32
    %dma_wait3A_130 = tpu.memref_slice %arg4[%dma_wait3A_128, %dma_wait3A_129] : memref<256000x40xf32, #tpu.memory_space<hbm>> -> memref<128x40xf32, #tpu.memory_space<hbm>>
    tpu.wait_dma2 semaphore(%arg33 : memref<!tpu.dma_semaphore, #tpu.memory_space<semaphore_mem>>) src(%dma_wait3A_130 : memref<128x40xf32, #tpu.memory_space<hbm>>) dst(%dma_wait3A_127 : memref<128x40xf32, #tpu.memory_space<vmem>>)
    %barrier3A_131 = arith.constant 0 : index
    tpu.barrier barrier_id(%barrier3A_131)
    %mul3A_132 = arith.constant 640 : i32
    %mul3A_133 = arith.muli %arg1, %mul3A_132 : i32
    %mul3A_134 = arith.constant 10240 : i32
    %mul3A_135 = arith.muli %arg0, %mul3A_134 : i32
    %mul3A_136 = arith.constant 640 : i32
    %mul3A_137 = arith.muli %arg1, %mul3A_136 : i32
    %add3A_138 = arith.addi %mul3A_135, %mul3A_137 : i32
    "tpu.region"() ({
      %run_scoped3A = tpu.sem_alloc : memref<!tpu.dma_semaphore, #tpu.memory_space<semaphore_mem>>
      %dma_start3A_139 = arith.constant 0 : i32
      %dma_start3A_140 = tpu.memref_slice %arg10[%add3A_138, %dma_start3A_139] : memref<20480x40xf32, #tpu.memory_space<hbm>> -> memref<640x40xf32, #tpu.memory_space<hbm>>
      %dma_start3A_141 = arith.constant 0 : i32
      %dma_start3A_142 = tpu.memref_slice %arg25[%mul3A_133, %dma_start3A_141] : memref<10240x40xf32, #tpu.memory_space<vmem_shared>> -> memref<640x40xf32, #tpu.memory_space<vmem_shared>>
      tpu.enqueue_dma source(%dma_start3A_142 : memref<640x40xf32, #tpu.memory_space<vmem_shared>>) target(%dma_start3A_140 : memref<640x40xf32, #tpu.memory_space<hbm>>) target_semaphore(%run_scoped3A : memref<!tpu.dma_semaphore, #tpu.memory_space<semaphore_mem>>)
      %dma_wait3A_143 = arith.constant 0 : i32
      %dma_wait3A_144 = tpu.memref_slice %arg10[%add3A_138, %dma_wait3A_143] : memref<20480x40xf32, #tpu.memory_space<hbm>> -> memref<640x40xf32, #tpu.memory_space<hbm>>
      %dma_wait3A_145 = arith.constant 0 : i32
      %dma_wait3A_146 = tpu.memref_slice %arg25[%mul3A_133, %dma_wait3A_145] : memref<10240x40xf32, #tpu.memory_space<vmem_shared>> -> memref<640x40xf32, #tpu.memory_space<vmem_shared>>
      tpu.wait_dma2 semaphore(%run_scoped3A : memref<!tpu.dma_semaphore, #tpu.memory_space<semaphore_mem>>) src(%dma_wait3A_146 : memref<640x40xf32, #tpu.memory_space<vmem_shared>>) dst(%dma_wait3A_144 : memref<640x40xf32, #tpu.memory_space<hbm>>)
      tpu.yield
    }) : () -> ()
    return
  }
}

module attributes {stable_mosaic.version = 14 : i64} {
  func.func @_node_body(%arg0: i32, %arg1: memref<2000x128xf32, #tpu.memory_space<vmem>>, %arg2: memref<128x32xf32, #tpu.memory_space<vmem>>, %arg3: memref<128x32xf32, #tpu.memory_space<vmem>>, %arg4: memref<32x1xf32, #tpu.memory_space<vmem>>, %arg5: memref<2000x40xf32, #tpu.memory_space<vmem>>, %arg6: memref<2000x40xf32, #tpu.memory_space<vmem>>) attributes {dimension_semantics = [#tpu.dimension_semantics<arbitrary>], iteration_bounds = array<i64: 5>, scalar_prefetch = 0 : i64, scratch_operands = 0 : i64, tpu.core_type = #tpu.core_type<tc>, window_params = [{transform_indices = @transform_0, window_bounds = array<i64: 2000, 128>}, {pipeline_mode = #tpu.pipeline_mode<synchronous>, transform_indices = @transform_1, window_bounds = array<i64: 128, 32>}, {pipeline_mode = #tpu.pipeline_mode<synchronous>, transform_indices = @transform_2, window_bounds = array<i64: 128, 32>}, {pipeline_mode = #tpu.pipeline_mode<synchronous>, transform_indices = @transform_3, window_bounds = array<i64: 32, 1>}, {transform_indices = @transform_4, window_bounds = array<i64: 2000, 40>}, {transform_indices = @transform_5, window_bounds = array<i64: 2000, 40>}]} {
    %get3A = arith.constant 0 : index
    %get3A_0 = arith.constant 0 : index
    %get3A_1 = vector.load %arg1[%get3A, %get3A_0] : memref<2000x128xf32, #tpu.memory_space<vmem>>, vector<2000x128xf32>
    %get3A_2 = arith.constant 0 : index
    %get3A_3 = arith.constant 0 : index
    %get3A_4 = vector.load %arg2[%get3A_2, %get3A_3] : memref<128x32xf32, #tpu.memory_space<vmem>>, vector<128x32xf32>
    %get3A_5 = arith.constant 0 : index
    %get3A_6 = arith.constant 0 : index
    %get3A_7 = vector.load %arg4[%get3A_5, %get3A_6] : memref<32x1xf32, #tpu.memory_space<vmem>>, vector<32x1xf32>
    %dot_general3A = arith.constant dense<0.000000e+00> : vector<128x1xf32>
    %dot_general3A_8 = tpu.matmul %get3A_4, %get3A_7, %dot_general3A {dimension_numbers = #tpu.dot_dimension_numbers<[1], [0], [0], [1], [0, 0, 1, 1], [], []>, precision = #tpu.contract_precision<fp32>, transpose_lhs_hint = false} : vector<128x32xf32>, vector<32x1xf32>, vector<128x1xf32> -> vector<128x1xf32>
    %broadcast_in_dim3A = arith.constant 0.000000e+00 : f32
    %broadcast_in_dim3A_9 = vector.broadcast %broadcast_in_dim3A : f32 to vector<128x7xf32>
    %concatenate3A = tpu.concatenate %get3A_4, %dot_general3A_8, %broadcast_in_dim3A_9 in 1 : vector<128x32xf32>, vector<128x1xf32>, vector<128x7xf32> -> vector<128x40xf32>
    %get3A_10 = arith.constant 0 : index
    %get3A_11 = arith.constant 0 : index
    %get3A_12 = vector.load %arg3[%get3A_10, %get3A_11] : memref<128x32xf32, #tpu.memory_space<vmem>>, vector<128x32xf32>
    %get3A_13 = arith.constant 0 : index
    %get3A_14 = arith.constant 0 : index
    %get3A_15 = vector.load %arg4[%get3A_13, %get3A_14] : memref<32x1xf32, #tpu.memory_space<vmem>>, vector<32x1xf32>
    %dot_general3A_16 = arith.constant dense<0.000000e+00> : vector<128x1xf32>
    %dot_general3A_17 = tpu.matmul %get3A_12, %get3A_15, %dot_general3A_16 {dimension_numbers = #tpu.dot_dimension_numbers<[1], [0], [0], [1], [0, 0, 1, 1], [], []>, precision = #tpu.contract_precision<fp32>, transpose_lhs_hint = false} : vector<128x32xf32>, vector<32x1xf32>, vector<128x1xf32> -> vector<128x1xf32>
    %broadcast_in_dim3A_18 = arith.constant 0.000000e+00 : f32
    %broadcast_in_dim3A_19 = vector.broadcast %broadcast_in_dim3A_18 : f32 to vector<128x7xf32>
    %concatenate3A_20 = tpu.concatenate %get3A_12, %dot_general3A_17, %broadcast_in_dim3A_19 in 1 : vector<128x32xf32>, vector<128x1xf32>, vector<128x7xf32> -> vector<128x40xf32>
    %dot_general3A_21 = arith.constant dense<0.000000e+00> : vector<2000x40xf32>
    %dot_general3A_22 = tpu.matmul %get3A_1, %concatenate3A, %dot_general3A_21 {dimension_numbers = #tpu.dot_dimension_numbers<[1], [0], [0], [1], [0, 0, 1, 1], [], []>, precision = #tpu.contract_precision<fp32>, transpose_lhs_hint = false} : vector<2000x128xf32>, vector<128x40xf32>, vector<2000x40xf32> -> vector<2000x40xf32>
    %swap3A = arith.constant 0 : index
    %swap3A_23 = arith.constant 0 : index
    %swap3A_24 = vector.load %arg5[%swap3A, %swap3A_23] : memref<2000x40xf32, #tpu.memory_space<vmem>>, vector<2000x40xf32>
    tpu.vector_store %arg5[%swap3A, %swap3A_23], %dot_general3A_22 {strides = array<i32>} : memref<2000x40xf32, #tpu.memory_space<vmem>>, vector<2000x40xf32>,
    %dot_general3A_25 = arith.constant dense<0.000000e+00> : vector<2000x40xf32>
    %dot_general3A_26 = tpu.matmul %get3A_1, %concatenate3A_20, %dot_general3A_25 {dimension_numbers = #tpu.dot_dimension_numbers<[1], [0], [0], [1], [0, 0, 1, 1], [], []>, precision = #tpu.contract_precision<fp32>, transpose_lhs_hint = false} : vector<2000x128xf32>, vector<128x40xf32>, vector<2000x40xf32> -> vector<2000x40xf32>
    %swap3A_27 = arith.constant 0 : index
    %swap3A_28 = arith.constant 0 : index
    %swap3A_29 = vector.load %arg6[%swap3A_27, %swap3A_28] : memref<2000x40xf32, #tpu.memory_space<vmem>>, vector<2000x40xf32>
    tpu.vector_store %arg6[%swap3A_27, %swap3A_28], %dot_general3A_26 {strides = array<i32>} : memref<2000x40xf32, #tpu.memory_space<vmem>>, vector<2000x40xf32>,
    return
  }
  func.func @transform_0(%arg0: i32) -> (i32, i32) {
    %c0_i32 = arith.constant 0 : i32
    %c0_i32_0 = arith.constant 0 : i32
    return %arg0, %c0_i32 : i32, i32
  }
  func.func @transform_1(%arg0: i32) -> (i32, i32) {
    %c0_i32 = arith.constant 0 : i32
    %c0_i32_0 = arith.constant 0 : i32
    %c0_i32_1 = arith.constant 0 : i32
    return %c0_i32, %c0_i32_0 : i32, i32
  }
  func.func @transform_2(%arg0: i32) -> (i32, i32) {
    %c0_i32 = arith.constant 0 : i32
    %c0_i32_0 = arith.constant 0 : i32
    %c0_i32_1 = arith.constant 0 : i32
    return %c0_i32, %c0_i32_0 : i32, i32
  }
  func.func @transform_3(%arg0: i32) -> (i32, i32) {
    %c0_i32 = arith.constant 0 : i32
    %c0_i32_0 = arith.constant 0 : i32
    %c0_i32_1 = arith.constant 0 : i32
    return %c0_i32, %c0_i32_0 : i32, i32
  }
  func.func @transform_4(%arg0: i32) -> (i32, i32) {
    %c0_i32 = arith.constant 0 : i32
    %c0_i32_0 = arith.constant 0 : i32
    return %arg0, %c0_i32 : i32, i32
  }
  func.func @transform_5(%arg0: i32) -> (i32, i32) {
    %c0_i32 = arith.constant 0 : i32
    %c0_i32_0 = arith.constant 0 : i32
    return %arg0, %c0_i32 : i32, i32
  }
}

module attributes {stable_mosaic.version = 14 : i64} {
  func.func @_edge_body(%arg0: i32, %arg1: memref<4000x128xf32, #tpu.memory_space<vmem>>, %arg2: memref<16x32xf32, #tpu.memory_space<vmem>>, %arg3: memref<32x1xf32, #tpu.memory_space<vmem>>, %arg4: memref<4000x320xf32, #tpu.memory_space<vmem>>) attributes {dimension_semantics = [#tpu.dimension_semantics<arbitrary>], iteration_bounds = array<i64: 8>, scalar_prefetch = 0 : i64, scratch_operands = 0 : i64, tpu.core_type = #tpu.core_type<tc>, window_params = [{transform_indices = @transform_0, window_bounds = array<i64: 4000, 128>}, {pipeline_mode = #tpu.pipeline_mode<synchronous>, transform_indices = @transform_1, window_bounds = array<i64: 16, 32>}, {pipeline_mode = #tpu.pipeline_mode<synchronous>, transform_indices = @transform_2, window_bounds = array<i64: 32, 1>}, {transform_indices = @transform_3, window_bounds = array<i64: 4000, 320>}]} {
    %get3A = arith.constant 0 : index
    %get3A_0 = arith.constant 0 : index
    %get3A_1 = vector.load %arg2[%get3A, %get3A_0] : memref<16x32xf32, #tpu.memory_space<vmem>>, vector<16x32xf32>
    %get3A_2 = arith.constant 0 : index
    %get3A_3 = arith.constant 0 : index
    %get3A_4 = vector.load %arg3[%get3A_2, %get3A_3] : memref<32x1xf32, #tpu.memory_space<vmem>>, vector<32x1xf32>
    %dot_general3A = arith.constant dense<0.000000e+00> : vector<16x1xf32>
    %dot_general3A_5 = tpu.matmul %get3A_1, %get3A_4, %dot_general3A {dimension_numbers = #tpu.dot_dimension_numbers<[1], [0], [0], [1], [0, 0, 1, 1], [], []>, precision = #tpu.contract_precision<fp32>, transpose_lhs_hint = false} : vector<16x32xf32>, vector<32x1xf32>, vector<16x1xf32> -> vector<16x1xf32>
    %broadcast_in_dim3A = arith.constant 0.000000e+00 : f32
    %broadcast_in_dim3A_6 = vector.broadcast %broadcast_in_dim3A : f32 to vector<16x7xf32>
    %concatenate3A = tpu.concatenate %get3A_1, %dot_general3A_5, %broadcast_in_dim3A_6 in 1 : vector<16x32xf32>, vector<16x1xf32>, vector<16x7xf32> -> vector<16x40xf32>
    %broadcast_in_dim3A_7 = arith.constant 0.000000e+00 : f32
    %broadcast_in_dim3A_8 = vector.broadcast %broadcast_in_dim3A_7 : f32 to vector<16x280xf32>
    %concatenate3A_9 = tpu.concatenate %concatenate3A, %broadcast_in_dim3A_8 in 1 : vector<16x40xf32>, vector<16x280xf32> -> vector<16x320xf32>
    %broadcast_in_dim3A_10 = arith.constant 0.000000e+00 : f32
    %broadcast_in_dim3A_11 = vector.broadcast %broadcast_in_dim3A_10 : f32 to vector<16x40xf32>
    %broadcast_in_dim3A_12 = arith.constant 0.000000e+00 : f32
    %broadcast_in_dim3A_13 = vector.broadcast %broadcast_in_dim3A_12 : f32 to vector<16x240xf32>
    %concatenate3A_14 = tpu.concatenate %broadcast_in_dim3A_11, %concatenate3A, %broadcast_in_dim3A_13 in 1 : vector<16x40xf32>, vector<16x40xf32>, vector<16x240xf32> -> vector<16x320xf32>
    %broadcast_in_dim3A_15 = arith.constant 0.000000e+00 : f32
    %broadcast_in_dim3A_16 = vector.broadcast %broadcast_in_dim3A_15 : f32 to vector<16x80xf32>
    %broadcast_in_dim3A_17 = arith.constant 0.000000e+00 : f32
    %broadcast_in_dim3A_18 = vector.broadcast %broadcast_in_dim3A_17 : f32 to vector<16x200xf32>
    %concatenate3A_19 = tpu.concatenate %broadcast_in_dim3A_16, %concatenate3A, %broadcast_in_dim3A_18 in 1 : vector<16x80xf32>, vector<16x40xf32>, vector<16x200xf32> -> vector<16x320xf32>
    %broadcast_in_dim3A_20 = arith.constant 0.000000e+00 : f32
    %broadcast_in_dim3A_21 = vector.broadcast %broadcast_in_dim3A_20 : f32 to vector<16x120xf32>
    %broadcast_in_dim3A_22 = arith.constant 0.000000e+00 : f32
    %broadcast_in_dim3A_23 = vector.broadcast %broadcast_in_dim3A_22 : f32 to vector<16x160xf32>
    %concatenate3A_24 = tpu.concatenate %broadcast_in_dim3A_21, %concatenate3A, %broadcast_in_dim3A_23 in 1 : vector<16x120xf32>, vector<16x40xf32>, vector<16x160xf32> -> vector<16x320xf32>
    %broadcast_in_dim3A_25 = arith.constant 0.000000e+00 : f32
    %broadcast_in_dim3A_26 = vector.broadcast %broadcast_in_dim3A_25 : f32 to vector<16x160xf32>
    %broadcast_in_dim3A_27 = arith.constant 0.000000e+00 : f32
    %broadcast_in_dim3A_28 = vector.broadcast %broadcast_in_dim3A_27 : f32 to vector<16x120xf32>
    %concatenate3A_29 = tpu.concatenate %broadcast_in_dim3A_26, %concatenate3A, %broadcast_in_dim3A_28 in 1 : vector<16x160xf32>, vector<16x40xf32>, vector<16x120xf32> -> vector<16x320xf32>
    %broadcast_in_dim3A_30 = arith.constant 0.000000e+00 : f32
    %broadcast_in_dim3A_31 = vector.broadcast %broadcast_in_dim3A_30 : f32 to vector<16x200xf32>
    %broadcast_in_dim3A_32 = arith.constant 0.000000e+00 : f32
    %broadcast_in_dim3A_33 = vector.broadcast %broadcast_in_dim3A_32 : f32 to vector<16x80xf32>
    %concatenate3A_34 = tpu.concatenate %broadcast_in_dim3A_31, %concatenate3A, %broadcast_in_dim3A_33 in 1 : vector<16x200xf32>, vector<16x40xf32>, vector<16x80xf32> -> vector<16x320xf32>
    %broadcast_in_dim3A_35 = arith.constant 0.000000e+00 : f32
    %broadcast_in_dim3A_36 = vector.broadcast %broadcast_in_dim3A_35 : f32 to vector<16x240xf32>
    %broadcast_in_dim3A_37 = arith.constant 0.000000e+00 : f32
    %broadcast_in_dim3A_38 = vector.broadcast %broadcast_in_dim3A_37 : f32 to vector<16x40xf32>
    %concatenate3A_39 = tpu.concatenate %broadcast_in_dim3A_36, %concatenate3A, %broadcast_in_dim3A_38 in 1 : vector<16x240xf32>, vector<16x40xf32>, vector<16x40xf32> -> vector<16x320xf32>
    %broadcast_in_dim3A_40 = arith.constant 0.000000e+00 : f32
    %broadcast_in_dim3A_41 = vector.broadcast %broadcast_in_dim3A_40 : f32 to vector<16x280xf32>
    %concatenate3A_42 = tpu.concatenate %broadcast_in_dim3A_41, %concatenate3A in 1 : vector<16x280xf32>, vector<16x40xf32> -> vector<16x320xf32>
    %concatenate3A_43 = tpu.concatenate %concatenate3A_9, %concatenate3A_14, %concatenate3A_19, %concatenate3A_24, %concatenate3A_29, %concatenate3A_34, %concatenate3A_39, %concatenate3A_42 in 0 : vector<16x320xf32>, vector<16x320xf32>, vector<16x320xf32>, vector<16x320xf32>, vector<16x320xf32>, vector<16x320xf32>, vector<16x320xf32>, vector<16x320xf32> -> vector<128x320xf32>
    %get3A_44 = arith.constant 0 : index
    %get3A_45 = arith.constant 0 : index
    %get3A_46 = vector.load %arg1[%get3A_44, %get3A_45] : memref<4000x128xf32, #tpu.memory_space<vmem>>, vector<4000x128xf32>
    %dot_general3A_47 = arith.constant dense<0.000000e+00> : vector<4000x320xf32>
    %dot_general3A_48 = tpu.matmul %get3A_46, %concatenate3A_43, %dot_general3A_47 {dimension_numbers = #tpu.dot_dimension_numbers<[1], [0], [0], [1], [0, 0, 1, 1], [], []>, precision = #tpu.contract_precision<fp32>, transpose_lhs_hint = false} : vector<4000x128xf32>, vector<128x320xf32>, vector<4000x320xf32> -> vector<4000x320xf32>
    %swap3A = arith.constant 0 : index
    %swap3A_49 = arith.constant 0 : index
    %swap3A_50 = vector.load %arg4[%swap3A, %swap3A_49] : memref<4000x320xf32, #tpu.memory_space<vmem>>, vector<4000x320xf32>
    tpu.vector_store %arg4[%swap3A, %swap3A_49], %dot_general3A_48 {strides = array<i32>} : memref<4000x320xf32, #tpu.memory_space<vmem>>, vector<4000x320xf32>,
    return
  }
  func.func @transform_0(%arg0: i32) -> (i32, i32) {
    %c0_i32 = arith.constant 0 : i32
    %c0_i32_0 = arith.constant 0 : i32
    return %arg0, %c0_i32 : i32, i32
  }
  func.func @transform_1(%arg0: i32) -> (i32, i32) {
    %c0_i32 = arith.constant 0 : i32
    %c0_i32_0 = arith.constant 0 : i32
    %c0_i32_1 = arith.constant 0 : i32
    return %c0_i32, %c0_i32_0 : i32, i32
  }
  func.func @transform_2(%arg0: i32) -> (i32, i32) {
    %c0_i32 = arith.constant 0 : i32
    %c0_i32_0 = arith.constant 0 : i32
    %c0_i32_1 = arith.constant 0 : i32
    return %c0_i32, %c0_i32_0 : i32, i32
  }
  func.func @transform_3(%arg0: i32) -> (i32, i32) {
    %c0_i32 = arith.constant 0 : i32
    %c0_i32_0 = arith.constant 0 : i32
    return %arg0, %c0_i32 : i32, i32
  }
}

module attributes {stable_mosaic.version = 14 : i64} {
  func.func @_edge_body(%arg0: i32, %arg1: memref<4000x128xf32, #tpu.memory_space<vmem>>, %arg2: memref<16x32xf32, #tpu.memory_space<vmem>>, %arg3: memref<32x1xf32, #tpu.memory_space<vmem>>, %arg4: memref<4000x320xf32, #tpu.memory_space<vmem>>) attributes {dimension_semantics = [#tpu.dimension_semantics<arbitrary>], iteration_bounds = array<i64: 2>, scalar_prefetch = 0 : i64, scratch_operands = 0 : i64, tpu.core_type = #tpu.core_type<tc>, window_params = [{transform_indices = @transform_0, window_bounds = array<i64: 4000, 128>}, {pipeline_mode = #tpu.pipeline_mode<synchronous>, transform_indices = @transform_1, window_bounds = array<i64: 16, 32>}, {pipeline_mode = #tpu.pipeline_mode<synchronous>, transform_indices = @transform_2, window_bounds = array<i64: 32, 1>}, {transform_indices = @transform_3, window_bounds = array<i64: 4000, 320>}]} {
    %get3A = arith.constant 0 : index
    %get3A_0 = arith.constant 0 : index
    %get3A_1 = vector.load %arg2[%get3A, %get3A_0] : memref<16x32xf32, #tpu.memory_space<vmem>>, vector<16x32xf32>
    %get3A_2 = arith.constant 0 : index
    %get3A_3 = arith.constant 0 : index
    %get3A_4 = vector.load %arg3[%get3A_2, %get3A_3] : memref<32x1xf32, #tpu.memory_space<vmem>>, vector<32x1xf32>
    %dot_general3A = arith.constant dense<0.000000e+00> : vector<16x1xf32>
    %dot_general3A_5 = tpu.matmul %get3A_1, %get3A_4, %dot_general3A {dimension_numbers = #tpu.dot_dimension_numbers<[1], [0], [0], [1], [0, 0, 1, 1], [], []>, precision = #tpu.contract_precision<fp32>, transpose_lhs_hint = false} : vector<16x32xf32>, vector<32x1xf32>, vector<16x1xf32> -> vector<16x1xf32>
    %broadcast_in_dim3A = arith.constant 0.000000e+00 : f32
    %broadcast_in_dim3A_6 = vector.broadcast %broadcast_in_dim3A : f32 to vector<16x7xf32>
    %concatenate3A = tpu.concatenate %get3A_1, %dot_general3A_5, %broadcast_in_dim3A_6 in 1 : vector<16x32xf32>, vector<16x1xf32>, vector<16x7xf32> -> vector<16x40xf32>
    %broadcast_in_dim3A_7 = arith.constant 0.000000e+00 : f32
    %broadcast_in_dim3A_8 = vector.broadcast %broadcast_in_dim3A_7 : f32 to vector<16x280xf32>
    %concatenate3A_9 = tpu.concatenate %concatenate3A, %broadcast_in_dim3A_8 in 1 : vector<16x40xf32>, vector<16x280xf32> -> vector<16x320xf32>
    %broadcast_in_dim3A_10 = arith.constant 0.000000e+00 : f32
    %broadcast_in_dim3A_11 = vector.broadcast %broadcast_in_dim3A_10 : f32 to vector<16x40xf32>
    %broadcast_in_dim3A_12 = arith.constant 0.000000e+00 : f32
    %broadcast_in_dim3A_13 = vector.broadcast %broadcast_in_dim3A_12 : f32 to vector<16x240xf32>
    %concatenate3A_14 = tpu.concatenate %broadcast_in_dim3A_11, %concatenate3A, %broadcast_in_dim3A_13 in 1 : vector<16x40xf32>, vector<16x40xf32>, vector<16x240xf32> -> vector<16x320xf32>
    %broadcast_in_dim3A_15 = arith.constant 0.000000e+00 : f32
    %broadcast_in_dim3A_16 = vector.broadcast %broadcast_in_dim3A_15 : f32 to vector<16x80xf32>
    %broadcast_in_dim3A_17 = arith.constant 0.000000e+00 : f32
    %broadcast_in_dim3A_18 = vector.broadcast %broadcast_in_dim3A_17 : f32 to vector<16x200xf32>
    %concatenate3A_19 = tpu.concatenate %broadcast_in_dim3A_16, %concatenate3A, %broadcast_in_dim3A_18 in 1 : vector<16x80xf32>, vector<16x40xf32>, vector<16x200xf32> -> vector<16x320xf32>
    %broadcast_in_dim3A_20 = arith.constant 0.000000e+00 : f32
    %broadcast_in_dim3A_21 = vector.broadcast %broadcast_in_dim3A_20 : f32 to vector<16x120xf32>
    %broadcast_in_dim3A_22 = arith.constant 0.000000e+00 : f32
    %broadcast_in_dim3A_23 = vector.broadcast %broadcast_in_dim3A_22 : f32 to vector<16x160xf32>
    %concatenate3A_24 = tpu.concatenate %broadcast_in_dim3A_21, %concatenate3A, %broadcast_in_dim3A_23 in 1 : vector<16x120xf32>, vector<16x40xf32>, vector<16x160xf32> -> vector<16x320xf32>
    %broadcast_in_dim3A_25 = arith.constant 0.000000e+00 : f32
    %broadcast_in_dim3A_26 = vector.broadcast %broadcast_in_dim3A_25 : f32 to vector<16x160xf32>
    %broadcast_in_dim3A_27 = arith.constant 0.000000e+00 : f32
    %broadcast_in_dim3A_28 = vector.broadcast %broadcast_in_dim3A_27 : f32 to vector<16x120xf32>
    %concatenate3A_29 = tpu.concatenate %broadcast_in_dim3A_26, %concatenate3A, %broadcast_in_dim3A_28 in 1 : vector<16x160xf32>, vector<16x40xf32>, vector<16x120xf32> -> vector<16x320xf32>
    %broadcast_in_dim3A_30 = arith.constant 0.000000e+00 : f32
    %broadcast_in_dim3A_31 = vector.broadcast %broadcast_in_dim3A_30 : f32 to vector<16x200xf32>
    %broadcast_in_dim3A_32 = arith.constant 0.000000e+00 : f32
    %broadcast_in_dim3A_33 = vector.broadcast %broadcast_in_dim3A_32 : f32 to vector<16x80xf32>
    %concatenate3A_34 = tpu.concatenate %broadcast_in_dim3A_31, %concatenate3A, %broadcast_in_dim3A_33 in 1 : vector<16x200xf32>, vector<16x40xf32>, vector<16x80xf32> -> vector<16x320xf32>
    %broadcast_in_dim3A_35 = arith.constant 0.000000e+00 : f32
    %broadcast_in_dim3A_36 = vector.broadcast %broadcast_in_dim3A_35 : f32 to vector<16x240xf32>
    %broadcast_in_dim3A_37 = arith.constant 0.000000e+00 : f32
    %broadcast_in_dim3A_38 = vector.broadcast %broadcast_in_dim3A_37 : f32 to vector<16x40xf32>
    %concatenate3A_39 = tpu.concatenate %broadcast_in_dim3A_36, %concatenate3A, %broadcast_in_dim3A_38 in 1 : vector<16x240xf32>, vector<16x40xf32>, vector<16x40xf32> -> vector<16x320xf32>
    %broadcast_in_dim3A_40 = arith.constant 0.000000e+00 : f32
    %broadcast_in_dim3A_41 = vector.broadcast %broadcast_in_dim3A_40 : f32 to vector<16x280xf32>
    %concatenate3A_42 = tpu.concatenate %broadcast_in_dim3A_41, %concatenate3A in 1 : vector<16x280xf32>, vector<16x40xf32> -> vector<16x320xf32>
    %concatenate3A_43 = tpu.concatenate %concatenate3A_9, %concatenate3A_14, %concatenate3A_19, %concatenate3A_24, %concatenate3A_29, %concatenate3A_34, %concatenate3A_39, %concatenate3A_42 in 0 : vector<16x320xf32>, vector<16x320xf32>, vector<16x320xf32>, vector<16x320xf32>, vector<16x320xf32>, vector<16x320xf32>, vector<16x320xf32>, vector<16x320xf32> -> vector<128x320xf32>
    %get3A_44 = arith.constant 0 : index
    %get3A_45 = arith.constant 0 : index
    %get3A_46 = vector.load %arg1[%get3A_44, %get3A_45] : memref<4000x128xf32, #tpu.memory_space<vmem>>, vector<4000x128xf32>
    %dot_general3A_47 = arith.constant dense<0.000000e+00> : vector<4000x320xf32>
    %dot_general3A_48 = tpu.matmul %get3A_46, %concatenate3A_43, %dot_general3A_47 {dimension_numbers = #tpu.dot_dimension_numbers<[1], [0], [0], [1], [0, 0, 1, 1], [], []>, precision = #tpu.contract_precision<fp32>, transpose_lhs_hint = false} : vector<4000x128xf32>, vector<128x320xf32>, vector<4000x320xf32> -> vector<4000x320xf32>
    %swap3A = arith.constant 0 : index
    %swap3A_49 = arith.constant 0 : index
    %swap3A_50 = vector.load %arg4[%swap3A, %swap3A_49] : memref<4000x320xf32, #tpu.memory_space<vmem>>, vector<4000x320xf32>
    tpu.vector_store %arg4[%swap3A, %swap3A_49], %dot_general3A_48 {strides = array<i32>} : memref<4000x320xf32, #tpu.memory_space<vmem>>, vector<4000x320xf32>,
    return
  }
  func.func @transform_0(%arg0: i32) -> (i32, i32) {
    %c0_i32 = arith.constant 0 : i32
    %c0_i32_0 = arith.constant 0 : i32
    return %arg0, %c0_i32 : i32, i32
  }
  func.func @transform_1(%arg0: i32) -> (i32, i32) {
    %c0_i32 = arith.constant 0 : i32
    %c0_i32_0 = arith.constant 0 : i32
    %c0_i32_1 = arith.constant 0 : i32
    return %c0_i32, %c0_i32_0 : i32, i32
  }
  func.func @transform_2(%arg0: i32) -> (i32, i32) {
    %c0_i32 = arith.constant 0 : i32
    %c0_i32_0 = arith.constant 0 : i32
    %c0_i32_1 = arith.constant 0 : i32
    return %c0_i32, %c0_i32_0 : i32, i32
  }
  func.func @transform_3(%arg0: i32) -> (i32, i32) {
    %c0_i32 = arith.constant 0 : i32
    %c0_i32_0 = arith.constant 0 : i32
    return %arg0, %c0_i32 : i32, i32
  }
}

module attributes {stable_mosaic.version = 14 : i64} {
  func.func @_norm_body(%arg0: i32, %arg1: memref<2x1000x40xf32, #tpu.memory_space<vmem>>, %arg2: memref<1000x32xf32, #tpu.memory_space<vmem>>) attributes {dimension_semantics = [#tpu.dimension_semantics<arbitrary>], iteration_bounds = array<i64: 10>, scalar_prefetch = 0 : i64, scratch_operands = 0 : i64, tpu.core_type = #tpu.core_type<tc>, window_params = [{transform_indices = @transform_0, window_bounds = array<i64: 2, 1000, 40>}, {transform_indices = @transform_1, window_bounds = array<i64: 1000, 32>}]} {
    %get3A = arith.constant 0 : index
    %get3A_0 = arith.constant 0 : index
    %get3A_1 = arith.constant 0 : index
    %get3A_2 = vector.load %arg1[%get3A, %get3A_0, %get3A_1] : memref<2x1000x40xf32, #tpu.memory_space<vmem>>, vector<1x1000x40xf32>
    %get3A_3 = vector.shape_cast %get3A_2 : vector<1x1000x40xf32> to vector<1000x40xf32>
    %get3A_4 = arith.constant 1 : index
    %get3A_5 = arith.constant 0 : index
    %get3A_6 = arith.constant 0 : index
    %get3A_7 = vector.load %arg1[%get3A_4, %get3A_5, %get3A_6] : memref<2x1000x40xf32, #tpu.memory_space<vmem>>, vector<1x1000x40xf32>
    %get3A_8 = vector.shape_cast %get3A_7 : vector<1x1000x40xf32> to vector<1000x40xf32>
    %add3A = arith.addf %get3A_3, %get3A_8 : vector<1000x40xf32>
    %slice3A = vector.extract_strided_slice %add3A {offsets = [0, 0], sizes = [1000, 32], strides = [1, 1]} : vector<1000x40xf32> to vector<1000x32xf32>
    %slice3A_9 = vector.extract_strided_slice %add3A {offsets = [0, 32], sizes = [1000, 1], strides = [1, 1]} : vector<1000x40xf32> to vector<1000x1xf32>
    %add3A_10 = arith.constant 9.99999996E-13 : f32
    %add3A_11 = vector.broadcast %add3A_10 : f32 to vector<1000x1xf32>
    %add3A_12 = arith.addf %slice3A_9, %add3A_11 : vector<1000x1xf32>
    %div3A = vector.broadcast %add3A_12 : vector<1000x1xf32> to vector<1000x32xf32>
    %div3A_13 = arith.divf %slice3A, %div3A : vector<1000x32xf32>
    %swap3A = arith.constant 0 : index
    %swap3A_14 = arith.constant 0 : index
    %swap3A_15 = vector.load %arg2[%swap3A, %swap3A_14] : memref<1000x32xf32, #tpu.memory_space<vmem>>, vector<1000x32xf32>
    tpu.vector_store %arg2[%swap3A, %swap3A_14], %div3A_13 {strides = array<i32>} : memref<1000x32xf32, #tpu.memory_space<vmem>>, vector<1000x32xf32>,
    return
  }
  func.func @transform_0(%arg0: i32) -> (i32, i32, i32) {
    %c0_i32 = arith.constant 0 : i32
    %c0_i32_0 = arith.constant 0 : i32
    %c0_i32_1 = arith.constant 0 : i32
    return %c0_i32, %arg0, %c0_i32_0 : i32, i32, i32
  }
  func.func @transform_1(%arg0: i32) -> (i32, i32) {
    %c0_i32 = arith.constant 0 : i32
    %c0_i32_0 = arith.constant 0 : i32
    return %arg0, %c0_i32 : i32, i32
  }
}

</mosaic_0001>

<sc_bundles>
// kernel: kernel.7.cloned.1.call-start
scs
__scs_entry_jumppad:
0x0: {  	(pc) =	sbr.rel $0x88, $3  }
0x1: {  	(tag) =	ssettag $0x0;
	lr =	simm.s32 $0x1  }
0x2: {  	[smem:$0x3F9A] =	sst lr;
	_ =	strace $0xD0000000  }
0x3: {  	_ = 	snop  }
0x4: {  	_ = 	snop  }
0x5: {  	_ = 	snop  }
0x6: {  	_ = 	snop  }
0x7: {  	_ = 	snop  }
__scs_overlays_trampoline_lowered:
0x8: {  	[smem:$0x3FA9] =	sst s0  }
0x9: {  	[smem:$0x3FAA] =	sst s1  }
0xa: {  	[smem:$0x3FAB] =	sst s2  }
0xb: {  	[smem:$0x3FAC] =	sst s3  }
0xc: {  	[smem:$0x3FAD] =	sst s4  }
0xd: {  	[smem:$0x3FAE] =	sst s5  }
0xe: {  	[smem:$0x3FAF] =	sst s6  }
0xf: {  	[smem:$0x3FB0] =	sst s7  }
0x10: {  	[smem:$0x3FB1] =	sst s8  }
0x11: {  	[smem:$0x3FB2] =	sst s9;
	s0 =	simm.s32 @!p0 $0x0  }
0x12: {  	s1 =	sld [smem:$0x3F98];
	s0 =	simm.s32 @p0 $0x1  }
0x13: {  	[smem:$0x3FB3] =	sst s0;
	s0 =	simm.s32 @!p1 $0x0  }
0x14: {  	s2 =	sld [smem:$0x3F97];
	s0 =	simm.s32 @p1 $0x1  }
0x15: {  	[smem:$0x3FB4] =	sst s0;
	s0 =	simm.s32 @!p2 $0x0  }
0x16: {  	s3 =	sld [smem:$0x3FDB];
	s0 =	simm.s32 @p2 $0x1  }
0x17: {  	s4 =	simm.s32 $0x1BF5;
	[smem:$0x3FB6] =	sst s0  }
0x18: {  	s0 =	sld [smem:$0x3F99];
	_ =	swait.ge [sflag:s4], $0x0  }
0x19: {  	s7 =	sld [smem:$0x3F9A]  }
0x1a: {  	s8 =	sadd.s32 $0xFFFFE003, lr  }
0x1b: {  	s9 =	sadd.s32 $0xFFFFFEF7, lr;
	s5 =	simm.s32 $0xFFFFFFFF;
	p2 =	slt.u32 s8, $0xFFFFF086  }
0x1c: {  	p1 =	slt.u32 s9, $0xF7A;
	s5 =	simm.s32 @!p2 $0x0  }
0x1d: {  	s5 =	simm.s32 @p1 $0x1;
	p0 =	seq.s32 s7, s2  }
0x1e: {  	s7 =	smul.u32 @!p0 $0xF7A, s2;
	p2 =	seq.s32 @!p0 s5, $0x0  }
0x1f: {  	s9 =	smul.u32 $0xF7A, s1;
	s8 =	simm.s32 @!p0 $0x1BF5;
	p2 =	por !p2, p0  }
0x20: {  	[sflag:s8] =	ssyncset.s32 @!p0 $0xFFFFF086;
	s6 =	sadd.s32 @!p0 s3, s7;
	s7 =	simm.s32 @!p0 $0x108  }
0x21: {  	s3 =	sadd.s32 s3, s9;
	s6 =	sadd.s32 @!p0 $0x88, s6;
	s7 =	simm.s32 @p2 $0x1082  }
0x22: {  	[simem:s7], [sflag:s8] =	dma.local @!p0 [hbm:s6], $0xF7A  }
0x23: {  	s9 =	sor.u32 $0xD0000000, s2;
	s6 =	simm.s32 $0x108;
	_ =	swait.ge @!p0 [sflag:s8], $0x0  }
0x24: {  	s3 =	sadd.s32 $0x88, s3;
	s6 =	simm.s32 @!p1 $0x1082;
	[sflag:s4] =	ssyncset.s32 $0xFFFFF086  }
0x25: {  	[simem:s6], [sflag:s4] =	dma.local [hbm:s3], $0xF7A  }
0x26: {  	[smem:$0x3F9A] =	sst s1;
	(tag) =	ssettag s2;
	_ =	strace s9  }
0x27: {  	s1 =	sld [smem:$0x3FAA]  }
0x28: {  	s2 =	sld [smem:$0x3FAB]  }
0x29: {  	s4 =	sld [smem:$0x3FAD]  }
0x2a: {  	p0 =	seq.s32 s5, $0x0;
	s5 =	sld [smem:$0x3FAE]  }
0x2b: {  	s6 =	sld [smem:$0x3FAF]  }
0x2c: {  	s7 =	sld [smem:$0x3FB0]  }
0x2d: {  	s3 =	simm.s32 $0x108;
	s8 =	sld [smem:$0x3FB1]  }
0x2e: {  	s3 =	simm.s32 @!p0 $0x1082;
	s9 =	sld [smem:$0x3FB2]  }
0x2f: {  	lr =	sadd.s32 s0, s3;
	s0 =	sld [smem:$0x3FA9]  }
0x30: {  	s3 =	sld [smem:$0x3FAC]  }
0x31: {  	[smem:$0x3FB5] =	sst s10  }
0x32: {  	s10 =	sld [smem:$0x3FB3];
	_ =	sdelay $0x3  }
0x33: {  	p0 =	seq.s32 s10, $0x1;
	s10 =	sld [smem:$0x3FB5];
	_ =	sdelay $0x3  }
0x34: {  	[smem:$0x3FB5] =	sst s10  }
0x35: {  	s10 =	sld [smem:$0x3FB4];
	_ =	sdelay $0x3  }
0x36: {  	p1 =	seq.s32 s10, $0x1;
	s10 =	sld [smem:$0x3FB5];
	_ =	sdelay $0x3  }
0x37: {  	[smem:$0x3FB5] =	sst s10  }
0x38: {  	s10 =	sld [smem:$0x3FB6]  }
0x39: {  	_ = 	snop;
	(pc) =	sbr.ind lr, $3  }
0x3a: {  	_ = 	snop  }
0x3b: {  	_ = 	snop  }
0x3c: {  	p2 =	seq.s32 s10, $0x1;
	s10 =	sld [smem:$0x3FB5]  }
0x3d: {  	_ =	shalt  }
0x3e: {  	_ =	shalt  }
0x3f: {  	_ =	shalt  }
0x40: {  	_ =	shalt  }
0x41: {  	_ =	shalt  }
0x42: {  	_ =	shalt  }
0x43: {  	_ =	shalt  }
0x44: {  	_ =	shalt  }
0x45: {  	_ =	shalt  }
0x46: {  	_ =	shalt  }
0x47: {  	_ =	shalt  }
0x48: {  	_ =	shalt  }
0x49: {  	_ =	shalt  }
0x4a: {  	_ =	shalt  }
0x4b: {  	_ =	shalt  }
0x4c: {  	_ =	shalt  }
0x4d: {  	_ =	shalt  }
0x4e: {  	_ =	shalt  }
0x4f: {  	_ =	shalt  }
0x50: {  	_ =	shalt  }
0x51: {  	_ =	shalt  }
0x52: {  	_ =	shalt  }
0x53: {  	_ =	shalt  }
0x54: {  	_ =	shalt  }
0x55: {  	_ =	shalt  }
0x56: {  	_ =	shalt  }
0x57: {  	_ =	shalt  }
0x58: {  	_ =	shalt  }
0x59: {  	_ =	shalt  }
0x5a: {  	_ =	shalt  }
0x5b: {  	_ =	shalt  }
0x5c: {  	_ =	shalt  }
0x5d: {  	_ =	shalt  }
0x5e: {  	_ =	shalt  }
0x5f: {  	_ =	shalt  }
0x60: {  	_ =	shalt  }
0x61: {  	_ =	shalt  }
0x62: {  	_ =	shalt  }
0x63: {  	_ =	shalt  }
0x64: {  	_ =	shalt  }
0x65: {  	_ =	shalt  }
0x66: {  	_ =	shalt  }
0x67: {  	_ =	shalt  }
0x68: {  	_ =	shalt  }
0x69: {  	_ =	shalt  }
0x6a: {  	_ =	shalt  }
0x6b: {  	_ =	shalt  }
0x6c: {  	_ =	shalt  }
0x6d: {  	_ =	shalt  }
0x6e: {  	_ =	shalt  }
0x6f: {  	_ =	shalt  }
0x70: {  	_ =	shalt  }
0x71: {  	_ =	shalt  }
0x72: {  	_ =	shalt  }
0x73: {  	_ =	shalt  }
0x74: {  	_ =	shalt  }
0x75: {  	_ =	shalt  }
0x76: {  	_ =	shalt  }
0x77: {  	_ =	shalt  }
0x78: {  	_ =	shalt  }
0x79: {  	_ =	shalt  }
0x7a: {  	_ =	shalt  }
0x7b: {  	_ =	shalt  }
0x7c: {  	_ =	shalt  }
0x7d: {  	_ =	shalt  }
0x7e: {  	_ =	shalt  }
0x7f: {  	_ =	shalt  }
0x80: {  	_ =	shalt  }
0x81: {  	_ =	shalt  }
0x82: {  	_ =	shalt  }
0x83: {  	_ =	shalt  }
0x84: {  	_ =	shalt  }
0x85: {  	_ =	shalt  }
0x86: {  	_ =	shalt  }
0x87: {  	_ =	shalt  }
.Lfunc_end0:
.L_simem_size_0:
called_computation_lowered:
.L_overlay_start_0:
0x88: {  	s2 =	sld [smem:$0x3FD9]  }
0x89: {  	s3 =	sld [smem:$0x3FFE];
	_ =	sdelay $0x1  }
0x8a: {  	s1 =	srdreg.scid  }
0x8b: {  	s0 =	sand.u32 $0x1, s1  }
0x8c: {  	s17 =	sshll.u32 s0, $0xA;
	s2 =	sadd.s32 s3, s2  }
0x8d: {  	s2 =	sadd.s32 s2, s17  }
0x8e: {  	[smem:$0x3FC1] =	sst s2  }
0x8f: {  	_ = 	snop  }
0x90: {  	s2 =	sld [smem:$0x3FD0];
	(tm) =	ssettm $0x1  }
0x91: {  	s18 =	sld [smem:$0x3FFB];
	_ =	sdelay $0x3  }
0x92: {  	_ =	strace s18  }
0x93: {  	s3 =	sld [smem:$0x3FFC];
	_ =	sdelay $0x3  }
0x94: {  	_ =	strace s3  }
0x95: {  	s3 =	sld [smem:$0x3FFD];
	_ =	sdelay $0x3  }
0x96: {  	_ =	strace s3  }
0x97: {  	_ =	strace $0x8FFFFFFF  }
0x98: {  	s19 =	sld [smem:$0x3FDB];
	_ =	sdelay $0x1  }
0x99: {  	s4 =	simm.s32 $_scs_section_size  }
0x9a: {  	s5 =	simm.s32 $_size__tile_overlayer_lowered;
	s6 =	simm.s32 $_tile_overlayer_lowered  }
0x9b: {  	s22 =	simm.s32 $0x1BFF;
	s21 =	sshll.u32 s6, $0x1;
	s3 =	sadd.s32 s4, s19  }
0x9c: {  	s7 =	simm.s32 $0x0;
	s20 =	sshll.u32 s5, $0x1;
	s5 =	sadd.s32 s21, s3  }
0x9d: {  	[timem:s7], [sflag:s22] =	dma.local [hbm:s5], s20  }
0x9e: {  	_ =	swait.ge [sflag:s22], s20  }
0x9f: {  	s4 =	ssub.s32 $0x0, s20;
	[sflag:s22] =	ssyncset.done $0x0  }
0xa0: {  	[sflag:s22] =	ssyncadd.s32 s4;
	_ =	sdelay $0x1  }
0xa1: {  	s23 =	simm.s32 $0x1B8B  }
0xa2: {  	_ =	swait.ge [sflag:s23], $0x1  }
0xa3: {  	[sflag:s23] =	ssyncset.done $0x0  }
0xa4: {  	s25 =	simm.s32 $0x1B8E;
	s24 =	sld [smem:$0x3FFE];
	[sflag:s23] =	ssyncadd.s32 $0xFFFFFFFF  }
0xa5: {  	s26 =	simm.s32 $execute0_lowered;
	[smem:$0x3FD2] =	sst s25  }
0xa6: {  	s5 =	sshll.u32 s26, $0x1;
	_ =	strace $0x80000046;
	[dreg:$0x1] =	wrdreg $0xFFFFFFFF  }
0xa7: {  	s28 =	simm.s32 $_size_execute0_lowered;
	s3 =	sadd.s32 s3, s5;
	[dreg:$0x0] =	wrdreg $0x0  }
0xa8: {  	s5 =	sshll.u32 s28, $0x1;
	[dreg:$0x2] =	wrdreg s3  }
0xa9: {  	[dreg:$0x3] =	wrdreg s5  }
0xaa: {  	[dreg:$0x4] =	wrdreg $0xC0  }
0xab: {  	_ =	task [dreg:s7], $0x5FFFF  }
0xac: {  	[dreg:$0x1] =	wrdreg $0xFFFFFFFF  }
0xad: {  	[dreg:$0x0] =	wrdreg $0x60  }
0xae: {  	[dreg:$0x2] =	wrdreg s24  }
0xaf: {  	[dreg:$0x3] =	wrdreg s2  }
0xb0: {  	[dreg:$0x4] =	wrdreg $0x146000  }
0xb1: {  	[dreg:$0x5] =	wrdreg $0x9  }
0xb2: {  	_ =	task.clear_ibuf [dreg:s7], $0x6FFFF;
	_ =	strace $0x90000046  }
0xb3: {  	s29 =	simm.s32 $0x9;
	_ =	strace $0x80000048  }
0xb4: {  	_ =	swait.ge [sflag:s29], $0x1  }
0xb5: {  	[sflag:s29] =	ssyncadd.s32 $0xFFFFFFFF  }
0xb6: {  	_ =	strace $0x90000048  }
0xb7: {  	_ =	sfence  }
0xb8: {  	s30 =	sld [smem:$0x0];
	_ =	sdelay $0x2  }
0xb9: {  	s31 =	sshll.u32 s1, $0xD;
	s1 =	sshrl.u32 s1, $0x2  }
0xba: {  	s3 =	sand.u32 $0x4000, s31;
	s1 =	sadd.s32 s1, s30  }
0xbb: {  	s0 =	sor.u32 s3, s0;
	s1 =	sshll.u32 s1, $0x11  }
0xbc: {  	s0 =	sor.u32 s1, s0  }
0xbd: {  	s0 =	sadd.s32 $0x8F2B, s0  }
0xbe: {  	[sflag:s0] =	ssyncadd.remote.s32 $0x1  }
0xbf: {  	_ =	sfence.sel $0xFFFF  }
0xc0: {  	[dreg:$0x0] =	wrdreg $0xFFFFFFFF;
	(pc) =	sbr.abs _section_cstart, $3  }
0xc1: {  	[dreg:$0x1] =	wrdreg $0xFFFFFFFF  }
0xc2: {  	_ =	task.clear_ibuf [dreg:s7], $0x2FFFF;
	_ =	strace $0x9FFFFFFF  }
0xc3: {  	(tm) =	ssettm $0x7FFFFFFF  }
tec
execute0_lowered:
.L_overlay_start_1:
0x0: {  	(tag) =	ssettag $0x1  }
0x1: {  	s0 =	rddreg [dreg:$0x0]  }
0x2: {  	s15 =	rddreg [dreg:$0x1]  }
0x3: {  	s11 =	rddreg [dreg:$0x2];
	s1 =	simm.s32 $0x0;
	s19 =	srdreg.scid  }
0x4: {  	s12 =	stileid.u32;
	s13 =	simm.s32 $0x26;
	s31 =	simm.s32 $0x7B00  }
0x5: {  	s28 =	simm.s32 $0xA600;
	[smem:$0x7FF] =	sst s1;
	s4 =	sadd.s32 $0x1A00, s0  }
0x6: {  	s6 =	sadd.s32 $0xDE00, s0;
	s16 =	sadd.s32 $0x191200, s0;
	s17 =	sadd.s32 $0x1A200, s0  }
0x7: {  	s1 =	sand.u32 $0x1, s19;
	s9 =	sadd.s32 $0x68400, s0;
	s2 =	smul.u32 $0xC80, s12  }
0x8: {  	s10 =	sadd.s32 $0x70200, s0;
	s18 =	sadd.s32 $0x72200, s0;
	s22 =	smul.u32 $0x19000, s12  }
0x9: {  	_ =	strace $0x80000047;
	s3 =	sshll.u32 s1, $0x4;
	[dreg:$0x5] =	wrdreg s17  }
0xa: {  	s5 =	smul.u32 $0xC800, s1;
	s1 =	ssub.s32 $0x2, s1;
	[dreg:$0x4] =	wrdreg s16  }
0xb: {  	[dreg:$0x6] =	wrdreg s18;
	s3 =	sor.u32 s12, s3;
	s21 =	sshrl.u32 s1, $0x1  }
0xc: {  	s23 =	sshrl.u32 s22, $0x2;
	s7 =	smax.u32 s3, $0x11;
	s8 =	smul.u32 $0x28, s3  }
0xd: {  	s2 =	sadd.s32 s2, s5;
	s1 =	ssub.s32 s1, s21;
	p0 =	sgt.u32 s3, $0x10  }
0xe: {  	s19 =	sadd.s32 s23, s11;
	s20 =	sshll.u32 s7, $0x1;
	s0 =	sadd.s32 s2, s0  }
0xf: {  	s13 =	simm.s32 @!p0 $0x28;
	s21 =	sadd.s32 $0x1400, s19;
	[dreg:$0x8] =	wrdreg s19  }
0x10: {  	s5 =	ssub.s32 s8, s20;
	[dreg:$0xa] =	wrdreg s21;
	s0 =	sadd.s32 $0x74200, s0  }
0x11: {  	s12 =	sadd.s32 $0x22, s5;
	s5 =	sadd.s32 $0x23, s5;
	[dreg:$0x12] =	wrdreg s0  }
0x12: {  	s24 =	sshll.u32 s12, $0x8;
	s26 =	smul.u32 $0x2800, s12;
	s29 =	sshll.u32 s12, $0x5  }
0x13: {  	p0 =	slt.s32 s12, $0x3E8;
	s21 =	sshll.u32 s5, $0x5;
	[dreg:$0x7] =	wrdreg s12  }
0x14: {  	s25 =	sadd.s32 $0xFFFC1800, s24;
	s8 =	sand.u32 $0x1FFFFFC0, s29;
	s2 =	sadd.s32 $0xFFFC1900, s24  }
0x15: {  	s24 =	smax.u32 s1, $0x1;
	s29 =	sadd.s32 $0xFFFFFFFE, s13;
	s1 =	simm.s32 $0x0  }
0x16: {  	s3 =	sshrl.u32 s25, $0x3;
	s30 =	sadd.s32 $0xFF63C000, s26;
	s14 =	sadd.s32 s9, s8  }
0x17: {  	s7 =	sshrl.u32 s26, $0x3;
	s2 =	sshrl.u32 s2, $0x3;
	[dreg:$0x13] =	wrdreg s24  }
0x18: {  	s25 =	sadd.s32 $0x3C00, s19;
	s26 =	sadd.s32 $0x5000, s19;
	[dreg:$0x16] =	wrdreg s29  }
0x19: {  	s20 =	sadd.s32 s10, s3;
	s11 =	sshrl.u32 s30, $0x3;
	s7 =	sadd.s32 s16, s7  }
0x1a: {  	s23 =	sadd.s32 s10, s2;
	s2 =	sadd.s32 s18, s2;
	[dreg:$0x14] =	wrdreg s25  }
0x1b: {  	[dreg:$0x15] =	wrdreg s26;
	s30 =	sadd.s32 $0xFFFFFFFD, s13;
	s16 =	simm.s32 $0x300  }
0x1c: {  	s26 =	simm.s32 $0xF600;
	s20 =	smov.u32 @p0 s14;
	[dreg:$0x10] =	wrdreg s23  }
0x1d: {  	s14 =	sadd.s32 s18, s3;
	s11 =	sadd.s32 s17, s11;
	[dreg:$0x11] =	wrdreg s2  }
0x1e: {  	s3 =	sadd.s32 s15, s8;
	[dreg:$0x17] =	wrdreg s30;
	s2 =	simm.s32 $0x9  }
0x1f: {  	s23 =	simm.s32 $0x5300;
	s17 =	simm.s32 $0x7;
	s18 =	simm.s32 $0x11E00  }
0x20: {  	v0 =	vlaneseq.u32;
	v2 =	vimm.s32 $0x0;
	[dreg:$0x9] =	wrdreg s20;
	s20 =	sadd.s32 $0x2800, s19;
	s14 =	smov.u32 @p0 s3  }
0x21: {  	v3 =	vimm.s32 $0x1;
	v4 =	vimm.s32 $0x2;
	v5 =	vimm.s32 $0x3;
	s3 =	sand.u32 $0x1FFFFFE0, s21;
	s11 =	smov.u32 @p0 s7;
	[dreg:$0xb] =	wrdreg s20  }
.Ltmp0:
0x22: {  	v6 =	vimm.s32 $0x4;
	v7 =	vimm.s32 $0x5;
	v8 =	vimm.s32 $0x6;
	p0 =	sgt.s32 s5, $0x3E7;
	[dreg:$0xc] =	wrdreg s14;
	(pc) =	sbr.rel .LBB2_1-.Ltmp0, $4  }
0x23: {  	v9 =	vimm.s32 $0x7;
	v10 =	vimm.s32 $0x8;
	v11 =	vimm.s32 $0x9;
	s5 =	simm.s32 $0x80;
	s21 =	simm.s32 $0x5;
	[dreg:$0xd] =	wrdreg s11  }
0x24: {  	v12 =	vimm.s32 $0xA;
	v13 =	vimm.s32 $0xB;
	v1 =	vmul.u32 $0x28, v0;
	s22 =	sadd.s32 s9, s3;
	s3 =	sadd.s32 s15, s3;
	p1 =	slt.s32 @!p0 s12, $0x3E7  }
0x25: {  	v14 =	vimm.s32 $0xC;
	v15 =	vimm.s32 $0xD;
	v16 =	vimm.s32 $0xE;
	s15 =	simm.s32 $0xCE00;
	s20 =	simm.s32 $0x6;
	[dreg:$0xe] =	wrdreg s22  }
0x26: {  	v17 =	vimm.s32 $0xF;
	v0 =	vimm.f32 $0.0e+00;
	v1 =	vadd.s32 $0x20, v1;
	[dreg:$0xf] =	wrdreg s3;
	p1 =	por p0, !p1;
	s22 =	simm.s32 $0x2B00  }
.LBB2_13:
0x27: {  	s0 =	simm.s32 $0x8  }
0x28: {  	_ =	swait.ge [sflag:s0], $0x1400  }
0x29: {  	[sflag:s0] =	ssyncset.done $0x0  }
0x2a: {  	[sflag:s0] =	ssyncadd.s32 $0xFFFFEC00  }
0x2b: {  	_ =	swait.ge [sflag:s0], $0x1400  }
0x2c: {  	[sflag:s0] =	ssyncset.done $0x0  }
0x2d: {  	[sflag:s0] =	ssyncadd.s32 $0xFFFFEC00  }
0x2e: {  	s25 =	stileid.u32;
	[bflag:$0x0] =	sbarrier.arrive $0xFFFF  }
0x2f: {  	s0 =	sshll.u32 s25, $0x6;
	s19 =	rddreg [dreg:$0x8]  }
0x30: {  	s0 =	sor.u32 $0x1C09, s0;
	s2 =	rddreg [dreg:$0x12];
	s1 =	sshrl.u32 s19, $0x3  }
0x31: {  	[hbm:s2], [sflag:s0] =	dma.local [spmem:s1], $0xC80  }
0x32: {  	s2 =	simm.s32 $0x9  }
0x33: {  	_ =	swait.ge [sflag:s2], $0xC80  }
0x34: {  	s29 =	rddreg [dreg:$0x18]  }
0x35: {  	s30 =	rddreg [dreg:$0x13];
	s1 =	sadd.s32 $0x1, s29  }
0x36: {  	p2 =	sne.s32 s1, s30  }
.Ltmp1:
0x37: {  	_ = 	snop;
	(pc) =	sbr.rel @!p2 .LBB2_14-.Ltmp1, $3  }
0x38: {  	_ =	sdelay $0x1  }
0x39: {  	[sflag:s2] =	ssyncset.done $0x0  }
0x3a: {  	[sflag:s2] =	ssyncadd.s32 $0xFFFFF380  }
.LBB2_1:
0x3b: {  	s0 =	simm.s32 $0x0  }
0x3c: {  	[tilespmem:s0+$0x7B10] =	vst v0  }
0x3d: {  	[tilespmem:s0+$0x11E10] =	vst v0  }
0x3e: {  	[tilespmem:s0+$0x7B00] =	vst v0  }
0x3f: {  	[tilespmem:s0+$0x7B18] =	vst v0  }
0x40: {  	[dreg:$0x18] =	wrdreg s1;
	s1 =	simm.s32 $0xA0;
	[tilespmem:s0+$0x11E18] =	vst v0  }
.LBB2_2:
0x41: {  	[tilespmem:s0+$0x11E00] =	vst v0;
	s0 =	sshra.s32 s1, $0x2;
	p2 =	sne.s32 s1, $0x9F60  }
.Ltmp2:
0x42: {  	[tilespmem:s0+$0x7B10] =	vst v0;
	(pc) =	sbr.rel @p2 .LBB2_2-.Ltmp2, $4  }
0x43: {  	[tilespmem:s0+$0x7B18] =	vst v0  }
0x44: {  	s1 =	sadd.s32 $0xA0, s1;
	[tilespmem:s0+$0x11E10] =	vst v0  }
0x45: {  	[tilespmem:s0+$0x11E18] =	vst v0  }
0x46: {  	[tilespmem:s0+$0x7B00] =	vst v0  }
0x47: {  	[tilespmem:s0+$0x11E00] =	vst v0  }
0x48: {  	[spmem:s19] =	stream.linear.scatter [tilespmem:s31], [sflag:$0x9], $0x1400, $0x38;
	[tilespmem:$0x1AA00] =	vst v63  }
0x49: {  	_ =	swait.ge [sflag:s2], $0x1400  }
0x4a: {  	[sflag:s2] =	ssyncset.done $0x0  }
0x4b: {  	s7 =	rddreg [dreg:$0xa];
	[sflag:s2] =	ssyncadd.s32 $0xFFFFEC00  }
0x4c: {  	[spmem:s7] =	stream.linear.scatter [tilespmem:s31], [sflag:$0x9], $0x1400, $0x38;
	[tilespmem:$0x1AA00] =	vst v63  }
0x4d: {  	_ =	swait.ge [sflag:s2], $0x1400  }
0x4e: {  	[sflag:s2] =	ssyncset.done $0x0  }
0x4f: {  	s8 =	rddreg [dreg:$0xb];
	[sflag:s2] =	ssyncadd.s32 $0xFFFFEC00  }
0x50: {  	[spmem:s8] =	stream.linear.scatter [tilespmem:s31], [sflag:$0x9], $0x1400, $0x38;
	[tilespmem:$0x1AA00] =	vst v63  }
0x51: {  	_ =	swait.ge [sflag:s2], $0x1400  }
0x52: {  	[sflag:s2] =	ssyncset.done $0x0  }
0x53: {  	s11 =	rddreg [dreg:$0x14];
	[sflag:s2] =	ssyncadd.s32 $0xFFFFEC00  }
0x54: {  	[spmem:s11] =	stream.linear.scatter [tilespmem:s31], [sflag:$0x9], $0x1400, $0x38;
	[tilespmem:$0x1AA00] =	vst v63  }
0x55: {  	_ =	swait.ge [sflag:s2], $0x1400  }
0x56: {  	[sflag:s2] =	ssyncset.done $0x0  }
0x57: {  	s12 =	rddreg [dreg:$0x15];
	[sflag:s2] =	ssyncadd.s32 $0xFFFFEC00  }
0x58: {  	[spmem:s12] =	stream.linear.scatter [tilespmem:s31], [sflag:$0x9], $0x1400, $0x38;
	[tilespmem:$0x1AA00] =	vst v63  }
0x59: {  	_ =	swait.ge [sflag:s2], $0x1400  }
0x5a: {  	[sflag:s2] =	ssyncset.done $0x0  }
0x5b: {  	[sflag:s2] =	ssyncadd.s32 $0xFFFFEC00  }
0x5c: {  	[bflag:$0x0] =	sbarrier.arrive $0xFFFF  }
0x5d: {  	s14 =	simm.s32 $0x0;
	s1 =	rddreg [dreg:$0x9]  }
0x5e: {  	[tilespmem:s14], [sflag:$0x9] =	stream.linear.gather [hbm4b:s1+s14], $0x100, $0x38;
	[tilespmem:$0x1AA00] =	vst v63  }
0x5f: {  	_ =	swait.ge [sflag:s2], $0x100  }
0x60: {  	[sflag:s2] =	ssyncset.done $0x0  }
0x61: {  	s3 =	simm.s32 $0x100;
	s19 =	rddreg [dreg:$0xc];
	[sflag:s2] =	ssyncadd.s32 $0xFFFFFF00  }
0x62: {  	[tilespmem:s3], [sflag:$0x9] =	stream.linear.gather [hbm4b:s19+s14], $0x100, $0x38;
	[tilespmem:$0x1AA00] =	vst v63  }
0x63: {  	_ =	swait.ge [sflag:s2], $0x100  }
0x64: {  	[sflag:s2] =	ssyncset.done $0x0  }
0x65: {  	s24 =	rddreg [dreg:$0xd];
	[sflag:s2] =	ssyncadd.s32 $0xFFFFFF00  }
0x66: {  	[tilespmem:s23], [sflag:$0x5] =	stream.linear.gather [hbm4b:s24+s14], $0x2800, $0x38;
	[tilespmem:$0x1AA00] =	vst v63  }
0x67: {  	_ = 	snop  }
0x68: {  	[tilespmem:s16], [sflag:$0x5] =	stream.indirect.gather [hbm4b:s4+s5], $0x28, s14, s5, $0xb8;
	[tilespmem:$0x1AA00] =	vst v63  }
0x69: {  	_ = 	snop  }
0x6a: {  	[tilespmem:s22], [sflag:$0x5] =	stream.indirect.gather [hbm4b:s6+s5], $0x28, s3, s5, $0xb8;
	[tilespmem:$0x1AA00] =	vst v63  }
0x6b: {  	s25 =	simm.s32 $0x1700  }
0x6c: {  	[tilespmem:s25], [sflag:$0x5] =	stream.indirect.gather [hbm4b:s4+s5], $0x28, s5, s5, $0xb8;
	[tilespmem:$0x1AA00] =	vst v63  }
0x6d: {  	s29 =	simm.s32 $0x180;
	s30 =	simm.s32 $0x3F00  }
0x6e: {  	[tilespmem:s30], [sflag:$0x5] =	stream.indirect.gather [hbm4b:s6+s5], $0x28, s29, s5, $0xb8;
	[tilespmem:$0x1AA00] =	vst v63  }
0x6f: {  	s0 =	simm.s32 @!p0 $0x0;
	s1 =	simm.s32 @!p0 $0xA300;
	s2 =	rddreg [dreg:$0xe]  }
0x70: {  	[tilespmem:s1], [sflag:$0x2] =	stream.linear.gather @!p0 [hbm4b:s2+s0], $0x100, $0x38;
	[tilespmem:$0x1AA00] =	vst v63  }
0x71: {  	s1 =	simm.s32 @!p0 $0xA400;
	s2 =	rddreg [dreg:$0xf]  }
0x72: {  	[tilespmem:s1], [sflag:$0x2] =	stream.linear.gather @!p0 [hbm4b:s2+s0], $0x100, $0x38;
	[tilespmem:$0x1AA00] =	vst v63  }
0x73: {  	s0 =	simm.s32 @p1 $0x0  }
.Ltmp3:
0x74: {  	s1 =	rddreg @p1 [dreg:$0x10];
	s2 =	simm.s32 @p1 $0xA300;
	(pc) =	sbr.rel .LBB2_4-.Ltmp3, $4  }
0x75: {  	[tilespmem:s2], [sflag:$0x2] =	stream.linear.gather @p1 [hbm4b:s1+s0], $0x100, $0x38;
	[tilespmem:$0x1AA00] =	vst v63  }
0x76: {  	s12 =	simm.s32 $0x0;
	s1 =	rddreg @p1 [dreg:$0x11];
	s2 =	simm.s32 @p1 $0xA400  }
0x77: {  	[tilespmem:s2], [sflag:$0x2] =	stream.linear.gather @p1 [hbm4b:s1+s0], $0x100, $0x38;
	[tilespmem:$0x1AA00] =	vst v63  }
0x78: {  	s12 =	simm.s32 @p1 $0x0;
	s1 =	simm.s32 $0x0  }
.LBB2_12:
0x79: {  	s1 =	sadd.s32 $0x1, s1  }
0x7a: {  	p2 =	sne.s32 s1, $0x14  }
.Ltmp4:
0x7b: {  	_ = 	snop;
	(pc) =	sbr.rel @!p2 .LBB2_13-.Ltmp4, $1  }
0x7c: {  	_ =	sdelay $0x3  }
.LBB2_4:
0x7d: {  	s29 =	sshll.u32 s1, $0x1  }
0x7e: {  	p2 =	sge.u32 s29, s13  }
.Ltmp5:
0x7f: {  	_ = 	snop;
	(pc) =	sbr.rel @p2 .LBB2_12-.Ltmp5, $1  }
0x80: {  	_ =	sdelay $0x3  }
0x81: {  	p2 =	seq.s32 s1, $0x0  }
0x82: {  	s0 =	simm.s32 @!p2 $0x8  }
0x83: {  	_ =	swait.ge @!p2 [sflag:s0], $0x1400  }
0x84: {  	[sflag:s0] =	ssyncset.done @!p2 $0x0  }
0x85: {  	[sflag:s0] =	ssyncadd.s32 @!p2 $0xFFFFEC00  }
0x86: {  	_ =	swait.ge @!p2 [sflag:s0], $0x1400  }
0x87: {  	[sflag:s0] =	ssyncset.done @!p2 $0x0  }
0x88: {  	[sflag:s0] =	ssyncadd.s32 @!p2 $0xFFFFEC00  }
0x89: {  	_ =	swait.ge [sflag:s21], $0x2800  }
0x8a: {  	[sflag:s21] =	ssyncset.done $0x0  }
0x8b: {  	[sflag:s21] =	ssyncadd.s32 $0xFFFFD800  }
0x8c: {  	_ =	swait.ge [sflag:s21], $0x1400  }
0x8d: {  	[sflag:s21] =	ssyncset.done $0x0  }
0x8e: {  	[sflag:s21] =	ssyncadd.s32 $0xFFFFEC00  }
0x8f: {  	_ =	swait.ge [sflag:s21], $0x1400  }
0x90: {  	[sflag:s21] =	ssyncset.done $0x0;
	s19 =	rddreg [dreg:$0x7]  }
0x91: {  	s30 =	sadd.s32 s19, s29;
	[sflag:s21] =	ssyncadd.s32 $0xFFFFEC00  }
0x92: {  	s24 =	simm.s32 $0x200;
	_ =	swait.ge [sflag:s21], $0x1400;
	p2 =	sgt.s32 s30, $0x3E7  }
0x93: {  	[sflag:s21] =	ssyncset.done $0x0;
	s0 =	sshll.u32 @p2 s30, $0x8;
	s2 =	sshll.u32 @!p2 s30, $0x5  }
0x94: {  	[sflag:s21] =	ssyncadd.s32 $0xFFFFEC00;
	s0 =	sadd.s32 @p2 $0xFFFC1800, s0;
	s2 =	sand.u32 @!p2 $0x1FFFFFC0, s2  }
0x95: {  	_ =	swait.ge [sflag:s21], $0x1400;
	s0 =	sshrl.u32 @p2 s0, $0x3;
	s2 =	sadd.s32 @!p2 s9, s2  }
0x96: {  	[sflag:s21] =	ssyncset.done $0x0;
	s0 =	sadd.s32 @p2 s10, s0;
	s25 =	rddreg [dreg:$0x16]  }
0x97: {  	[sflag:s21] =	ssyncadd.s32 $0xFFFFEC00;
	s2 =	smov.u32 @p2 s0;
	p2 =	sge.u32 s29, s25  }
0x98: {  	[tilespmem:s24], [sflag:$0x3] =	stream.linear.gather [hbm4b:s2+s12], $0x100, $0x38;
	[tilespmem:$0x1AA00] =	vst v63  }
0x99: {  	p4 =	sgt.s32 @!p2 s30, $0x3E5  }
0x9a: {  	p3 =	por !p4, p2  }
0x9b: {  	s0 =	sshll.u32 @!p3 s30, $0x8  }
0x9c: {  	s0 =	sadd.s32 @!p3 $0xFFFC1A00, s0  }
0x9d: {  	s7 =	simm.s32 $0x0;
	s0 =	sshrl.u32 @!p3 s0, $0x3  }
0x9e: {  	p4 =	por p4, p2;
	s3 =	simm.s32 @!p3 $0x0;
	s2 =	sadd.s32 @!p3 s10, s0  }
0x9f: {  	[tilespmem:s3], [sflag:$0x1] =	stream.linear.gather @!p3 [hbm4b:s2+s3], $0x100, $0x38;
	[tilespmem:$0x1AA00] =	vst v63  }
0xa0: {  	v18 =	vmov s7;
	s2 =	sshll.u32 @!p4 s30, $0x5  }
0xa1: {  	v18 =	vmul.u32 $0x28, v18;
	s2 =	sadd.s32 @!p4 $0x40, s2  }
0xa2: {  	s2 =	sand.u32 @!p4 $0x1FFFFFC0, s2  }
0xa3: {  	v18 =	vbroadcast v18, $0x0;
	s7 =	simm.s32 @!p4 $0x0;
	s3 =	sadd.s32 @!p4 s9, s2  }
0xa4: {  	[tilespmem:s7], [sflag:$0x1] =	stream.linear.gather @!p4 [hbm4b:s3+s7], $0x100, $0x38;
	[tilespmem:$0x1AA00] =	vst v63  }
0xa5: {  	v19 =	vadd.s32 v1, v18;
	s3 =	rddreg [dreg:$0x6]  }
0xa6: {  	s0 =	sadd.s32 @!p3 s3, s0;
	s3 =	rddreg [dreg:$0x1]  }
0xa7: {  	s2 =	sadd.s32 @!p4 s3, s2  }
0xa8: {  	s3 =	simm.s32 @!p2 $0x100;
	s0 =	smov.u32 @p3 s2;
	s2 =	simm.s32 @!p2 $0x0  }
0xa9: {  	[tilespmem:s3], [sflag:$0x1] =	stream.linear.gather @!p2 [hbm4b:s0+s2], $0x100, $0x38;
	[tilespmem:$0x1AA00] =	vst v63  }
0xaa: {  	v18 =	vld.idx.msk [tilespmem:v19+s16+$0x0], $0xffff  }
0xab: {  	v20 =	vld.idx.msk [tilespmem:v19+s22+$0x0], $0xffff;
	_ =	sdelay $0x1  }
0xac: {  	v21 =	vld.idx.msk [tilespmem:v19+s23+$0x0], $0xffff;
	_ =	sdelay $0x2  }
0xad: {  	v18 =	vadd.f32 v20, v18;
	_ =	sdelay $0x1  }
0xae: {  	v18 =	vadd.f32 v21, v18;
	_ =	sdelay $0x1  }
0xaf: {  	v20 =	vmul.f32 $2.000000030e-01, v18;
	_ =	sdelay $0x1  }
0xb0: {  	v18 =	vmax.f32 v18, v20  }
0xb1: {  	v18 =	vmul.f32 $1.442695020e+00, v18;
	_ =	sdelay $0x1  }
0xb2: {  	(erf) = vpow2.f32 v18;
	_ =	sdelay $0x8  }
0xb3: {  	v18 =	vpop (erf)  }
0xb4: {  	s14 =	simm.s32 $0x2C40;
	[tilespmem:v19+s31+$0x0] =	vst.idx.msk $0xffff, v18  }
0xb5: {  	s8 =	simm.s32 $0x440;
	v19 =	vld [tilespmem:s14+$0xFFFFFED0]  }
0xb6: {  	v20 =	vld [tilespmem:s8+$0xFFFFFEC0]  }
0xb7: {  	v21 =	vld [tilespmem:s8+$0xFFFFFED0]  }
0xb8: {  	s3 =	simm.s32 $0x5440;
	v22 =	vld [tilespmem:s14+$0xFFFFFEC0]  }
0xb9: {  	v23 =	vld [tilespmem:s3+$0xFFFFFED0]  }
0xba: {  	v24 =	vld [tilespmem:s3+$0xFFFFFEC0];
	_ =	sdelay $0x1  }
0xbb: {  	v19 =	vadd.f32 v19, v21  }
0xbc: {  	v20 =	vadd.f32 v22, v20  }
0xbd: {  	v21 =	vperm.xlane v18, v2;
	v19 =	vadd.f32 v23, v19  }
0xbe: {  	v20 =	vadd.f32 v24, v20  }
0xbf: {  	v19 =	vmul.f32 v19, v21  }
0xc0: {  	s24 =	simm.s32 $0x7C40;
	v20 =	vmul.f32 v20, v21  }
0xc1: {  	[tilespmem:s24+$0xFFFFFED0] =	vst v19  }
0xc2: {  	[tilespmem:s24+$0xFFFFFEC0] =	vst v20  }
0xc3: {  	v19 =	vld [tilespmem:s8+$0xFFFFFEE8]  }
0xc4: {  	v20 =	vld [tilespmem:s8+$0xFFFFFEF8]  }
0xc5: {  	v21 =	vld [tilespmem:s14+$0xFFFFFEF8]  }
0xc6: {  	v22 =	vld [tilespmem:s14+$0xFFFFFEE8]  }
0xc7: {  	v23 =	vld [tilespmem:s3+$0xFFFFFEF8]  }
0xc8: {  	v52 =	vld [tilespmem:s3+$0xFFFFFEE8];
	_ =	sdelay $0x1  }
0xc9: {  	v20 =	vadd.f32 v21, v20  }
0xca: {  	v19 =	vadd.f32 v22, v19  }
0xcb: {  	v21 =	vperm.xlane v18, v3;
	v20 =	vadd.f32 v23, v20  }
0xcc: {  	v19 =	vadd.f32 v52, v19  }
0xcd: {  	v20 =	vmul.f32 v20, v21  }
0xce: {  	v19 =	vmul.f32 v19, v21  }
0xcf: {  	[tilespmem:s24+$0xFFFFFEF8] =	vst v20  }
0xd0: {  	[tilespmem:s24+$0xFFFFFEE8] =	vst v19  }
0xd1: {  	v19 =	vld [tilespmem:s14+$0xFFFFFF10]  }
0xd2: {  	v20 =	vld [tilespmem:s8+$0xFFFFFF20]  }
0xd3: {  	v21 =	vld [tilespmem:s8+$0xFFFFFF10]  }
0xd4: {  	v22 =	vld [tilespmem:s14+$0xFFFFFF20]  }
0xd5: {  	v23 =	vld [tilespmem:s3+$0xFFFFFF10]  }
0xd6: {  	v53 =	vld [tilespmem:s3+$0xFFFFFF20];
	_ =	sdelay $0x1  }
0xd7: {  	v19 =	vadd.f32 v19, v21  }
0xd8: {  	v20 =	vadd.f32 v22, v20  }
0xd9: {  	v21 =	vperm.xlane v18, v4;
	v19 =	vadd.f32 v23, v19  }
0xda: {  	v20 =	vadd.f32 v53, v20  }
0xdb: {  	v19 =	vmul.f32 v19, v21  }
0xdc: {  	v20 =	vmul.f32 v20, v21  }
0xdd: {  	[tilespmem:s24+$0xFFFFFF10] =	vst v19  }
0xde: {  	[tilespmem:s24+$0xFFFFFF20] =	vst v20  }
0xdf: {  	v19 =	vld [tilespmem:s14+$0xFFFFFF38]  }
0xe0: {  	v20 =	vld [tilespmem:s14+$0xFFFFFF48]  }
0xe1: {  	v21 =	vld [tilespmem:s8+$0xFFFFFF38]  }
0xe2: {  	v22 =	vld [tilespmem:s8+$0xFFFFFF48]  }
0xe3: {  	v23 =	vld [tilespmem:s3+$0xFFFFFF38]  }
0xe4: {  	v54 =	vld [tilespmem:s3+$0xFFFFFF48];
	_ =	sdelay $0x1  }
0xe5: {  	v19 =	vadd.f32 v19, v21  }
0xe6: {  	v20 =	vadd.f32 v20, v22  }
0xe7: {  	v21 =	vperm.xlane v18, v5;
	v19 =	vadd.f32 v23, v19  }
0xe8: {  	v20 =	vadd.f32 v54, v20  }
0xe9: {  	v19 =	vmul.f32 v19, v21  }
0xea: {  	v20 =	vmul.f32 v20, v21  }
0xeb: {  	[tilespmem:s24+$0xFFFFFF38] =	vst v19  }
0xec: {  	[tilespmem:s24+$0xFFFFFF48] =	vst v20  }
0xed: {  	v19 =	vld [tilespmem:s14+$0xFFFFFF70]  }
0xee: {  	v20 =	vld [tilespmem:s14+$0xFFFFFF60]  }
0xef: {  	v21 =	vld [tilespmem:s8+$0xFFFFFF60]  }
0xf0: {  	v22 =	vld [tilespmem:s8+$0xFFFFFF70]  }
0xf1: {  	v23 =	vld [tilespmem:s3+$0xFFFFFF60]  }
0xf2: {  	v55 =	vld [tilespmem:s3+$0xFFFFFF70];
	_ =	sdelay $0x1  }
0xf3: {  	v20 =	vadd.f32 v20, v21  }
0xf4: {  	v19 =	vadd.f32 v19, v22  }
0xf5: {  	v21 =	vperm.xlane v18, v6;
	v20 =	vadd.f32 v23, v20  }
0xf6: {  	v19 =	vadd.f32 v55, v19  }
0xf7: {  	v20 =	vmul.f32 v20, v21  }
0xf8: {  	v19 =	vmul.f32 v19, v21  }
0xf9: {  	[tilespmem:s24+$0xFFFFFF60] =	vst v20  }
0xfa: {  	[tilespmem:s24+$0xFFFFFF70] =	vst v19  }
0xfb: {  	v19 =	vld [tilespmem:s8+$0xFFFFFF98]  }
0xfc: {  	v20 =	vld [tilespmem:s14+$0xFFFFFF88]  }
0xfd: {  	v21 =	vld [tilespmem:s8+$0xFFFFFF88]  }
0xfe: {  	v22 =	vld [tilespmem:s14+$0xFFFFFF98]  }
0xff: {  	v23 =	vld [tilespmem:s3+$0xFFFFFF88]  }
0x100: {  	v56 =	vld [tilespmem:s3+$0xFFFFFF98];
	_ =	sdelay $0x1  }
0x101: {  	v20 =	vadd.f32 v20, v21  }
0x102: {  	v19 =	vadd.f32 v22, v19  }
0x103: {  	v21 =	vperm.xlane v18, v7;
	v20 =	vadd.f32 v23, v20  }
0x104: {  	v19 =	vadd.f32 v56, v19  }
0x105: {  	v20 =	vmul.f32 v20, v21  }
0x106: {  	v19 =	vmul.f32 v19, v21  }
0x107: {  	[tilespmem:s24+$0xFFFFFF88] =	vst v20  }
0x108: {  	[tilespmem:s24+$0xFFFFFF98] =	vst v19  }
0x109: {  	v19 =	vld [tilespmem:s8+$0xFFFFFFC0]  }
0x10a: {  	v20 =	vld [tilespmem:s14+$0xFFFFFFB0]  }
0x10b: {  	v21 =	vld [tilespmem:s8+$0xFFFFFFB0]  }
0x10c: {  	v22 =	vld [tilespmem:s14+$0xFFFFFFC0]  }
0x10d: {  	v23 =	vld [tilespmem:s3+$0xFFFFFFB0]  }
0x10e: {  	v57 =	vld [tilespmem:s3+$0xFFFFFFC0];
	_ =	sdelay $0x1  }
0x10f: {  	v20 =	vadd.f32 v20, v21  }
0x110: {  	v19 =	vadd.f32 v22, v19  }
0x111: {  	v21 =	vperm.xlane v18, v8;
	v20 =	vadd.f32 v23, v20  }
0x112: {  	v19 =	vadd.f32 v57, v19  }
0x113: {  	v20 =	vmul.f32 v20, v21  }
0x114: {  	v19 =	vmul.f32 v19, v21  }
0x115: {  	[tilespmem:s24+$0xFFFFFFB0] =	vst v20  }
0x116: {  	[tilespmem:s24+$0xFFFFFFC0] =	vst v19  }
0x117: {  	v19 =	vld [tilespmem:s14+$0xFFFFFFE8]  }
0x118: {  	v20 =	vld [tilespmem:s14+$0xFFFFFFD8]  }
0x119: {  	v21 =	vld [tilespmem:s8+$0xFFFFFFD8]  }
0x11a: {  	v22 =	vld [tilespmem:s8+$0xFFFFFFE8]  }
0x11b: {  	v23 =	vld [tilespmem:s3+$0xFFFFFFD8]  }
0x11c: {  	v58 =	vld [tilespmem:s3+$0xFFFFFFE8];
	_ =	sdelay $0x1  }
0x11d: {  	v20 =	vadd.f32 v20, v21  }
0x11e: {  	v19 =	vadd.f32 v19, v22  }
0x11f: {  	v21 =	vperm.xlane v18, v9;
	v20 =	vadd.f32 v23, v20  }
0x120: {  	v19 =	vadd.f32 v58, v19  }
0x121: {  	v20 =	vmul.f32 v20, v21  }
0x122: {  	v19 =	vmul.f32 v19, v21  }
0x123: {  	[tilespmem:s24+$0xFFFFFFD8] =	vst v20  }
0x124: {  	[tilespmem:s24+$0xFFFFFFE8] =	vst v19  }
0x125: {  	v19 =	vld [tilespmem:s8+$0x10]  }
0x126: {  	v20 =	vld [tilespmem:s14+$0x0]  }
0x127: {  	v21 =	vld [tilespmem:s8+$0x0]  }
0x128: {  	v22 =	vld [tilespmem:s14+$0x10]  }
0x129: {  	v23 =	vld [tilespmem:s3+$0x0]  }
0x12a: {  	v59 =	vld [tilespmem:s3+$0x10];
	_ =	sdelay $0x1  }
0x12b: {  	v20 =	vadd.f32 v20, v21  }
0x12c: {  	v19 =	vadd.f32 v22, v19  }
0x12d: {  	v21 =	vperm.xlane v18, v10;
	v20 =	vadd.f32 v23, v20  }
0x12e: {  	v19 =	vadd.f32 v59, v19  }
0x12f: {  	v20 =	vmul.f32 v20, v21  }
0x130: {  	v19 =	vmul.f32 v19, v21  }
0x131: {  	[tilespmem:s24+$0x0] =	vst v20  }
0x132: {  	[tilespmem:s24+$0x10] =	vst v19  }
0x133: {  	v19 =	vld [tilespmem:s14+$0x38]  }
0x134: {  	v20 =	vld [tilespmem:s14+$0x28]  }
0x135: {  	v21 =	vld [tilespmem:s8+$0x28]  }
0x136: {  	v22 =	vld [tilespmem:s8+$0x38]  }
0x137: {  	v23 =	vld [tilespmem:s3+$0x28]  }
0x138: {  	v60 =	vld [tilespmem:s3+$0x38];
	_ =	sdelay $0x1  }
0x139: {  	v20 =	vadd.f32 v20, v21  }
0x13a: {  	v19 =	vadd.f32 v19, v22  }
0x13b: {  	v21 =	vperm.xlane v18, v11;
	v20 =	vadd.f32 v23, v20  }
0x13c: {  	v19 =	vadd.f32 v60, v19  }
0x13d: {  	v20 =	vmul.f32 v20, v21  }
0x13e: {  	v19 =	vmul.f32 v19, v21  }
0x13f: {  	[tilespmem:s24+$0x28] =	vst v20  }
0x140: {  	[tilespmem:s24+$0x38] =	vst v19  }
0x141: {  	v19 =	vld [tilespmem:s14+$0x50]  }
0x142: {  	v20 =	vld [tilespmem:s14+$0x60]  }
0x143: {  	v21 =	vld [tilespmem:s8+$0x50]  }
0x144: {  	v22 =	vld [tilespmem:s8+$0x60]  }
0x145: {  	v23 =	vld [tilespmem:s3+$0x50]  }
0x146: {  	v61 =	vld [tilespmem:s3+$0x60];
	_ =	sdelay $0x1  }
0x147: {  	v19 =	vadd.f32 v19, v21  }
0x148: {  	v20 =	vadd.f32 v20, v22  }
0x149: {  	v21 =	vperm.xlane v18, v12;
	v19 =	vadd.f32 v23, v19  }
0x14a: {  	v20 =	vadd.f32 v61, v20  }
0x14b: {  	v19 =	vmul.f32 v19, v21  }
0x14c: {  	v20 =	vmul.f32 v20, v21  }
0x14d: {  	[tilespmem:s24+$0x50] =	vst v19  }
0x14e: {  	[tilespmem:s24+$0x60] =	vst v20  }
0x14f: {  	v19 =	vld [tilespmem:s14+$0x78]  }
0x150: {  	v20 =	vld [tilespmem:s8+$0x78]  }
0x151: {  	v21 =	vld [tilespmem:s14+$0x88]  }
0x152: {  	v22 =	vld [tilespmem:s8+$0x88]  }
0x153: {  	v23 =	vld [tilespmem:s3+$0x78]  }
0x154: {  	v62 =	vld [tilespmem:s3+$0x88];
	_ =	sdelay $0x1  }
0x155: {  	v19 =	vadd.f32 v19, v20  }
0x156: {  	v20 =	vadd.f32 v21, v22  }
0x157: {  	v21 =	vperm.xlane v18, v13;
	v19 =	vadd.f32 v23, v19  }
0x158: {  	v20 =	vadd.f32 v62, v20  }
0x159: {  	v19 =	vmul.f32 v19, v21  }
0x15a: {  	v20 =	vmul.f32 v20, v21  }
0x15b: {  	[tilespmem:s24+$0x78] =	vst v19  }
0x15c: {  	[tilespmem:s24+$0x88] =	vst v20  }
0x15d: {  	v21 =	vld [tilespmem:s14+$0xA0]  }
0x15e: {  	v22 =	vld [tilespmem:s8+$0xB0]  }
0x15f: {  	v23 =	vld [tilespmem:s8+$0xA0]  }
0x160: {  	v63 =	vld [tilespmem:s14+$0xB0]  }
0x161: {  	v19 =	vld [tilespmem:s3+$0xA0]  }
0x162: {  	v20 =	vld [tilespmem:s3+$0xB0];
	_ =	sdelay $0x1  }
0x163: {  	s19 =	simm.s32 $0x2C40;
	s25 =	simm.s32 $0x5440  }
0x164: {  	s7 =	simm.s32 $0x440;
	s0 =	simm.s32 $0x10;
	s2 =	simm.s32 $0x7EC0;
	v21 =	vadd.f32 v21, v23;
	v22 =	vadd.f32 v63, v22  }
.LBB2_6:
0x165: {  	s8 =	sadd.s32 $0x280, s8;
	s14 =	sadd.s32 $0x280, s14;
	s3 =	sadd.s32 $0x280, s3  }
0x166: {  	p3 =	sne.s32 s0, $0xF0;
	v23 =	vperm.xlane v18, v14;
	v19 =	vadd.f32 v19, v21;
	s11 =	smov.u32 s0;
	s0 =	sadd.s32 $0x10, s0;
	v20 =	vadd.f32 v20, v22  }
0x167: {  	_ = 	snop  }
0x168: {  	v19 =	vmul.f32 v19, v23;
	v20 =	vmul.f32 v20, v23;
	_ =	sdelay $0x1  }
0x169: {  	[tilespmem:s24+$0xB0] =	vst v20  }
0x16a: {  	[tilespmem:s24+$0xA0] =	vst v19  }
0x16b: {  	v19 =	vld [tilespmem:s7+$0xD8]  }
0x16c: {  	v20 =	vld [tilespmem:s19+$0xC8]  }
0x16d: {  	v21 =	vld [tilespmem:s7+$0xC8]  }
0x16e: {  	v22 =	vld [tilespmem:s19+$0xD8]  }
0x16f: {  	v23 =	vld [tilespmem:s25+$0xC8]  }
0x170: {  	v24 =	vld [tilespmem:s25+$0xD8];
	_ =	sdelay $0x1  }
0x171: {  	v20 =	vadd.f32 v20, v21  }
0x172: {  	v19 =	vadd.f32 v22, v19  }
0x173: {  	v21 =	vperm.xlane v18, v15;
	v20 =	vadd.f32 v23, v20  }
0x174: {  	v19 =	vadd.f32 v24, v19  }
0x175: {  	v20 =	vmul.f32 v20, v21  }
0x176: {  	v19 =	vmul.f32 v19, v21  }
0x177: {  	[tilespmem:s24+$0xC8] =	vst v20  }
0x178: {  	[tilespmem:s24+$0xD8] =	vst v19  }
0x179: {  	v19 =	vld [tilespmem:s19+$0x100]  }
0x17a: {  	v20 =	vld [tilespmem:s19+$0xF0]  }
0x17b: {  	v21 =	vld [tilespmem:s7+$0xF0]  }
0x17c: {  	v22 =	vld [tilespmem:s7+$0x100]  }
0x17d: {  	v23 =	vld [tilespmem:s25+$0xF0]  }
0x17e: {  	v24 =	vld [tilespmem:s25+$0x100];
	_ =	sdelay $0x1  }
0x17f: {  	v20 =	vadd.f32 v20, v21  }
0x180: {  	v19 =	vadd.f32 v19, v22  }
0x181: {  	v21 =	vperm.xlane v18, v16;
	v20 =	vadd.f32 v23, v20  }
0x182: {  	v19 =	vadd.f32 v24, v19  }
0x183: {  	v20 =	vmul.f32 v20, v21  }
0x184: {  	v19 =	vmul.f32 v19, v21  }
0x185: {  	[tilespmem:s24+$0xF0] =	vst v20  }
0x186: {  	[tilespmem:s24+$0x100] =	vst v19  }
0x187: {  	v19 =	vld [tilespmem:s25+$0x118]  }
0x188: {  	v20 =	vld [tilespmem:s7+$0x118]  }
0x189: {  	v21 =	vld [tilespmem:s19+$0x118]  }
0x18a: {  	v22 =	vld [tilespmem:s19+$0x128];
	s19 =	smov.u32 s14  }
0x18b: {  	v23 =	vld [tilespmem:s7+$0x128];
	s7 =	smov.u32 s8  }
0x18c: {  	v24 =	vld [tilespmem:s25+$0x128];
	s25 =	smov.u32 s3  }
0x18d: {  	v25 =	vmov s11  }
0x18e: {  	v25 =	vmul.u32 $0x28, v25;
	v20 =	vadd.f32 v21, v20  }
0x18f: {  	v18 =	vperm.xlane v18, v17  }
0x190: {  	v21 =	vbroadcast v25, $0x0;
	v19 =	vadd.f32 v19, v20;
	v20 =	vadd.f32 v22, v23;
	_ =	sdelay $0x1  }
0x191: {  	v21 =	vadd.s32 v1, v21;
	v20 =	vadd.f32 v24, v20;
	v19 =	vmul.f32 v19, v18;
	_ =	sdelay $0x1  }
0x192: {  	[tilespmem:s24+$0x118] =	vst v19;
	v18 =	vmul.f32 v20, v18;
	_ =	sdelay $0x1  }
0x193: {  	[tilespmem:s24+$0x128] =	vst v18;
	s24 =	smov.u32 s2  }
0x194: {  	v18 =	vld.idx.msk [tilespmem:v21+s16+$0x0], $0xffff  }
0x195: {  	v19 =	vld.idx.msk [tilespmem:v21+s22+$0x0], $0xffff;
	_ =	sdelay $0x1  }
0x196: {  	v20 =	vld.idx.msk [tilespmem:v21+s23+$0x0], $0xffff;
	_ =	sdelay $0x3  }
0x197: {  	v18 =	vadd.f32 v19, v18;
	_ =	sdelay $0x1  }
0x198: {  	v18 =	vadd.f32 v20, v18;
	_ =	sdelay $0x1  }
0x199: {  	v19 =	vmul.f32 $2.000000030e-01, v18;
	_ =	sdelay $0x1  }
0x19a: {  	v18 =	vmax.f32 v18, v19  }
0x19b: {  	v18 =	vmul.f32 $1.442695020e+00, v18;
	_ =	sdelay $0x1  }
0x19c: {  	(erf) = vpow2.f32 v18;
	_ =	sdelay $0x8  }
0x19d: {  	v18 =	vpop (erf)  }
0x19e: {  	[tilespmem:v21+s31+$0x0] =	vst.idx.msk $0xffff, v18  }
0x19f: {  	v19 =	vld [tilespmem:s14+$0xFFFFFED0]  }
0x1a0: {  	v20 =	vld [tilespmem:s8+$0xFFFFFEC0]  }
0x1a1: {  	v21 =	vld [tilespmem:s8+$0xFFFFFED0]  }
0x1a2: {  	v22 =	vld [tilespmem:s14+$0xFFFFFEC0]  }
0x1a3: {  	v23 =	vld [tilespmem:s3+$0xFFFFFED0]  }
0x1a4: {  	v24 =	vld [tilespmem:s3+$0xFFFFFEC0];
	_ =	sdelay $0x1  }
0x1a5: {  	v19 =	vadd.f32 v19, v21  }
0x1a6: {  	v20 =	vadd.f32 v22, v20  }
0x1a7: {  	v21 =	vperm.xlane v18, v2;
	v19 =	vadd.f32 v23, v19  }
0x1a8: {  	v20 =	vadd.f32 v24, v20  }
0x1a9: {  	v19 =	vmul.f32 v19, v21  }
0x1aa: {  	v20 =	vmul.f32 v20, v21  }
0x1ab: {  	[tilespmem:s2+$0xFFFFFED0] =	vst v19  }
0x1ac: {  	[tilespmem:s2+$0xFFFFFEC0] =	vst v20  }
0x1ad: {  	v19 =	vld [tilespmem:s8+$0xFFFFFEE8]  }
0x1ae: {  	v20 =	vld [tilespmem:s8+$0xFFFFFEF8]  }
0x1af: {  	v21 =	vld [tilespmem:s14+$0xFFFFFEF8]  }
0x1b0: {  	v22 =	vld [tilespmem:s14+$0xFFFFFEE8]  }
0x1b1: {  	v23 =	vld [tilespmem:s3+$0xFFFFFEF8]  }
0x1b2: {  	v24 =	vld [tilespmem:s3+$0xFFFFFEE8];
	_ =	sdelay $0x1  }
0x1b3: {  	v20 =	vadd.f32 v21, v20  }
0x1b4: {  	v19 =	vadd.f32 v22, v19  }
0x1b5: {  	v21 =	vperm.xlane v18, v3;
	v20 =	vadd.f32 v23, v20  }
0x1b6: {  	v19 =	vadd.f32 v24, v19  }
0x1b7: {  	v20 =	vmul.f32 v20, v21  }
0x1b8: {  	v19 =	vmul.f32 v19, v21  }
0x1b9: {  	[tilespmem:s2+$0xFFFFFEF8] =	vst v20  }
0x1ba: {  	[tilespmem:s2+$0xFFFFFEE8] =	vst v19  }
0x1bb: {  	v19 =	vld [tilespmem:s14+$0xFFFFFF10]  }
0x1bc: {  	v20 =	vld [tilespmem:s8+$0xFFFFFF20]  }
0x1bd: {  	v21 =	vld [tilespmem:s8+$0xFFFFFF10]  }
0x1be: {  	v22 =	vld [tilespmem:s14+$0xFFFFFF20]  }
0x1bf: {  	v23 =	vld [tilespmem:s3+$0xFFFFFF10]  }
0x1c0: {  	v24 =	vld [tilespmem:s3+$0xFFFFFF20];
	_ =	sdelay $0x1  }
0x1c1: {  	v19 =	vadd.f32 v19, v21  }
0x1c2: {  	v20 =	vadd.f32 v22, v20  }
0x1c3: {  	v21 =	vperm.xlane v18, v4;
	v19 =	vadd.f32 v23, v19  }
0x1c4: {  	v20 =	vadd.f32 v24, v20  }
0x1c5: {  	v19 =	vmul.f32 v19, v21  }
0x1c6: {  	v20 =	vmul.f32 v20, v21  }
0x1c7: {  	[tilespmem:s2+$0xFFFFFF10] =	vst v19  }
0x1c8: {  	[tilespmem:s2+$0xFFFFFF20] =	vst v20  }
0x1c9: {  	v19 =	vld [tilespmem:s14+$0xFFFFFF38]  }
0x1ca: {  	v20 =	vld [tilespmem:s14+$0xFFFFFF48]  }
0x1cb: {  	v21 =	vld [tilespmem:s8+$0xFFFFFF38]  }
0x1cc: {  	v22 =	vld [tilespmem:s8+$0xFFFFFF48]  }
0x1cd: {  	v23 =	vld [tilespmem:s3+$0xFFFFFF38]  }
0x1ce: {  	v24 =	vld [tilespmem:s3+$0xFFFFFF48];
	_ =	sdelay $0x1  }
0x1cf: {  	v19 =	vadd.f32 v19, v21  }
0x1d0: {  	v20 =	vadd.f32 v20, v22  }
0x1d1: {  	v21 =	vperm.xlane v18, v5;
	v19 =	vadd.f32 v23, v19  }
0x1d2: {  	v20 =	vadd.f32 v24, v20  }
0x1d3: {  	v19 =	vmul.f32 v19, v21  }
0x1d4: {  	v20 =	vmul.f32 v20, v21  }
0x1d5: {  	[tilespmem:s2+$0xFFFFFF38] =	vst v19  }
0x1d6: {  	[tilespmem:s2+$0xFFFFFF48] =	vst v20  }
0x1d7: {  	v19 =	vld [tilespmem:s14+$0xFFFFFF70]  }
0x1d8: {  	v20 =	vld [tilespmem:s14+$0xFFFFFF60]  }
0x1d9: {  	v21 =	vld [tilespmem:s8+$0xFFFFFF60]  }
0x1da: {  	v22 =	vld [tilespmem:s8+$0xFFFFFF70]  }
0x1db: {  	v23 =	vld [tilespmem:s3+$0xFFFFFF60]  }
0x1dc: {  	v24 =	vld [tilespmem:s3+$0xFFFFFF70];
	_ =	sdelay $0x1  }
0x1dd: {  	v20 =	vadd.f32 v20, v21  }
0x1de: {  	v19 =	vadd.f32 v19, v22  }
0x1df: {  	v21 =	vperm.xlane v18, v6;
	v20 =	vadd.f32 v23, v20  }
0x1e0: {  	v19 =	vadd.f32 v24, v19  }
0x1e1: {  	v20 =	vmul.f32 v20, v21  }
0x1e2: {  	v19 =	vmul.f32 v19, v21  }
0x1e3: {  	[tilespmem:s2+$0xFFFFFF60] =	vst v20  }
0x1e4: {  	[tilespmem:s2+$0xFFFFFF70] =	vst v19  }
0x1e5: {  	v19 =	vld [tilespmem:s8+$0xFFFFFF98]  }
0x1e6: {  	v20 =	vld [tilespmem:s14+$0xFFFFFF88]  }
0x1e7: {  	v21 =	vld [tilespmem:s8+$0xFFFFFF88]  }
0x1e8: {  	v22 =	vld [tilespmem:s14+$0xFFFFFF98]  }
0x1e9: {  	v23 =	vld [tilespmem:s3+$0xFFFFFF88]  }
0x1ea: {  	v24 =	vld [tilespmem:s3+$0xFFFFFF98];
	_ =	sdelay $0x1  }
0x1eb: {  	v20 =	vadd.f32 v20, v21  }
0x1ec: {  	v19 =	vadd.f32 v22, v19  }
0x1ed: {  	v21 =	vperm.xlane v18, v7;
	v20 =	vadd.f32 v23, v20  }
0x1ee: {  	v19 =	vadd.f32 v24, v19  }
0x1ef: {  	v20 =	vmul.f32 v20, v21  }
0x1f0: {  	v19 =	vmul.f32 v19, v21  }
0x1f1: {  	[tilespmem:s2+$0xFFFFFF88] =	vst v20  }
0x1f2: {  	[tilespmem:s2+$0xFFFFFF98] =	vst v19  }
0x1f3: {  	v19 =	vld [tilespmem:s8+$0xFFFFFFC0]  }
0x1f4: {  	v20 =	vld [tilespmem:s14+$0xFFFFFFB0]  }
0x1f5: {  	v21 =	vld [tilespmem:s8+$0xFFFFFFB0]  }
0x1f6: {  	v22 =	vld [tilespmem:s14+$0xFFFFFFC0]  }
0x1f7: {  	v23 =	vld [tilespmem:s3+$0xFFFFFFB0]  }
0x1f8: {  	v24 =	vld [tilespmem:s3+$0xFFFFFFC0];
	_ =	sdelay $0x1  }
0x1f9: {  	v20 =	vadd.f32 v20, v21  }
0x1fa: {  	v19 =	vadd.f32 v22, v19  }
0x1fb: {  	v21 =	vperm.xlane v18, v8;
	v20 =	vadd.f32 v23, v20  }
0x1fc: {  	v19 =	vadd.f32 v24, v19  }
0x1fd: {  	v20 =	vmul.f32 v20, v21  }
0x1fe: {  	v19 =	vmul.f32 v19, v21  }
0x1ff: {  	[tilespmem:s2+$0xFFFFFFB0] =	vst v20  }
0x200: {  	[tilespmem:s2+$0xFFFFFFC0] =	vst v19  }
0x201: {  	v19 =	vld [tilespmem:s14+$0xFFFFFFE8]  }
0x202: {  	v20 =	vld [tilespmem:s14+$0xFFFFFFD8]  }
0x203: {  	v21 =	vld [tilespmem:s8+$0xFFFFFFD8]  }
0x204: {  	v22 =	vld [tilespmem:s8+$0xFFFFFFE8]  }
0x205: {  	v23 =	vld [tilespmem:s3+$0xFFFFFFD8]  }
0x206: {  	v24 =	vld [tilespmem:s3+$0xFFFFFFE8];
	_ =	sdelay $0x1  }
0x207: {  	v20 =	vadd.f32 v20, v21  }
0x208: {  	v19 =	vadd.f32 v19, v22  }
0x209: {  	v21 =	vperm.xlane v18, v9;
	v20 =	vadd.f32 v23, v20  }
0x20a: {  	v19 =	vadd.f32 v24, v19  }
0x20b: {  	v20 =	vmul.f32 v20, v21  }
0x20c: {  	v19 =	vmul.f32 v19, v21  }
0x20d: {  	[tilespmem:s2+$0xFFFFFFD8] =	vst v20  }
0x20e: {  	[tilespmem:s2+$0xFFFFFFE8] =	vst v19  }
0x20f: {  	v19 =	vld [tilespmem:s8+$0x10]  }
0x210: {  	v20 =	vld [tilespmem:s14+$0x0]  }
0x211: {  	v21 =	vld [tilespmem:s8+$0x0]  }
0x212: {  	v22 =	vld [tilespmem:s14+$0x10]  }
0x213: {  	v23 =	vld [tilespmem:s3+$0x0]  }
0x214: {  	v24 =	vld [tilespmem:s3+$0x10];
	_ =	sdelay $0x1  }
0x215: {  	v20 =	vadd.f32 v20, v21  }
0x216: {  	v19 =	vadd.f32 v22, v19  }
0x217: {  	v21 =	vperm.xlane v18, v10;
	v20 =	vadd.f32 v23, v20  }
0x218: {  	v19 =	vadd.f32 v24, v19  }
0x219: {  	v20 =	vmul.f32 v20, v21  }
0x21a: {  	v19 =	vmul.f32 v19, v21  }
0x21b: {  	[tilespmem:s2+$0x0] =	vst v20  }
0x21c: {  	[tilespmem:s2+$0x10] =	vst v19  }
0x21d: {  	v19 =	vld [tilespmem:s14+$0x38]  }
0x21e: {  	v20 =	vld [tilespmem:s14+$0x28]  }
0x21f: {  	v21 =	vld [tilespmem:s8+$0x28]  }
0x220: {  	v22 =	vld [tilespmem:s8+$0x38]  }
0x221: {  	v23 =	vld [tilespmem:s3+$0x28]  }
0x222: {  	v24 =	vld [tilespmem:s3+$0x38];
	_ =	sdelay $0x1  }
0x223: {  	v20 =	vadd.f32 v20, v21  }
0x224: {  	v19 =	vadd.f32 v19, v22  }
0x225: {  	v21 =	vperm.xlane v18, v11;
	v20 =	vadd.f32 v23, v20  }
0x226: {  	v19 =	vadd.f32 v24, v19  }
0x227: {  	v20 =	vmul.f32 v20, v21  }
0x228: {  	v19 =	vmul.f32 v19, v21  }
0x229: {  	[tilespmem:s2+$0x28] =	vst v20  }
0x22a: {  	[tilespmem:s2+$0x38] =	vst v19  }
0x22b: {  	v19 =	vld [tilespmem:s14+$0x50]  }
0x22c: {  	v20 =	vld [tilespmem:s14+$0x60]  }
0x22d: {  	v21 =	vld [tilespmem:s8+$0x50]  }
0x22e: {  	v22 =	vld [tilespmem:s8+$0x60]  }
0x22f: {  	v23 =	vld [tilespmem:s3+$0x50]  }
0x230: {  	v24 =	vld [tilespmem:s3+$0x60];
	_ =	sdelay $0x1  }
0x231: {  	v19 =	vadd.f32 v19, v21  }
0x232: {  	v20 =	vadd.f32 v20, v22  }
0x233: {  	v21 =	vperm.xlane v18, v12;
	v19 =	vadd.f32 v23, v19  }
0x234: {  	v20 =	vadd.f32 v24, v20  }
0x235: {  	v19 =	vmul.f32 v19, v21  }
0x236: {  	v20 =	vmul.f32 v20, v21  }
0x237: {  	[tilespmem:s2+$0x50] =	vst v19  }
0x238: {  	[tilespmem:s2+$0x60] =	vst v20  }
0x239: {  	v19 =	vld [tilespmem:s3+$0x78]  }
0x23a: {  	v20 =	vld [tilespmem:s14+$0x78]  }
0x23b: {  	v21 =	vld [tilespmem:s8+$0x78]  }
0x23c: {  	v22 =	vld [tilespmem:s14+$0x88]  }
0x23d: {  	v23 =	vld [tilespmem:s8+$0x88]  }
0x23e: {  	v24 =	vld [tilespmem:s3+$0x88];
	_ =	sdelay $0x1  }
0x23f: {  	v20 =	vadd.f32 v20, v21;
	_ =	sdelay $0x1  }
0x240: {  	v21 =	vperm.xlane v18, v13;
	v19 =	vadd.f32 v19, v20;
	v20 =	vadd.f32 v22, v23;
	_ =	sdelay $0x1  }
0x241: {  	v20 =	vadd.f32 v24, v20;
	v19 =	vmul.f32 v19, v21;
	_ =	sdelay $0x1  }
0x242: {  	[tilespmem:s2+$0x78] =	vst v19;
	v19 =	vmul.f32 v20, v21;
	_ =	sdelay $0x1  }
0x243: {  	[tilespmem:s2+$0x88] =	vst v19  }
0x244: {  	v21 =	vld [tilespmem:s14+$0xA0]  }
0x245: {  	v22 =	vld [tilespmem:s8+$0xB0]  }
0x246: {  	v23 =	vld [tilespmem:s8+$0xA0]  }
0x247: {  	v24 =	vld [tilespmem:s14+$0xB0]  }
.Ltmp6:
0x248: {  	v19 =	vld [tilespmem:s3+$0xA0];
	(pc) =	sbr.rel @p3 .LBB2_6-.Ltmp6, $3  }
0x249: {  	v20 =	vld [tilespmem:s3+$0xB0];
	_ =	sdelay $0x1  }
0x24a: {  	v21 =	vadd.f32 v21, v23  }
0x24b: {  	s2 =	sadd.s32 $0x280, s2;
	v22 =	vadd.f32 v24, v22  }
0x24c: {  	v23 =	vperm.xlane v18, v14;
	v19 =	vadd.f32 v19, v21  }
0x24d: {  	v20 =	vadd.f32 v20, v22  }
0x24e: {  	v19 =	vmul.f32 v19, v23  }
0x24f: {  	v20 =	vmul.f32 v20, v23  }
0x250: {  	[tilespmem:s24+$0xA0] =	vst v19  }
0x251: {  	[tilespmem:s24+$0xB0] =	vst v20  }
0x252: {  	v19 =	vld [tilespmem:s7+$0xD8]  }
0x253: {  	v20 =	vld [tilespmem:s19+$0xC8]  }
0x254: {  	v50 =	vld [tilespmem:s7+$0xC8]  }
0x255: {  	v51 =	vld [tilespmem:s19+$0xD8]  }
0x256: {  	v52 =	vld [tilespmem:s25+$0xC8]  }
0x257: {  	v24 =	vld [tilespmem:s25+$0xD8];
	_ =	sdelay $0x1  }
0x258: {  	v20 =	vadd.f32 v20, v50  }
0x259: {  	v19 =	vadd.f32 v51, v19  }
0x25a: {  	v53 =	vperm.xlane v18, v15;
	v20 =	vadd.f32 v52, v20  }
0x25b: {  	v19 =	vadd.f32 v24, v19  }
0x25c: {  	v20 =	vmul.f32 v20, v53  }
0x25d: {  	v19 =	vmul.f32 v19, v53  }
0x25e: {  	[tilespmem:s24+$0xC8] =	vst v20  }
0x25f: {  	[tilespmem:s24+$0xD8] =	vst v19  }
0x260: {  	v19 =	vld [tilespmem:s19+$0x100]  }
0x261: {  	v20 =	vld [tilespmem:s19+$0xF0]  }
0x262: {  	v54 =	vld [tilespmem:s7+$0xF0]  }
0x263: {  	v55 =	vld [tilespmem:s7+$0x100]  }
0x264: {  	v56 =	vld [tilespmem:s25+$0xF0]  }
0x265: {  	v57 =	vld [tilespmem:s25+$0x100];
	_ =	sdelay $0x1  }
0x266: {  	v20 =	vadd.f32 v20, v54  }
0x267: {  	v19 =	vadd.f32 v19, v55  }
0x268: {  	v58 =	vperm.xlane v18, v16;
	v20 =	vadd.f32 v56, v20  }
0x269: {  	v19 =	vadd.f32 v57, v19  }
0x26a: {  	v20 =	vmul.f32 v20, v58  }
0x26b: {  	v19 =	vmul.f32 v19, v58  }
0x26c: {  	[tilespmem:s24+$0xF0] =	vst v20  }
0x26d: {  	[tilespmem:s24+$0x100] =	vst v19  }
0x26e: {  	v19 =	vld [tilespmem:s7+$0x118]  }
0x26f: {  	v20 =	vld [tilespmem:s19+$0x118]  }
0x270: {  	v59 =	vld [tilespmem:s19+$0x128]  }
0x271: {  	v60 =	vld [tilespmem:s7+$0x128]  }
0x272: {  	v61 =	vld [tilespmem:s25+$0x118]  }
0x273: {  	v62 =	vld [tilespmem:s25+$0x128];
	_ =	sdelay $0x1  }
0x274: {  	v19 =	vadd.f32 v20, v19  }
0x275: {  	s0 =	sor.u32 $0x1, s29;
	v63 =	vadd.f32 v59, v60  }
0x276: {  	v18 =	vperm.xlane v18, v17;
	p3 =	sge.u32 s0, s13;
	v19 =	vadd.f32 v61, v19  }
.Ltmp7:
0x277: {  	v20 =	vadd.f32 v62, v63;
	(pc) =	sbr.rel @p3 .LBB2_9-.Ltmp7, $4  }
0x278: {  	v19 =	vmul.f32 v19, v18  }
0x279: {  	v18 =	vmul.f32 v20, v18  }
0x27a: {  	[tilespmem:s24+$0x118] =	vst v19  }
0x27b: {  	[tilespmem:s24+$0x128] =	vst v18  }
0x27c: {  	s3 =	simm.s32 $0x2  }
0x27d: {  	_ =	swait.ge [sflag:s3], $0x100  }
0x27e: {  	s2 =	sor.u32 $0x1, s30;
	[sflag:s3] =	ssyncset.done $0x0  }
0x27f: {  	p3 =	sgt.s32 s2, $0x3E7;
	[sflag:s3] =	ssyncadd.s32 $0xFFFFFF00  }
0x280: {  	s2 =	smul.u32 @!p3 $0x2800, s2;
	_ =	swait.ge [sflag:s3], $0x100  }
0x281: {  	s7 =	simm.s32 @!p3 $0xF600;
	[sflag:s3] =	ssyncset.done $0x0  }
0x282: {  	s2 =	sshrl.u32 @!p3 s2, $0x3;
	[sflag:s3] =	ssyncadd.s32 $0xFFFFFF00;
	s3 =	rddreg [dreg:$0x4]  }
0x283: {  	p4 =	slt.s32 @!p3 s30, $0x3E7;
	s2 =	sadd.s32 @!p3 s3, s2;
	s3 =	simm.s32 @!p3 $0x0  }
0x284: {  	[tilespmem:s7], [sflag:$0x6] =	stream.linear.gather @!p3 [hbm4b:s2+s3], $0x2800, $0x38;
	[tilespmem:$0x1AA00] =	vst v63  }
0x285: {  	p3 =	por p3, !p4  }
0x286: {  	s2 =	smul.u32 @p3 $0x2800, s30;
	_ =	sdelay $0x1  }
0x287: {  	s2 =	sadd.s32 @p3 $0xFF63E800, s2  }
0x288: {  	s3 =	rddreg @p3 [dreg:$0x5];
	s2 =	sshrl.u32 @p3 s2, $0x3  }
0x289: {  	s2 =	sadd.s32 @p3 s3, s2  }
0x28a: {  	[tilespmem:s26], [sflag:$0x6] =	stream.linear.gather @p3 [hbm4b:s2+s12], $0x2800, $0x38;
	[tilespmem:$0x1AA00] =	vst v63  }
0x28b: {  	s11 =	simm.s32 $0xA300  }
0x28c: {  	[tilespmem:s28], [sflag:$0x6] =	stream.indirect.gather [hbm4b:s4+s5], $0x28, s11, s5, $0xb8;
	[tilespmem:$0x1AA00] =	vst v63  }
0x28d: {  	s14 =	simm.s32 $0xA400  }
0x28e: {  	[tilespmem:s15], [sflag:$0x6] =	stream.indirect.gather [hbm4b:s6+s5], $0x28, s14, s5, $0xb8;
	[tilespmem:$0x1AA00] =	vst v63  }
0x28f: {  	s19 =	simm.s32 $0xA380;
	s24 =	simm.s32 $0xBA00  }
0x290: {  	[tilespmem:s24], [sflag:$0x6] =	stream.indirect.gather [hbm4b:s4+s5], $0x28, s19, s5, $0xb8;
	[tilespmem:$0x1AA00] =	vst v63  }
0x291: {  	s25 =	simm.s32 $0xA480;
	s30 =	simm.s32 $0xE200  }
0x292: {  	[tilespmem:s30], [sflag:$0x6] =	stream.indirect.gather [hbm4b:s6+s5], $0x28, s25, s5, $0xb8;
	[tilespmem:$0x1AA00] =	vst v63  }
.LBB2_9:
0x293: {  	s2 =	simm.s32 $0x3  }
0x294: {  	_ =	swait.ge [sflag:s2], $0x100  }
0x295: {  	[sflag:s2] =	ssyncset.done $0x0  }
0x296: {  	[sflag:s2] =	ssyncadd.s32 $0xFFFFFF00  }
0x297: {  	s3 =	simm.s32 $0x200;
	s2 =	rddreg [dreg:$0x2]  }
0x298: {  	[spmem:s2] =	stream.indirect.scatter.add.f32 [tilespmem:s31], [sflag:$0x7], $0x28, s3, s5, $0xb8;
	[tilespmem:$0x1AA00] =	vst v63  }
0x299: {  	s14 =	simm.s32 $0x280;
	s7 =	simm.s32 $0x8F00  }
0x29a: {  	[spmem:s2] =	stream.indirect.scatter.add.f32 [tilespmem:s7], [sflag:$0x7], $0x28, s14, s5, $0xb8;
	[tilespmem:$0x1AA00] =	vst v63  }
0x29b: {  	_ =	swait.ge [sflag:s17], $0x1400  }
0x29c: {  	[sflag:s17] =	ssyncset.done $0x0  }
0x29d: {  	[sflag:s17] =	ssyncadd.s32 $0xFFFFEC00  }
0x29e: {  	_ =	swait.ge [sflag:s17], $0x1400  }
0x29f: {  	[sflag:s17] =	ssyncset.done $0x0  }
0x2a0: {  	[sflag:s17] =	ssyncadd.s32 $0xFFFFEC00  }
0x2a1: {  	_ =	swait.ge [sflag:s20], $0x2800  }
0x2a2: {  	[sflag:s20] =	ssyncset.done $0x0  }
0x2a3: {  	[sflag:s20] =	ssyncadd.s32 $0xFFFFD800  }
0x2a4: {  	_ =	swait.ge [sflag:s20], $0x1400  }
0x2a5: {  	[sflag:s20] =	ssyncset.done $0x0  }
0x2a6: {  	[sflag:s20] =	ssyncadd.s32 $0xFFFFEC00  }
0x2a7: {  	_ =	swait.ge [sflag:s20], $0x1400  }
0x2a8: {  	[sflag:s20] =	ssyncset.done $0x0;
	s19 =	rddreg [dreg:$0x7]  }
0x2a9: {  	s30 =	sadd.s32 s19, s0;
	[sflag:s20] =	ssyncadd.s32 $0xFFFFEC00  }
0x2aa: {  	s24 =	simm.s32 $0xA500;
	_ =	swait.ge [sflag:s20], $0x1400;
	p3 =	sgt.s32 s30, $0x3E7  }
0x2ab: {  	[sflag:s20] =	ssyncset.done $0x0;
	s0 =	sshll.u32 @p3 s30, $0x8;
	s2 =	sshll.u32 @!p3 s30, $0x5  }
0x2ac: {  	[sflag:s20] =	ssyncadd.s32 $0xFFFFEC00;
	s0 =	sadd.s32 @p3 $0xFFFC1800, s0;
	s2 =	sand.u32 @!p3 $0x1FFFFFE0, s2  }
0x2ad: {  	_ =	swait.ge [sflag:s20], $0x1400;
	s0 =	sshrl.u32 @p3 s0, $0x3;
	s2 =	sadd.s32 @!p3 s9, s2  }
0x2ae: {  	[sflag:s20] =	ssyncset.done $0x0;
	s0 =	sadd.s32 @p3 s10, s0;
	s25 =	rddreg [dreg:$0x17]  }
0x2af: {  	[sflag:s20] =	ssyncadd.s32 $0xFFFFEC00;
	s2 =	smov.u32 @p3 s0;
	p3 =	sge.u32 s29, s25  }
0x2b0: {  	[tilespmem:s24], [sflag:$0x4] =	stream.linear.gather [hbm4b:s2+s12], $0x100, $0x38;
	[tilespmem:$0x1AA00] =	vst v63  }
0x2b1: {  	p5 =	sgt.s32 @!p3 s30, $0x3E5  }
0x2b2: {  	p4 =	por !p5, p3  }
0x2b3: {  	s0 =	sshll.u32 @!p4 s30, $0x8  }
0x2b4: {  	s0 =	sadd.s32 @!p4 $0xFFFC1A00, s0  }
0x2b5: {  	s8 =	simm.s32 $0x0;
	p5 =	por p5, p3;
	s0 =	sshrl.u32 @!p4 s0, $0x3  }
0x2b6: {  	s3 =	simm.s32 @!p4 $0x0;
	s7 =	simm.s32 @!p4 $0xA300;
	s2 =	sadd.s32 @!p4 s10, s0  }
0x2b7: {  	[tilespmem:s7], [sflag:$0x2] =	stream.linear.gather @!p4 [hbm4b:s2+s3], $0x100, $0x38;
	[tilespmem:$0x1AA00] =	vst v63  }
0x2b8: {  	v18 =	vmov s8;
	s2 =	sshll.u32 @!p5 s30, $0x5  }
0x2b9: {  	v18 =	vmul.u32 $0x28, v18;
	s2 =	sadd.s32 @!p5 $0x40, s2  }
0x2ba: {  	s2 =	sand.u32 @!p5 $0x1FFFFFE0, s2  }
0x2bb: {  	v18 =	vbroadcast v18, $0x0;
	s8 =	simm.s32 @!p5 $0xA300;
	s7 =	simm.s32 @!p5 $0x0;
	s3 =	sadd.s32 @!p5 s9, s2  }
0x2bc: {  	[tilespmem:s8], [sflag:$0x2] =	stream.linear.gather @!p5 [hbm4b:s3+s7], $0x100, $0x38;
	[tilespmem:$0x1AA00] =	vst v63  }
0x2bd: {  	v19 =	vadd.s32 v1, v18;
	s3 =	rddreg [dreg:$0x6]  }
0x2be: {  	s0 =	sadd.s32 @!p4 s3, s0;
	s3 =	rddreg [dreg:$0x1]  }
0x2bf: {  	s2 =	sadd.s32 @!p5 s3, s2  }
0x2c0: {  	s3 =	simm.s32 @!p3 $0xA400;
	s0 =	smov.u32 @p4 s2;
	s2 =	simm.s32 @!p3 $0x0  }
0x2c1: {  	[tilespmem:s3], [sflag:$0x2] =	stream.linear.gather @!p3 [hbm4b:s0+s2], $0x100, $0x38;
	[tilespmem:$0x1AA00] =	vst v63  }
0x2c2: {  	v18 =	vld.idx.msk [tilespmem:v19+s28+$0x0], $0xffff  }
0x2c3: {  	v20 =	vld.idx.msk [tilespmem:v19+s15+$0x0], $0xffff;
	_ =	sdelay $0x1  }
0x2c4: {  	v21 =	vld.idx.msk [tilespmem:v19+s26+$0x0], $0xffff;
	_ =	sdelay $0x2  }
0x2c5: {  	v18 =	vadd.f32 v20, v18;
	_ =	sdelay $0x1  }
0x2c6: {  	v18 =	vadd.f32 v21, v18;
	_ =	sdelay $0x1  }
0x2c7: {  	v20 =	vmul.f32 $2.000000030e-01, v18;
	_ =	sdelay $0x1  }
0x2c8: {  	v18 =	vmax.f32 v18, v20  }
0x2c9: {  	v18 =	vmul.f32 $1.442695020e+00, v18;
	_ =	sdelay $0x1  }
0x2ca: {  	(erf) = vpow2.f32 v18;
	_ =	sdelay $0x8  }
0x2cb: {  	v18 =	vpop (erf)  }
0x2cc: {  	s14 =	simm.s32 $0xCF40;
	[tilespmem:v19+s18+$0x0] =	vst.idx.msk $0xffff, v18  }
0x2cd: {  	s8 =	simm.s32 $0xA740;
	v19 =	vld [tilespmem:s14+$0xFFFFFED0]  }
0x2ce: {  	v20 =	vld [tilespmem:s8+$0xFFFFFEC0]  }
0x2cf: {  	v21 =	vld [tilespmem:s8+$0xFFFFFED0]  }
0x2d0: {  	s3 =	simm.s32 $0xF740;
	v22 =	vld [tilespmem:s14+$0xFFFFFEC0]  }
0x2d1: {  	v23 =	vld [tilespmem:s3+$0xFFFFFED0]  }
0x2d2: {  	v24 =	vld [tilespmem:s3+$0xFFFFFEC0];
	_ =	sdelay $0x1  }
0x2d3: {  	v19 =	vadd.f32 v19, v21  }
0x2d4: {  	v20 =	vadd.f32 v22, v20  }
0x2d5: {  	v21 =	vperm.xlane v18, v2;
	v19 =	vadd.f32 v23, v19  }
0x2d6: {  	v20 =	vadd.f32 v24, v20  }
0x2d7: {  	v19 =	vmul.f32 v19, v21  }
0x2d8: {  	s24 =	simm.s32 $0x11F40;
	v20 =	vmul.f32 v20, v21  }
0x2d9: {  	[tilespmem:s24+$0xFFFFFED0] =	vst v19  }
0x2da: {  	[tilespmem:s24+$0xFFFFFEC0] =	vst v20  }
0x2db: {  	v19 =	vld [tilespmem:s8+$0xFFFFFEE8]  }
0x2dc: {  	v20 =	vld [tilespmem:s8+$0xFFFFFEF8]  }
0x2dd: {  	v21 =	vld [tilespmem:s14+$0xFFFFFEF8]  }
0x2de: {  	v22 =	vld [tilespmem:s14+$0xFFFFFEE8]  }
0x2df: {  	v23 =	vld [tilespmem:s3+$0xFFFFFEF8]  }
0x2e0: {  	v52 =	vld [tilespmem:s3+$0xFFFFFEE8];
	_ =	sdelay $0x1  }
0x2e1: {  	v20 =	vadd.f32 v21, v20  }
0x2e2: {  	v19 =	vadd.f32 v22, v19  }
0x2e3: {  	v21 =	vperm.xlane v18, v3;
	v20 =	vadd.f32 v23, v20  }
0x2e4: {  	v19 =	vadd.f32 v52, v19  }
0x2e5: {  	v20 =	vmul.f32 v20, v21  }
0x2e6: {  	v19 =	vmul.f32 v19, v21  }
0x2e7: {  	[tilespmem:s24+$0xFFFFFEF8] =	vst v20  }
0x2e8: {  	[tilespmem:s24+$0xFFFFFEE8] =	vst v19  }
0x2e9: {  	v19 =	vld [tilespmem:s14+$0xFFFFFF10]  }
0x2ea: {  	v20 =	vld [tilespmem:s8+$0xFFFFFF20]  }
0x2eb: {  	v21 =	vld [tilespmem:s8+$0xFFFFFF10]  }
0x2ec: {  	v22 =	vld [tilespmem:s14+$0xFFFFFF20]  }
0x2ed: {  	v23 =	vld [tilespmem:s3+$0xFFFFFF10]  }
0x2ee: {  	v53 =	vld [tilespmem:s3+$0xFFFFFF20];
	_ =	sdelay $0x1  }
0x2ef: {  	v19 =	vadd.f32 v19, v21  }
0x2f0: {  	v20 =	vadd.f32 v22, v20  }
0x2f1: {  	v21 =	vperm.xlane v18, v4;
	v19 =	vadd.f32 v23, v19  }
0x2f2: {  	v20 =	vadd.f32 v53, v20  }
0x2f3: {  	v19 =	vmul.f32 v19, v21  }
0x2f4: {  	v20 =	vmul.f32 v20, v21  }
0x2f5: {  	[tilespmem:s24+$0xFFFFFF10] =	vst v19  }
0x2f6: {  	[tilespmem:s24+$0xFFFFFF20] =	vst v20  }
0x2f7: {  	v19 =	vld [tilespmem:s14+$0xFFFFFF38]  }
0x2f8: {  	v20 =	vld [tilespmem:s14+$0xFFFFFF48]  }
0x2f9: {  	v21 =	vld [tilespmem:s8+$0xFFFFFF38]  }
0x2fa: {  	v22 =	vld [tilespmem:s8+$0xFFFFFF48]  }
0x2fb: {  	v23 =	vld [tilespmem:s3+$0xFFFFFF38]  }
0x2fc: {  	v54 =	vld [tilespmem:s3+$0xFFFFFF48];
	_ =	sdelay $0x1  }
0x2fd: {  	v19 =	vadd.f32 v19, v21  }
0x2fe: {  	v20 =	vadd.f32 v20, v22  }
0x2ff: {  	v21 =	vperm.xlane v18, v5;
	v19 =	vadd.f32 v23, v19  }
0x300: {  	v20 =	vadd.f32 v54, v20  }
0x301: {  	v19 =	vmul.f32 v19, v21  }
0x302: {  	v20 =	vmul.f32 v20, v21  }
0x303: {  	[tilespmem:s24+$0xFFFFFF38] =	vst v19  }
0x304: {  	[tilespmem:s24+$0xFFFFFF48] =	vst v20  }
0x305: {  	v19 =	vld [tilespmem:s14+$0xFFFFFF70]  }
0x306: {  	v20 =	vld [tilespmem:s14+$0xFFFFFF60]  }
0x307: {  	v21 =	vld [tilespmem:s8+$0xFFFFFF60]  }
0x308: {  	v22 =	vld [tilespmem:s8+$0xFFFFFF70]  }
0x309: {  	v23 =	vld [tilespmem:s3+$0xFFFFFF60]  }
0x30a: {  	v55 =	vld [tilespmem:s3+$0xFFFFFF70];
	_ =	sdelay $0x1  }
0x30b: {  	v20 =	vadd.f32 v20, v21  }
0x30c: {  	v19 =	vadd.f32 v19, v22  }
0x30d: {  	v21 =	vperm.xlane v18, v6;
	v20 =	vadd.f32 v23, v20  }
0x30e: {  	v19 =	vadd.f32 v55, v19  }
0x30f: {  	v20 =	vmul.f32 v20, v21  }
0x310: {  	v19 =	vmul.f32 v19, v21  }
0x311: {  	[tilespmem:s24+$0xFFFFFF60] =	vst v20  }
0x312: {  	[tilespmem:s24+$0xFFFFFF70] =	vst v19  }
0x313: {  	v19 =	vld [tilespmem:s8+$0xFFFFFF98]  }
0x314: {  	v20 =	vld [tilespmem:s14+$0xFFFFFF88]  }
0x315: {  	v21 =	vld [tilespmem:s8+$0xFFFFFF88]  }
0x316: {  	v22 =	vld [tilespmem:s14+$0xFFFFFF98]  }
0x317: {  	v23 =	vld [tilespmem:s3+$0xFFFFFF88]  }
0x318: {  	v56 =	vld [tilespmem:s3+$0xFFFFFF98];
	_ =	sdelay $0x1  }
0x319: {  	v20 =	vadd.f32 v20, v21  }
0x31a: {  	v19 =	vadd.f32 v22, v19  }
0x31b: {  	v21 =	vperm.xlane v18, v7;
	v20 =	vadd.f32 v23, v20  }
0x31c: {  	v19 =	vadd.f32 v56, v19  }
0x31d: {  	v20 =	vmul.f32 v20, v21  }
0x31e: {  	v19 =	vmul.f32 v19, v21  }
0x31f: {  	[tilespmem:s24+$0xFFFFFF88] =	vst v20  }
0x320: {  	[tilespmem:s24+$0xFFFFFF98] =	vst v19  }
0x321: {  	v19 =	vld [tilespmem:s8+$0xFFFFFFC0]  }
0x322: {  	v20 =	vld [tilespmem:s14+$0xFFFFFFB0]  }
0x323: {  	v21 =	vld [tilespmem:s8+$0xFFFFFFB0]  }
0x324: {  	v22 =	vld [tilespmem:s14+$0xFFFFFFC0]  }
0x325: {  	v23 =	vld [tilespmem:s3+$0xFFFFFFB0]  }
0x326: {  	v57 =	vld [tilespmem:s3+$0xFFFFFFC0];
	_ =	sdelay $0x1  }
0x327: {  	v20 =	vadd.f32 v20, v21  }
0x328: {  	v19 =	vadd.f32 v22, v19  }
0x329: {  	v21 =	vperm.xlane v18, v8;
	v20 =	vadd.f32 v23, v20  }
0x32a: {  	v19 =	vadd.f32 v57, v19  }
0x32b: {  	v20 =	vmul.f32 v20, v21  }
0x32c: {  	v19 =	vmul.f32 v19, v21  }
0x32d: {  	[tilespmem:s24+$0xFFFFFFB0] =	vst v20  }
0x32e: {  	[tilespmem:s24+$0xFFFFFFC0] =	vst v19  }
0x32f: {  	v19 =	vld [tilespmem:s14+$0xFFFFFFE8]  }
0x330: {  	v20 =	vld [tilespmem:s14+$0xFFFFFFD8]  }
0x331: {  	v21 =	vld [tilespmem:s8+$0xFFFFFFD8]  }
0x332: {  	v22 =	vld [tilespmem:s8+$0xFFFFFFE8]  }
0x333: {  	v23 =	vld [tilespmem:s3+$0xFFFFFFD8]  }
0x334: {  	v58 =	vld [tilespmem:s3+$0xFFFFFFE8];
	_ =	sdelay $0x1  }
0x335: {  	v20 =	vadd.f32 v20, v21  }
0x336: {  	v19 =	vadd.f32 v19, v22  }
0x337: {  	v21 =	vperm.xlane v18, v9;
	v20 =	vadd.f32 v23, v20  }
0x338: {  	v19 =	vadd.f32 v58, v19  }
0x339: {  	v20 =	vmul.f32 v20, v21  }
0x33a: {  	v19 =	vmul.f32 v19, v21  }
0x33b: {  	[tilespmem:s24+$0xFFFFFFD8] =	vst v20  }
0x33c: {  	[tilespmem:s24+$0xFFFFFFE8] =	vst v19  }
0x33d: {  	v19 =	vld [tilespmem:s8+$0x10]  }
0x33e: {  	v20 =	vld [tilespmem:s14+$0x0]  }
0x33f: {  	v21 =	vld [tilespmem:s8+$0x0]  }
0x340: {  	v22 =	vld [tilespmem:s14+$0x10]  }
0x341: {  	v23 =	vld [tilespmem:s3+$0x0]  }
0x342: {  	v59 =	vld [tilespmem:s3+$0x10];
	_ =	sdelay $0x1  }
0x343: {  	v20 =	vadd.f32 v20, v21  }
0x344: {  	v19 =	vadd.f32 v22, v19  }
0x345: {  	v21 =	vperm.xlane v18, v10;
	v20 =	vadd.f32 v23, v20  }
0x346: {  	v19 =	vadd.f32 v59, v19  }
0x347: {  	v20 =	vmul.f32 v20, v21  }
0x348: {  	v19 =	vmul.f32 v19, v21  }
0x349: {  	[tilespmem:s24+$0x0] =	vst v20  }
0x34a: {  	[tilespmem:s24+$0x10] =	vst v19  }
0x34b: {  	v19 =	vld [tilespmem:s14+$0x38]  }
0x34c: {  	v20 =	vld [tilespmem:s14+$0x28]  }
0x34d: {  	v21 =	vld [tilespmem:s8+$0x28]  }
0x34e: {  	v22 =	vld [tilespmem:s8+$0x38]  }
0x34f: {  	v23 =	vld [tilespmem:s3+$0x28]  }
0x350: {  	v60 =	vld [tilespmem:s3+$0x38];
	_ =	sdelay $0x1  }
0x351: {  	v20 =	vadd.f32 v20, v21  }
0x352: {  	v19 =	vadd.f32 v19, v22  }
0x353: {  	v21 =	vperm.xlane v18, v11;
	v20 =	vadd.f32 v23, v20  }
0x354: {  	v19 =	vadd.f32 v60, v19  }
0x355: {  	v20 =	vmul.f32 v20, v21  }
0x356: {  	v19 =	vmul.f32 v19, v21  }
0x357: {  	[tilespmem:s24+$0x28] =	vst v20  }
0x358: {  	[tilespmem:s24+$0x38] =	vst v19  }
0x359: {  	v19 =	vld [tilespmem:s14+$0x50]  }
0x35a: {  	v20 =	vld [tilespmem:s14+$0x60]  }
0x35b: {  	v21 =	vld [tilespmem:s8+$0x50]  }
0x35c: {  	v22 =	vld [tilespmem:s8+$0x60]  }
0x35d: {  	v23 =	vld [tilespmem:s3+$0x50]  }
0x35e: {  	v61 =	vld [tilespmem:s3+$0x60];
	_ =	sdelay $0x1  }
0x35f: {  	v19 =	vadd.f32 v19, v21  }
0x360: {  	v20 =	vadd.f32 v20, v22  }
0x361: {  	v21 =	vperm.xlane v18, v12;
	v19 =	vadd.f32 v23, v19  }
0x362: {  	v20 =	vadd.f32 v61, v20  }
0x363: {  	v19 =	vmul.f32 v19, v21  }
0x364: {  	v20 =	vmul.f32 v20, v21  }
0x365: {  	[tilespmem:s24+$0x50] =	vst v19  }
0x366: {  	[tilespmem:s24+$0x60] =	vst v20  }
0x367: {  	v19 =	vld [tilespmem:s14+$0x78]  }
0x368: {  	v20 =	vld [tilespmem:s8+$0x78]  }
0x369: {  	v21 =	vld [tilespmem:s14+$0x88]  }
0x36a: {  	v22 =	vld [tilespmem:s8+$0x88]  }
0x36b: {  	v23 =	vld [tilespmem:s3+$0x78]  }
0x36c: {  	v62 =	vld [tilespmem:s3+$0x88];
	_ =	sdelay $0x1  }
0x36d: {  	v19 =	vadd.f32 v19, v20  }
0x36e: {  	v20 =	vadd.f32 v21, v22  }
0x36f: {  	v21 =	vperm.xlane v18, v13;
	v19 =	vadd.f32 v23, v19  }
0x370: {  	v20 =	vadd.f32 v62, v20  }
0x371: {  	v19 =	vmul.f32 v19, v21  }
0x372: {  	v20 =	vmul.f32 v20, v21  }
0x373: {  	[tilespmem:s24+$0x78] =	vst v19  }
0x374: {  	[tilespmem:s24+$0x88] =	vst v20  }
0x375: {  	v21 =	vld [tilespmem:s14+$0xA0]  }
0x376: {  	v22 =	vld [tilespmem:s8+$0xB0]  }
0x377: {  	v23 =	vld [tilespmem:s8+$0xA0]  }
0x378: {  	v63 =	vld [tilespmem:s14+$0xB0]  }
0x379: {  	v19 =	vld [tilespmem:s3+$0xA0]  }
0x37a: {  	v20 =	vld [tilespmem:s3+$0xB0];
	_ =	sdelay $0x1  }
0x37b: {  	s19 =	simm.s32 $0xCF40;
	s25 =	simm.s32 $0xF740  }
0x37c: {  	s7 =	simm.s32 $0xA740;
	s0 =	simm.s32 $0x10;
	s2 =	simm.s32 $0x121C0;
	v21 =	vadd.f32 v21, v23;
	v22 =	vadd.f32 v63, v22  }
.LBB2_10:
0x37d: {  	s8 =	sadd.s32 $0x280, s8;
	s14 =	sadd.s32 $0x280, s14;
	s3 =	sadd.s32 $0x280, s3  }
0x37e: {  	p3 =	sne.s32 s0, $0xF0;
	v23 =	vperm.xlane v18, v14;
	v19 =	vadd.f32 v19, v21;
	s11 =	smov.u32 s0;
	s0 =	sadd.s32 $0x10, s0;
	v20 =	vadd.f32 v20, v22  }
0x37f: {  	_ = 	snop  }
0x380: {  	v19 =	vmul.f32 v19, v23;
	v20 =	vmul.f32 v20, v23;
	_ =	sdelay $0x1  }
0x381: {  	[tilespmem:s24+$0xB0] =	vst v20  }
0x382: {  	[tilespmem:s24+$0xA0] =	vst v19  }
0x383: {  	v19 =	vld [tilespmem:s7+$0xD8]  }
0x384: {  	v20 =	vld [tilespmem:s19+$0xC8]  }
0x385: {  	v21 =	vld [tilespmem:s7+$0xC8]  }
0x386: {  	v22 =	vld [tilespmem:s19+$0xD8]  }
0x387: {  	v23 =	vld [tilespmem:s25+$0xC8]  }
0x388: {  	v24 =	vld [tilespmem:s25+$0xD8];
	_ =	sdelay $0x1  }
0x389: {  	v20 =	vadd.f32 v20, v21  }
0x38a: {  	v19 =	vadd.f32 v22, v19  }
0x38b: {  	v21 =	vperm.xlane v18, v15;
	v20 =	vadd.f32 v23, v20  }
0x38c: {  	v19 =	vadd.f32 v24, v19  }
0x38d: {  	v20 =	vmul.f32 v20, v21  }
0x38e: {  	v19 =	vmul.f32 v19, v21  }
0x38f: {  	[tilespmem:s24+$0xC8] =	vst v20  }
0x390: {  	[tilespmem:s24+$0xD8] =	vst v19  }
0x391: {  	v19 =	vld [tilespmem:s19+$0x100]  }
0x392: {  	v20 =	vld [tilespmem:s19+$0xF0]  }
0x393: {  	v21 =	vld [tilespmem:s7+$0xF0]  }
0x394: {  	v22 =	vld [tilespmem:s7+$0x100]  }
0x395: {  	v23 =	vld [tilespmem:s25+$0xF0]  }
0x396: {  	v24 =	vld [tilespmem:s25+$0x100];
	_ =	sdelay $0x1  }
0x397: {  	v20 =	vadd.f32 v20, v21  }
0x398: {  	v19 =	vadd.f32 v19, v22  }
0x399: {  	v21 =	vperm.xlane v18, v16;
	v20 =	vadd.f32 v23, v20  }
0x39a: {  	v19 =	vadd.f32 v24, v19  }
0x39b: {  	v20 =	vmul.f32 v20, v21  }
0x39c: {  	v19 =	vmul.f32 v19, v21  }
0x39d: {  	[tilespmem:s24+$0xF0] =	vst v20  }
0x39e: {  	[tilespmem:s24+$0x100] =	vst v19  }
0x39f: {  	v19 =	vld [tilespmem:s25+$0x118]  }
0x3a0: {  	v20 =	vld [tilespmem:s7+$0x118]  }
0x3a1: {  	v21 =	vld [tilespmem:s19+$0x118]  }
0x3a2: {  	v22 =	vld [tilespmem:s19+$0x128];
	s19 =	smov.u32 s14  }
0x3a3: {  	v23 =	vld [tilespmem:s7+$0x128];
	s7 =	smov.u32 s8  }
0x3a4: {  	v24 =	vld [tilespmem:s25+$0x128];
	s25 =	smov.u32 s3  }
0x3a5: {  	v25 =	vmov s11  }
0x3a6: {  	v25 =	vmul.u32 $0x28, v25;
	v20 =	vadd.f32 v21, v20  }
0x3a7: {  	v18 =	vperm.xlane v18, v17  }
0x3a8: {  	v21 =	vbroadcast v25, $0x0;
	v19 =	vadd.f32 v19, v20;
	v20 =	vadd.f32 v22, v23;
	_ =	sdelay $0x1  }
0x3a9: {  	v21 =	vadd.s32 v1, v21;
	v20 =	vadd.f32 v24, v20;
	v19 =	vmul.f32 v19, v18;
	_ =	sdelay $0x1  }
0x3aa: {  	[tilespmem:s24+$0x118] =	vst v19;
	v18 =	vmul.f32 v20, v18;
	_ =	sdelay $0x1  }
0x3ab: {  	[tilespmem:s24+$0x128] =	vst v18;
	s24 =	smov.u32 s2  }
0x3ac: {  	v18 =	vld.idx.msk [tilespmem:v21+s28+$0x0], $0xffff  }
0x3ad: {  	v19 =	vld.idx.msk [tilespmem:v21+s15+$0x0], $0xffff;
	_ =	sdelay $0x1  }
0x3ae: {  	v20 =	vld.idx.msk [tilespmem:v21+s26+$0x0], $0xffff;
	_ =	sdelay $0x3  }
0x3af: {  	v18 =	vadd.f32 v19, v18;
	_ =	sdelay $0x1  }
0x3b0: {  	v18 =	vadd.f32 v20, v18;
	_ =	sdelay $0x1  }
0x3b1: {  	v19 =	vmul.f32 $2.000000030e-01, v18;
	_ =	sdelay $0x1  }
0x3b2: {  	v18 =	vmax.f32 v18, v19  }
0x3b3: {  	v18 =	vmul.f32 $1.442695020e+00, v18;
	_ =	sdelay $0x1  }
0x3b4: {  	(erf) = vpow2.f32 v18;
	_ =	sdelay $0x8  }
0x3b5: {  	v18 =	vpop (erf)  }
0x3b6: {  	[tilespmem:v21+s18+$0x0] =	vst.idx.msk $0xffff, v18  }
0x3b7: {  	v19 =	vld [tilespmem:s14+$0xFFFFFED0]  }
0x3b8: {  	v20 =	vld [tilespmem:s8+$0xFFFFFEC0]  }
0x3b9: {  	v21 =	vld [tilespmem:s8+$0xFFFFFED0]  }
0x3ba: {  	v22 =	vld [tilespmem:s14+$0xFFFFFEC0]  }
0x3bb: {  	v23 =	vld [tilespmem:s3+$0xFFFFFED0]  }
0x3bc: {  	v24 =	vld [tilespmem:s3+$0xFFFFFEC0];
	_ =	sdelay $0x1  }
0x3bd: {  	v19 =	vadd.f32 v19, v21  }
0x3be: {  	v20 =	vadd.f32 v22, v20  }
0x3bf: {  	v21 =	vperm.xlane v18, v2;
	v19 =	vadd.f32 v23, v19  }
0x3c0: {  	v20 =	vadd.f32 v24, v20  }
0x3c1: {  	v19 =	vmul.f32 v19, v21  }
0x3c2: {  	v20 =	vmul.f32 v20, v21  }
0x3c3: {  	[tilespmem:s2+$0xFFFFFED0] =	vst v19  }
0x3c4: {  	[tilespmem:s2+$0xFFFFFEC0] =	vst v20  }
0x3c5: {  	v19 =	vld [tilespmem:s8+$0xFFFFFEE8]  }
0x3c6: {  	v20 =	vld [tilespmem:s8+$0xFFFFFEF8]  }
0x3c7: {  	v21 =	vld [tilespmem:s14+$0xFFFFFEF8]  }
0x3c8: {  	v22 =	vld [tilespmem:s14+$0xFFFFFEE8]  }
0x3c9: {  	v23 =	vld [tilespmem:s3+$0xFFFFFEF8]  }
0x3ca: {  	v24 =	vld [tilespmem:s3+$0xFFFFFEE8];
	_ =	sdelay $0x1  }
0x3cb: {  	v20 =	vadd.f32 v21, v20  }
0x3cc: {  	v19 =	vadd.f32 v22, v19  }
0x3cd: {  	v21 =	vperm.xlane v18, v3;
	v20 =	vadd.f32 v23, v20  }
0x3ce: {  	v19 =	vadd.f32 v24, v19  }
0x3cf: {  	v20 =	vmul.f32 v20, v21  }
0x3d0: {  	v19 =	vmul.f32 v19, v21  }
0x3d1: {  	[tilespmem:s2+$0xFFFFFEF8] =	vst v20  }
0x3d2: {  	[tilespmem:s2+$0xFFFFFEE8] =	vst v19  }
0x3d3: {  	v19 =	vld [tilespmem:s14+$0xFFFFFF10]  }
0x3d4: {  	v20 =	vld [tilespmem:s8+$0xFFFFFF20]  }
0x3d5: {  	v21 =	vld [tilespmem:s8+$0xFFFFFF10]  }
0x3d6: {  	v22 =	vld [tilespmem:s14+$0xFFFFFF20]  }
0x3d7: {  	v23 =	vld [tilespmem:s3+$0xFFFFFF10]  }
0x3d8: {  	v24 =	vld [tilespmem:s3+$0xFFFFFF20];
	_ =	sdelay $0x1  }
0x3d9: {  	v19 =	vadd.f32 v19, v21  }
0x3da: {  	v20 =	vadd.f32 v22, v20  }
0x3db: {  	v21 =	vperm.xlane v18, v4;
	v19 =	vadd.f32 v23, v19  }
0x3dc: {  	v20 =	vadd.f32 v24, v20  }
0x3dd: {  	v19 =	vmul.f32 v19, v21  }
0x3de: {  	v20 =	vmul.f32 v20, v21  }
0x3df: {  	[tilespmem:s2+$0xFFFFFF10] =	vst v19  }
0x3e0: {  	[tilespmem:s2+$0xFFFFFF20] =	vst v20  }
0x3e1: {  	v19 =	vld [tilespmem:s14+$0xFFFFFF38]  }
0x3e2: {  	v20 =	vld [tilespmem:s14+$0xFFFFFF48]  }
0x3e3: {  	v21 =	vld [tilespmem:s8+$0xFFFFFF38]  }
0x3e4: {  	v22 =	vld [tilespmem:s8+$0xFFFFFF48]  }
0x3e5: {  	v23 =	vld [tilespmem:s3+$0xFFFFFF38]  }
0x3e6: {  	v24 =	vld [tilespmem:s3+$0xFFFFFF48];
	_ =	sdelay $0x1  }
0x3e7: {  	v19 =	vadd.f32 v19, v21  }
0x3e8: {  	v20 =	vadd.f32 v20, v22  }
0x3e9: {  	v21 =	vperm.xlane v18, v5;
	v19 =	vadd.f32 v23, v19  }
0x3ea: {  	v20 =	vadd.f32 v24, v20  }
0x3eb: {  	v19 =	vmul.f32 v19, v21  }
0x3ec: {  	v20 =	vmul.f32 v20, v21  }
0x3ed: {  	[tilespmem:s2+$0xFFFFFF38] =	vst v19  }
0x3ee: {  	[tilespmem:s2+$0xFFFFFF48] =	vst v20  }
0x3ef: {  	v19 =	vld [tilespmem:s14+$0xFFFFFF70]  }
0x3f0: {  	v20 =	vld [tilespmem:s14+$0xFFFFFF60]  }
0x3f1: {  	v21 =	vld [tilespmem:s8+$0xFFFFFF60]  }
0x3f2: {  	v22 =	vld [tilespmem:s8+$0xFFFFFF70]  }
0x3f3: {  	v23 =	vld [tilespmem:s3+$0xFFFFFF60]  }
0x3f4: {  	v24 =	vld [tilespmem:s3+$0xFFFFFF70];
	_ =	sdelay $0x1  }
0x3f5: {  	v20 =	vadd.f32 v20, v21  }
0x3f6: {  	v19 =	vadd.f32 v19, v22  }
0x3f7: {  	v21 =	vperm.xlane v18, v6;
	v20 =	vadd.f32 v23, v20  }
0x3f8: {  	v19 =	vadd.f32 v24, v19  }
0x3f9: {  	v20 =	vmul.f32 v20, v21  }
0x3fa: {  	v19 =	vmul.f32 v19, v21  }
0x3fb: {  	[tilespmem:s2+$0xFFFFFF60] =	vst v20  }
0x3fc: {  	[tilespmem:s2+$0xFFFFFF70] =	vst v19  }
0x3fd: {  	v19 =	vld [tilespmem:s8+$0xFFFFFF98]  }
0x3fe: {  	v20 =	vld [tilespmem:s14+$0xFFFFFF88]  }
0x3ff: {  	v21 =	vld [tilespmem:s8+$0xFFFFFF88]  }
0x400: {  	v22 =	vld [tilespmem:s14+$0xFFFFFF98]  }
0x401: {  	v23 =	vld [tilespmem:s3+$0xFFFFFF88]  }
0x402: {  	v24 =	vld [tilespmem:s3+$0xFFFFFF98];
	_ =	sdelay $0x1  }
0x403: {  	v20 =	vadd.f32 v20, v21  }
0x404: {  	v19 =	vadd.f32 v22, v19  }
0x405: {  	v21 =	vperm.xlane v18, v7;
	v20 =	vadd.f32 v23, v20  }
0x406: {  	v19 =	vadd.f32 v24, v19  }
0x407: {  	v20 =	vmul.f32 v20, v21  }
0x408: {  	v19 =	vmul.f32 v19, v21  }
0x409: {  	[tilespmem:s2+$0xFFFFFF88] =	vst v20  }
0x40a: {  	[tilespmem:s2+$0xFFFFFF98] =	vst v19  }
0x40b: {  	v19 =	vld [tilespmem:s8+$0xFFFFFFC0]  }
0x40c: {  	v20 =	vld [tilespmem:s14+$0xFFFFFFB0]  }
0x40d: {  	v21 =	vld [tilespmem:s8+$0xFFFFFFB0]  }
0x40e: {  	v22 =	vld [tilespmem:s14+$0xFFFFFFC0]  }
0x40f: {  	v23 =	vld [tilespmem:s3+$0xFFFFFFB0]  }
0x410: {  	v24 =	vld [tilespmem:s3+$0xFFFFFFC0];
	_ =	sdelay $0x1  }
0x411: {  	v20 =	vadd.f32 v20, v21  }
0x412: {  	v19 =	vadd.f32 v22, v19  }
0x413: {  	v21 =	vperm.xlane v18, v8;
	v20 =	vadd.f32 v23, v20  }
0x414: {  	v19 =	vadd.f32 v24, v19  }
0x415: {  	v20 =	vmul.f32 v20, v21  }
0x416: {  	v19 =	vmul.f32 v19, v21  }
0x417: {  	[tilespmem:s2+$0xFFFFFFB0] =	vst v20  }
0x418: {  	[tilespmem:s2+$0xFFFFFFC0] =	vst v19  }
0x419: {  	v19 =	vld [tilespmem:s14+$0xFFFFFFE8]  }
0x41a: {  	v20 =	vld [tilespmem:s14+$0xFFFFFFD8]  }
0x41b: {  	v21 =	vld [tilespmem:s8+$0xFFFFFFD8]  }
0x41c: {  	v22 =	vld [tilespmem:s8+$0xFFFFFFE8]  }
0x41d: {  	v23 =	vld [tilespmem:s3+$0xFFFFFFD8]  }
0x41e: {  	v24 =	vld [tilespmem:s3+$0xFFFFFFE8];
	_ =	sdelay $0x1  }
0x41f: {  	v20 =	vadd.f32 v20, v21  }
0x420: {  	v19 =	vadd.f32 v19, v22  }
0x421: {  	v21 =	vperm.xlane v18, v9;
	v20 =	vadd.f32 v23, v20  }
0x422: {  	v19 =	vadd.f32 v24, v19  }
0x423: {  	v20 =	vmul.f32 v20, v21  }
0x424: {  	v19 =	vmul.f32 v19, v21  }
0x425: {  	[tilespmem:s2+$0xFFFFFFD8] =	vst v20  }
0x426: {  	[tilespmem:s2+$0xFFFFFFE8] =	vst v19  }
0x427: {  	v19 =	vld [tilespmem:s8+$0x10]  }
0x428: {  	v20 =	vld [tilespmem:s14+$0x0]  }
0x429: {  	v21 =	vld [tilespmem:s8+$0x0]  }
0x42a: {  	v22 =	vld [tilespmem:s14+$0x10]  }
0x42b: {  	v23 =	vld [tilespmem:s3+$0x0]  }
0x42c: {  	v24 =	vld [tilespmem:s3+$0x10];
	_ =	sdelay $0x1  }
0x42d: {  	v20 =	vadd.f32 v20, v21  }
0x42e: {  	v19 =	vadd.f32 v22, v19  }
0x42f: {  	v21 =	vperm.xlane v18, v10;
	v20 =	vadd.f32 v23, v20  }
0x430: {  	v19 =	vadd.f32 v24, v19  }
0x431: {  	v20 =	vmul.f32 v20, v21  }
0x432: {  	v19 =	vmul.f32 v19, v21  }
0x433: {  	[tilespmem:s2+$0x0] =	vst v20  }
0x434: {  	[tilespmem:s2+$0x10] =	vst v19  }
0x435: {  	v19 =	vld [tilespmem:s14+$0x38]  }
0x436: {  	v20 =	vld [tilespmem:s14+$0x28]  }
0x437: {  	v21 =	vld [tilespmem:s8+$0x28]  }
0x438: {  	v22 =	vld [tilespmem:s8+$0x38]  }
0x439: {  	v23 =	vld [tilespmem:s3+$0x28]  }
0x43a: {  	v24 =	vld [tilespmem:s3+$0x38];
	_ =	sdelay $0x1  }
0x43b: {  	v20 =	vadd.f32 v20, v21  }
0x43c: {  	v19 =	vadd.f32 v19, v22  }
0x43d: {  	v21 =	vperm.xlane v18, v11;
	v20 =	vadd.f32 v23, v20  }
0x43e: {  	v19 =	vadd.f32 v24, v19  }
0x43f: {  	v20 =	vmul.f32 v20, v21  }
0x440: {  	v19 =	vmul.f32 v19, v21  }
0x441: {  	[tilespmem:s2+$0x28] =	vst v20  }
0x442: {  	[tilespmem:s2+$0x38] =	vst v19  }
0x443: {  	v19 =	vld [tilespmem:s14+$0x50]  }
0x444: {  	v20 =	vld [tilespmem:s14+$0x60]  }
0x445: {  	v21 =	vld [tilespmem:s8+$0x50]  }
0x446: {  	v22 =	vld [tilespmem:s8+$0x60]  }
0x447: {  	v23 =	vld [tilespmem:s3+$0x50]  }
0x448: {  	v24 =	vld [tilespmem:s3+$0x60];
	_ =	sdelay $0x1  }
0x449: {  	v19 =	vadd.f32 v19, v21  }
0x44a: {  	v20 =	vadd.f32 v20, v22  }
0x44b: {  	v21 =	vperm.xlane v18, v12;
	v19 =	vadd.f32 v23, v19  }
0x44c: {  	v20 =	vadd.f32 v24, v20  }
0x44d: {  	v19 =	vmul.f32 v19, v21  }
0x44e: {  	v20 =	vmul.f32 v20, v21  }
0x44f: {  	[tilespmem:s2+$0x50] =	vst v19  }
0x450: {  	[tilespmem:s2+$0x60] =	vst v20  }
0x451: {  	v19 =	vld [tilespmem:s3+$0x78]  }
0x452: {  	v20 =	vld [tilespmem:s14+$0x78]  }
0x453: {  	v21 =	vld [tilespmem:s8+$0x78]  }
0x454: {  	v22 =	vld [tilespmem:s14+$0x88]  }
0x455: {  	v23 =	vld [tilespmem:s8+$0x88]  }
0x456: {  	v24 =	vld [tilespmem:s3+$0x88];
	_ =	sdelay $0x1  }
0x457: {  	v20 =	vadd.f32 v20, v21;
	_ =	sdelay $0x1  }
0x458: {  	v21 =	vperm.xlane v18, v13;
	v19 =	vadd.f32 v19, v20;
	v20 =	vadd.f32 v22, v23;
	_ =	sdelay $0x1  }
0x459: {  	v20 =	vadd.f32 v24, v20;
	v19 =	vmul.f32 v19, v21;
	_ =	sdelay $0x1  }
0x45a: {  	[tilespmem:s2+$0x78] =	vst v19;
	v19 =	vmul.f32 v20, v21;
	_ =	sdelay $0x1  }
0x45b: {  	[tilespmem:s2+$0x88] =	vst v19  }
0x45c: {  	v21 =	vld [tilespmem:s14+$0xA0]  }
0x45d: {  	v22 =	vld [tilespmem:s8+$0xB0]  }
0x45e: {  	v23 =	vld [tilespmem:s8+$0xA0]  }
0x45f: {  	v24 =	vld [tilespmem:s14+$0xB0]  }
.Ltmp8:
0x460: {  	v19 =	vld [tilespmem:s3+$0xA0];
	(pc) =	sbr.rel @p3 .LBB2_10-.Ltmp8, $3  }
0x461: {  	v20 =	vld [tilespmem:s3+$0xB0];
	_ =	sdelay $0x1  }
0x462: {  	v21 =	vadd.f32 v21, v23  }
0x463: {  	s2 =	sadd.s32 $0x280, s2;
	v22 =	vadd.f32 v24, v22  }
0x464: {  	v23 =	vperm.xlane v18, v14;
	v19 =	vadd.f32 v19, v21  }
0x465: {  	v20 =	vadd.f32 v20, v22  }
0x466: {  	v19 =	vmul.f32 v19, v23  }
0x467: {  	v20 =	vmul.f32 v20, v23  }
0x468: {  	[tilespmem:s24+$0xA0] =	vst v19  }
0x469: {  	[tilespmem:s24+$0xB0] =	vst v20  }
0x46a: {  	v19 =	vld [tilespmem:s7+$0xD8]  }
0x46b: {  	v20 =	vld [tilespmem:s19+$0xC8]  }
0x46c: {  	v50 =	vld [tilespmem:s7+$0xC8]  }
0x46d: {  	v51 =	vld [tilespmem:s19+$0xD8]  }
0x46e: {  	v52 =	vld [tilespmem:s25+$0xC8]  }
0x46f: {  	v24 =	vld [tilespmem:s25+$0xD8];
	_ =	sdelay $0x1  }
0x470: {  	v20 =	vadd.f32 v20, v50  }
0x471: {  	v19 =	vadd.f32 v51, v19  }
0x472: {  	v53 =	vperm.xlane v18, v15;
	v20 =	vadd.f32 v52, v20  }
0x473: {  	v19 =	vadd.f32 v24, v19  }
0x474: {  	v20 =	vmul.f32 v20, v53  }
0x475: {  	v19 =	vmul.f32 v19, v53  }
0x476: {  	[tilespmem:s24+$0xC8] =	vst v20  }
0x477: {  	[tilespmem:s24+$0xD8] =	vst v19  }
0x478: {  	v19 =	vld [tilespmem:s19+$0x100]  }
0x479: {  	v20 =	vld [tilespmem:s19+$0xF0]  }
0x47a: {  	v54 =	vld [tilespmem:s7+$0xF0]  }
0x47b: {  	v55 =	vld [tilespmem:s7+$0x100]  }
0x47c: {  	v56 =	vld [tilespmem:s25+$0xF0]  }
0x47d: {  	v57 =	vld [tilespmem:s25+$0x100];
	_ =	sdelay $0x1  }
0x47e: {  	v20 =	vadd.f32 v20, v54  }
0x47f: {  	v19 =	vadd.f32 v19, v55  }
0x480: {  	v58 =	vperm.xlane v18, v16;
	v20 =	vadd.f32 v56, v20  }
0x481: {  	v19 =	vadd.f32 v57, v19  }
0x482: {  	v20 =	vmul.f32 v20, v58  }
0x483: {  	v19 =	vmul.f32 v19, v58  }
0x484: {  	[tilespmem:s24+$0xF0] =	vst v20  }
0x485: {  	[tilespmem:s24+$0x100] =	vst v19  }
0x486: {  	v19 =	vld [tilespmem:s7+$0x118]  }
0x487: {  	v20 =	vld [tilespmem:s19+$0x118]  }
0x488: {  	v59 =	vld [tilespmem:s19+$0x128]  }
0x489: {  	v60 =	vld [tilespmem:s7+$0x128]  }
0x48a: {  	v61 =	vld [tilespmem:s25+$0x118]  }
0x48b: {  	v62 =	vld [tilespmem:s25+$0x128];
	_ =	sdelay $0x1  }
0x48c: {  	v19 =	vadd.f32 v20, v19  }
0x48d: {  	v63 =	vadd.f32 v59, v60  }
0x48e: {  	v18 =	vperm.xlane v18, v17;
	v19 =	vadd.f32 v61, v19  }
0x48f: {  	v20 =	vadd.f32 v62, v63  }
0x490: {  	v19 =	vmul.f32 v19, v18  }
0x491: {  	v18 =	vmul.f32 v20, v18  }
0x492: {  	[tilespmem:s24+$0x118] =	vst v19  }
0x493: {  	s0 =	simm.s32 @!p2 $0x1;
	[tilespmem:s24+$0x128] =	vst v18  }
0x494: {  	_ =	swait.ge @!p2 [sflag:s0], $0x100  }
0x495: {  	[sflag:s0] =	ssyncset.done @!p2 $0x0  }
0x496: {  	p3 =	slt.s32 @!p2 s30, $0x3E7;
	s2 =	smul.u32 @!p2 $0x2800, s30;
	[sflag:s0] =	ssyncadd.s32 @!p2 $0xFFFFFF00  }
0x497: {  	s3 =	simm.s32 @!p2 $0x2800;
	p3 =	por !p3, p2;
	_ =	swait.ge @!p2 [sflag:s0], $0x100  }
0x498: {  	s3 =	simm.s32 @p3 $0xFF63E800;
	[sflag:s0] =	ssyncset.done @!p2 $0x0;
	s7 =	rddreg [dreg:$0x4]  }
0x499: {  	s2 =	sadd.s32 @!p2 s3, s2;
	[sflag:s0] =	ssyncadd.s32 @!p2 $0xFFFFFF00;
	s0 =	rddreg [dreg:$0x5]  }
0x49a: {  	s7 =	smov.u32 @p3 s0;
	s0 =	sshrl.u32 @!p2 s2, $0x3  }
0x49b: {  	s3 =	simm.s32 @!p2 $0x5300;
	s2 =	simm.s32 @!p2 $0x0;
	s0 =	sadd.s32 @!p2 s7, s0  }
0x49c: {  	[tilespmem:s3], [sflag:$0x5] =	stream.linear.gather @!p2 [hbm4b:s0+s2], $0x2800, $0x38;
	[tilespmem:$0x1AA00] =	vst v63  }
0x49d: {  	s0 =	simm.s32 @!p2 $0x80;
	s3 =	simm.s32 @!p2 $0x300  }
0x49e: {  	[tilespmem:s3], [sflag:$0x5] =	stream.indirect.gather @!p2 [hbm4b:s4+s0], $0x28, s2, s0, $0xb8;
	[tilespmem:$0x1AA00] =	vst v63  }
0x49f: {  	s2 =	simm.s32 @!p2 $0x100;
	s3 =	simm.s32 @!p2 $0x2B00  }
0x4a0: {  	[tilespmem:s3], [sflag:$0x5] =	stream.indirect.gather @!p2 [hbm4b:s6+s0], $0x28, s2, s0, $0xb8;
	[tilespmem:$0x1AA00] =	vst v63  }
0x4a1: {  	s2 =	simm.s32 @!p2 $0x1700  }
0x4a2: {  	[tilespmem:s2], [sflag:$0x5] =	stream.indirect.gather @!p2 [hbm4b:s4+s0], $0x28, s0, s0, $0xb8;
	[tilespmem:$0x1AA00] =	vst v63  }
0x4a3: {  	s24 =	simm.s32 $0x4;
	s3 =	simm.s32 @!p2 $0x3F00;
	s2 =	simm.s32 @!p2 $0x180  }
0x4a4: {  	[tilespmem:s3], [sflag:$0x5] =	stream.indirect.gather @!p2 [hbm4b:s6+s0], $0x28, s2, s0, $0xb8;
	[tilespmem:$0x1AA00] =	vst v63  }
0x4a5: {  	_ =	swait.ge [sflag:s24], $0x100  }
0x4a6: {  	[sflag:s24] =	ssyncset.done $0x0  }
.Ltmp9:
0x4a7: {  	[sflag:s24] =	ssyncadd.s32 $0xFFFFFF00;
	(pc) =	sbr.rel .LBB2_12-.Ltmp9, $4  }
0x4a8: {  	s25 =	simm.s32 $0xA500;
	s0 =	rddreg [dreg:$0x2]  }
0x4a9: {  	[spmem:s0] =	stream.indirect.scatter.add.f32 [tilespmem:s18], [sflag:$0x8], $0x28, s25, s5, $0xb8;
	[tilespmem:$0x1AA00] =	vst v63  }
0x4aa: {  	s29 =	simm.s32 $0xA580;
	s30 =	simm.s32 $0x13200  }
0x4ab: {  	[spmem:s0] =	stream.indirect.scatter.add.f32 [tilespmem:s30], [sflag:$0x8], $0x28, s29, s5, $0xb8;
	[tilespmem:$0x1AA00] =	vst v63  }
.LBB2_14:
0x4ac: {  	_ =	sfence.sel $0x180000  }
0x4ad: {  	[bflag:$0x0] =	sbarrier.arrive $0xFFFF  }
0x4ae: {  	_ =	strace $0x90000047  }
0x4af: {  	s0 =	stileid.u32;
	[bflag:$0x2] =	sbarrier.arrive $0xFFFF  }
0x4b0: {  	p0 =	sne.s32 s0, $0x0;
	s0 =	rddreg [dreg:$0x3]  }
0x4b1: {  	s0 =	sadd.s32 @!p0 $0x100000, s0  }
0x4b2: {  	[sflag:s0] =	ssyncadd.tile.s32 @!p0 $0x1;
	_ =	shalt  }
.Lfunc_end2:
_tile_overlayer_lowered:
.L_overlay_start_2:
0x4b3: {  	(tag) =	ssettag $0x2  }
0x4b4: {  	s0 =	rddreg [dreg:$0x0];
	s2 =	stileid.u32  }
0x4b5: {  	s1 =	rddreg [dreg:$0x1];
	p0 =	sne.s32 s2, $0x0  }
0x4b6: {  	s3 =	rddreg [dreg:$0x2];
	[bflag:$0x3] =	sbarrier.arrive $0xFFFF;
	s2 =	simm.s32 @!p0 $0x1C09  }
0x4b7: {  	[timem:s3], [sflag:s2] =	dma.local @!p0 [hbm:s0], s1  }
0x4b8: {  	s0 =	simm.s32 @!p0 $0x9  }
0x4b9: {  	_ =	swait.ge @!p0 [sflag:s0], s1  }
0x4ba: {  	s1 =	ssub.s32 @!p0 $0x0, s1;
	[sflag:s0] =	ssyncset.done @!p0 $0x0  }
0x4bb: {  	[sflag:s0] =	ssyncadd.s32 @!p0 s1  }
0x4bc: {  	[bflag:$0x3] =	sbarrier.arrive $0xFFFF  }
0x4bd: {  	_ =	shalt  }

</sc_bundles>
